<compile_context>
chip_gen: v7x
topology: tpu7x:2x2x1
jax: 0.10.2.dev20260603
libtpu: 0.0.44.dev20260713+nightly
codegen_flags: <defaults>
</compile_context>

<pallas_src>
import functools

import jax
import jax.numpy as jnp
from jax import lax
from jax.experimental import pallas as pl
from jax.experimental.pallas import tpu as pltpu
from jax.experimental.pallas import tpu_sc as plsc

EPS = 1e-6

N = 10000
NP = 10240
E = 160000
EP = 163840
CIN = 256
H = 512
COUT = 256
Q = 128
NQ = 4
CH = 128
TILES = 16
RPT = NP // TILES
EPT = EP // TILES
NCHUNK = EPT // CH
HALF = NCHUNK // 2
NPAIR = HALF // 2
RB = 256
GRID = NP // RB



def _sc_agg_body(xs, src_h, dst_h, zacc, aggs,
                 acc_s, sidx2, didx2, rows_a, rows_b,
                 semga, semgb, semsa, semsb):
    c = lax.axis_index("c")
    s = lax.axis_index("s")
    row0 = s * RPT

    for qi in range(2):
        pltpu.sync_copy(zacc, rows_a)
        zws = [pltpu.async_copy(rows_a, acc_s.at[pl.ds(row0 + k * CH, CH)],
                                semga)
               for k in range(RPT // CH)]
        for zw in zws:
            zw.wait()
        plsc.subcore_barrier()
        for cc in range(2):
            q = 2 * cc + qi

            @pl.when(c == cc)
            def _(q=q):
                xq = xs[q]

                def scatter(i, buf, sem):
                    pltpu.async_copy(buf, acc_s.at[didx2.at[i]], sem,
                                     add=True)

                def swait(buf, sem):
                    pltpu.make_async_copy(buf, acc_s.at[didx2.at[0]],
                                          sem).wait()

                for half in range(2):
                    hbase = s * NCHUNK + half * HALF
                    pltpu.sync_copy(src_h.at[pl.ds(hbase, HALF)], sidx2)
                    pltpu.sync_copy(dst_h.at[pl.ds(hbase, HALF)], didx2)

                    def pipe(j, carry):
                        i0 = 2 * j
                        ga = pltpu.async_copy(
                            xq.at[sidx2.at[i0]], rows_a, semga)
                        gb = pltpu.async_copy(
                            xq.at[sidx2.at[i0 + 1]], rows_b, semgb)
                        ga.wait()
                        scatter(i0, rows_a, semsa)
                        gb.wait()
                        scatter(i0 + 1, rows_b, semsb)
                        swait(rows_a, semsa)
                        swait(rows_b, semsb)
                        return carry

                    lax.fori_loop(0, NPAIR, pipe, 0)
        plsc.subcore_barrier()
        for cc in range(2):
            q = 2 * cc + qi

            @pl.when(c == cc)
            def _(q=q):
                bufs = (rows_a, rows_b)
                sems = (semga, semgb)
                pend = [None, None]
                for k in range(RPT // CH):
                    b = k % 2
                    if pend[b] is not None:
                        pend[b].wait()
                    pltpu.sync_copy(
                        acc_s.at[pl.ds(row0 + k * CH, CH)], bufs[b])
                    pend[b] = pltpu.async_copy(
                        bufs[b], aggs[q].at[pl.ds(row0 + k * CH, CH)],
                        sems[b])
                for p in pend:
                    if p is not None:
                        p.wait()
        plsc.subcore_barrier()


def _make_sc_agg():
    out_type = [jax.ShapeDtypeStruct((NP, Q), jnp.float32)
                for _ in range(NQ)]
    scratch = [
        pltpu.VMEM_SHARED((NP, Q), jnp.float32),
        pltpu.VMEM((HALF, CH), jnp.int32),
        pltpu.VMEM((HALF, CH), jnp.int32),
        pltpu.VMEM((CH, Q), jnp.float32),
        pltpu.VMEM((CH, Q), jnp.float32),
        pltpu.SemaphoreType.DMA,
        pltpu.SemaphoreType.DMA,
        pltpu.SemaphoreType.DMA,
        pltpu.SemaphoreType.DMA,
    ]

    def body(x0, x1, x2, x3, src_h, dst_h, zacc, a0, a1, a2, a3, *sc):
        _sc_agg_body((x0, x1, x2, x3), src_h, dst_h, zacc,
                     (a0, a1, a2, a3), *sc)

    mesh = plsc.VectorSubcoreMesh(core_axis_name="c", subcore_axis_name="s")
    return pl.kernel(body, out_type=out_type, mesh=mesh,
                     scratch_types=scratch)


@functools.lru_cache(maxsize=1)
def _sc_agg_cached():
    return _make_sc_agg()


def _sc_agg(*args):
    return _sc_agg_cached()(*args)



def _linA_body(x_ref, w_ref, b_ref, *out_refs):
    t = lax.dot_general(x_ref[...], w_ref[...], (((1,), (1,)), ((), ())),
                        preferred_element_type=jnp.float32)
    t = t + b_ref[...]
    nrm = jnp.sqrt(jnp.sum(t * t, axis=1, keepdims=True))
    t = t / (nrm + EPS)
    for q in range(NQ):
        out_refs[q][...] = t[:, q * Q:(q + 1) * Q]


def _linA(xp, W0, b0):
    return pl.pallas_call(
        _linA_body,
        grid=(GRID,),
        in_specs=[
            pl.BlockSpec((RB, CIN), lambda i: (i, 0)),
            pl.BlockSpec((H, CIN), lambda i: (0, 0)),
            pl.BlockSpec((1, H), lambda i: (0, 0)),
        ],
        out_specs=[pl.BlockSpec((RB, Q), lambda i: (i, 0))
                   for _ in range(NQ)],
        out_shape=[jax.ShapeDtypeStruct((NP, Q), jnp.float32)
                   for _ in range(NQ)],
    )(xp, W0, b0)



def _cr(a, b, c, d):
    num = jnp.sum(a * c) * jnp.sum(b * d)
    den = jnp.sum(a * d) * jnp.sum(b * c)
    return num / (den + 1e-9)


def _mp_body(out_q, a0_ref, a1_ref, a2_ref, a3_ref, xprev_ref,
             wm_ref, bm_ref, wl_ref, bl_ref, out_ref, factor_ref):
    i = pl.program_id(0)
    agg = jnp.concatenate(
        [a[...] for a in (a0_ref, a1_ref, a2_ref, a3_ref)], axis=1)
    t = lax.dot_general(agg, wm_ref[...], (((1,), (1,)), ((), ())),
                        preferred_element_type=jnp.float32)
    t = t + bm_ref[...]
    nrm = jnp.sqrt(jnp.sum(t * t, axis=1, keepdims=True))
    h = t / (nrm + EPS)

    @pl.when(i == 0)
    def _():
        xp = xprev_ref[...]
        cr_i = _cr(xp[0], xp[1], xp[2], xp[3])
        cr_c = _cr(h[0], h[1], h[2], h[3])
        apply = (~jnp.isnan(cr_c)) & (~jnp.isnan(cr_i)) & (cr_c != 0)
        cr_safe = jnp.where(cr_c == 0, 1.0, cr_c)
        fac = jnp.where(
            apply,
            jnp.sqrt(jnp.sqrt(jnp.abs(cr_i) / (jnp.abs(cr_safe) + 1e-9))),
            1.0)
        factor_ref[0] = fac

    f = factor_ref[0]
    z = f * lax.dot_general(h, wl_ref[...], (((1,), (1,)), ((), ())),
                            preferred_element_type=jnp.float32)
    z = z + bl_ref[...]
    nz = jnp.sqrt(jnp.sum(z * z, axis=1, keepdims=True))
    z = jnp.maximum(z / (nz + EPS), 0.0)
    if out_q:
        for q in range(NQ):
            out_ref[q][...] = z[:, q * Q:(q + 1) * Q]
    else:
        out_ref[0][...] = z


def _mp_body_wrap(out_q, *refs):
    factor_ref = refs[-1]
    nouts = NQ if out_q else 1
    ins = refs[:-1 - nouts]
    outs = refs[-1 - nouts:-1]
    _mp_body(out_q, *ins, outs, factor_ref)


def _mp_stage(aggs, xprev, Wm, bm, Wl, bl, out_q):
    O = Wl.shape[0]
    if out_q:
        out_specs = [pl.BlockSpec((RB, Q), lambda i: (i, 0))
                     for _ in range(NQ)]
        out_shape = [jax.ShapeDtypeStruct((NP, Q), jnp.float32)
                     for _ in range(NQ)]
    else:
        out_specs = pl.BlockSpec((RB, O), lambda i: (i, 0))
        out_shape = jax.ShapeDtypeStruct((NP, O), jnp.float32)
    return pl.pallas_call(
        functools.partial(_mp_body_wrap, out_q),
        grid=(GRID,),
        in_specs=[
            pl.BlockSpec((RB, Q), lambda i: (i, 0)),
            pl.BlockSpec((RB, Q), lambda i: (i, 0)),
            pl.BlockSpec((RB, Q), lambda i: (i, 0)),
            pl.BlockSpec((RB, Q), lambda i: (i, 0)),
            pl.BlockSpec((8, H), lambda i: (0, 0)),
            pl.BlockSpec((H, H), lambda i: (0, 0)),
            pl.BlockSpec((1, H), lambda i: (0, 0)),
            pl.BlockSpec((O, H), lambda i: (0, 0)),
            pl.BlockSpec((1, O), lambda i: (0, 0)),
        ],
        out_specs=out_specs,
        out_shape=out_shape,
        scratch_shapes=[pltpu.SMEM((1,), jnp.float32)],
        compiler_params=pltpu.CompilerParams(
            dimension_semantics=("arbitrary",)),
    )(*aggs, xprev, Wm, bm, Wl, bl)


def _rows4(xqs):
    return jnp.concatenate([xq[0:8, :] for xq in xqs], axis=-1)


def kernel(x, edge_index, W0, b0, W1, b1, W2, b2, Wm, bm):
    ei = edge_index.astype(jnp.int32)
    src = jnp.concatenate([ei[0], jnp.zeros((EP - E,), jnp.int32)])
    dst = jnp.concatenate([ei[1], jnp.full((EP - E,), N, jnp.int32)])
    src = src.reshape(EP // CH, CH)
    dst = dst.reshape(EP // CH, CH)
    xp = jnp.concatenate([x, jnp.zeros((NP - N, CIN), x.dtype)], axis=0)
    zacc = jnp.zeros((CH, Q), jnp.float32)
    b0r = b0.reshape(1, H)
    b1r = b1.reshape(1, H)
    b2r = b2.reshape(1, COUT)
    bmr = bm.reshape(1, H)

    x1q = _linA(xp, W0, b0r)
    agg1 = _sc_agg(*x1q, src, dst, zacc)
    yq = _mp_stage(agg1, _rows4(x1q), Wm, bmr, W1, b1r, out_q=True)
    agg2 = _sc_agg(*yq, src, dst, zacc)
    out = _mp_stage(agg2, _rows4(yq), Wm, bmr, W2, b2r, out_q=False)
    return out[:N]

# --- scband reference (transcript-rebuilt; emitter-appended) ---
"""Pipeline reference for scband-hgcn-65438121721892 (READ-ONLY COPY).

The authoritative reference and input builder live on the scoring server;
editing this copy changes nothing except your own understanding.
"""

import jax, jax.numpy as jnp
import numpy as np

EPS = 1e-6

def hyp_linear(x, W, b):
    # HyperbolicLinear: projective linear map followed by projective normalization
    out = x @ W.T + b
    norm = jnp.linalg.norm(out, axis=-1, keepdims=True)
    return out / (norm + EPS)

def hyp_message_passing(x, src, dst, Wm, bm, n_nodes):
    # HyperbolicMessagePassing with aggr='mean': gather src feats, mean-aggregate at dst,
    # linear transform, projective normalization
    msg = x[src]
    agg = jax.ops.segment_sum(msg, dst, num_segments=n_nodes)
    deg = jax.ops.segment_sum(jnp.ones_like(dst, dtype=x.dtype), dst, num_segments=n_nodes)
    mean = agg / (deg[:, None] + EPS)
    out = mean @ Wm.T + bm
    norm = jnp.linalg.norm(out, axis=-1, keepdims=True)
    return out / (norm + EPS)

def compute_cross_ratio(a, b, c, d):
    # projective cross-ratio CR(a,b;c,d) from pairwise inner products
    num = jnp.dot(a, c) * jnp.dot(b, d)
    den = jnp.dot(a, d) * jnp.dot(b, c)
    return num / (den + 1e-9)

def restore_cross_ratio(x, cr_initial, cr_current):
    apply = (~jnp.isnan(cr_current)) & (~jnp.isnan(cr_initial)) & (cr_current != 0)
    cr_safe = jnp.where(cr_current == 0, 1.0, cr_current)
    factor = jnp.where(apply, (jnp.abs(cr_initial) / (jnp.abs(cr_safe) + 1e-9)) ** 0.25, 1.0)
    return x * factor

def _mp_block(x, src, dst, Wm, bm, n_nodes):
    cr_initial = compute_cross_ratio(x[0], x[1], x[2], x[3])
    x2 = hyp_message_passing(x, src, dst, Wm, bm, n_nodes)
    cr_current = compute_cross_ratio(x2[0], x2[1], x2[2], x2[3])
    return restore_cross_ratio(x2, cr_initial, cr_current)

def setup_inputs(seed: int = 0) -> dict:
    key = jax.random.key(seed)
    ks = jax.random.split(key, 10)
    N, E = 10000, 160000
    Cin, H, Cout = 256, 512, 256
    x = jax.random.normal(ks[0], (N, Cin), dtype=jnp.float32)
    edge_index = jax.random.randint(ks[1], (2, E), 0, N, dtype=jnp.int64)
    s = 0.05
    W0 = jax.random.normal(ks[2], (H, Cin), dtype=jnp.float32) * s
    b0 = jnp.zeros((H,), dtype=jnp.float32)
    W1 = jax.random.normal(ks[3], (H, H), dtype=jnp.float32) * s
    b1 = jnp.zeros((H,), dtype=jnp.float32)
    W2 = jax.random.normal(ks[4], (Cout, H), dtype=jnp.float32) * s
    b2 = jnp.zeros((Cout,), dtype=jnp.float32)
    Wm = jax.random.normal(ks[5], (H, H), dtype=jnp.float32) * s
    bm = jnp.zeros((H,), dtype=jnp.float32)
    return {"x": x, "edge_index": edge_index, "W0": W0, "b0": b0, "W1": W1, "b1": b1, "W2": W2, "b2": b2, "Wm": Wm, "bm": bm}

def reference(x, edge_index, W0, b0, W1, b1, W2, b2, Wm, bm):
    n_nodes = x.shape[0]
    src = edge_index[0]
    dst = edge_index[1]
    # layer 0 linear
    x = hyp_linear(x, W0, b0)
    # block i=1: message passing + linear + relu
    x = _mp_block(x, src, dst, Wm, bm, n_nodes)
    x = hyp_linear(x, W1, b1)
    x = jax.nn.relu(x)
    # block i=2: message passing + linear + relu (same mp layer [0] used per source)
    x = _mp_block(x, src, dst, Wm, bm, n_nodes)
    x = hyp_linear(x, W2, b2)
    x = jax.nn.relu(x)
    return x

if __name__ == "__main__":
    import jax
    _d = setup_inputs()
    print(jax.jit(kernel)(*tuple(_d.values())))

</pallas_src>

<mosaic_0001>
#map = affine_map<(d0, d1) -> (0, 0)>
module attributes {stable_mosaic.version = 14 : i64} {
  func.func @body(%arg0: i32, %arg1: i32, %arg2: memref<10240x128xf32, #tpu.memory_space<hbm>>, %arg3: memref<10240x128xf32, #tpu.memory_space<hbm>>, %arg4: memref<10240x128xf32, #tpu.memory_space<hbm>>, %arg5: memref<10240x128xf32, #tpu.memory_space<hbm>>, %arg6: memref<1280x128xi32, #tpu.memory_space<hbm>>, %arg7: memref<1280x128xi32, #tpu.memory_space<hbm>>, %arg8: memref<128x128xf32, #tpu.memory_space<hbm>>, %arg9: memref<10240x128xf32, #tpu.memory_space<hbm>>, %arg10: memref<10240x128xf32, #tpu.memory_space<hbm>>, %arg11: memref<10240x128xf32, #tpu.memory_space<hbm>>, %arg12: memref<10240x128xf32, #tpu.memory_space<hbm>>, %arg13: memref<10240x128xf32, #tpu.memory_space<vmem_shared>>, %arg14: memref<40x128xi32, #tpu.memory_space<vmem>>, %arg15: memref<40x128xi32, #tpu.memory_space<vmem>>, %arg16: memref<128x128xf32, #tpu.memory_space<vmem>>, %arg17: memref<128x128xf32, #tpu.memory_space<vmem>>, %arg18: memref<!tpu.dma_semaphore, #tpu.memory_space<semaphore_mem>>, %arg19: memref<!tpu.dma_semaphore, #tpu.memory_space<semaphore_mem>>, %arg20: memref<!tpu.dma_semaphore, #tpu.memory_space<semaphore_mem>>, %arg21: memref<!tpu.dma_semaphore, #tpu.memory_space<semaphore_mem>>) attributes {dimension_semantics = [#tpu.dimension_semantics<core_parallel>, #tpu.dimension_semantics<subcore_parallel>], iteration_bounds = array<i64: 2, 16>, scalar_prefetch = 0 : i64, scratch_operands = 9 : i64, tpu.core_type = #tpu.core_type<sc_vector_subcore>, window_params = [{transform_indices = #map}, {transform_indices = #map}, {transform_indices = #map}, {transform_indices = #map}, {transform_indices = #map}, {transform_indices = #map}, {transform_indices = #map}, {transform_indices = #map}, {transform_indices = #map}, {transform_indices = #map}, {transform_indices = #map}]} {
    %mul3A = arith.constant 640 : i32
    %mul3A_0 = arith.muli %arg1, %mul3A : i32
    "tpu.region"() ({
      %run_scoped3A = tpu.sem_alloc : memref<!tpu.dma_semaphore, #tpu.memory_space<semaphore_mem>>
      tpu.enqueue_dma source(%arg8 : memref<128x128xf32, #tpu.memory_space<hbm>>) target(%arg16 : memref<128x128xf32, #tpu.memory_space<vmem>>) target_semaphore(%run_scoped3A : memref<!tpu.dma_semaphore, #tpu.memory_space<semaphore_mem>>)
      tpu.wait_dma2 semaphore(%run_scoped3A : memref<!tpu.dma_semaphore, #tpu.memory_space<semaphore_mem>>) src(%arg8 : memref<128x128xf32, #tpu.memory_space<hbm>>) dst(%arg16 : memref<128x128xf32, #tpu.memory_space<vmem>>)
      tpu.yield
    }) : () -> ()
    %add3A = arith.constant 0 : i32
    %add3A_1 = arith.addi %mul3A_0, %add3A : i32
    %dma_start3A = arith.constant 0 : i32
    %dma_start3A_2 = tpu.memref_slice %arg13[%add3A_1, %dma_start3A] : memref<10240x128xf32, #tpu.memory_space<vmem_shared>> -> memref<128x128xf32, #tpu.memory_space<vmem_shared>>
    %dma_start3A_3 = arith.constant 0 : i32
    %dma_start3A_4 = tpu.memref_slice %arg13[%add3A_1, %dma_start3A_3] : memref<10240x128xf32, #tpu.memory_space<vmem_shared>> -> memref<128x128xf32, #tpu.memory_space<vmem_shared>>
    tpu.enqueue_dma source(%arg16 : memref<128x128xf32, #tpu.memory_space<vmem>>) target(%dma_start3A_4 : memref<128x128xf32, #tpu.memory_space<vmem_shared>>) target_semaphore(%arg18 : memref<!tpu.dma_semaphore, #tpu.memory_space<semaphore_mem>>)
    %add3A_5 = arith.constant 128 : i32
    %add3A_6 = arith.addi %mul3A_0, %add3A_5 : i32
    %dma_start3A_7 = arith.constant 0 : i32
    %dma_start3A_8 = tpu.memref_slice %arg13[%add3A_6, %dma_start3A_7] : memref<10240x128xf32, #tpu.memory_space<vmem_shared>> -> memref<128x128xf32, #tpu.memory_space<vmem_shared>>
    %dma_start3A_9 = arith.constant 0 : i32
    %dma_start3A_10 = tpu.memref_slice %arg13[%add3A_6, %dma_start3A_9] : memref<10240x128xf32, #tpu.memory_space<vmem_shared>> -> memref<128x128xf32, #tpu.memory_space<vmem_shared>>
    tpu.enqueue_dma source(%arg16 : memref<128x128xf32, #tpu.memory_space<vmem>>) target(%dma_start3A_10 : memref<128x128xf32, #tpu.memory_space<vmem_shared>>) target_semaphore(%arg18 : memref<!tpu.dma_semaphore, #tpu.memory_space<semaphore_mem>>)
    %add3A_11 = arith.constant 256 : i32
    %add3A_12 = arith.addi %mul3A_0, %add3A_11 : i32
    %dma_start3A_13 = arith.constant 0 : i32
    %dma_start3A_14 = tpu.memref_slice %arg13[%add3A_12, %dma_start3A_13] : memref<10240x128xf32, #tpu.memory_space<vmem_shared>> -> memref<128x128xf32, #tpu.memory_space<vmem_shared>>
    %dma_start3A_15 = arith.constant 0 : i32
    %dma_start3A_16 = tpu.memref_slice %arg13[%add3A_12, %dma_start3A_15] : memref<10240x128xf32, #tpu.memory_space<vmem_shared>> -> memref<128x128xf32, #tpu.memory_space<vmem_shared>>
    tpu.enqueue_dma source(%arg16 : memref<128x128xf32, #tpu.memory_space<vmem>>) target(%dma_start3A_16 : memref<128x128xf32, #tpu.memory_space<vmem_shared>>) target_semaphore(%arg18 : memref<!tpu.dma_semaphore, #tpu.memory_space<semaphore_mem>>)
    %add3A_17 = arith.constant 384 : i32
    %add3A_18 = arith.addi %mul3A_0, %add3A_17 : i32
    %dma_start3A_19 = arith.constant 0 : i32
    %dma_start3A_20 = tpu.memref_slice %arg13[%add3A_18, %dma_start3A_19] : memref<10240x128xf32, #tpu.memory_space<vmem_shared>> -> memref<128x128xf32, #tpu.memory_space<vmem_shared>>
    %dma_start3A_21 = arith.constant 0 : i32
    %dma_start3A_22 = tpu.memref_slice %arg13[%add3A_18, %dma_start3A_21] : memref<10240x128xf32, #tpu.memory_space<vmem_shared>> -> memref<128x128xf32, #tpu.memory_space<vmem_shared>>
    tpu.enqueue_dma source(%arg16 : memref<128x128xf32, #tpu.memory_space<vmem>>) target(%dma_start3A_22 : memref<128x128xf32, #tpu.memory_space<vmem_shared>>) target_semaphore(%arg18 : memref<!tpu.dma_semaphore, #tpu.memory_space<semaphore_mem>>)
    %add3A_23 = arith.constant 512 : i32
    %add3A_24 = arith.addi %mul3A_0, %add3A_23 : i32
    %dma_start3A_25 = arith.constant 0 : i32
    %dma_start3A_26 = tpu.memref_slice %arg13[%add3A_24, %dma_start3A_25] : memref<10240x128xf32, #tpu.memory_space<vmem_shared>> -> memref<128x128xf32, #tpu.memory_space<vmem_shared>>
    %dma_start3A_27 = arith.constant 0 : i32
    %dma_start3A_28 = tpu.memref_slice %arg13[%add3A_24, %dma_start3A_27] : memref<10240x128xf32, #tpu.memory_space<vmem_shared>> -> memref<128x128xf32, #tpu.memory_space<vmem_shared>>
    tpu.enqueue_dma source(%arg16 : memref<128x128xf32, #tpu.memory_space<vmem>>) target(%dma_start3A_28 : memref<128x128xf32, #tpu.memory_space<vmem_shared>>) target_semaphore(%arg18 : memref<!tpu.dma_semaphore, #tpu.memory_space<semaphore_mem>>)
    %dma_wait3A = arith.constant 0 : i32
    %dma_wait3A_29 = tpu.memref_slice %arg13[%add3A_1, %dma_wait3A] : memref<10240x128xf32, #tpu.memory_space<vmem_shared>> -> memref<128x128xf32, #tpu.memory_space<vmem_shared>>
    %dma_wait3A_30 = arith.constant 0 : i32
    %dma_wait3A_31 = tpu.memref_slice %arg13[%add3A_1, %dma_wait3A_30] : memref<10240x128xf32, #tpu.memory_space<vmem_shared>> -> memref<128x128xf32, #tpu.memory_space<vmem_shared>>
    tpu.wait_dma2 semaphore(%arg18 : memref<!tpu.dma_semaphore, #tpu.memory_space<semaphore_mem>>) src(%arg16 : memref<128x128xf32, #tpu.memory_space<vmem>>) dst(%dma_wait3A_31 : memref<128x128xf32, #tpu.memory_space<vmem_shared>>)
    %dma_wait3A_32 = arith.constant 0 : i32
    %dma_wait3A_33 = tpu.memref_slice %arg13[%add3A_6, %dma_wait3A_32] : memref<10240x128xf32, #tpu.memory_space<vmem_shared>> -> memref<128x128xf32, #tpu.memory_space<vmem_shared>>
    %dma_wait3A_34 = arith.constant 0 : i32
    %dma_wait3A_35 = tpu.memref_slice %arg13[%add3A_6, %dma_wait3A_34] : memref<10240x128xf32, #tpu.memory_space<vmem_shared>> -> memref<128x128xf32, #tpu.memory_space<vmem_shared>>
    tpu.wait_dma2 semaphore(%arg18 : memref<!tpu.dma_semaphore, #tpu.memory_space<semaphore_mem>>) src(%arg16 : memref<128x128xf32, #tpu.memory_space<vmem>>) dst(%dma_wait3A_35 : memref<128x128xf32, #tpu.memory_space<vmem_shared>>)
    %dma_wait3A_36 = arith.constant 0 : i32
    %dma_wait3A_37 = tpu.memref_slice %arg13[%add3A_12, %dma_wait3A_36] : memref<10240x128xf32, #tpu.memory_space<vmem_shared>> -> memref<128x128xf32, #tpu.memory_space<vmem_shared>>
    %dma_wait3A_38 = arith.constant 0 : i32
    %dma_wait3A_39 = tpu.memref_slice %arg13[%add3A_12, %dma_wait3A_38] : memref<10240x128xf32, #tpu.memory_space<vmem_shared>> -> memref<128x128xf32, #tpu.memory_space<vmem_shared>>
    tpu.wait_dma2 semaphore(%arg18 : memref<!tpu.dma_semaphore, #tpu.memory_space<semaphore_mem>>) src(%arg16 : memref<128x128xf32, #tpu.memory_space<vmem>>) dst(%dma_wait3A_39 : memref<128x128xf32, #tpu.memory_space<vmem_shared>>)
    %dma_wait3A_40 = arith.constant 0 : i32
    %dma_wait3A_41 = tpu.memref_slice %arg13[%add3A_18, %dma_wait3A_40] : memref<10240x128xf32, #tpu.memory_space<vmem_shared>> -> memref<128x128xf32, #tpu.memory_space<vmem_shared>>
    %dma_wait3A_42 = arith.constant 0 : i32
    %dma_wait3A_43 = tpu.memref_slice %arg13[%add3A_18, %dma_wait3A_42] : memref<10240x128xf32, #tpu.memory_space<vmem_shared>> -> memref<128x128xf32, #tpu.memory_space<vmem_shared>>
    tpu.wait_dma2 semaphore(%arg18 : memref<!tpu.dma_semaphore, #tpu.memory_space<semaphore_mem>>) src(%arg16 : memref<128x128xf32, #tpu.memory_space<vmem>>) dst(%dma_wait3A_43 : memref<128x128xf32, #tpu.memory_space<vmem_shared>>)
    %dma_wait3A_44 = arith.constant 0 : i32
    %dma_wait3A_45 = tpu.memref_slice %arg13[%add3A_24, %dma_wait3A_44] : memref<10240x128xf32, #tpu.memory_space<vmem_shared>> -> memref<128x128xf32, #tpu.memory_space<vmem_shared>>
    %dma_wait3A_46 = arith.constant 0 : i32
    %dma_wait3A_47 = tpu.memref_slice %arg13[%add3A_24, %dma_wait3A_46] : memref<10240x128xf32, #tpu.memory_space<vmem_shared>> -> memref<128x128xf32, #tpu.memory_space<vmem_shared>>
    tpu.wait_dma2 semaphore(%arg18 : memref<!tpu.dma_semaphore, #tpu.memory_space<semaphore_mem>>) src(%arg16 : memref<128x128xf32, #tpu.memory_space<vmem>>) dst(%dma_wait3A_47 : memref<128x128xf32, #tpu.memory_space<vmem_shared>>)
    %barrier3A = arith.constant 0 : index
    tpu.barrier barrier_id(%barrier3A)
    %eq3A = arith.constant 0 : i32
    %eq3A_48 = arith.cmpi eq, %arg0, %eq3A : i32
    %convert_element_type3A = arith.extui %eq3A_48 : i1 to i32
    %cond3A = arith.constant 0 : i32
    %cond3A_49 = arith.cmpi ne, %convert_element_type3A, %cond3A : i32
    scf.if %cond3A_49 {
      %mul3A_140 = arith.constant 80 : i32
      %mul3A_141 = arith.muli %arg1, %mul3A_140 : i32
      %add3A_142 = arith.constant 0 : i32
      %add3A_143 = arith.addi %mul3A_141, %add3A_142 : i32
      "tpu.region"() ({
        %run_scoped3A = tpu.sem_alloc : memref<!tpu.dma_semaphore, #tpu.memory_space<semaphore_mem>>
        %dma_start3A_159 = arith.constant 0 : i32
        %dma_start3A_160 = tpu.memref_slice %arg6[%add3A_143, %dma_start3A_159] : memref<1280x128xi32, #tpu.memory_space<hbm>> -> memref<40x128xi32, #tpu.memory_space<hbm>>
        %dma_start3A_161 = arith.constant 0 : i32
        %dma_start3A_162 = tpu.memref_slice %arg6[%add3A_143, %dma_start3A_161] : memref<1280x128xi32, #tpu.memory_space<hbm>> -> memref<40x128xi32, #tpu.memory_space<hbm>>
        tpu.enqueue_dma source(%dma_start3A_162 : memref<40x128xi32, #tpu.memory_space<hbm>>) target(%arg14 : memref<40x128xi32, #tpu.memory_space<vmem>>) target_semaphore(%run_scoped3A : memref<!tpu.dma_semaphore, #tpu.memory_space<semaphore_mem>>)
        %dma_wait3A_163 = arith.constant 0 : i32
        %dma_wait3A_164 = tpu.memref_slice %arg6[%add3A_143, %dma_wait3A_163] : memref<1280x128xi32, #tpu.memory_space<hbm>> -> memref<40x128xi32, #tpu.memory_space<hbm>>
        %dma_wait3A_165 = arith.constant 0 : i32
        %dma_wait3A_166 = tpu.memref_slice %arg6[%add3A_143, %dma_wait3A_165] : memref<1280x128xi32, #tpu.memory_space<hbm>> -> memref<40x128xi32, #tpu.memory_space<hbm>>
        tpu.wait_dma2 semaphore(%run_scoped3A : memref<!tpu.dma_semaphore, #tpu.memory_space<semaphore_mem>>) src(%dma_wait3A_166 : memref<40x128xi32, #tpu.memory_space<hbm>>) dst(%arg14 : memref<40x128xi32, #tpu.memory_space<vmem>>)
        tpu.yield
      }) : () -> ()
      "tpu.region"() ({
        %run_scoped3A = tpu.sem_alloc : memref<!tpu.dma_semaphore, #tpu.memory_space<semaphore_mem>>
        %dma_start3A_159 = arith.constant 0 : i32
        %dma_start3A_160 = tpu.memref_slice %arg7[%add3A_143, %dma_start3A_159] : memref<1280x128xi32, #tpu.memory_space<hbm>> -> memref<40x128xi32, #tpu.memory_space<hbm>>
        %dma_start3A_161 = arith.constant 0 : i32
        %dma_start3A_162 = tpu.memref_slice %arg7[%add3A_143, %dma_start3A_161] : memref<1280x128xi32, #tpu.memory_space<hbm>> -> memref<40x128xi32, #tpu.memory_space<hbm>>
        tpu.enqueue_dma source(%dma_start3A_162 : memref<40x128xi32, #tpu.memory_space<hbm>>) target(%arg15 : memref<40x128xi32, #tpu.memory_space<vmem>>) target_semaphore(%run_scoped3A : memref<!tpu.dma_semaphore, #tpu.memory_space<semaphore_mem>>)
        %dma_wait3A_163 = arith.constant 0 : i32
        %dma_wait3A_164 = tpu.memref_slice %arg7[%add3A_143, %dma_wait3A_163] : memref<1280x128xi32, #tpu.memory_space<hbm>> -> memref<40x128xi32, #tpu.memory_space<hbm>>
        %dma_wait3A_165 = arith.constant 0 : i32
        %dma_wait3A_166 = tpu.memref_slice %arg7[%add3A_143, %dma_wait3A_165] : memref<1280x128xi32, #tpu.memory_space<hbm>> -> memref<40x128xi32, #tpu.memory_space<hbm>>
        tpu.wait_dma2 semaphore(%run_scoped3A : memref<!tpu.dma_semaphore, #tpu.memory_space<semaphore_mem>>) src(%dma_wait3A_166 : memref<40x128xi32, #tpu.memory_space<hbm>>) dst(%arg15 : memref<40x128xi32, #tpu.memory_space<vmem>>)
        tpu.yield
      }) : () -> ()
      %scan3A = arith.constant 0 : i32
      %scan3A_144 = arith.constant 0 : i32
      %scan3A_145 = arith.constant 20 : i32
      %scan3A_146 = arith.addi %scan3A_144, %scan3A_145 : i32
      %scan3A_147 = arith.constant 1 : i32
      scf.for %scan3A_159 = %scan3A_144 to %scan3A_146 step %scan3A_147  : i32 {
        %mul3A_160 = arith.constant 2 : i32
        %mul3A_161 = arith.muli %mul3A_160, %scan3A_159 : i32
        %dma_start3A_162 = arith.constant 0 : i32
        %dma_start3A_163 = tpu.memref_slice %arg14[%mul3A_161, %dma_start3A_162] : memref<40x128xi32, #tpu.memory_space<vmem>> -> memref<1x128xi32, #tpu.memory_space<vmem>>
        %dma_start3A_164 = tpu.memref_squeeze %dma_start3A_163 : memref<1x128xi32, #tpu.memory_space<vmem>> -> memref<128xi32, #tpu.memory_space<vmem>>
        %dma_start3A_165 = arith.constant 0 : i32
        %dma_start3A_166 = arith.constant 0 : i32
        %dma_start3A_167 = tpu.memref_slice %arg2[%dma_start3A_165, %dma_start3A_166] : memref<10240x128xf32, #tpu.memory_space<hbm>> -> memref<10240x128xf32, #tpu.memory_space<hbm>>
        tpu.enqueue_indirect_dma source(%dma_start3A_167 : memref<10240x128xf32, #tpu.memory_space<hbm>>) target(%arg16 : memref<128x128xf32, #tpu.memory_space<vmem>>) offsets(%dma_start3A_164 : memref<128xi32, #tpu.memory_space<vmem>>) semaphore(%arg18 : memref<!tpu.dma_semaphore, #tpu.memory_space<semaphore_mem>>)
        %add3A_168 = arith.constant 1 : i32
        %add3A_169 = arith.addi %mul3A_161, %add3A_168 : i32
        %dma_start3A_170 = arith.constant 0 : i32
        %dma_start3A_171 = tpu.memref_slice %arg14[%add3A_169, %dma_start3A_170] : memref<40x128xi32, #tpu.memory_space<vmem>> -> memref<1x128xi32, #tpu.memory_space<vmem>>
        %dma_start3A_172 = tpu.memref_squeeze %dma_start3A_171 : memref<1x128xi32, #tpu.memory_space<vmem>> -> memref<128xi32, #tpu.memory_space<vmem>>
        %dma_start3A_173 = arith.constant 0 : i32
        %dma_start3A_174 = arith.constant 0 : i32
        %dma_start3A_175 = tpu.memref_slice %arg2[%dma_start3A_173, %dma_start3A_174] : memref<10240x128xf32, #tpu.memory_space<hbm>> -> memref<10240x128xf32, #tpu.memory_space<hbm>>
        tpu.enqueue_indirect_dma source(%dma_start3A_175 : memref<10240x128xf32, #tpu.memory_space<hbm>>) target(%arg17 : memref<128x128xf32, #tpu.memory_space<vmem>>) offsets(%dma_start3A_172 : memref<128xi32, #tpu.memory_space<vmem>>) semaphore(%arg19 : memref<!tpu.dma_semaphore, #tpu.memory_space<semaphore_mem>>)
        %dma_wait3A_176 = arith.constant 0 : i32
        %dma_wait3A_177 = tpu.memref_slice %arg14[%mul3A_161, %dma_wait3A_176] : memref<40x128xi32, #tpu.memory_space<vmem>> -> memref<1x128xi32, #tpu.memory_space<vmem>>
        %dma_wait3A_178 = tpu.memref_squeeze %dma_wait3A_177 : memref<1x128xi32, #tpu.memory_space<vmem>> -> memref<128xi32, #tpu.memory_space<vmem>>
        %dma_wait3A_179 = arith.constant 0 : i32
        %dma_wait3A_180 = arith.constant 0 : i32
        %dma_wait3A_181 = tpu.memref_slice %arg2[%dma_wait3A_179, %dma_wait3A_180] : memref<10240x128xf32, #tpu.memory_space<hbm>> -> memref<10240x128xf32, #tpu.memory_space<hbm>>
        tpu.wait_indirect_dma semaphore(%arg18 : memref<!tpu.dma_semaphore, #tpu.memory_space<semaphore_mem>>) src(%dma_wait3A_181 : memref<10240x128xf32, #tpu.memory_space<hbm>>) dst(%arg16 : memref<128x128xf32, #tpu.memory_space<vmem>>)
        %dma_start3A_182 = arith.constant 0 : i32
        %dma_start3A_183 = tpu.memref_slice %arg15[%mul3A_161, %dma_start3A_182] : memref<40x128xi32, #tpu.memory_space<vmem>> -> memref<1x128xi32, #tpu.memory_space<vmem>>
        %dma_start3A_184 = tpu.memref_squeeze %dma_start3A_183 : memref<1x128xi32, #tpu.memory_space<vmem>> -> memref<128xi32, #tpu.memory_space<vmem>>
        %dma_start3A_185 = arith.constant 0 : i32
        %dma_start3A_186 = arith.constant 0 : i32
        %dma_start3A_187 = tpu.memref_slice %arg13[%dma_start3A_185, %dma_start3A_186] : memref<10240x128xf32, #tpu.memory_space<vmem_shared>> -> memref<10240x128xf32, #tpu.memory_space<vmem_shared>>
        tpu.enqueue_indirect_dma source(%arg16 : memref<128x128xf32, #tpu.memory_space<vmem>>) target(%dma_start3A_187 : memref<10240x128xf32, #tpu.memory_space<vmem_shared>>) offsets(%dma_start3A_184 : memref<128xi32, #tpu.memory_space<vmem>>) semaphore(%arg20 : memref<!tpu.dma_semaphore, #tpu.memory_space<semaphore_mem>>) {add = true}
        %dma_wait3A_188 = arith.constant 0 : i32
        %dma_wait3A_189 = tpu.memref_slice %arg14[%add3A_169, %dma_wait3A_188] : memref<40x128xi32, #tpu.memory_space<vmem>> -> memref<1x128xi32, #tpu.memory_space<vmem>>
        %dma_wait3A_190 = tpu.memref_squeeze %dma_wait3A_189 : memref<1x128xi32, #tpu.memory_space<vmem>> -> memref<128xi32, #tpu.memory_space<vmem>>
        %dma_wait3A_191 = arith.constant 0 : i32
        %dma_wait3A_192 = arith.constant 0 : i32
        %dma_wait3A_193 = tpu.memref_slice %arg2[%dma_wait3A_191, %dma_wait3A_192] : memref<10240x128xf32, #tpu.memory_space<hbm>> -> memref<10240x128xf32, #tpu.memory_space<hbm>>
        tpu.wait_indirect_dma semaphore(%arg19 : memref<!tpu.dma_semaphore, #tpu.memory_space<semaphore_mem>>) src(%dma_wait3A_193 : memref<10240x128xf32, #tpu.memory_space<hbm>>) dst(%arg17 : memref<128x128xf32, #tpu.memory_space<vmem>>)
        %add3A_194 = arith.constant 1 : i32
        %add3A_195 = arith.addi %mul3A_161, %add3A_194 : i32
        %dma_start3A_196 = arith.constant 0 : i32
        %dma_start3A_197 = tpu.memref_slice %arg15[%add3A_195, %dma_start3A_196] : memref<40x128xi32, #tpu.memory_space<vmem>> -> memref<1x128xi32, #tpu.memory_space<vmem>>
        %dma_start3A_198 = tpu.memref_squeeze %dma_start3A_197 : memref<1x128xi32, #tpu.memory_space<vmem>> -> memref<128xi32, #tpu.memory_space<vmem>>
        %dma_start3A_199 = arith.constant 0 : i32
        %dma_start3A_200 = arith.constant 0 : i32
        %dma_start3A_201 = tpu.memref_slice %arg13[%dma_start3A_199, %dma_start3A_200] : memref<10240x128xf32, #tpu.memory_space<vmem_shared>> -> memref<10240x128xf32, #tpu.memory_space<vmem_shared>>
        tpu.enqueue_indirect_dma source(%arg17 : memref<128x128xf32, #tpu.memory_space<vmem>>) target(%dma_start3A_201 : memref<10240x128xf32, #tpu.memory_space<vmem_shared>>) offsets(%dma_start3A_198 : memref<128xi32, #tpu.memory_space<vmem>>) semaphore(%arg21 : memref<!tpu.dma_semaphore, #tpu.memory_space<semaphore_mem>>) {add = true}
        %dma_wait3A_202 = arith.constant 0 : i32
        %dma_wait3A_203 = arith.constant 0 : i32
        %dma_wait3A_204 = tpu.memref_slice %arg15[%dma_wait3A_202, %dma_wait3A_203] : memref<40x128xi32, #tpu.memory_space<vmem>> -> memref<1x128xi32, #tpu.memory_space<vmem>>
        %dma_wait3A_205 = tpu.memref_squeeze %dma_wait3A_204 : memref<1x128xi32, #tpu.memory_space<vmem>> -> memref<128xi32, #tpu.memory_space<vmem>>
        %dma_wait3A_206 = arith.constant 0 : i32
        %dma_wait3A_207 = arith.constant 0 : i32
        %dma_wait3A_208 = tpu.memref_slice %arg13[%dma_wait3A_206, %dma_wait3A_207] : memref<10240x128xf32, #tpu.memory_space<vmem_shared>> -> memref<10240x128xf32, #tpu.memory_space<vmem_shared>>
        tpu.wait_indirect_dma semaphore(%arg20 : memref<!tpu.dma_semaphore, #tpu.memory_space<semaphore_mem>>) src(%arg16 : memref<128x128xf32, #tpu.memory_space<vmem>>) dst(%dma_wait3A_208 : memref<10240x128xf32, #tpu.memory_space<vmem_shared>>)
        %dma_wait3A_209 = arith.constant 0 : i32
        %dma_wait3A_210 = arith.constant 0 : i32
        %dma_wait3A_211 = tpu.memref_slice %arg15[%dma_wait3A_209, %dma_wait3A_210] : memref<40x128xi32, #tpu.memory_space<vmem>> -> memref<1x128xi32, #tpu.memory_space<vmem>>
        %dma_wait3A_212 = tpu.memref_squeeze %dma_wait3A_211 : memref<1x128xi32, #tpu.memory_space<vmem>> -> memref<128xi32, #tpu.memory_space<vmem>>
        %dma_wait3A_213 = arith.constant 0 : i32
        %dma_wait3A_214 = arith.constant 0 : i32
        %dma_wait3A_215 = tpu.memref_slice %arg13[%dma_wait3A_213, %dma_wait3A_214] : memref<10240x128xf32, #tpu.memory_space<vmem_shared>> -> memref<10240x128xf32, #tpu.memory_space<vmem_shared>>
        tpu.wait_indirect_dma semaphore(%arg21 : memref<!tpu.dma_semaphore, #tpu.memory_space<semaphore_mem>>) src(%arg17 : memref<128x128xf32, #tpu.memory_space<vmem>>) dst(%dma_wait3A_215 : memref<10240x128xf32, #tpu.memory_space<vmem_shared>>)
      }
      %scan3A_148 = arith.constant 20 : i32
      %mul3A_149 = arith.constant 80 : i32
      %mul3A_150 = arith.muli %arg1, %mul3A_149 : i32
      %add3A_151 = arith.constant 40 : i32
      %add3A_152 = arith.addi %mul3A_150, %add3A_151 : i32
      "tpu.region"() ({
        %run_scoped3A = tpu.sem_alloc : memref<!tpu.dma_semaphore, #tpu.memory_space<semaphore_mem>>
        %dma_start3A_159 = arith.constant 0 : i32
        %dma_start3A_160 = tpu.memref_slice %arg6[%add3A_152, %dma_start3A_159] : memref<1280x128xi32, #tpu.memory_space<hbm>> -> memref<40x128xi32, #tpu.memory_space<hbm>>
        %dma_start3A_161 = arith.constant 0 : i32
        %dma_start3A_162 = tpu.memref_slice %arg6[%add3A_152, %dma_start3A_161] : memref<1280x128xi32, #tpu.memory_space<hbm>> -> memref<40x128xi32, #tpu.memory_space<hbm>>
        tpu.enqueue_dma source(%dma_start3A_162 : memref<40x128xi32, #tpu.memory_space<hbm>>) target(%arg14 : memref<40x128xi32, #tpu.memory_space<vmem>>) target_semaphore(%run_scoped3A : memref<!tpu.dma_semaphore, #tpu.memory_space<semaphore_mem>>)
        %dma_wait3A_163 = arith.constant 0 : i32
        %dma_wait3A_164 = tpu.memref_slice %arg6[%add3A_152, %dma_wait3A_163] : memref<1280x128xi32, #tpu.memory_space<hbm>> -> memref<40x128xi32, #tpu.memory_space<hbm>>
        %dma_wait3A_165 = arith.constant 0 : i32
        %dma_wait3A_166 = tpu.memref_slice %arg6[%add3A_152, %dma_wait3A_165] : memref<1280x128xi32, #tpu.memory_space<hbm>> -> memref<40x128xi32, #tpu.memory_space<hbm>>
        tpu.wait_dma2 semaphore(%run_scoped3A : memref<!tpu.dma_semaphore, #tpu.memory_space<semaphore_mem>>) src(%dma_wait3A_166 : memref<40x128xi32, #tpu.memory_space<hbm>>) dst(%arg14 : memref<40x128xi32, #tpu.memory_space<vmem>>)
        tpu.yield
      }) : () -> ()
      "tpu.region"() ({
        %run_scoped3A = tpu.sem_alloc : memref<!tpu.dma_semaphore, #tpu.memory_space<semaphore_mem>>
        %dma_start3A_159 = arith.constant 0 : i32
        %dma_start3A_160 = tpu.memref_slice %arg7[%add3A_152, %dma_start3A_159] : memref<1280x128xi32, #tpu.memory_space<hbm>> -> memref<40x128xi32, #tpu.memory_space<hbm>>
        %dma_start3A_161 = arith.constant 0 : i32
        %dma_start3A_162 = tpu.memref_slice %arg7[%add3A_152, %dma_start3A_161] : memref<1280x128xi32, #tpu.memory_space<hbm>> -> memref<40x128xi32, #tpu.memory_space<hbm>>
        tpu.enqueue_dma source(%dma_start3A_162 : memref<40x128xi32, #tpu.memory_space<hbm>>) target(%arg15 : memref<40x128xi32, #tpu.memory_space<vmem>>) target_semaphore(%run_scoped3A : memref<!tpu.dma_semaphore, #tpu.memory_space<semaphore_mem>>)
        %dma_wait3A_163 = arith.constant 0 : i32
        %dma_wait3A_164 = tpu.memref_slice %arg7[%add3A_152, %dma_wait3A_163] : memref<1280x128xi32, #tpu.memory_space<hbm>> -> memref<40x128xi32, #tpu.memory_space<hbm>>
        %dma_wait3A_165 = arith.constant 0 : i32
        %dma_wait3A_166 = tpu.memref_slice %arg7[%add3A_152, %dma_wait3A_165] : memref<1280x128xi32, #tpu.memory_space<hbm>> -> memref<40x128xi32, #tpu.memory_space<hbm>>
        tpu.wait_dma2 semaphore(%run_scoped3A : memref<!tpu.dma_semaphore, #tpu.memory_space<semaphore_mem>>) src(%dma_wait3A_166 : memref<40x128xi32, #tpu.memory_space<hbm>>) dst(%arg15 : memref<40x128xi32, #tpu.memory_space<vmem>>)
        tpu.yield
      }) : () -> ()
      %scan3A_153 = arith.constant 0 : i32
      %scan3A_154 = arith.constant 0 : i32
      %scan3A_155 = arith.constant 20 : i32
      %scan3A_156 = arith.addi %scan3A_154, %scan3A_155 : i32
      %scan3A_157 = arith.constant 1 : i32
      scf.for %scan3A_159 = %scan3A_154 to %scan3A_156 step %scan3A_157  : i32 {
        %mul3A_160 = arith.constant 2 : i32
        %mul3A_161 = arith.muli %mul3A_160, %scan3A_159 : i32
        %dma_start3A_162 = arith.constant 0 : i32
        %dma_start3A_163 = tpu.memref_slice %arg14[%mul3A_161, %dma_start3A_162] : memref<40x128xi32, #tpu.memory_space<vmem>> -> memref<1x128xi32, #tpu.memory_space<vmem>>
        %dma_start3A_164 = tpu.memref_squeeze %dma_start3A_163 : memref<1x128xi32, #tpu.memory_space<vmem>> -> memref<128xi32, #tpu.memory_space<vmem>>
        %dma_start3A_165 = arith.constant 0 : i32
        %dma_start3A_166 = arith.constant 0 : i32
        %dma_start3A_167 = tpu.memref_slice %arg2[%dma_start3A_165, %dma_start3A_166] : memref<10240x128xf32, #tpu.memory_space<hbm>> -> memref<10240x128xf32, #tpu.memory_space<hbm>>
        tpu.enqueue_indirect_dma source(%dma_start3A_167 : memref<10240x128xf32, #tpu.memory_space<hbm>>) target(%arg16 : memref<128x128xf32, #tpu.memory_space<vmem>>) offsets(%dma_start3A_164 : memref<128xi32, #tpu.memory_space<vmem>>) semaphore(%arg18 : memref<!tpu.dma_semaphore, #tpu.memory_space<semaphore_mem>>)
        %add3A_168 = arith.constant 1 : i32
        %add3A_169 = arith.addi %mul3A_161, %add3A_168 : i32
        %dma_start3A_170 = arith.constant 0 : i32
        %dma_start3A_171 = tpu.memref_slice %arg14[%add3A_169, %dma_start3A_170] : memref<40x128xi32, #tpu.memory_space<vmem>> -> memref<1x128xi32, #tpu.memory_space<vmem>>
        %dma_start3A_172 = tpu.memref_squeeze %dma_start3A_171 : memref<1x128xi32, #tpu.memory_space<vmem>> -> memref<128xi32, #tpu.memory_space<vmem>>
        %dma_start3A_173 = arith.constant 0 : i32
        %dma_start3A_174 = arith.constant 0 : i32
        %dma_start3A_175 = tpu.memref_slice %arg2[%dma_start3A_173, %dma_start3A_174] : memref<10240x128xf32, #tpu.memory_space<hbm>> -> memref<10240x128xf32, #tpu.memory_space<hbm>>
        tpu.enqueue_indirect_dma source(%dma_start3A_175 : memref<10240x128xf32, #tpu.memory_space<hbm>>) target(%arg17 : memref<128x128xf32, #tpu.memory_space<vmem>>) offsets(%dma_start3A_172 : memref<128xi32, #tpu.memory_space<vmem>>) semaphore(%arg19 : memref<!tpu.dma_semaphore, #tpu.memory_space<semaphore_mem>>)
        %dma_wait3A_176 = arith.constant 0 : i32
        %dma_wait3A_177 = tpu.memref_slice %arg14[%mul3A_161, %dma_wait3A_176] : memref<40x128xi32, #tpu.memory_space<vmem>> -> memref<1x128xi32, #tpu.memory_space<vmem>>
        %dma_wait3A_178 = tpu.memref_squeeze %dma_wait3A_177 : memref<1x128xi32, #tpu.memory_space<vmem>> -> memref<128xi32, #tpu.memory_space<vmem>>
        %dma_wait3A_179 = arith.constant 0 : i32
        %dma_wait3A_180 = arith.constant 0 : i32
        %dma_wait3A_181 = tpu.memref_slice %arg2[%dma_wait3A_179, %dma_wait3A_180] : memref<10240x128xf32, #tpu.memory_space<hbm>> -> memref<10240x128xf32, #tpu.memory_space<hbm>>
        tpu.wait_indirect_dma semaphore(%arg18 : memref<!tpu.dma_semaphore, #tpu.memory_space<semaphore_mem>>) src(%dma_wait3A_181 : memref<10240x128xf32, #tpu.memory_space<hbm>>) dst(%arg16 : memref<128x128xf32, #tpu.memory_space<vmem>>)
        %dma_start3A_182 = arith.constant 0 : i32
        %dma_start3A_183 = tpu.memref_slice %arg15[%mul3A_161, %dma_start3A_182] : memref<40x128xi32, #tpu.memory_space<vmem>> -> memref<1x128xi32, #tpu.memory_space<vmem>>
        %dma_start3A_184 = tpu.memref_squeeze %dma_start3A_183 : memref<1x128xi32, #tpu.memory_space<vmem>> -> memref<128xi32, #tpu.memory_space<vmem>>
        %dma_start3A_185 = arith.constant 0 : i32
        %dma_start3A_186 = arith.constant 0 : i32
        %dma_start3A_187 = tpu.memref_slice %arg13[%dma_start3A_185, %dma_start3A_186] : memref<10240x128xf32, #tpu.memory_space<vmem_shared>> -> memref<10240x128xf32, #tpu.memory_space<vmem_shared>>
        tpu.enqueue_indirect_dma source(%arg16 : memref<128x128xf32, #tpu.memory_space<vmem>>) target(%dma_start3A_187 : memref<10240x128xf32, #tpu.memory_space<vmem_shared>>) offsets(%dma_start3A_184 : memref<128xi32, #tpu.memory_space<vmem>>) semaphore(%arg20 : memref<!tpu.dma_semaphore, #tpu.memory_space<semaphore_mem>>) {add = true}
        %dma_wait3A_188 = arith.constant 0 : i32
        %dma_wait3A_189 = tpu.memref_slice %arg14[%add3A_169, %dma_wait3A_188] : memref<40x128xi32, #tpu.memory_space<vmem>> -> memref<1x128xi32, #tpu.memory_space<vmem>>
        %dma_wait3A_190 = tpu.memref_squeeze %dma_wait3A_189 : memref<1x128xi32, #tpu.memory_space<vmem>> -> memref<128xi32, #tpu.memory_space<vmem>>
        %dma_wait3A_191 = arith.constant 0 : i32
        %dma_wait3A_192 = arith.constant 0 : i32
        %dma_wait3A_193 = tpu.memref_slice %arg2[%dma_wait3A_191, %dma_wait3A_192] : memref<10240x128xf32, #tpu.memory_space<hbm>> -> memref<10240x128xf32, #tpu.memory_space<hbm>>
        tpu.wait_indirect_dma semaphore(%arg19 : memref<!tpu.dma_semaphore, #tpu.memory_space<semaphore_mem>>) src(%dma_wait3A_193 : memref<10240x128xf32, #tpu.memory_space<hbm>>) dst(%arg17 : memref<128x128xf32, #tpu.memory_space<vmem>>)
        %add3A_194 = arith.constant 1 : i32
        %add3A_195 = arith.addi %mul3A_161, %add3A_194 : i32
        %dma_start3A_196 = arith.constant 0 : i32
        %dma_start3A_197 = tpu.memref_slice %arg15[%add3A_195, %dma_start3A_196] : memref<40x128xi32, #tpu.memory_space<vmem>> -> memref<1x128xi32, #tpu.memory_space<vmem>>
        %dma_start3A_198 = tpu.memref_squeeze %dma_start3A_197 : memref<1x128xi32, #tpu.memory_space<vmem>> -> memref<128xi32, #tpu.memory_space<vmem>>
        %dma_start3A_199 = arith.constant 0 : i32
        %dma_start3A_200 = arith.constant 0 : i32
        %dma_start3A_201 = tpu.memref_slice %arg13[%dma_start3A_199, %dma_start3A_200] : memref<10240x128xf32, #tpu.memory_space<vmem_shared>> -> memref<10240x128xf32, #tpu.memory_space<vmem_shared>>
        tpu.enqueue_indirect_dma source(%arg17 : memref<128x128xf32, #tpu.memory_space<vmem>>) target(%dma_start3A_201 : memref<10240x128xf32, #tpu.memory_space<vmem_shared>>) offsets(%dma_start3A_198 : memref<128xi32, #tpu.memory_space<vmem>>) semaphore(%arg21 : memref<!tpu.dma_semaphore, #tpu.memory_space<semaphore_mem>>) {add = true}
        %dma_wait3A_202 = arith.constant 0 : i32
        %dma_wait3A_203 = arith.constant 0 : i32
        %dma_wait3A_204 = tpu.memref_slice %arg15[%dma_wait3A_202, %dma_wait3A_203] : memref<40x128xi32, #tpu.memory_space<vmem>> -> memref<1x128xi32, #tpu.memory_space<vmem>>
        %dma_wait3A_205 = tpu.memref_squeeze %dma_wait3A_204 : memref<1x128xi32, #tpu.memory_space<vmem>> -> memref<128xi32, #tpu.memory_space<vmem>>
        %dma_wait3A_206 = arith.constant 0 : i32
        %dma_wait3A_207 = arith.constant 0 : i32
        %dma_wait3A_208 = tpu.memref_slice %arg13[%dma_wait3A_206, %dma_wait3A_207] : memref<10240x128xf32, #tpu.memory_space<vmem_shared>> -> memref<10240x128xf32, #tpu.memory_space<vmem_shared>>
        tpu.wait_indirect_dma semaphore(%arg20 : memref<!tpu.dma_semaphore, #tpu.memory_space<semaphore_mem>>) src(%arg16 : memref<128x128xf32, #tpu.memory_space<vmem>>) dst(%dma_wait3A_208 : memref<10240x128xf32, #tpu.memory_space<vmem_shared>>)
        %dma_wait3A_209 = arith.constant 0 : i32
        %dma_wait3A_210 = arith.constant 0 : i32
        %dma_wait3A_211 = tpu.memref_slice %arg15[%dma_wait3A_209, %dma_wait3A_210] : memref<40x128xi32, #tpu.memory_space<vmem>> -> memref<1x128xi32, #tpu.memory_space<vmem>>
        %dma_wait3A_212 = tpu.memref_squeeze %dma_wait3A_211 : memref<1x128xi32, #tpu.memory_space<vmem>> -> memref<128xi32, #tpu.memory_space<vmem>>
        %dma_wait3A_213 = arith.constant 0 : i32
        %dma_wait3A_214 = arith.constant 0 : i32
        %dma_wait3A_215 = tpu.memref_slice %arg13[%dma_wait3A_213, %dma_wait3A_214] : memref<10240x128xf32, #tpu.memory_space<vmem_shared>> -> memref<10240x128xf32, #tpu.memory_space<vmem_shared>>
        tpu.wait_indirect_dma semaphore(%arg21 : memref<!tpu.dma_semaphore, #tpu.memory_space<semaphore_mem>>) src(%arg17 : memref<128x128xf32, #tpu.memory_space<vmem>>) dst(%dma_wait3A_215 : memref<10240x128xf32, #tpu.memory_space<vmem_shared>>)
      }
      %scan3A_158 = arith.constant 20 : i32
    } else {
    }
    %eq3A_50 = arith.constant 1 : i32
    %eq3A_51 = arith.cmpi eq, %arg0, %eq3A_50 : i32
    %convert_element_type3A_52 = arith.extui %eq3A_51 : i1 to i32
    %cond3A_53 = arith.constant 0 : i32
    %cond3A_54 = arith.cmpi ne, %convert_element_type3A_52, %cond3A_53 : i32
    scf.if %cond3A_54 {
      %mul3A_140 = arith.constant 80 : i32
      %mul3A_141 = arith.muli %arg1, %mul3A_140 : i32
      %add3A_142 = arith.constant 0 : i32
      %add3A_143 = arith.addi %mul3A_141, %add3A_142 : i32
      "tpu.region"() ({
        %run_scoped3A = tpu.sem_alloc : memref<!tpu.dma_semaphore, #tpu.memory_space<semaphore_mem>>
        %dma_start3A_159 = arith.constant 0 : i32
        %dma_start3A_160 = tpu.memref_slice %arg6[%add3A_143, %dma_start3A_159] : memref<1280x128xi32, #tpu.memory_space<hbm>> -> memref<40x128xi32, #tpu.memory_space<hbm>>
        %dma_start3A_161 = arith.constant 0 : i32
        %dma_start3A_162 = tpu.memref_slice %arg6[%add3A_143, %dma_start3A_161] : memref<1280x128xi32, #tpu.memory_space<hbm>> -> memref<40x128xi32, #tpu.memory_space<hbm>>
        tpu.enqueue_dma source(%dma_start3A_162 : memref<40x128xi32, #tpu.memory_space<hbm>>) target(%arg14 : memref<40x128xi32, #tpu.memory_space<vmem>>) target_semaphore(%run_scoped3A : memref<!tpu.dma_semaphore, #tpu.memory_space<semaphore_mem>>)
        %dma_wait3A_163 = arith.constant 0 : i32
        %dma_wait3A_164 = tpu.memref_slice %arg6[%add3A_143, %dma_wait3A_163] : memref<1280x128xi32, #tpu.memory_space<hbm>> -> memref<40x128xi32, #tpu.memory_space<hbm>>
        %dma_wait3A_165 = arith.constant 0 : i32
        %dma_wait3A_166 = tpu.memref_slice %arg6[%add3A_143, %dma_wait3A_165] : memref<1280x128xi32, #tpu.memory_space<hbm>> -> memref<40x128xi32, #tpu.memory_space<hbm>>
        tpu.wait_dma2 semaphore(%run_scoped3A : memref<!tpu.dma_semaphore, #tpu.memory_space<semaphore_mem>>) src(%dma_wait3A_166 : memref<40x128xi32, #tpu.memory_space<hbm>>) dst(%arg14 : memref<40x128xi32, #tpu.memory_space<vmem>>)
        tpu.yield
      }) : () -> ()
      "tpu.region"() ({
        %run_scoped3A = tpu.sem_alloc : memref<!tpu.dma_semaphore, #tpu.memory_space<semaphore_mem>>
        %dma_start3A_159 = arith.constant 0 : i32
        %dma_start3A_160 = tpu.memref_slice %arg7[%add3A_143, %dma_start3A_159] : memref<1280x128xi32, #tpu.memory_space<hbm>> -> memref<40x128xi32, #tpu.memory_space<hbm>>
        %dma_start3A_161 = arith.constant 0 : i32
        %dma_start3A_162 = tpu.memref_slice %arg7[%add3A_143, %dma_start3A_161] : memref<1280x128xi32, #tpu.memory_space<hbm>> -> memref<40x128xi32, #tpu.memory_space<hbm>>
        tpu.enqueue_dma source(%dma_start3A_162 : memref<40x128xi32, #tpu.memory_space<hbm>>) target(%arg15 : memref<40x128xi32, #tpu.memory_space<vmem>>) target_semaphore(%run_scoped3A : memref<!tpu.dma_semaphore, #tpu.memory_space<semaphore_mem>>)
        %dma_wait3A_163 = arith.constant 0 : i32
        %dma_wait3A_164 = tpu.memref_slice %arg7[%add3A_143, %dma_wait3A_163] : memref<1280x128xi32, #tpu.memory_space<hbm>> -> memref<40x128xi32, #tpu.memory_space<hbm>>
        %dma_wait3A_165 = arith.constant 0 : i32
        %dma_wait3A_166 = tpu.memref_slice %arg7[%add3A_143, %dma_wait3A_165] : memref<1280x128xi32, #tpu.memory_space<hbm>> -> memref<40x128xi32, #tpu.memory_space<hbm>>
        tpu.wait_dma2 semaphore(%run_scoped3A : memref<!tpu.dma_semaphore, #tpu.memory_space<semaphore_mem>>) src(%dma_wait3A_166 : memref<40x128xi32, #tpu.memory_space<hbm>>) dst(%arg15 : memref<40x128xi32, #tpu.memory_space<vmem>>)
        tpu.yield
      }) : () -> ()
      %scan3A = arith.constant 0 : i32
      %scan3A_144 = arith.constant 0 : i32
      %scan3A_145 = arith.constant 20 : i32
      %scan3A_146 = arith.addi %scan3A_144, %scan3A_145 : i32
      %scan3A_147 = arith.constant 1 : i32
      scf.for %scan3A_159 = %scan3A_144 to %scan3A_146 step %scan3A_147  : i32 {
        %mul3A_160 = arith.constant 2 : i32
        %mul3A_161 = arith.muli %mul3A_160, %scan3A_159 : i32
        %dma_start3A_162 = arith.constant 0 : i32
        %dma_start3A_163 = tpu.memref_slice %arg14[%mul3A_161, %dma_start3A_162] : memref<40x128xi32, #tpu.memory_space<vmem>> -> memref<1x128xi32, #tpu.memory_space<vmem>>
        %dma_start3A_164 = tpu.memref_squeeze %dma_start3A_163 : memref<1x128xi32, #tpu.memory_space<vmem>> -> memref<128xi32, #tpu.memory_space<vmem>>
        %dma_start3A_165 = arith.constant 0 : i32
        %dma_start3A_166 = arith.constant 0 : i32
        %dma_start3A_167 = tpu.memref_slice %arg4[%dma_start3A_165, %dma_start3A_166] : memref<10240x128xf32, #tpu.memory_space<hbm>> -> memref<10240x128xf32, #tpu.memory_space<hbm>>
        tpu.enqueue_indirect_dma source(%dma_start3A_167 : memref<10240x128xf32, #tpu.memory_space<hbm>>) target(%arg16 : memref<128x128xf32, #tpu.memory_space<vmem>>) offsets(%dma_start3A_164 : memref<128xi32, #tpu.memory_space<vmem>>) semaphore(%arg18 : memref<!tpu.dma_semaphore, #tpu.memory_space<semaphore_mem>>)
        %add3A_168 = arith.constant 1 : i32
        %add3A_169 = arith.addi %mul3A_161, %add3A_168 : i32
        %dma_start3A_170 = arith.constant 0 : i32
        %dma_start3A_171 = tpu.memref_slice %arg14[%add3A_169, %dma_start3A_170] : memref<40x128xi32, #tpu.memory_space<vmem>> -> memref<1x128xi32, #tpu.memory_space<vmem>>
        %dma_start3A_172 = tpu.memref_squeeze %dma_start3A_171 : memref<1x128xi32, #tpu.memory_space<vmem>> -> memref<128xi32, #tpu.memory_space<vmem>>
        %dma_start3A_173 = arith.constant 0 : i32
        %dma_start3A_174 = arith.constant 0 : i32
        %dma_start3A_175 = tpu.memref_slice %arg4[%dma_start3A_173, %dma_start3A_174] : memref<10240x128xf32, #tpu.memory_space<hbm>> -> memref<10240x128xf32, #tpu.memory_space<hbm>>
        tpu.enqueue_indirect_dma source(%dma_start3A_175 : memref<10240x128xf32, #tpu.memory_space<hbm>>) target(%arg17 : memref<128x128xf32, #tpu.memory_space<vmem>>) offsets(%dma_start3A_172 : memref<128xi32, #tpu.memory_space<vmem>>) semaphore(%arg19 : memref<!tpu.dma_semaphore, #tpu.memory_space<semaphore_mem>>)
        %dma_wait3A_176 = arith.constant 0 : i32
        %dma_wait3A_177 = tpu.memref_slice %arg14[%mul3A_161, %dma_wait3A_176] : memref<40x128xi32, #tpu.memory_space<vmem>> -> memref<1x128xi32, #tpu.memory_space<vmem>>
        %dma_wait3A_178 = tpu.memref_squeeze %dma_wait3A_177 : memref<1x128xi32, #tpu.memory_space<vmem>> -> memref<128xi32, #tpu.memory_space<vmem>>
        %dma_wait3A_179 = arith.constant 0 : i32
        %dma_wait3A_180 = arith.constant 0 : i32
        %dma_wait3A_181 = tpu.memref_slice %arg4[%dma_wait3A_179, %dma_wait3A_180] : memref<10240x128xf32, #tpu.memory_space<hbm>> -> memref<10240x128xf32, #tpu.memory_space<hbm>>
        tpu.wait_indirect_dma semaphore(%arg18 : memref<!tpu.dma_semaphore, #tpu.memory_space<semaphore_mem>>) src(%dma_wait3A_181 : memref<10240x128xf32, #tpu.memory_space<hbm>>) dst(%arg16 : memref<128x128xf32, #tpu.memory_space<vmem>>)
        %dma_start3A_182 = arith.constant 0 : i32
        %dma_start3A_183 = tpu.memref_slice %arg15[%mul3A_161, %dma_start3A_182] : memref<40x128xi32, #tpu.memory_space<vmem>> -> memref<1x128xi32, #tpu.memory_space<vmem>>
        %dma_start3A_184 = tpu.memref_squeeze %dma_start3A_183 : memref<1x128xi32, #tpu.memory_space<vmem>> -> memref<128xi32, #tpu.memory_space<vmem>>
        %dma_start3A_185 = arith.constant 0 : i32
        %dma_start3A_186 = arith.constant 0 : i32
        %dma_start3A_187 = tpu.memref_slice %arg13[%dma_start3A_185, %dma_start3A_186] : memref<10240x128xf32, #tpu.memory_space<vmem_shared>> -> memref<10240x128xf32, #tpu.memory_space<vmem_shared>>
        tpu.enqueue_indirect_dma source(%arg16 : memref<128x128xf32, #tpu.memory_space<vmem>>) target(%dma_start3A_187 : memref<10240x128xf32, #tpu.memory_space<vmem_shared>>) offsets(%dma_start3A_184 : memref<128xi32, #tpu.memory_space<vmem>>) semaphore(%arg20 : memref<!tpu.dma_semaphore, #tpu.memory_space<semaphore_mem>>) {add = true}
        %dma_wait3A_188 = arith.constant 0 : i32
        %dma_wait3A_189 = tpu.memref_slice %arg14[%add3A_169, %dma_wait3A_188] : memref<40x128xi32, #tpu.memory_space<vmem>> -> memref<1x128xi32, #tpu.memory_space<vmem>>
        %dma_wait3A_190 = tpu.memref_squeeze %dma_wait3A_189 : memref<1x128xi32, #tpu.memory_space<vmem>> -> memref<128xi32, #tpu.memory_space<vmem>>
        %dma_wait3A_191 = arith.constant 0 : i32
        %dma_wait3A_192 = arith.constant 0 : i32
        %dma_wait3A_193 = tpu.memref_slice %arg4[%dma_wait3A_191, %dma_wait3A_192] : memref<10240x128xf32, #tpu.memory_space<hbm>> -> memref<10240x128xf32, #tpu.memory_space<hbm>>
        tpu.wait_indirect_dma semaphore(%arg19 : memref<!tpu.dma_semaphore, #tpu.memory_space<semaphore_mem>>) src(%dma_wait3A_193 : memref<10240x128xf32, #tpu.memory_space<hbm>>) dst(%arg17 : memref<128x128xf32, #tpu.memory_space<vmem>>)
        %add3A_194 = arith.constant 1 : i32
        %add3A_195 = arith.addi %mul3A_161, %add3A_194 : i32
        %dma_start3A_196 = arith.constant 0 : i32
        %dma_start3A_197 = tpu.memref_slice %arg15[%add3A_195, %dma_start3A_196] : memref<40x128xi32, #tpu.memory_space<vmem>> -> memref<1x128xi32, #tpu.memory_space<vmem>>
        %dma_start3A_198 = tpu.memref_squeeze %dma_start3A_197 : memref<1x128xi32, #tpu.memory_space<vmem>> -> memref<128xi32, #tpu.memory_space<vmem>>
        %dma_start3A_199 = arith.constant 0 : i32
        %dma_start3A_200 = arith.constant 0 : i32
        %dma_start3A_201 = tpu.memref_slice %arg13[%dma_start3A_199, %dma_start3A_200] : memref<10240x128xf32, #tpu.memory_space<vmem_shared>> -> memref<10240x128xf32, #tpu.memory_space<vmem_shared>>
        tpu.enqueue_indirect_dma source(%arg17 : memref<128x128xf32, #tpu.memory_space<vmem>>) target(%dma_start3A_201 : memref<10240x128xf32, #tpu.memory_space<vmem_shared>>) offsets(%dma_start3A_198 : memref<128xi32, #tpu.memory_space<vmem>>) semaphore(%arg21 : memref<!tpu.dma_semaphore, #tpu.memory_space<semaphore_mem>>) {add = true}
        %dma_wait3A_202 = arith.constant 0 : i32
        %dma_wait3A_203 = arith.constant 0 : i32
        %dma_wait3A_204 = tpu.memref_slice %arg15[%dma_wait3A_202, %dma_wait3A_203] : memref<40x128xi32, #tpu.memory_space<vmem>> -> memref<1x128xi32, #tpu.memory_space<vmem>>
        %dma_wait3A_205 = tpu.memref_squeeze %dma_wait3A_204 : memref<1x128xi32, #tpu.memory_space<vmem>> -> memref<128xi32, #tpu.memory_space<vmem>>
        %dma_wait3A_206 = arith.constant 0 : i32
        %dma_wait3A_207 = arith.constant 0 : i32
        %dma_wait3A_208 = tpu.memref_slice %arg13[%dma_wait3A_206, %dma_wait3A_207] : memref<10240x128xf32, #tpu.memory_space<vmem_shared>> -> memref<10240x128xf32, #tpu.memory_space<vmem_shared>>
        tpu.wait_indirect_dma semaphore(%arg20 : memref<!tpu.dma_semaphore, #tpu.memory_space<semaphore_mem>>) src(%arg16 : memref<128x128xf32, #tpu.memory_space<vmem>>) dst(%dma_wait3A_208 : memref<10240x128xf32, #tpu.memory_space<vmem_shared>>)
        %dma_wait3A_209 = arith.constant 0 : i32
        %dma_wait3A_210 = arith.constant 0 : i32
        %dma_wait3A_211 = tpu.memref_slice %arg15[%dma_wait3A_209, %dma_wait3A_210] : memref<40x128xi32, #tpu.memory_space<vmem>> -> memref<1x128xi32, #tpu.memory_space<vmem>>
        %dma_wait3A_212 = tpu.memref_squeeze %dma_wait3A_211 : memref<1x128xi32, #tpu.memory_space<vmem>> -> memref<128xi32, #tpu.memory_space<vmem>>
        %dma_wait3A_213 = arith.constant 0 : i32
        %dma_wait3A_214 = arith.constant 0 : i32
        %dma_wait3A_215 = tpu.memref_slice %arg13[%dma_wait3A_213, %dma_wait3A_214] : memref<10240x128xf32, #tpu.memory_space<vmem_shared>> -> memref<10240x128xf32, #tpu.memory_space<vmem_shared>>
        tpu.wait_indirect_dma semaphore(%arg21 : memref<!tpu.dma_semaphore, #tpu.memory_space<semaphore_mem>>) src(%arg17 : memref<128x128xf32, #tpu.memory_space<vmem>>) dst(%dma_wait3A_215 : memref<10240x128xf32, #tpu.memory_space<vmem_shared>>)
      }
      %scan3A_148 = arith.constant 20 : i32
      %mul3A_149 = arith.constant 80 : i32
      %mul3A_150 = arith.muli %arg1, %mul3A_149 : i32
      %add3A_151 = arith.constant 40 : i32
      %add3A_152 = arith.addi %mul3A_150, %add3A_151 : i32
      "tpu.region"() ({
        %run_scoped3A = tpu.sem_alloc : memref<!tpu.dma_semaphore, #tpu.memory_space<semaphore_mem>>
        %dma_start3A_159 = arith.constant 0 : i32
        %dma_start3A_160 = tpu.memref_slice %arg6[%add3A_152, %dma_start3A_159] : memref<1280x128xi32, #tpu.memory_space<hbm>> -> memref<40x128xi32, #tpu.memory_space<hbm>>
        %dma_start3A_161 = arith.constant 0 : i32
        %dma_start3A_162 = tpu.memref_slice %arg6[%add3A_152, %dma_start3A_161] : memref<1280x128xi32, #tpu.memory_space<hbm>> -> memref<40x128xi32, #tpu.memory_space<hbm>>
        tpu.enqueue_dma source(%dma_start3A_162 : memref<40x128xi32, #tpu.memory_space<hbm>>) target(%arg14 : memref<40x128xi32, #tpu.memory_space<vmem>>) target_semaphore(%run_scoped3A : memref<!tpu.dma_semaphore, #tpu.memory_space<semaphore_mem>>)
        %dma_wait3A_163 = arith.constant 0 : i32
        %dma_wait3A_164 = tpu.memref_slice %arg6[%add3A_152, %dma_wait3A_163] : memref<1280x128xi32, #tpu.memory_space<hbm>> -> memref<40x128xi32, #tpu.memory_space<hbm>>
        %dma_wait3A_165 = arith.constant 0 : i32
        %dma_wait3A_166 = tpu.memref_slice %arg6[%add3A_152, %dma_wait3A_165] : memref<1280x128xi32, #tpu.memory_space<hbm>> -> memref<40x128xi32, #tpu.memory_space<hbm>>
        tpu.wait_dma2 semaphore(%run_scoped3A : memref<!tpu.dma_semaphore, #tpu.memory_space<semaphore_mem>>) src(%dma_wait3A_166 : memref<40x128xi32, #tpu.memory_space<hbm>>) dst(%arg14 : memref<40x128xi32, #tpu.memory_space<vmem>>)
        tpu.yield
      }) : () -> ()
      "tpu.region"() ({
        %run_scoped3A = tpu.sem_alloc : memref<!tpu.dma_semaphore, #tpu.memory_space<semaphore_mem>>
        %dma_start3A_159 = arith.constant 0 : i32
        %dma_start3A_160 = tpu.memref_slice %arg7[%add3A_152, %dma_start3A_159] : memref<1280x128xi32, #tpu.memory_space<hbm>> -> memref<40x128xi32, #tpu.memory_space<hbm>>
        %dma_start3A_161 = arith.constant 0 : i32
        %dma_start3A_162 = tpu.memref_slice %arg7[%add3A_152, %dma_start3A_161] : memref<1280x128xi32, #tpu.memory_space<hbm>> -> memref<40x128xi32, #tpu.memory_space<hbm>>
        tpu.enqueue_dma source(%dma_start3A_162 : memref<40x128xi32, #tpu.memory_space<hbm>>) target(%arg15 : memref<40x128xi32, #tpu.memory_space<vmem>>) target_semaphore(%run_scoped3A : memref<!tpu.dma_semaphore, #tpu.memory_space<semaphore_mem>>)
        %dma_wait3A_163 = arith.constant 0 : i32
        %dma_wait3A_164 = tpu.memref_slice %arg7[%add3A_152, %dma_wait3A_163] : memref<1280x128xi32, #tpu.memory_space<hbm>> -> memref<40x128xi32, #tpu.memory_space<hbm>>
        %dma_wait3A_165 = arith.constant 0 : i32
        %dma_wait3A_166 = tpu.memref_slice %arg7[%add3A_152, %dma_wait3A_165] : memref<1280x128xi32, #tpu.memory_space<hbm>> -> memref<40x128xi32, #tpu.memory_space<hbm>>
        tpu.wait_dma2 semaphore(%run_scoped3A : memref<!tpu.dma_semaphore, #tpu.memory_space<semaphore_mem>>) src(%dma_wait3A_166 : memref<40x128xi32, #tpu.memory_space<hbm>>) dst(%arg15 : memref<40x128xi32, #tpu.memory_space<vmem>>)
        tpu.yield
      }) : () -> ()
      %scan3A_153 = arith.constant 0 : i32
      %scan3A_154 = arith.constant 0 : i32
      %scan3A_155 = arith.constant 20 : i32
      %scan3A_156 = arith.addi %scan3A_154, %scan3A_155 : i32
      %scan3A_157 = arith.constant 1 : i32
      scf.for %scan3A_159 = %scan3A_154 to %scan3A_156 step %scan3A_157  : i32 {
        %mul3A_160 = arith.constant 2 : i32
        %mul3A_161 = arith.muli %mul3A_160, %scan3A_159 : i32
        %dma_start3A_162 = arith.constant 0 : i32
        %dma_start3A_163 = tpu.memref_slice %arg14[%mul3A_161, %dma_start3A_162] : memref<40x128xi32, #tpu.memory_space<vmem>> -> memref<1x128xi32, #tpu.memory_space<vmem>>
        %dma_start3A_164 = tpu.memref_squeeze %dma_start3A_163 : memref<1x128xi32, #tpu.memory_space<vmem>> -> memref<128xi32, #tpu.memory_space<vmem>>
        %dma_start3A_165 = arith.constant 0 : i32
        %dma_start3A_166 = arith.constant 0 : i32
        %dma_start3A_167 = tpu.memref_slice %arg4[%dma_start3A_165, %dma_start3A_166] : memref<10240x128xf32, #tpu.memory_space<hbm>> -> memref<10240x128xf32, #tpu.memory_space<hbm>>
        tpu.enqueue_indirect_dma source(%dma_start3A_167 : memref<10240x128xf32, #tpu.memory_space<hbm>>) target(%arg16 : memref<128x128xf32, #tpu.memory_space<vmem>>) offsets(%dma_start3A_164 : memref<128xi32, #tpu.memory_space<vmem>>) semaphore(%arg18 : memref<!tpu.dma_semaphore, #tpu.memory_space<semaphore_mem>>)
        %add3A_168 = arith.constant 1 : i32
        %add3A_169 = arith.addi %mul3A_161, %add3A_168 : i32
        %dma_start3A_170 = arith.constant 0 : i32
        %dma_start3A_171 = tpu.memref_slice %arg14[%add3A_169, %dma_start3A_170] : memref<40x128xi32, #tpu.memory_space<vmem>> -> memref<1x128xi32, #tpu.memory_space<vmem>>
        %dma_start3A_172 = tpu.memref_squeeze %dma_start3A_171 : memref<1x128xi32, #tpu.memory_space<vmem>> -> memref<128xi32, #tpu.memory_space<vmem>>
        %dma_start3A_173 = arith.constant 0 : i32
        %dma_start3A_174 = arith.constant 0 : i32
        %dma_start3A_175 = tpu.memref_slice %arg4[%dma_start3A_173, %dma_start3A_174] : memref<10240x128xf32, #tpu.memory_space<hbm>> -> memref<10240x128xf32, #tpu.memory_space<hbm>>
        tpu.enqueue_indirect_dma source(%dma_start3A_175 : memref<10240x128xf32, #tpu.memory_space<hbm>>) target(%arg17 : memref<128x128xf32, #tpu.memory_space<vmem>>) offsets(%dma_start3A_172 : memref<128xi32, #tpu.memory_space<vmem>>) semaphore(%arg19 : memref<!tpu.dma_semaphore, #tpu.memory_space<semaphore_mem>>)
        %dma_wait3A_176 = arith.constant 0 : i32
        %dma_wait3A_177 = tpu.memref_slice %arg14[%mul3A_161, %dma_wait3A_176] : memref<40x128xi32, #tpu.memory_space<vmem>> -> memref<1x128xi32, #tpu.memory_space<vmem>>
        %dma_wait3A_178 = tpu.memref_squeeze %dma_wait3A_177 : memref<1x128xi32, #tpu.memory_space<vmem>> -> memref<128xi32, #tpu.memory_space<vmem>>
        %dma_wait3A_179 = arith.constant 0 : i32
        %dma_wait3A_180 = arith.constant 0 : i32
        %dma_wait3A_181 = tpu.memref_slice %arg4[%dma_wait3A_179, %dma_wait3A_180] : memref<10240x128xf32, #tpu.memory_space<hbm>> -> memref<10240x128xf32, #tpu.memory_space<hbm>>
        tpu.wait_indirect_dma semaphore(%arg18 : memref<!tpu.dma_semaphore, #tpu.memory_space<semaphore_mem>>) src(%dma_wait3A_181 : memref<10240x128xf32, #tpu.memory_space<hbm>>) dst(%arg16 : memref<128x128xf32, #tpu.memory_space<vmem>>)
        %dma_start3A_182 = arith.constant 0 : i32
        %dma_start3A_183 = tpu.memref_slice %arg15[%mul3A_161, %dma_start3A_182] : memref<40x128xi32, #tpu.memory_space<vmem>> -> memref<1x128xi32, #tpu.memory_space<vmem>>
        %dma_start3A_184 = tpu.memref_squeeze %dma_start3A_183 : memref<1x128xi32, #tpu.memory_space<vmem>> -> memref<128xi32, #tpu.memory_space<vmem>>
        %dma_start3A_185 = arith.constant 0 : i32
        %dma_start3A_186 = arith.constant 0 : i32
        %dma_start3A_187 = tpu.memref_slice %arg13[%dma_start3A_185, %dma_start3A_186] : memref<10240x128xf32, #tpu.memory_space<vmem_shared>> -> memref<10240x128xf32, #tpu.memory_space<vmem_shared>>
        tpu.enqueue_indirect_dma source(%arg16 : memref<128x128xf32, #tpu.memory_space<vmem>>) target(%dma_start3A_187 : memref<10240x128xf32, #tpu.memory_space<vmem_shared>>) offsets(%dma_start3A_184 : memref<128xi32, #tpu.memory_space<vmem>>) semaphore(%arg20 : memref<!tpu.dma_semaphore, #tpu.memory_space<semaphore_mem>>) {add = true}
        %dma_wait3A_188 = arith.constant 0 : i32
        %dma_wait3A_189 = tpu.memref_slice %arg14[%add3A_169, %dma_wait3A_188] : memref<40x128xi32, #tpu.memory_space<vmem>> -> memref<1x128xi32, #tpu.memory_space<vmem>>
        %dma_wait3A_190 = tpu.memref_squeeze %dma_wait3A_189 : memref<1x128xi32, #tpu.memory_space<vmem>> -> memref<128xi32, #tpu.memory_space<vmem>>
        %dma_wait3A_191 = arith.constant 0 : i32
        %dma_wait3A_192 = arith.constant 0 : i32
        %dma_wait3A_193 = tpu.memref_slice %arg4[%dma_wait3A_191, %dma_wait3A_192] : memref<10240x128xf32, #tpu.memory_space<hbm>> -> memref<10240x128xf32, #tpu.memory_space<hbm>>
        tpu.wait_indirect_dma semaphore(%arg19 : memref<!tpu.dma_semaphore, #tpu.memory_space<semaphore_mem>>) src(%dma_wait3A_193 : memref<10240x128xf32, #tpu.memory_space<hbm>>) dst(%arg17 : memref<128x128xf32, #tpu.memory_space<vmem>>)
        %add3A_194 = arith.constant 1 : i32
        %add3A_195 = arith.addi %mul3A_161, %add3A_194 : i32
        %dma_start3A_196 = arith.constant 0 : i32
        %dma_start3A_197 = tpu.memref_slice %arg15[%add3A_195, %dma_start3A_196] : memref<40x128xi32, #tpu.memory_space<vmem>> -> memref<1x128xi32, #tpu.memory_space<vmem>>
        %dma_start3A_198 = tpu.memref_squeeze %dma_start3A_197 : memref<1x128xi32, #tpu.memory_space<vmem>> -> memref<128xi32, #tpu.memory_space<vmem>>
        %dma_start3A_199 = arith.constant 0 : i32
        %dma_start3A_200 = arith.constant 0 : i32
        %dma_start3A_201 = tpu.memref_slice %arg13[%dma_start3A_199, %dma_start3A_200] : memref<10240x128xf32, #tpu.memory_space<vmem_shared>> -> memref<10240x128xf32, #tpu.memory_space<vmem_shared>>
        tpu.enqueue_indirect_dma source(%arg17 : memref<128x128xf32, #tpu.memory_space<vmem>>) target(%dma_start3A_201 : memref<10240x128xf32, #tpu.memory_space<vmem_shared>>) offsets(%dma_start3A_198 : memref<128xi32, #tpu.memory_space<vmem>>) semaphore(%arg21 : memref<!tpu.dma_semaphore, #tpu.memory_space<semaphore_mem>>) {add = true}
        %dma_wait3A_202 = arith.constant 0 : i32
        %dma_wait3A_203 = arith.constant 0 : i32
        %dma_wait3A_204 = tpu.memref_slice %arg15[%dma_wait3A_202, %dma_wait3A_203] : memref<40x128xi32, #tpu.memory_space<vmem>> -> memref<1x128xi32, #tpu.memory_space<vmem>>
        %dma_wait3A_205 = tpu.memref_squeeze %dma_wait3A_204 : memref<1x128xi32, #tpu.memory_space<vmem>> -> memref<128xi32, #tpu.memory_space<vmem>>
        %dma_wait3A_206 = arith.constant 0 : i32
        %dma_wait3A_207 = arith.constant 0 : i32
        %dma_wait3A_208 = tpu.memref_slice %arg13[%dma_wait3A_206, %dma_wait3A_207] : memref<10240x128xf32, #tpu.memory_space<vmem_shared>> -> memref<10240x128xf32, #tpu.memory_space<vmem_shared>>
        tpu.wait_indirect_dma semaphore(%arg20 : memref<!tpu.dma_semaphore, #tpu.memory_space<semaphore_mem>>) src(%arg16 : memref<128x128xf32, #tpu.memory_space<vmem>>) dst(%dma_wait3A_208 : memref<10240x128xf32, #tpu.memory_space<vmem_shared>>)
        %dma_wait3A_209 = arith.constant 0 : i32
        %dma_wait3A_210 = arith.constant 0 : i32
        %dma_wait3A_211 = tpu.memref_slice %arg15[%dma_wait3A_209, %dma_wait3A_210] : memref<40x128xi32, #tpu.memory_space<vmem>> -> memref<1x128xi32, #tpu.memory_space<vmem>>
        %dma_wait3A_212 = tpu.memref_squeeze %dma_wait3A_211 : memref<1x128xi32, #tpu.memory_space<vmem>> -> memref<128xi32, #tpu.memory_space<vmem>>
        %dma_wait3A_213 = arith.constant 0 : i32
        %dma_wait3A_214 = arith.constant 0 : i32
        %dma_wait3A_215 = tpu.memref_slice %arg13[%dma_wait3A_213, %dma_wait3A_214] : memref<10240x128xf32, #tpu.memory_space<vmem_shared>> -> memref<10240x128xf32, #tpu.memory_space<vmem_shared>>
        tpu.wait_indirect_dma semaphore(%arg21 : memref<!tpu.dma_semaphore, #tpu.memory_space<semaphore_mem>>) src(%arg17 : memref<128x128xf32, #tpu.memory_space<vmem>>) dst(%dma_wait3A_215 : memref<10240x128xf32, #tpu.memory_space<vmem_shared>>)
      }
      %scan3A_158 = arith.constant 20 : i32
    } else {
    }
    %barrier3A_55 = arith.constant 0 : index
    tpu.barrier barrier_id(%barrier3A_55)
    %eq3A_56 = arith.constant 0 : i32
    %eq3A_57 = arith.cmpi eq, %arg0, %eq3A_56 : i32
    %convert_element_type3A_58 = arith.extui %eq3A_57 : i1 to i32
    %cond3A_59 = arith.constant 0 : i32
    %cond3A_60 = arith.cmpi ne, %convert_element_type3A_58, %cond3A_59 : i32
    scf.if %cond3A_60 {
      %add3A_140 = arith.constant 0 : i32
      %add3A_141 = arith.addi %mul3A_0, %add3A_140 : i32
      "tpu.region"() ({
        %run_scoped3A = tpu.sem_alloc : memref<!tpu.dma_semaphore, #tpu.memory_space<semaphore_mem>>
        %dma_start3A_200 = arith.constant 0 : i32
        %dma_start3A_201 = tpu.memref_slice %arg13[%add3A_141, %dma_start3A_200] : memref<10240x128xf32, #tpu.memory_space<vmem_shared>> -> memref<128x128xf32, #tpu.memory_space<vmem_shared>>
        %dma_start3A_202 = arith.constant 0 : i32
        %dma_start3A_203 = tpu.memref_slice %arg13[%add3A_141, %dma_start3A_202] : memref<10240x128xf32, #tpu.memory_space<vmem_shared>> -> memref<128x128xf32, #tpu.memory_space<vmem_shared>>
        tpu.enqueue_dma source(%dma_start3A_203 : memref<128x128xf32, #tpu.memory_space<vmem_shared>>) target(%arg16 : memref<128x128xf32, #tpu.memory_space<vmem>>) target_semaphore(%run_scoped3A : memref<!tpu.dma_semaphore, #tpu.memory_space<semaphore_mem>>)
        %dma_wait3A_204 = arith.constant 0 : i32
        %dma_wait3A_205 = tpu.memref_slice %arg13[%add3A_141, %dma_wait3A_204] : memref<10240x128xf32, #tpu.memory_space<vmem_shared>> -> memref<128x128xf32, #tpu.memory_space<vmem_shared>>
        %dma_wait3A_206 = arith.constant 0 : i32
        %dma_wait3A_207 = tpu.memref_slice %arg13[%add3A_141, %dma_wait3A_206] : memref<10240x128xf32, #tpu.memory_space<vmem_shared>> -> memref<128x128xf32, #tpu.memory_space<vmem_shared>>
        tpu.wait_dma2 semaphore(%run_scoped3A : memref<!tpu.dma_semaphore, #tpu.memory_space<semaphore_mem>>) src(%dma_wait3A_207 : memref<128x128xf32, #tpu.memory_space<vmem_shared>>) dst(%arg16 : memref<128x128xf32, #tpu.memory_space<vmem>>)
        tpu.yield
      }) : () -> ()
      %add3A_142 = arith.constant 0 : i32
      %add3A_143 = arith.addi %mul3A_0, %add3A_142 : i32
      %dma_start3A_144 = arith.constant 0 : i32
      %dma_start3A_145 = tpu.memref_slice %arg9[%add3A_143, %dma_start3A_144] : memref<10240x128xf32, #tpu.memory_space<hbm>> -> memref<128x128xf32, #tpu.memory_space<hbm>>
      %dma_start3A_146 = arith.constant 0 : i32
      %dma_start3A_147 = tpu.memref_slice %arg9[%add3A_143, %dma_start3A_146] : memref<10240x128xf32, #tpu.memory_space<hbm>> -> memref<128x128xf32, #tpu.memory_space<hbm>>
      tpu.enqueue_dma source(%arg16 : memref<128x128xf32, #tpu.memory_space<vmem>>) target(%dma_start3A_147 : memref<128x128xf32, #tpu.memory_space<hbm>>) target_semaphore(%arg18 : memref<!tpu.dma_semaphore, #tpu.memory_space<semaphore_mem>>)
      %add3A_148 = arith.constant 128 : i32
      %add3A_149 = arith.addi %mul3A_0, %add3A_148 : i32
      "tpu.region"() ({
        %run_scoped3A = tpu.sem_alloc : memref<!tpu.dma_semaphore, #tpu.memory_space<semaphore_mem>>
        %dma_start3A_200 = arith.constant 0 : i32
        %dma_start3A_201 = tpu.memref_slice %arg13[%add3A_149, %dma_start3A_200] : memref<10240x128xf32, #tpu.memory_space<vmem_shared>> -> memref<128x128xf32, #tpu.memory_space<vmem_shared>>
        %dma_start3A_202 = arith.constant 0 : i32
        %dma_start3A_203 = tpu.memref_slice %arg13[%add3A_149, %dma_start3A_202] : memref<10240x128xf32, #tpu.memory_space<vmem_shared>> -> memref<128x128xf32, #tpu.memory_space<vmem_shared>>
        tpu.enqueue_dma source(%dma_start3A_203 : memref<128x128xf32, #tpu.memory_space<vmem_shared>>) target(%arg17 : memref<128x128xf32, #tpu.memory_space<vmem>>) target_semaphore(%run_scoped3A : memref<!tpu.dma_semaphore, #tpu.memory_space<semaphore_mem>>)
        %dma_wait3A_204 = arith.constant 0 : i32
        %dma_wait3A_205 = tpu.memref_slice %arg13[%add3A_149, %dma_wait3A_204] : memref<10240x128xf32, #tpu.memory_space<vmem_shared>> -> memref<128x128xf32, #tpu.memory_space<vmem_shared>>
        %dma_wait3A_206 = arith.constant 0 : i32
        %dma_wait3A_207 = tpu.memref_slice %arg13[%add3A_149, %dma_wait3A_206] : memref<10240x128xf32, #tpu.memory_space<vmem_shared>> -> memref<128x128xf32, #tpu.memory_space<vmem_shared>>
        tpu.wait_dma2 semaphore(%run_scoped3A : memref<!tpu.dma_semaphore, #tpu.memory_space<semaphore_mem>>) src(%dma_wait3A_207 : memref<128x128xf32, #tpu.memory_space<vmem_shared>>) dst(%arg17 : memref<128x128xf32, #tpu.memory_space<vmem>>)
        tpu.yield
      }) : () -> ()
      %add3A_150 = arith.constant 128 : i32
      %add3A_151 = arith.addi %mul3A_0, %add3A_150 : i32
      %dma_start3A_152 = arith.constant 0 : i32
      %dma_start3A_153 = tpu.memref_slice %arg9[%add3A_151, %dma_start3A_152] : memref<10240x128xf32, #tpu.memory_space<hbm>> -> memref<128x128xf32, #tpu.memory_space<hbm>>
      %dma_start3A_154 = arith.constant 0 : i32
      %dma_start3A_155 = tpu.memref_slice %arg9[%add3A_151, %dma_start3A_154] : memref<10240x128xf32, #tpu.memory_space<hbm>> -> memref<128x128xf32, #tpu.memory_space<hbm>>
      tpu.enqueue_dma source(%arg17 : memref<128x128xf32, #tpu.memory_space<vmem>>) target(%dma_start3A_155 : memref<128x128xf32, #tpu.memory_space<hbm>>) target_semaphore(%arg19 : memref<!tpu.dma_semaphore, #tpu.memory_space<semaphore_mem>>)
      %dma_wait3A_156 = arith.constant 0 : i32
      %dma_wait3A_157 = tpu.memref_slice %arg9[%add3A_143, %dma_wait3A_156] : memref<10240x128xf32, #tpu.memory_space<hbm>> -> memref<128x128xf32, #tpu.memory_space<hbm>>
      %dma_wait3A_158 = arith.constant 0 : i32
      %dma_wait3A_159 = tpu.memref_slice %arg9[%add3A_143, %dma_wait3A_158] : memref<10240x128xf32, #tpu.memory_space<hbm>> -> memref<128x128xf32, #tpu.memory_space<hbm>>
      tpu.wait_dma2 semaphore(%arg18 : memref<!tpu.dma_semaphore, #tpu.memory_space<semaphore_mem>>) src(%arg16 : memref<128x128xf32, #tpu.memory_space<vmem>>) dst(%dma_wait3A_159 : memref<128x128xf32, #tpu.memory_space<hbm>>)
      %add3A_160 = arith.constant 256 : i32
      %add3A_161 = arith.addi %mul3A_0, %add3A_160 : i32
      "tpu.region"() ({
        %run_scoped3A = tpu.sem_alloc : memref<!tpu.dma_semaphore, #tpu.memory_space<semaphore_mem>>
        %dma_start3A_200 = arith.constant 0 : i32
        %dma_start3A_201 = tpu.memref_slice %arg13[%add3A_161, %dma_start3A_200] : memref<10240x128xf32, #tpu.memory_space<vmem_shared>> -> memref<128x128xf32, #tpu.memory_space<vmem_shared>>
        %dma_start3A_202 = arith.constant 0 : i32
        %dma_start3A_203 = tpu.memref_slice %arg13[%add3A_161, %dma_start3A_202] : memref<10240x128xf32, #tpu.memory_space<vmem_shared>> -> memref<128x128xf32, #tpu.memory_space<vmem_shared>>
        tpu.enqueue_dma source(%dma_start3A_203 : memref<128x128xf32, #tpu.memory_space<vmem_shared>>) target(%arg16 : memref<128x128xf32, #tpu.memory_space<vmem>>) target_semaphore(%run_scoped3A : memref<!tpu.dma_semaphore, #tpu.memory_space<semaphore_mem>>)
        %dma_wait3A_204 = arith.constant 0 : i32
        %dma_wait3A_205 = tpu.memref_slice %arg13[%add3A_161, %dma_wait3A_204] : memref<10240x128xf32, #tpu.memory_space<vmem_shared>> -> memref<128x128xf32, #tpu.memory_space<vmem_shared>>
        %dma_wait3A_206 = arith.constant 0 : i32
        %dma_wait3A_207 = tpu.memref_slice %arg13[%add3A_161, %dma_wait3A_206] : memref<10240x128xf32, #tpu.memory_space<vmem_shared>> -> memref<128x128xf32, #tpu.memory_space<vmem_shared>>
        tpu.wait_dma2 semaphore(%run_scoped3A : memref<!tpu.dma_semaphore, #tpu.memory_space<semaphore_mem>>) src(%dma_wait3A_207 : memref<128x128xf32, #tpu.memory_space<vmem_shared>>) dst(%arg16 : memref<128x128xf32, #tpu.memory_space<vmem>>)
        tpu.yield
      }) : () -> ()
      %add3A_162 = arith.constant 256 : i32
      %add3A_163 = arith.addi %mul3A_0, %add3A_162 : i32
      %dma_start3A_164 = arith.constant 0 : i32
      %dma_start3A_165 = tpu.memref_slice %arg9[%add3A_163, %dma_start3A_164] : memref<10240x128xf32, #tpu.memory_space<hbm>> -> memref<128x128xf32, #tpu.memory_space<hbm>>
      %dma_start3A_166 = arith.constant 0 : i32
      %dma_start3A_167 = tpu.memref_slice %arg9[%add3A_163, %dma_start3A_166] : memref<10240x128xf32, #tpu.memory_space<hbm>> -> memref<128x128xf32, #tpu.memory_space<hbm>>
      tpu.enqueue_dma source(%arg16 : memref<128x128xf32, #tpu.memory_space<vmem>>) target(%dma_start3A_167 : memref<128x128xf32, #tpu.memory_space<hbm>>) target_semaphore(%arg18 : memref<!tpu.dma_semaphore, #tpu.memory_space<semaphore_mem>>)
      %dma_wait3A_168 = arith.constant 0 : i32
      %dma_wait3A_169 = tpu.memref_slice %arg9[%add3A_151, %dma_wait3A_168] : memref<10240x128xf32, #tpu.memory_space<hbm>> -> memref<128x128xf32, #tpu.memory_space<hbm>>
      %dma_wait3A_170 = arith.constant 0 : i32
      %dma_wait3A_171 = tpu.memref_slice %arg9[%add3A_151, %dma_wait3A_170] : memref<10240x128xf32, #tpu.memory_space<hbm>> -> memref<128x128xf32, #tpu.memory_space<hbm>>
      tpu.wait_dma2 semaphore(%arg19 : memref<!tpu.dma_semaphore, #tpu.memory_space<semaphore_mem>>) src(%arg17 : memref<128x128xf32, #tpu.memory_space<vmem>>) dst(%dma_wait3A_171 : memref<128x128xf32, #tpu.memory_space<hbm>>)
      %add3A_172 = arith.constant 384 : i32
      %add3A_173 = arith.addi %mul3A_0, %add3A_172 : i32
      "tpu.region"() ({
        %run_scoped3A = tpu.sem_alloc : memref<!tpu.dma_semaphore, #tpu.memory_space<semaphore_mem>>
        %dma_start3A_200 = arith.constant 0 : i32
        %dma_start3A_201 = tpu.memref_slice %arg13[%add3A_173, %dma_start3A_200] : memref<10240x128xf32, #tpu.memory_space<vmem_shared>> -> memref<128x128xf32, #tpu.memory_space<vmem_shared>>
        %dma_start3A_202 = arith.constant 0 : i32
        %dma_start3A_203 = tpu.memref_slice %arg13[%add3A_173, %dma_start3A_202] : memref<10240x128xf32, #tpu.memory_space<vmem_shared>> -> memref<128x128xf32, #tpu.memory_space<vmem_shared>>
        tpu.enqueue_dma source(%dma_start3A_203 : memref<128x128xf32, #tpu.memory_space<vmem_shared>>) target(%arg17 : memref<128x128xf32, #tpu.memory_space<vmem>>) target_semaphore(%run_scoped3A : memref<!tpu.dma_semaphore, #tpu.memory_space<semaphore_mem>>)
        %dma_wait3A_204 = arith.constant 0 : i32
        %dma_wait3A_205 = tpu.memref_slice %arg13[%add3A_173, %dma_wait3A_204] : memref<10240x128xf32, #tpu.memory_space<vmem_shared>> -> memref<128x128xf32, #tpu.memory_space<vmem_shared>>
        %dma_wait3A_206 = arith.constant 0 : i32
        %dma_wait3A_207 = tpu.memref_slice %arg13[%add3A_173, %dma_wait3A_206] : memref<10240x128xf32, #tpu.memory_space<vmem_shared>> -> memref<128x128xf32, #tpu.memory_space<vmem_shared>>
        tpu.wait_dma2 semaphore(%run_scoped3A : memref<!tpu.dma_semaphore, #tpu.memory_space<semaphore_mem>>) src(%dma_wait3A_207 : memref<128x128xf32, #tpu.memory_space<vmem_shared>>) dst(%arg17 : memref<128x128xf32, #tpu.memory_space<vmem>>)
        tpu.yield
      }) : () -> ()
      %add3A_174 = arith.constant 384 : i32
      %add3A_175 = arith.addi %mul3A_0, %add3A_174 : i32
      %dma_start3A_176 = arith.constant 0 : i32
      %dma_start3A_177 = tpu.memref_slice %arg9[%add3A_175, %dma_start3A_176] : memref<10240x128xf32, #tpu.memory_space<hbm>> -> memref<128x128xf32, #tpu.memory_space<hbm>>
      %dma_start3A_178 = arith.constant 0 : i32
      %dma_start3A_179 = tpu.memref_slice %arg9[%add3A_175, %dma_start3A_178] : memref<10240x128xf32, #tpu.memory_space<hbm>> -> memref<128x128xf32, #tpu.memory_space<hbm>>
      tpu.enqueue_dma source(%arg17 : memref<128x128xf32, #tpu.memory_space<vmem>>) target(%dma_start3A_179 : memref<128x128xf32, #tpu.memory_space<hbm>>) target_semaphore(%arg19 : memref<!tpu.dma_semaphore, #tpu.memory_space<semaphore_mem>>)
      %dma_wait3A_180 = arith.constant 0 : i32
      %dma_wait3A_181 = tpu.memref_slice %arg9[%add3A_163, %dma_wait3A_180] : memref<10240x128xf32, #tpu.memory_space<hbm>> -> memref<128x128xf32, #tpu.memory_space<hbm>>
      %dma_wait3A_182 = arith.constant 0 : i32
      %dma_wait3A_183 = tpu.memref_slice %arg9[%add3A_163, %dma_wait3A_182] : memref<10240x128xf32, #tpu.memory_space<hbm>> -> memref<128x128xf32, #tpu.memory_space<hbm>>
      tpu.wait_dma2 semaphore(%arg18 : memref<!tpu.dma_semaphore, #tpu.memory_space<semaphore_mem>>) src(%arg16 : memref<128x128xf32, #tpu.memory_space<vmem>>) dst(%dma_wait3A_183 : memref<128x128xf32, #tpu.memory_space<hbm>>)
      %add3A_184 = arith.constant 512 : i32
      %add3A_185 = arith.addi %mul3A_0, %add3A_184 : i32
      "tpu.region"() ({
        %run_scoped3A = tpu.sem_alloc : memref<!tpu.dma_semaphore, #tpu.memory_space<semaphore_mem>>
        %dma_start3A_200 = arith.constant 0 : i32
        %dma_start3A_201 = tpu.memref_slice %arg13[%add3A_185, %dma_start3A_200] : memref<10240x128xf32, #tpu.memory_space<vmem_shared>> -> memref<128x128xf32, #tpu.memory_space<vmem_shared>>
        %dma_start3A_202 = arith.constant 0 : i32
        %dma_start3A_203 = tpu.memref_slice %arg13[%add3A_185, %dma_start3A_202] : memref<10240x128xf32, #tpu.memory_space<vmem_shared>> -> memref<128x128xf32, #tpu.memory_space<vmem_shared>>
        tpu.enqueue_dma source(%dma_start3A_203 : memref<128x128xf32, #tpu.memory_space<vmem_shared>>) target(%arg16 : memref<128x128xf32, #tpu.memory_space<vmem>>) target_semaphore(%run_scoped3A : memref<!tpu.dma_semaphore, #tpu.memory_space<semaphore_mem>>)
        %dma_wait3A_204 = arith.constant 0 : i32
        %dma_wait3A_205 = tpu.memref_slice %arg13[%add3A_185, %dma_wait3A_204] : memref<10240x128xf32, #tpu.memory_space<vmem_shared>> -> memref<128x128xf32, #tpu.memory_space<vmem_shared>>
        %dma_wait3A_206 = arith.constant 0 : i32
        %dma_wait3A_207 = tpu.memref_slice %arg13[%add3A_185, %dma_wait3A_206] : memref<10240x128xf32, #tpu.memory_space<vmem_shared>> -> memref<128x128xf32, #tpu.memory_space<vmem_shared>>
        tpu.wait_dma2 semaphore(%run_scoped3A : memref<!tpu.dma_semaphore, #tpu.memory_space<semaphore_mem>>) src(%dma_wait3A_207 : memref<128x128xf32, #tpu.memory_space<vmem_shared>>) dst(%arg16 : memref<128x128xf32, #tpu.memory_space<vmem>>)
        tpu.yield
      }) : () -> ()
      %add3A_186 = arith.constant 512 : i32
      %add3A_187 = arith.addi %mul3A_0, %add3A_186 : i32
      %dma_start3A_188 = arith.constant 0 : i32
      %dma_start3A_189 = tpu.memref_slice %arg9[%add3A_187, %dma_start3A_188] : memref<10240x128xf32, #tpu.memory_space<hbm>> -> memref<128x128xf32, #tpu.memory_space<hbm>>
      %dma_start3A_190 = arith.constant 0 : i32
      %dma_start3A_191 = tpu.memref_slice %arg9[%add3A_187, %dma_start3A_190] : memref<10240x128xf32, #tpu.memory_space<hbm>> -> memref<128x128xf32, #tpu.memory_space<hbm>>
      tpu.enqueue_dma source(%arg16 : memref<128x128xf32, #tpu.memory_space<vmem>>) target(%dma_start3A_191 : memref<128x128xf32, #tpu.memory_space<hbm>>) target_semaphore(%arg18 : memref<!tpu.dma_semaphore, #tpu.memory_space<semaphore_mem>>)
      %dma_wait3A_192 = arith.constant 0 : i32
      %dma_wait3A_193 = tpu.memref_slice %arg9[%add3A_187, %dma_wait3A_192] : memref<10240x128xf32, #tpu.memory_space<hbm>> -> memref<128x128xf32, #tpu.memory_space<hbm>>
      %dma_wait3A_194 = arith.constant 0 : i32
      %dma_wait3A_195 = tpu.memref_slice %arg9[%add3A_187, %dma_wait3A_194] : memref<10240x128xf32, #tpu.memory_space<hbm>> -> memref<128x128xf32, #tpu.memory_space<hbm>>
      tpu.wait_dma2 semaphore(%arg18 : memref<!tpu.dma_semaphore, #tpu.memory_space<semaphore_mem>>) src(%arg16 : memref<128x128xf32, #tpu.memory_space<vmem>>) dst(%dma_wait3A_195 : memref<128x128xf32, #tpu.memory_space<hbm>>)
      %dma_wait3A_196 = arith.constant 0 : i32
      %dma_wait3A_197 = tpu.memref_slice %arg9[%add3A_175, %dma_wait3A_196] : memref<10240x128xf32, #tpu.memory_space<hbm>> -> memref<128x128xf32, #tpu.memory_space<hbm>>
      %dma_wait3A_198 = arith.constant 0 : i32
      %dma_wait3A_199 = tpu.memref_slice %arg9[%add3A_175, %dma_wait3A_198] : memref<10240x128xf32, #tpu.memory_space<hbm>> -> memref<128x128xf32, #tpu.memory_space<hbm>>
      tpu.wait_dma2 semaphore(%arg19 : memref<!tpu.dma_semaphore, #tpu.memory_space<semaphore_mem>>) src(%arg17 : memref<128x128xf32, #tpu.memory_space<vmem>>) dst(%dma_wait3A_199 : memref<128x128xf32, #tpu.memory_space<hbm>>)
    } else {
    }
    %eq3A_61 = arith.constant 1 : i32
    %eq3A_62 = arith.cmpi eq, %arg0, %eq3A_61 : i32
    %convert_element_type3A_63 = arith.extui %eq3A_62 : i1 to i32
    %cond3A_64 = arith.constant 0 : i32
    %cond3A_65 = arith.cmpi ne, %convert_element_type3A_63, %cond3A_64 : i32
    scf.if %cond3A_65 {
      %add3A_140 = arith.constant 0 : i32
      %add3A_141 = arith.addi %mul3A_0, %add3A_140 : i32
      "tpu.region"() ({
        %run_scoped3A = tpu.sem_alloc : memref<!tpu.dma_semaphore, #tpu.memory_space<semaphore_mem>>
        %dma_start3A_200 = arith.constant 0 : i32
        %dma_start3A_201 = tpu.memref_slice %arg13[%add3A_141, %dma_start3A_200] : memref<10240x128xf32, #tpu.memory_space<vmem_shared>> -> memref<128x128xf32, #tpu.memory_space<vmem_shared>>
        %dma_start3A_202 = arith.constant 0 : i32
        %dma_start3A_203 = tpu.memref_slice %arg13[%add3A_141, %dma_start3A_202] : memref<10240x128xf32, #tpu.memory_space<vmem_shared>> -> memref<128x128xf32, #tpu.memory_space<vmem_shared>>
        tpu.enqueue_dma source(%dma_start3A_203 : memref<128x128xf32, #tpu.memory_space<vmem_shared>>) target(%arg16 : memref<128x128xf32, #tpu.memory_space<vmem>>) target_semaphore(%run_scoped3A : memref<!tpu.dma_semaphore, #tpu.memory_space<semaphore_mem>>)
        %dma_wait3A_204 = arith.constant 0 : i32
        %dma_wait3A_205 = tpu.memref_slice %arg13[%add3A_141, %dma_wait3A_204] : memref<10240x128xf32, #tpu.memory_space<vmem_shared>> -> memref<128x128xf32, #tpu.memory_space<vmem_shared>>
        %dma_wait3A_206 = arith.constant 0 : i32
        %dma_wait3A_207 = tpu.memref_slice %arg13[%add3A_141, %dma_wait3A_206] : memref<10240x128xf32, #tpu.memory_space<vmem_shared>> -> memref<128x128xf32, #tpu.memory_space<vmem_shared>>
        tpu.wait_dma2 semaphore(%run_scoped3A : memref<!tpu.dma_semaphore, #tpu.memory_space<semaphore_mem>>) src(%dma_wait3A_207 : memref<128x128xf32, #tpu.memory_space<vmem_shared>>) dst(%arg16 : memref<128x128xf32, #tpu.memory_space<vmem>>)
        tpu.yield
      }) : () -> ()
      %add3A_142 = arith.constant 0 : i32
      %add3A_143 = arith.addi %mul3A_0, %add3A_142 : i32
      %dma_start3A_144 = arith.constant 0 : i32
      %dma_start3A_145 = tpu.memref_slice %arg11[%add3A_143, %dma_start3A_144] : memref<10240x128xf32, #tpu.memory_space<hbm>> -> memref<128x128xf32, #tpu.memory_space<hbm>>
      %dma_start3A_146 = arith.constant 0 : i32
      %dma_start3A_147 = tpu.memref_slice %arg11[%add3A_143, %dma_start3A_146] : memref<10240x128xf32, #tpu.memory_space<hbm>> -> memref<128x128xf32, #tpu.memory_space<hbm>>
      tpu.enqueue_dma source(%arg16 : memref<128x128xf32, #tpu.memory_space<vmem>>) target(%dma_start3A_147 : memref<128x128xf32, #tpu.memory_space<hbm>>) target_semaphore(%arg18 : memref<!tpu.dma_semaphore, #tpu.memory_space<semaphore_mem>>)
      %add3A_148 = arith.constant 128 : i32
      %add3A_149 = arith.addi %mul3A_0, %add3A_148 : i32
      "tpu.region"() ({
        %run_scoped3A = tpu.sem_alloc : memref<!tpu.dma_semaphore, #tpu.memory_space<semaphore_mem>>
        %dma_start3A_200 = arith.constant 0 : i32
        %dma_start3A_201 = tpu.memref_slice %arg13[%add3A_149, %dma_start3A_200] : memref<10240x128xf32, #tpu.memory_space<vmem_shared>> -> memref<128x128xf32, #tpu.memory_space<vmem_shared>>
        %dma_start3A_202 = arith.constant 0 : i32
        %dma_start3A_203 = tpu.memref_slice %arg13[%add3A_149, %dma_start3A_202] : memref<10240x128xf32, #tpu.memory_space<vmem_shared>> -> memref<128x128xf32, #tpu.memory_space<vmem_shared>>
        tpu.enqueue_dma source(%dma_start3A_203 : memref<128x128xf32, #tpu.memory_space<vmem_shared>>) target(%arg17 : memref<128x128xf32, #tpu.memory_space<vmem>>) target_semaphore(%run_scoped3A : memref<!tpu.dma_semaphore, #tpu.memory_space<semaphore_mem>>)
        %dma_wait3A_204 = arith.constant 0 : i32
        %dma_wait3A_205 = tpu.memref_slice %arg13[%add3A_149, %dma_wait3A_204] : memref<10240x128xf32, #tpu.memory_space<vmem_shared>> -> memref<128x128xf32, #tpu.memory_space<vmem_shared>>
        %dma_wait3A_206 = arith.constant 0 : i32
        %dma_wait3A_207 = tpu.memref_slice %arg13[%add3A_149, %dma_wait3A_206] : memref<10240x128xf32, #tpu.memory_space<vmem_shared>> -> memref<128x128xf32, #tpu.memory_space<vmem_shared>>
        tpu.wait_dma2 semaphore(%run_scoped3A : memref<!tpu.dma_semaphore, #tpu.memory_space<semaphore_mem>>) src(%dma_wait3A_207 : memref<128x128xf32, #tpu.memory_space<vmem_shared>>) dst(%arg17 : memref<128x128xf32, #tpu.memory_space<vmem>>)
        tpu.yield
      }) : () -> ()
      %add3A_150 = arith.constant 128 : i32
      %add3A_151 = arith.addi %mul3A_0, %add3A_150 : i32
      %dma_start3A_152 = arith.constant 0 : i32
      %dma_start3A_153 = tpu.memref_slice %arg11[%add3A_151, %dma_start3A_152] : memref<10240x128xf32, #tpu.memory_space<hbm>> -> memref<128x128xf32, #tpu.memory_space<hbm>>
      %dma_start3A_154 = arith.constant 0 : i32
      %dma_start3A_155 = tpu.memref_slice %arg11[%add3A_151, %dma_start3A_154] : memref<10240x128xf32, #tpu.memory_space<hbm>> -> memref<128x128xf32, #tpu.memory_space<hbm>>
      tpu.enqueue_dma source(%arg17 : memref<128x128xf32, #tpu.memory_space<vmem>>) target(%dma_start3A_155 : memref<128x128xf32, #tpu.memory_space<hbm>>) target_semaphore(%arg19 : memref<!tpu.dma_semaphore, #tpu.memory_space<semaphore_mem>>)
      %dma_wait3A_156 = arith.constant 0 : i32
      %dma_wait3A_157 = tpu.memref_slice %arg11[%add3A_143, %dma_wait3A_156] : memref<10240x128xf32, #tpu.memory_space<hbm>> -> memref<128x128xf32, #tpu.memory_space<hbm>>
      %dma_wait3A_158 = arith.constant 0 : i32
      %dma_wait3A_159 = tpu.memref_slice %arg11[%add3A_143, %dma_wait3A_158] : memref<10240x128xf32, #tpu.memory_space<hbm>> -> memref<128x128xf32, #tpu.memory_space<hbm>>
      tpu.wait_dma2 semaphore(%arg18 : memref<!tpu.dma_semaphore, #tpu.memory_space<semaphore_mem>>) src(%arg16 : memref<128x128xf32, #tpu.memory_space<vmem>>) dst(%dma_wait3A_159 : memref<128x128xf32, #tpu.memory_space<hbm>>)
      %add3A_160 = arith.constant 256 : i32
      %add3A_161 = arith.addi %mul3A_0, %add3A_160 : i32
      "tpu.region"() ({
        %run_scoped3A = tpu.sem_alloc : memref<!tpu.dma_semaphore, #tpu.memory_space<semaphore_mem>>
        %dma_start3A_200 = arith.constant 0 : i32
        %dma_start3A_201 = tpu.memref_slice %arg13[%add3A_161, %dma_start3A_200] : memref<10240x128xf32, #tpu.memory_space<vmem_shared>> -> memref<128x128xf32, #tpu.memory_space<vmem_shared>>
        %dma_start3A_202 = arith.constant 0 : i32
        %dma_start3A_203 = tpu.memref_slice %arg13[%add3A_161, %dma_start3A_202] : memref<10240x128xf32, #tpu.memory_space<vmem_shared>> -> memref<128x128xf32, #tpu.memory_space<vmem_shared>>
        tpu.enqueue_dma source(%dma_start3A_203 : memref<128x128xf32, #tpu.memory_space<vmem_shared>>) target(%arg16 : memref<128x128xf32, #tpu.memory_space<vmem>>) target_semaphore(%run_scoped3A : memref<!tpu.dma_semaphore, #tpu.memory_space<semaphore_mem>>)
        %dma_wait3A_204 = arith.constant 0 : i32
        %dma_wait3A_205 = tpu.memref_slice %arg13[%add3A_161, %dma_wait3A_204] : memref<10240x128xf32, #tpu.memory_space<vmem_shared>> -> memref<128x128xf32, #tpu.memory_space<vmem_shared>>
        %dma_wait3A_206 = arith.constant 0 : i32
        %dma_wait3A_207 = tpu.memref_slice %arg13[%add3A_161, %dma_wait3A_206] : memref<10240x128xf32, #tpu.memory_space<vmem_shared>> -> memref<128x128xf32, #tpu.memory_space<vmem_shared>>
        tpu.wait_dma2 semaphore(%run_scoped3A : memref<!tpu.dma_semaphore, #tpu.memory_space<semaphore_mem>>) src(%dma_wait3A_207 : memref<128x128xf32, #tpu.memory_space<vmem_shared>>) dst(%arg16 : memref<128x128xf32, #tpu.memory_space<vmem>>)
        tpu.yield
      }) : () -> ()
      %add3A_162 = arith.constant 256 : i32
      %add3A_163 = arith.addi %mul3A_0, %add3A_162 : i32
      %dma_start3A_164 = arith.constant 0 : i32
      %dma_start3A_165 = tpu.memref_slice %arg11[%add3A_163, %dma_start3A_164] : memref<10240x128xf32, #tpu.memory_space<hbm>> -> memref<128x128xf32, #tpu.memory_space<hbm>>
      %dma_start3A_166 = arith.constant 0 : i32
      %dma_start3A_167 = tpu.memref_slice %arg11[%add3A_163, %dma_start3A_166] : memref<10240x128xf32, #tpu.memory_space<hbm>> -> memref<128x128xf32, #tpu.memory_space<hbm>>
      tpu.enqueue_dma source(%arg16 : memref<128x128xf32, #tpu.memory_space<vmem>>) target(%dma_start3A_167 : memref<128x128xf32, #tpu.memory_space<hbm>>) target_semaphore(%arg18 : memref<!tpu.dma_semaphore, #tpu.memory_space<semaphore_mem>>)
      %dma_wait3A_168 = arith.constant 0 : i32
      %dma_wait3A_169 = tpu.memref_slice %arg11[%add3A_151, %dma_wait3A_168] : memref<10240x128xf32, #tpu.memory_space<hbm>> -> memref<128x128xf32, #tpu.memory_space<hbm>>
      %dma_wait3A_170 = arith.constant 0 : i32
      %dma_wait3A_171 = tpu.memref_slice %arg11[%add3A_151, %dma_wait3A_170] : memref<10240x128xf32, #tpu.memory_space<hbm>> -> memref<128x128xf32, #tpu.memory_space<hbm>>
      tpu.wait_dma2 semaphore(%arg19 : memref<!tpu.dma_semaphore, #tpu.memory_space<semaphore_mem>>) src(%arg17 : memref<128x128xf32, #tpu.memory_space<vmem>>) dst(%dma_wait3A_171 : memref<128x128xf32, #tpu.memory_space<hbm>>)
      %add3A_172 = arith.constant 384 : i32
      %add3A_173 = arith.addi %mul3A_0, %add3A_172 : i32
      "tpu.region"() ({
        %run_scoped3A = tpu.sem_alloc : memref<!tpu.dma_semaphore, #tpu.memory_space<semaphore_mem>>
        %dma_start3A_200 = arith.constant 0 : i32
        %dma_start3A_201 = tpu.memref_slice %arg13[%add3A_173, %dma_start3A_200] : memref<10240x128xf32, #tpu.memory_space<vmem_shared>> -> memref<128x128xf32, #tpu.memory_space<vmem_shared>>
        %dma_start3A_202 = arith.constant 0 : i32
        %dma_start3A_203 = tpu.memref_slice %arg13[%add3A_173, %dma_start3A_202] : memref<10240x128xf32, #tpu.memory_space<vmem_shared>> -> memref<128x128xf32, #tpu.memory_space<vmem_shared>>
        tpu.enqueue_dma source(%dma_start3A_203 : memref<128x128xf32, #tpu.memory_space<vmem_shared>>) target(%arg17 : memref<128x128xf32, #tpu.memory_space<vmem>>) target_semaphore(%run_scoped3A : memref<!tpu.dma_semaphore, #tpu.memory_space<semaphore_mem>>)
        %dma_wait3A_204 = arith.constant 0 : i32
        %dma_wait3A_205 = tpu.memref_slice %arg13[%add3A_173, %dma_wait3A_204] : memref<10240x128xf32, #tpu.memory_space<vmem_shared>> -> memref<128x128xf32, #tpu.memory_space<vmem_shared>>
        %dma_wait3A_206 = arith.constant 0 : i32
        %dma_wait3A_207 = tpu.memref_slice %arg13[%add3A_173, %dma_wait3A_206] : memref<10240x128xf32, #tpu.memory_space<vmem_shared>> -> memref<128x128xf32, #tpu.memory_space<vmem_shared>>
        tpu.wait_dma2 semaphore(%run_scoped3A : memref<!tpu.dma_semaphore, #tpu.memory_space<semaphore_mem>>) src(%dma_wait3A_207 : memref<128x128xf32, #tpu.memory_space<vmem_shared>>) dst(%arg17 : memref<128x128xf32, #tpu.memory_space<vmem>>)
        tpu.yield
      }) : () -> ()
      %add3A_174 = arith.constant 384 : i32
      %add3A_175 = arith.addi %mul3A_0, %add3A_174 : i32
      %dma_start3A_176 = arith.constant 0 : i32
      %dma_start3A_177 = tpu.memref_slice %arg11[%add3A_175, %dma_start3A_176] : memref<10240x128xf32, #tpu.memory_space<hbm>> -> memref<128x128xf32, #tpu.memory_space<hbm>>
      %dma_start3A_178 = arith.constant 0 : i32
      %dma_start3A_179 = tpu.memref_slice %arg11[%add3A_175, %dma_start3A_178] : memref<10240x128xf32, #tpu.memory_space<hbm>> -> memref<128x128xf32, #tpu.memory_space<hbm>>
      tpu.enqueue_dma source(%arg17 : memref<128x128xf32, #tpu.memory_space<vmem>>) target(%dma_start3A_179 : memref<128x128xf32, #tpu.memory_space<hbm>>) target_semaphore(%arg19 : memref<!tpu.dma_semaphore, #tpu.memory_space<semaphore_mem>>)
      %dma_wait3A_180 = arith.constant 0 : i32
      %dma_wait3A_181 = tpu.memref_slice %arg11[%add3A_163, %dma_wait3A_180] : memref<10240x128xf32, #tpu.memory_space<hbm>> -> memref<128x128xf32, #tpu.memory_space<hbm>>
      %dma_wait3A_182 = arith.constant 0 : i32
      %dma_wait3A_183 = tpu.memref_slice %arg11[%add3A_163, %dma_wait3A_182] : memref<10240x128xf32, #tpu.memory_space<hbm>> -> memref<128x128xf32, #tpu.memory_space<hbm>>
      tpu.wait_dma2 semaphore(%arg18 : memref<!tpu.dma_semaphore, #tpu.memory_space<semaphore_mem>>) src(%arg16 : memref<128x128xf32, #tpu.memory_space<vmem>>) dst(%dma_wait3A_183 : memref<128x128xf32, #tpu.memory_space<hbm>>)
      %add3A_184 = arith.constant 512 : i32
      %add3A_185 = arith.addi %mul3A_0, %add3A_184 : i32
      "tpu.region"() ({
        %run_scoped3A = tpu.sem_alloc : memref<!tpu.dma_semaphore, #tpu.memory_space<semaphore_mem>>
        %dma_start3A_200 = arith.constant 0 : i32
        %dma_start3A_201 = tpu.memref_slice %arg13[%add3A_185, %dma_start3A_200] : memref<10240x128xf32, #tpu.memory_space<vmem_shared>> -> memref<128x128xf32, #tpu.memory_space<vmem_shared>>
        %dma_start3A_202 = arith.constant 0 : i32
        %dma_start3A_203 = tpu.memref_slice %arg13[%add3A_185, %dma_start3A_202] : memref<10240x128xf32, #tpu.memory_space<vmem_shared>> -> memref<128x128xf32, #tpu.memory_space<vmem_shared>>
        tpu.enqueue_dma source(%dma_start3A_203 : memref<128x128xf32, #tpu.memory_space<vmem_shared>>) target(%arg16 : memref<128x128xf32, #tpu.memory_space<vmem>>) target_semaphore(%run_scoped3A : memref<!tpu.dma_semaphore, #tpu.memory_space<semaphore_mem>>)
        %dma_wait3A_204 = arith.constant 0 : i32
        %dma_wait3A_205 = tpu.memref_slice %arg13[%add3A_185, %dma_wait3A_204] : memref<10240x128xf32, #tpu.memory_space<vmem_shared>> -> memref<128x128xf32, #tpu.memory_space<vmem_shared>>
        %dma_wait3A_206 = arith.constant 0 : i32
        %dma_wait3A_207 = tpu.memref_slice %arg13[%add3A_185, %dma_wait3A_206] : memref<10240x128xf32, #tpu.memory_space<vmem_shared>> -> memref<128x128xf32, #tpu.memory_space<vmem_shared>>
        tpu.wait_dma2 semaphore(%run_scoped3A : memref<!tpu.dma_semaphore, #tpu.memory_space<semaphore_mem>>) src(%dma_wait3A_207 : memref<128x128xf32, #tpu.memory_space<vmem_shared>>) dst(%arg16 : memref<128x128xf32, #tpu.memory_space<vmem>>)
        tpu.yield
      }) : () -> ()
      %add3A_186 = arith.constant 512 : i32
      %add3A_187 = arith.addi %mul3A_0, %add3A_186 : i32
      %dma_start3A_188 = arith.constant 0 : i32
      %dma_start3A_189 = tpu.memref_slice %arg11[%add3A_187, %dma_start3A_188] : memref<10240x128xf32, #tpu.memory_space<hbm>> -> memref<128x128xf32, #tpu.memory_space<hbm>>
      %dma_start3A_190 = arith.constant 0 : i32
      %dma_start3A_191 = tpu.memref_slice %arg11[%add3A_187, %dma_start3A_190] : memref<10240x128xf32, #tpu.memory_space<hbm>> -> memref<128x128xf32, #tpu.memory_space<hbm>>
      tpu.enqueue_dma source(%arg16 : memref<128x128xf32, #tpu.memory_space<vmem>>) target(%dma_start3A_191 : memref<128x128xf32, #tpu.memory_space<hbm>>) target_semaphore(%arg18 : memref<!tpu.dma_semaphore, #tpu.memory_space<semaphore_mem>>)
      %dma_wait3A_192 = arith.constant 0 : i32
      %dma_wait3A_193 = tpu.memref_slice %arg11[%add3A_187, %dma_wait3A_192] : memref<10240x128xf32, #tpu.memory_space<hbm>> -> memref<128x128xf32, #tpu.memory_space<hbm>>
      %dma_wait3A_194 = arith.constant 0 : i32
      %dma_wait3A_195 = tpu.memref_slice %arg11[%add3A_187, %dma_wait3A_194] : memref<10240x128xf32, #tpu.memory_space<hbm>> -> memref<128x128xf32, #tpu.memory_space<hbm>>
      tpu.wait_dma2 semaphore(%arg18 : memref<!tpu.dma_semaphore, #tpu.memory_space<semaphore_mem>>) src(%arg16 : memref<128x128xf32, #tpu.memory_space<vmem>>) dst(%dma_wait3A_195 : memref<128x128xf32, #tpu.memory_space<hbm>>)
      %dma_wait3A_196 = arith.constant 0 : i32
      %dma_wait3A_197 = tpu.memref_slice %arg11[%add3A_175, %dma_wait3A_196] : memref<10240x128xf32, #tpu.memory_space<hbm>> -> memref<128x128xf32, #tpu.memory_space<hbm>>
      %dma_wait3A_198 = arith.constant 0 : i32
      %dma_wait3A_199 = tpu.memref_slice %arg11[%add3A_175, %dma_wait3A_198] : memref<10240x128xf32, #tpu.memory_space<hbm>> -> memref<128x128xf32, #tpu.memory_space<hbm>>
      tpu.wait_dma2 semaphore(%arg19 : memref<!tpu.dma_semaphore, #tpu.memory_space<semaphore_mem>>) src(%arg17 : memref<128x128xf32, #tpu.memory_space<vmem>>) dst(%dma_wait3A_199 : memref<128x128xf32, #tpu.memory_space<hbm>>)
    } else {
    }
    %barrier3A_66 = arith.constant 0 : index
    tpu.barrier barrier_id(%barrier3A_66)
    "tpu.region"() ({
      %run_scoped3A = tpu.sem_alloc : memref<!tpu.dma_semaphore, #tpu.memory_space<semaphore_mem>>
      tpu.enqueue_dma source(%arg8 : memref<128x128xf32, #tpu.memory_space<hbm>>) target(%arg16 : memref<128x128xf32, #tpu.memory_space<vmem>>) target_semaphore(%run_scoped3A : memref<!tpu.dma_semaphore, #tpu.memory_space<semaphore_mem>>)
      tpu.wait_dma2 semaphore(%run_scoped3A : memref<!tpu.dma_semaphore, #tpu.memory_space<semaphore_mem>>) src(%arg8 : memref<128x128xf32, #tpu.memory_space<hbm>>) dst(%arg16 : memref<128x128xf32, #tpu.memory_space<vmem>>)
      tpu.yield
    }) : () -> ()
    %add3A_67 = arith.constant 0 : i32
    %add3A_68 = arith.addi %mul3A_0, %add3A_67 : i32
    %dma_start3A_69 = arith.constant 0 : i32
    %dma_start3A_70 = tpu.memref_slice %arg13[%add3A_68, %dma_start3A_69] : memref<10240x128xf32, #tpu.memory_space<vmem_shared>> -> memref<128x128xf32, #tpu.memory_space<vmem_shared>>
    %dma_start3A_71 = arith.constant 0 : i32
    %dma_start3A_72 = tpu.memref_slice %arg13[%add3A_68, %dma_start3A_71] : memref<10240x128xf32, #tpu.memory_space<vmem_shared>> -> memref<128x128xf32, #tpu.memory_space<vmem_shared>>
    tpu.enqueue_dma source(%arg16 : memref<128x128xf32, #tpu.memory_space<vmem>>) target(%dma_start3A_72 : memref<128x128xf32, #tpu.memory_space<vmem_shared>>) target_semaphore(%arg18 : memref<!tpu.dma_semaphore, #tpu.memory_space<semaphore_mem>>)
    %add3A_73 = arith.constant 128 : i32
    %add3A_74 = arith.addi %mul3A_0, %add3A_73 : i32
    %dma_start3A_75 = arith.constant 0 : i32
    %dma_start3A_76 = tpu.memref_slice %arg13[%add3A_74, %dma_start3A_75] : memref<10240x128xf32, #tpu.memory_space<vmem_shared>> -> memref<128x128xf32, #tpu.memory_space<vmem_shared>>
    %dma_start3A_77 = arith.constant 0 : i32
    %dma_start3A_78 = tpu.memref_slice %arg13[%add3A_74, %dma_start3A_77] : memref<10240x128xf32, #tpu.memory_space<vmem_shared>> -> memref<128x128xf32, #tpu.memory_space<vmem_shared>>
    tpu.enqueue_dma source(%arg16 : memref<128x128xf32, #tpu.memory_space<vmem>>) target(%dma_start3A_78 : memref<128x128xf32, #tpu.memory_space<vmem_shared>>) target_semaphore(%arg18 : memref<!tpu.dma_semaphore, #tpu.memory_space<semaphore_mem>>)
    %add3A_79 = arith.constant 256 : i32
    %add3A_80 = arith.addi %mul3A_0, %add3A_79 : i32
    %dma_start3A_81 = arith.constant 0 : i32
    %dma_start3A_82 = tpu.memref_slice %arg13[%add3A_80, %dma_start3A_81] : memref<10240x128xf32, #tpu.memory_space<vmem_shared>> -> memref<128x128xf32, #tpu.memory_space<vmem_shared>>
    %dma_start3A_83 = arith.constant 0 : i32
    %dma_start3A_84 = tpu.memref_slice %arg13[%add3A_80, %dma_start3A_83] : memref<10240x128xf32, #tpu.memory_space<vmem_shared>> -> memref<128x128xf32, #tpu.memory_space<vmem_shared>>
    tpu.enqueue_dma source(%arg16 : memref<128x128xf32, #tpu.memory_space<vmem>>) target(%dma_start3A_84 : memref<128x128xf32, #tpu.memory_space<vmem_shared>>) target_semaphore(%arg18 : memref<!tpu.dma_semaphore, #tpu.memory_space<semaphore_mem>>)
    %add3A_85 = arith.constant 384 : i32
    %add3A_86 = arith.addi %mul3A_0, %add3A_85 : i32
    %dma_start3A_87 = arith.constant 0 : i32
    %dma_start3A_88 = tpu.memref_slice %arg13[%add3A_86, %dma_start3A_87] : memref<10240x128xf32, #tpu.memory_space<vmem_shared>> -> memref<128x128xf32, #tpu.memory_space<vmem_shared>>
    %dma_start3A_89 = arith.constant 0 : i32
    %dma_start3A_90 = tpu.memref_slice %arg13[%add3A_86, %dma_start3A_89] : memref<10240x128xf32, #tpu.memory_space<vmem_shared>> -> memref<128x128xf32, #tpu.memory_space<vmem_shared>>
    tpu.enqueue_dma source(%arg16 : memref<128x128xf32, #tpu.memory_space<vmem>>) target(%dma_start3A_90 : memref<128x128xf32, #tpu.memory_space<vmem_shared>>) target_semaphore(%arg18 : memref<!tpu.dma_semaphore, #tpu.memory_space<semaphore_mem>>)
    %add3A_91 = arith.constant 512 : i32
    %add3A_92 = arith.addi %mul3A_0, %add3A_91 : i32
    %dma_start3A_93 = arith.constant 0 : i32
    %dma_start3A_94 = tpu.memref_slice %arg13[%add3A_92, %dma_start3A_93] : memref<10240x128xf32, #tpu.memory_space<vmem_shared>> -> memref<128x128xf32, #tpu.memory_space<vmem_shared>>
    %dma_start3A_95 = arith.constant 0 : i32
    %dma_start3A_96 = tpu.memref_slice %arg13[%add3A_92, %dma_start3A_95] : memref<10240x128xf32, #tpu.memory_space<vmem_shared>> -> memref<128x128xf32, #tpu.memory_space<vmem_shared>>
    tpu.enqueue_dma source(%arg16 : memref<128x128xf32, #tpu.memory_space<vmem>>) target(%dma_start3A_96 : memref<128x128xf32, #tpu.memory_space<vmem_shared>>) target_semaphore(%arg18 : memref<!tpu.dma_semaphore, #tpu.memory_space<semaphore_mem>>)
    %dma_wait3A_97 = arith.constant 0 : i32
    %dma_wait3A_98 = tpu.memref_slice %arg13[%add3A_68, %dma_wait3A_97] : memref<10240x128xf32, #tpu.memory_space<vmem_shared>> -> memref<128x128xf32, #tpu.memory_space<vmem_shared>>
    %dma_wait3A_99 = arith.constant 0 : i32
    %dma_wait3A_100 = tpu.memref_slice %arg13[%add3A_68, %dma_wait3A_99] : memref<10240x128xf32, #tpu.memory_space<vmem_shared>> -> memref<128x128xf32, #tpu.memory_space<vmem_shared>>
    tpu.wait_dma2 semaphore(%arg18 : memref<!tpu.dma_semaphore, #tpu.memory_space<semaphore_mem>>) src(%arg16 : memref<128x128xf32, #tpu.memory_space<vmem>>) dst(%dma_wait3A_100 : memref<128x128xf32, #tpu.memory_space<vmem_shared>>)
    %dma_wait3A_101 = arith.constant 0 : i32
    %dma_wait3A_102 = tpu.memref_slice %arg13[%add3A_74, %dma_wait3A_101] : memref<10240x128xf32, #tpu.memory_space<vmem_shared>> -> memref<128x128xf32, #tpu.memory_space<vmem_shared>>
    %dma_wait3A_103 = arith.constant 0 : i32
    %dma_wait3A_104 = tpu.memref_slice %arg13[%add3A_74, %dma_wait3A_103] : memref<10240x128xf32, #tpu.memory_space<vmem_shared>> -> memref<128x128xf32, #tpu.memory_space<vmem_shared>>
    tpu.wait_dma2 semaphore(%arg18 : memref<!tpu.dma_semaphore, #tpu.memory_space<semaphore_mem>>) src(%arg16 : memref<128x128xf32, #tpu.memory_space<vmem>>) dst(%dma_wait3A_104 : memref<128x128xf32, #tpu.memory_space<vmem_shared>>)
    %dma_wait3A_105 = arith.constant 0 : i32
    %dma_wait3A_106 = tpu.memref_slice %arg13[%add3A_80, %dma_wait3A_105] : memref<10240x128xf32, #tpu.memory_space<vmem_shared>> -> memref<128x128xf32, #tpu.memory_space<vmem_shared>>
    %dma_wait3A_107 = arith.constant 0 : i32
    %dma_wait3A_108 = tpu.memref_slice %arg13[%add3A_80, %dma_wait3A_107] : memref<10240x128xf32, #tpu.memory_space<vmem_shared>> -> memref<128x128xf32, #tpu.memory_space<vmem_shared>>
    tpu.wait_dma2 semaphore(%arg18 : memref<!tpu.dma_semaphore, #tpu.memory_space<semaphore_mem>>) src(%arg16 : memref<128x128xf32, #tpu.memory_space<vmem>>) dst(%dma_wait3A_108 : memref<128x128xf32, #tpu.memory_space<vmem_shared>>)
    %dma_wait3A_109 = arith.constant 0 : i32
    %dma_wait3A_110 = tpu.memref_slice %arg13[%add3A_86, %dma_wait3A_109] : memref<10240x128xf32, #tpu.memory_space<vmem_shared>> -> memref<128x128xf32, #tpu.memory_space<vmem_shared>>
    %dma_wait3A_111 = arith.constant 0 : i32
    %dma_wait3A_112 = tpu.memref_slice %arg13[%add3A_86, %dma_wait3A_111] : memref<10240x128xf32, #tpu.memory_space<vmem_shared>> -> memref<128x128xf32, #tpu.memory_space<vmem_shared>>
    tpu.wait_dma2 semaphore(%arg18 : memref<!tpu.dma_semaphore, #tpu.memory_space<semaphore_mem>>) src(%arg16 : memref<128x128xf32, #tpu.memory_space<vmem>>) dst(%dma_wait3A_112 : memref<128x128xf32, #tpu.memory_space<vmem_shared>>)
    %dma_wait3A_113 = arith.constant 0 : i32
    %dma_wait3A_114 = tpu.memref_slice %arg13[%add3A_92, %dma_wait3A_113] : memref<10240x128xf32, #tpu.memory_space<vmem_shared>> -> memref<128x128xf32, #tpu.memory_space<vmem_shared>>
    %dma_wait3A_115 = arith.constant 0 : i32
    %dma_wait3A_116 = tpu.memref_slice %arg13[%add3A_92, %dma_wait3A_115] : memref<10240x128xf32, #tpu.memory_space<vmem_shared>> -> memref<128x128xf32, #tpu.memory_space<vmem_shared>>
    tpu.wait_dma2 semaphore(%arg18 : memref<!tpu.dma_semaphore, #tpu.memory_space<semaphore_mem>>) src(%arg16 : memref<128x128xf32, #tpu.memory_space<vmem>>) dst(%dma_wait3A_116 : memref<128x128xf32, #tpu.memory_space<vmem_shared>>)
    %barrier3A_117 = arith.constant 0 : index
    tpu.barrier barrier_id(%barrier3A_117)
    %eq3A_118 = arith.constant 0 : i32
    %eq3A_119 = arith.cmpi eq, %arg0, %eq3A_118 : i32
    %convert_element_type3A_120 = arith.extui %eq3A_119 : i1 to i32
    %cond3A_121 = arith.constant 0 : i32
    %cond3A_122 = arith.cmpi ne, %convert_element_type3A_120, %cond3A_121 : i32
    scf.if %cond3A_122 {
      %mul3A_140 = arith.constant 80 : i32
      %mul3A_141 = arith.muli %arg1, %mul3A_140 : i32
      %add3A_142 = arith.constant 0 : i32
      %add3A_143 = arith.addi %mul3A_141, %add3A_142 : i32
      "tpu.region"() ({
        %run_scoped3A = tpu.sem_alloc : memref<!tpu.dma_semaphore, #tpu.memory_space<semaphore_mem>>
        %dma_start3A_159 = arith.constant 0 : i32
        %dma_start3A_160 = tpu.memref_slice %arg6[%add3A_143, %dma_start3A_159] : memref<1280x128xi32, #tpu.memory_space<hbm>> -> memref<40x128xi32, #tpu.memory_space<hbm>>
        %dma_start3A_161 = arith.constant 0 : i32
        %dma_start3A_162 = tpu.memref_slice %arg6[%add3A_143, %dma_start3A_161] : memref<1280x128xi32, #tpu.memory_space<hbm>> -> memref<40x128xi32, #tpu.memory_space<hbm>>
        tpu.enqueue_dma source(%dma_start3A_162 : memref<40x128xi32, #tpu.memory_space<hbm>>) target(%arg14 : memref<40x128xi32, #tpu.memory_space<vmem>>) target_semaphore(%run_scoped3A : memref<!tpu.dma_semaphore, #tpu.memory_space<semaphore_mem>>)
        %dma_wait3A_163 = arith.constant 0 : i32
        %dma_wait3A_164 = tpu.memref_slice %arg6[%add3A_143, %dma_wait3A_163] : memref<1280x128xi32, #tpu.memory_space<hbm>> -> memref<40x128xi32, #tpu.memory_space<hbm>>
        %dma_wait3A_165 = arith.constant 0 : i32
        %dma_wait3A_166 = tpu.memref_slice %arg6[%add3A_143, %dma_wait3A_165] : memref<1280x128xi32, #tpu.memory_space<hbm>> -> memref<40x128xi32, #tpu.memory_space<hbm>>
        tpu.wait_dma2 semaphore(%run_scoped3A : memref<!tpu.dma_semaphore, #tpu.memory_space<semaphore_mem>>) src(%dma_wait3A_166 : memref<40x128xi32, #tpu.memory_space<hbm>>) dst(%arg14 : memref<40x128xi32, #tpu.memory_space<vmem>>)
        tpu.yield
      }) : () -> ()
      "tpu.region"() ({
        %run_scoped3A = tpu.sem_alloc : memref<!tpu.dma_semaphore, #tpu.memory_space<semaphore_mem>>
        %dma_start3A_159 = arith.constant 0 : i32
        %dma_start3A_160 = tpu.memref_slice %arg7[%add3A_143, %dma_start3A_159] : memref<1280x128xi32, #tpu.memory_space<hbm>> -> memref<40x128xi32, #tpu.memory_space<hbm>>
        %dma_start3A_161 = arith.constant 0 : i32
        %dma_start3A_162 = tpu.memref_slice %arg7[%add3A_143, %dma_start3A_161] : memref<1280x128xi32, #tpu.memory_space<hbm>> -> memref<40x128xi32, #tpu.memory_space<hbm>>
        tpu.enqueue_dma source(%dma_start3A_162 : memref<40x128xi32, #tpu.memory_space<hbm>>) target(%arg15 : memref<40x128xi32, #tpu.memory_space<vmem>>) target_semaphore(%run_scoped3A : memref<!tpu.dma_semaphore, #tpu.memory_space<semaphore_mem>>)
        %dma_wait3A_163 = arith.constant 0 : i32
        %dma_wait3A_164 = tpu.memref_slice %arg7[%add3A_143, %dma_wait3A_163] : memref<1280x128xi32, #tpu.memory_space<hbm>> -> memref<40x128xi32, #tpu.memory_space<hbm>>
        %dma_wait3A_165 = arith.constant 0 : i32
        %dma_wait3A_166 = tpu.memref_slice %arg7[%add3A_143, %dma_wait3A_165] : memref<1280x128xi32, #tpu.memory_space<hbm>> -> memref<40x128xi32, #tpu.memory_space<hbm>>
        tpu.wait_dma2 semaphore(%run_scoped3A : memref<!tpu.dma_semaphore, #tpu.memory_space<semaphore_mem>>) src(%dma_wait3A_166 : memref<40x128xi32, #tpu.memory_space<hbm>>) dst(%arg15 : memref<40x128xi32, #tpu.memory_space<vmem>>)
        tpu.yield
      }) : () -> ()
      %scan3A = arith.constant 0 : i32
      %scan3A_144 = arith.constant 0 : i32
      %scan3A_145 = arith.constant 20 : i32
      %scan3A_146 = arith.addi %scan3A_144, %scan3A_145 : i32
      %scan3A_147 = arith.constant 1 : i32
      scf.for %scan3A_159 = %scan3A_144 to %scan3A_146 step %scan3A_147  : i32 {
        %mul3A_160 = arith.constant 2 : i32
        %mul3A_161 = arith.muli %mul3A_160, %scan3A_159 : i32
        %dma_start3A_162 = arith.constant 0 : i32
        %dma_start3A_163 = tpu.memref_slice %arg14[%mul3A_161, %dma_start3A_162] : memref<40x128xi32, #tpu.memory_space<vmem>> -> memref<1x128xi32, #tpu.memory_space<vmem>>
        %dma_start3A_164 = tpu.memref_squeeze %dma_start3A_163 : memref<1x128xi32, #tpu.memory_space<vmem>> -> memref<128xi32, #tpu.memory_space<vmem>>
        %dma_start3A_165 = arith.constant 0 : i32
        %dma_start3A_166 = arith.constant 0 : i32
        %dma_start3A_167 = tpu.memref_slice %arg3[%dma_start3A_165, %dma_start3A_166] : memref<10240x128xf32, #tpu.memory_space<hbm>> -> memref<10240x128xf32, #tpu.memory_space<hbm>>
        tpu.enqueue_indirect_dma source(%dma_start3A_167 : memref<10240x128xf32, #tpu.memory_space<hbm>>) target(%arg16 : memref<128x128xf32, #tpu.memory_space<vmem>>) offsets(%dma_start3A_164 : memref<128xi32, #tpu.memory_space<vmem>>) semaphore(%arg18 : memref<!tpu.dma_semaphore, #tpu.memory_space<semaphore_mem>>)
        %add3A_168 = arith.constant 1 : i32
        %add3A_169 = arith.addi %mul3A_161, %add3A_168 : i32
        %dma_start3A_170 = arith.constant 0 : i32
        %dma_start3A_171 = tpu.memref_slice %arg14[%add3A_169, %dma_start3A_170] : memref<40x128xi32, #tpu.memory_space<vmem>> -> memref<1x128xi32, #tpu.memory_space<vmem>>
        %dma_start3A_172 = tpu.memref_squeeze %dma_start3A_171 : memref<1x128xi32, #tpu.memory_space<vmem>> -> memref<128xi32, #tpu.memory_space<vmem>>
        %dma_start3A_173 = arith.constant 0 : i32
        %dma_start3A_174 = arith.constant 0 : i32
        %dma_start3A_175 = tpu.memref_slice %arg3[%dma_start3A_173, %dma_start3A_174] : memref<10240x128xf32, #tpu.memory_space<hbm>> -> memref<10240x128xf32, #tpu.memory_space<hbm>>
        tpu.enqueue_indirect_dma source(%dma_start3A_175 : memref<10240x128xf32, #tpu.memory_space<hbm>>) target(%arg17 : memref<128x128xf32, #tpu.memory_space<vmem>>) offsets(%dma_start3A_172 : memref<128xi32, #tpu.memory_space<vmem>>) semaphore(%arg19 : memref<!tpu.dma_semaphore, #tpu.memory_space<semaphore_mem>>)
        %dma_wait3A_176 = arith.constant 0 : i32
        %dma_wait3A_177 = tpu.memref_slice %arg14[%mul3A_161, %dma_wait3A_176] : memref<40x128xi32, #tpu.memory_space<vmem>> -> memref<1x128xi32, #tpu.memory_space<vmem>>
        %dma_wait3A_178 = tpu.memref_squeeze %dma_wait3A_177 : memref<1x128xi32, #tpu.memory_space<vmem>> -> memref<128xi32, #tpu.memory_space<vmem>>
        %dma_wait3A_179 = arith.constant 0 : i32
        %dma_wait3A_180 = arith.constant 0 : i32
        %dma_wait3A_181 = tpu.memref_slice %arg3[%dma_wait3A_179, %dma_wait3A_180] : memref<10240x128xf32, #tpu.memory_space<hbm>> -> memref<10240x128xf32, #tpu.memory_space<hbm>>
        tpu.wait_indirect_dma semaphore(%arg18 : memref<!tpu.dma_semaphore, #tpu.memory_space<semaphore_mem>>) src(%dma_wait3A_181 : memref<10240x128xf32, #tpu.memory_space<hbm>>) dst(%arg16 : memref<128x128xf32, #tpu.memory_space<vmem>>)
        %dma_start3A_182 = arith.constant 0 : i32
        %dma_start3A_183 = tpu.memref_slice %arg15[%mul3A_161, %dma_start3A_182] : memref<40x128xi32, #tpu.memory_space<vmem>> -> memref<1x128xi32, #tpu.memory_space<vmem>>
        %dma_start3A_184 = tpu.memref_squeeze %dma_start3A_183 : memref<1x128xi32, #tpu.memory_space<vmem>> -> memref<128xi32, #tpu.memory_space<vmem>>
        %dma_start3A_185 = arith.constant 0 : i32
        %dma_start3A_186 = arith.constant 0 : i32
        %dma_start3A_187 = tpu.memref_slice %arg13[%dma_start3A_185, %dma_start3A_186] : memref<10240x128xf32, #tpu.memory_space<vmem_shared>> -> memref<10240x128xf32, #tpu.memory_space<vmem_shared>>
        tpu.enqueue_indirect_dma source(%arg16 : memref<128x128xf32, #tpu.memory_space<vmem>>) target(%dma_start3A_187 : memref<10240x128xf32, #tpu.memory_space<vmem_shared>>) offsets(%dma_start3A_184 : memref<128xi32, #tpu.memory_space<vmem>>) semaphore(%arg20 : memref<!tpu.dma_semaphore, #tpu.memory_space<semaphore_mem>>) {add = true}
        %dma_wait3A_188 = arith.constant 0 : i32
        %dma_wait3A_189 = tpu.memref_slice %arg14[%add3A_169, %dma_wait3A_188] : memref<40x128xi32, #tpu.memory_space<vmem>> -> memref<1x128xi32, #tpu.memory_space<vmem>>
        %dma_wait3A_190 = tpu.memref_squeeze %dma_wait3A_189 : memref<1x128xi32, #tpu.memory_space<vmem>> -> memref<128xi32, #tpu.memory_space<vmem>>
        %dma_wait3A_191 = arith.constant 0 : i32
        %dma_wait3A_192 = arith.constant 0 : i32
        %dma_wait3A_193 = tpu.memref_slice %arg3[%dma_wait3A_191, %dma_wait3A_192] : memref<10240x128xf32, #tpu.memory_space<hbm>> -> memref<10240x128xf32, #tpu.memory_space<hbm>>
        tpu.wait_indirect_dma semaphore(%arg19 : memref<!tpu.dma_semaphore, #tpu.memory_space<semaphore_mem>>) src(%dma_wait3A_193 : memref<10240x128xf32, #tpu.memory_space<hbm>>) dst(%arg17 : memref<128x128xf32, #tpu.memory_space<vmem>>)
        %add3A_194 = arith.constant 1 : i32
        %add3A_195 = arith.addi %mul3A_161, %add3A_194 : i32
        %dma_start3A_196 = arith.constant 0 : i32
        %dma_start3A_197 = tpu.memref_slice %arg15[%add3A_195, %dma_start3A_196] : memref<40x128xi32, #tpu.memory_space<vmem>> -> memref<1x128xi32, #tpu.memory_space<vmem>>
        %dma_start3A_198 = tpu.memref_squeeze %dma_start3A_197 : memref<1x128xi32, #tpu.memory_space<vmem>> -> memref<128xi32, #tpu.memory_space<vmem>>
        %dma_start3A_199 = arith.constant 0 : i32
        %dma_start3A_200 = arith.constant 0 : i32
        %dma_start3A_201 = tpu.memref_slice %arg13[%dma_start3A_199, %dma_start3A_200] : memref<10240x128xf32, #tpu.memory_space<vmem_shared>> -> memref<10240x128xf32, #tpu.memory_space<vmem_shared>>
        tpu.enqueue_indirect_dma source(%arg17 : memref<128x128xf32, #tpu.memory_space<vmem>>) target(%dma_start3A_201 : memref<10240x128xf32, #tpu.memory_space<vmem_shared>>) offsets(%dma_start3A_198 : memref<128xi32, #tpu.memory_space<vmem>>) semaphore(%arg21 : memref<!tpu.dma_semaphore, #tpu.memory_space<semaphore_mem>>) {add = true}
        %dma_wait3A_202 = arith.constant 0 : i32
        %dma_wait3A_203 = arith.constant 0 : i32
        %dma_wait3A_204 = tpu.memref_slice %arg15[%dma_wait3A_202, %dma_wait3A_203] : memref<40x128xi32, #tpu.memory_space<vmem>> -> memref<1x128xi32, #tpu.memory_space<vmem>>
        %dma_wait3A_205 = tpu.memref_squeeze %dma_wait3A_204 : memref<1x128xi32, #tpu.memory_space<vmem>> -> memref<128xi32, #tpu.memory_space<vmem>>
        %dma_wait3A_206 = arith.constant 0 : i32
        %dma_wait3A_207 = arith.constant 0 : i32
        %dma_wait3A_208 = tpu.memref_slice %arg13[%dma_wait3A_206, %dma_wait3A_207] : memref<10240x128xf32, #tpu.memory_space<vmem_shared>> -> memref<10240x128xf32, #tpu.memory_space<vmem_shared>>
        tpu.wait_indirect_dma semaphore(%arg20 : memref<!tpu.dma_semaphore, #tpu.memory_space<semaphore_mem>>) src(%arg16 : memref<128x128xf32, #tpu.memory_space<vmem>>) dst(%dma_wait3A_208 : memref<10240x128xf32, #tpu.memory_space<vmem_shared>>)
        %dma_wait3A_209 = arith.constant 0 : i32
        %dma_wait3A_210 = arith.constant 0 : i32
        %dma_wait3A_211 = tpu.memref_slice %arg15[%dma_wait3A_209, %dma_wait3A_210] : memref<40x128xi32, #tpu.memory_space<vmem>> -> memref<1x128xi32, #tpu.memory_space<vmem>>
        %dma_wait3A_212 = tpu.memref_squeeze %dma_wait3A_211 : memref<1x128xi32, #tpu.memory_space<vmem>> -> memref<128xi32, #tpu.memory_space<vmem>>
        %dma_wait3A_213 = arith.constant 0 : i32
        %dma_wait3A_214 = arith.constant 0 : i32
        %dma_wait3A_215 = tpu.memref_slice %arg13[%dma_wait3A_213, %dma_wait3A_214] : memref<10240x128xf32, #tpu.memory_space<vmem_shared>> -> memref<10240x128xf32, #tpu.memory_space<vmem_shared>>
        tpu.wait_indirect_dma semaphore(%arg21 : memref<!tpu.dma_semaphore, #tpu.memory_space<semaphore_mem>>) src(%arg17 : memref<128x128xf32, #tpu.memory_space<vmem>>) dst(%dma_wait3A_215 : memref<10240x128xf32, #tpu.memory_space<vmem_shared>>)
      }
      %scan3A_148 = arith.constant 20 : i32
      %mul3A_149 = arith.constant 80 : i32
      %mul3A_150 = arith.muli %arg1, %mul3A_149 : i32
      %add3A_151 = arith.constant 40 : i32
      %add3A_152 = arith.addi %mul3A_150, %add3A_151 : i32
      "tpu.region"() ({
        %run_scoped3A = tpu.sem_alloc : memref<!tpu.dma_semaphore, #tpu.memory_space<semaphore_mem>>
        %dma_start3A_159 = arith.constant 0 : i32
        %dma_start3A_160 = tpu.memref_slice %arg6[%add3A_152, %dma_start3A_159] : memref<1280x128xi32, #tpu.memory_space<hbm>> -> memref<40x128xi32, #tpu.memory_space<hbm>>
        %dma_start3A_161 = arith.constant 0 : i32
        %dma_start3A_162 = tpu.memref_slice %arg6[%add3A_152, %dma_start3A_161] : memref<1280x128xi32, #tpu.memory_space<hbm>> -> memref<40x128xi32, #tpu.memory_space<hbm>>
        tpu.enqueue_dma source(%dma_start3A_162 : memref<40x128xi32, #tpu.memory_space<hbm>>) target(%arg14 : memref<40x128xi32, #tpu.memory_space<vmem>>) target_semaphore(%run_scoped3A : memref<!tpu.dma_semaphore, #tpu.memory_space<semaphore_mem>>)
        %dma_wait3A_163 = arith.constant 0 : i32
        %dma_wait3A_164 = tpu.memref_slice %arg6[%add3A_152, %dma_wait3A_163] : memref<1280x128xi32, #tpu.memory_space<hbm>> -> memref<40x128xi32, #tpu.memory_space<hbm>>
        %dma_wait3A_165 = arith.constant 0 : i32
        %dma_wait3A_166 = tpu.memref_slice %arg6[%add3A_152, %dma_wait3A_165] : memref<1280x128xi32, #tpu.memory_space<hbm>> -> memref<40x128xi32, #tpu.memory_space<hbm>>
        tpu.wait_dma2 semaphore(%run_scoped3A : memref<!tpu.dma_semaphore, #tpu.memory_space<semaphore_mem>>) src(%dma_wait3A_166 : memref<40x128xi32, #tpu.memory_space<hbm>>) dst(%arg14 : memref<40x128xi32, #tpu.memory_space<vmem>>)
        tpu.yield
      }) : () -> ()
      "tpu.region"() ({
        %run_scoped3A = tpu.sem_alloc : memref<!tpu.dma_semaphore, #tpu.memory_space<semaphore_mem>>
        %dma_start3A_159 = arith.constant 0 : i32
        %dma_start3A_160 = tpu.memref_slice %arg7[%add3A_152, %dma_start3A_159] : memref<1280x128xi32, #tpu.memory_space<hbm>> -> memref<40x128xi32, #tpu.memory_space<hbm>>
        %dma_start3A_161 = arith.constant 0 : i32
        %dma_start3A_162 = tpu.memref_slice %arg7[%add3A_152, %dma_start3A_161] : memref<1280x128xi32, #tpu.memory_space<hbm>> -> memref<40x128xi32, #tpu.memory_space<hbm>>
        tpu.enqueue_dma source(%dma_start3A_162 : memref<40x128xi32, #tpu.memory_space<hbm>>) target(%arg15 : memref<40x128xi32, #tpu.memory_space<vmem>>) target_semaphore(%run_scoped3A : memref<!tpu.dma_semaphore, #tpu.memory_space<semaphore_mem>>)
        %dma_wait3A_163 = arith.constant 0 : i32
        %dma_wait3A_164 = tpu.memref_slice %arg7[%add3A_152, %dma_wait3A_163] : memref<1280x128xi32, #tpu.memory_space<hbm>> -> memref<40x128xi32, #tpu.memory_space<hbm>>
        %dma_wait3A_165 = arith.constant 0 : i32
        %dma_wait3A_166 = tpu.memref_slice %arg7[%add3A_152, %dma_wait3A_165] : memref<1280x128xi32, #tpu.memory_space<hbm>> -> memref<40x128xi32, #tpu.memory_space<hbm>>
        tpu.wait_dma2 semaphore(%run_scoped3A : memref<!tpu.dma_semaphore, #tpu.memory_space<semaphore_mem>>) src(%dma_wait3A_166 : memref<40x128xi32, #tpu.memory_space<hbm>>) dst(%arg15 : memref<40x128xi32, #tpu.memory_space<vmem>>)
        tpu.yield
      }) : () -> ()
      %scan3A_153 = arith.constant 0 : i32
      %scan3A_154 = arith.constant 0 : i32
      %scan3A_155 = arith.constant 20 : i32
      %scan3A_156 = arith.addi %scan3A_154, %scan3A_155 : i32
      %scan3A_157 = arith.constant 1 : i32
      scf.for %scan3A_159 = %scan3A_154 to %scan3A_156 step %scan3A_157  : i32 {
        %mul3A_160 = arith.constant 2 : i32
        %mul3A_161 = arith.muli %mul3A_160, %scan3A_159 : i32
        %dma_start3A_162 = arith.constant 0 : i32
        %dma_start3A_163 = tpu.memref_slice %arg14[%mul3A_161, %dma_start3A_162] : memref<40x128xi32, #tpu.memory_space<vmem>> -> memref<1x128xi32, #tpu.memory_space<vmem>>
        %dma_start3A_164 = tpu.memref_squeeze %dma_start3A_163 : memref<1x128xi32, #tpu.memory_space<vmem>> -> memref<128xi32, #tpu.memory_space<vmem>>
        %dma_start3A_165 = arith.constant 0 : i32
        %dma_start3A_166 = arith.constant 0 : i32
        %dma_start3A_167 = tpu.memref_slice %arg3[%dma_start3A_165, %dma_start3A_166] : memref<10240x128xf32, #tpu.memory_space<hbm>> -> memref<10240x128xf32, #tpu.memory_space<hbm>>
        tpu.enqueue_indirect_dma source(%dma_start3A_167 : memref<10240x128xf32, #tpu.memory_space<hbm>>) target(%arg16 : memref<128x128xf32, #tpu.memory_space<vmem>>) offsets(%dma_start3A_164 : memref<128xi32, #tpu.memory_space<vmem>>) semaphore(%arg18 : memref<!tpu.dma_semaphore, #tpu.memory_space<semaphore_mem>>)
        %add3A_168 = arith.constant 1 : i32
        %add3A_169 = arith.addi %mul3A_161, %add3A_168 : i32
        %dma_start3A_170 = arith.constant 0 : i32
        %dma_start3A_171 = tpu.memref_slice %arg14[%add3A_169, %dma_start3A_170] : memref<40x128xi32, #tpu.memory_space<vmem>> -> memref<1x128xi32, #tpu.memory_space<vmem>>
        %dma_start3A_172 = tpu.memref_squeeze %dma_start3A_171 : memref<1x128xi32, #tpu.memory_space<vmem>> -> memref<128xi32, #tpu.memory_space<vmem>>
        %dma_start3A_173 = arith.constant 0 : i32
        %dma_start3A_174 = arith.constant 0 : i32
        %dma_start3A_175 = tpu.memref_slice %arg3[%dma_start3A_173, %dma_start3A_174] : memref<10240x128xf32, #tpu.memory_space<hbm>> -> memref<10240x128xf32, #tpu.memory_space<hbm>>
        tpu.enqueue_indirect_dma source(%dma_start3A_175 : memref<10240x128xf32, #tpu.memory_space<hbm>>) target(%arg17 : memref<128x128xf32, #tpu.memory_space<vmem>>) offsets(%dma_start3A_172 : memref<128xi32, #tpu.memory_space<vmem>>) semaphore(%arg19 : memref<!tpu.dma_semaphore, #tpu.memory_space<semaphore_mem>>)
        %dma_wait3A_176 = arith.constant 0 : i32
        %dma_wait3A_177 = tpu.memref_slice %arg14[%mul3A_161, %dma_wait3A_176] : memref<40x128xi32, #tpu.memory_space<vmem>> -> memref<1x128xi32, #tpu.memory_space<vmem>>
        %dma_wait3A_178 = tpu.memref_squeeze %dma_wait3A_177 : memref<1x128xi32, #tpu.memory_space<vmem>> -> memref<128xi32, #tpu.memory_space<vmem>>
        %dma_wait3A_179 = arith.constant 0 : i32
        %dma_wait3A_180 = arith.constant 0 : i32
        %dma_wait3A_181 = tpu.memref_slice %arg3[%dma_wait3A_179, %dma_wait3A_180] : memref<10240x128xf32, #tpu.memory_space<hbm>> -> memref<10240x128xf32, #tpu.memory_space<hbm>>
        tpu.wait_indirect_dma semaphore(%arg18 : memref<!tpu.dma_semaphore, #tpu.memory_space<semaphore_mem>>) src(%dma_wait3A_181 : memref<10240x128xf32, #tpu.memory_space<hbm>>) dst(%arg16 : memref<128x128xf32, #tpu.memory_space<vmem>>)
        %dma_start3A_182 = arith.constant 0 : i32
        %dma_start3A_183 = tpu.memref_slice %arg15[%mul3A_161, %dma_start3A_182] : memref<40x128xi32, #tpu.memory_space<vmem>> -> memref<1x128xi32, #tpu.memory_space<vmem>>
        %dma_start3A_184 = tpu.memref_squeeze %dma_start3A_183 : memref<1x128xi32, #tpu.memory_space<vmem>> -> memref<128xi32, #tpu.memory_space<vmem>>
        %dma_start3A_185 = arith.constant 0 : i32
        %dma_start3A_186 = arith.constant 0 : i32
        %dma_start3A_187 = tpu.memref_slice %arg13[%dma_start3A_185, %dma_start3A_186] : memref<10240x128xf32, #tpu.memory_space<vmem_shared>> -> memref<10240x128xf32, #tpu.memory_space<vmem_shared>>
        tpu.enqueue_indirect_dma source(%arg16 : memref<128x128xf32, #tpu.memory_space<vmem>>) target(%dma_start3A_187 : memref<10240x128xf32, #tpu.memory_space<vmem_shared>>) offsets(%dma_start3A_184 : memref<128xi32, #tpu.memory_space<vmem>>) semaphore(%arg20 : memref<!tpu.dma_semaphore, #tpu.memory_space<semaphore_mem>>) {add = true}
        %dma_wait3A_188 = arith.constant 0 : i32
        %dma_wait3A_189 = tpu.memref_slice %arg14[%add3A_169, %dma_wait3A_188] : memref<40x128xi32, #tpu.memory_space<vmem>> -> memref<1x128xi32, #tpu.memory_space<vmem>>
        %dma_wait3A_190 = tpu.memref_squeeze %dma_wait3A_189 : memref<1x128xi32, #tpu.memory_space<vmem>> -> memref<128xi32, #tpu.memory_space<vmem>>
        %dma_wait3A_191 = arith.constant 0 : i32
        %dma_wait3A_192 = arith.constant 0 : i32
        %dma_wait3A_193 = tpu.memref_slice %arg3[%dma_wait3A_191, %dma_wait3A_192] : memref<10240x128xf32, #tpu.memory_space<hbm>> -> memref<10240x128xf32, #tpu.memory_space<hbm>>
        tpu.wait_indirect_dma semaphore(%arg19 : memref<!tpu.dma_semaphore, #tpu.memory_space<semaphore_mem>>) src(%dma_wait3A_193 : memref<10240x128xf32, #tpu.memory_space<hbm>>) dst(%arg17 : memref<128x128xf32, #tpu.memory_space<vmem>>)
        %add3A_194 = arith.constant 1 : i32
        %add3A_195 = arith.addi %mul3A_161, %add3A_194 : i32
        %dma_start3A_196 = arith.constant 0 : i32
        %dma_start3A_197 = tpu.memref_slice %arg15[%add3A_195, %dma_start3A_196] : memref<40x128xi32, #tpu.memory_space<vmem>> -> memref<1x128xi32, #tpu.memory_space<vmem>>
        %dma_start3A_198 = tpu.memref_squeeze %dma_start3A_197 : memref<1x128xi32, #tpu.memory_space<vmem>> -> memref<128xi32, #tpu.memory_space<vmem>>
        %dma_start3A_199 = arith.constant 0 : i32
        %dma_start3A_200 = arith.constant 0 : i32
        %dma_start3A_201 = tpu.memref_slice %arg13[%dma_start3A_199, %dma_start3A_200] : memref<10240x128xf32, #tpu.memory_space<vmem_shared>> -> memref<10240x128xf32, #tpu.memory_space<vmem_shared>>
        tpu.enqueue_indirect_dma source(%arg17 : memref<128x128xf32, #tpu.memory_space<vmem>>) target(%dma_start3A_201 : memref<10240x128xf32, #tpu.memory_space<vmem_shared>>) offsets(%dma_start3A_198 : memref<128xi32, #tpu.memory_space<vmem>>) semaphore(%arg21 : memref<!tpu.dma_semaphore, #tpu.memory_space<semaphore_mem>>) {add = true}
        %dma_wait3A_202 = arith.constant 0 : i32
        %dma_wait3A_203 = arith.constant 0 : i32
        %dma_wait3A_204 = tpu.memref_slice %arg15[%dma_wait3A_202, %dma_wait3A_203] : memref<40x128xi32, #tpu.memory_space<vmem>> -> memref<1x128xi32, #tpu.memory_space<vmem>>
        %dma_wait3A_205 = tpu.memref_squeeze %dma_wait3A_204 : memref<1x128xi32, #tpu.memory_space<vmem>> -> memref<128xi32, #tpu.memory_space<vmem>>
        %dma_wait3A_206 = arith.constant 0 : i32
        %dma_wait3A_207 = arith.constant 0 : i32
        %dma_wait3A_208 = tpu.memref_slice %arg13[%dma_wait3A_206, %dma_wait3A_207] : memref<10240x128xf32, #tpu.memory_space<vmem_shared>> -> memref<10240x128xf32, #tpu.memory_space<vmem_shared>>
        tpu.wait_indirect_dma semaphore(%arg20 : memref<!tpu.dma_semaphore, #tpu.memory_space<semaphore_mem>>) src(%arg16 : memref<128x128xf32, #tpu.memory_space<vmem>>) dst(%dma_wait3A_208 : memref<10240x128xf32, #tpu.memory_space<vmem_shared>>)
        %dma_wait3A_209 = arith.constant 0 : i32
        %dma_wait3A_210 = arith.constant 0 : i32
        %dma_wait3A_211 = tpu.memref_slice %arg15[%dma_wait3A_209, %dma_wait3A_210] : memref<40x128xi32, #tpu.memory_space<vmem>> -> memref<1x128xi32, #tpu.memory_space<vmem>>
        %dma_wait3A_212 = tpu.memref_squeeze %dma_wait3A_211 : memref<1x128xi32, #tpu.memory_space<vmem>> -> memref<128xi32, #tpu.memory_space<vmem>>
        %dma_wait3A_213 = arith.constant 0 : i32
        %dma_wait3A_214 = arith.constant 0 : i32
        %dma_wait3A_215 = tpu.memref_slice %arg13[%dma_wait3A_213, %dma_wait3A_214] : memref<10240x128xf32, #tpu.memory_space<vmem_shared>> -> memref<10240x128xf32, #tpu.memory_space<vmem_shared>>
        tpu.wait_indirect_dma semaphore(%arg21 : memref<!tpu.dma_semaphore, #tpu.memory_space<semaphore_mem>>) src(%arg17 : memref<128x128xf32, #tpu.memory_space<vmem>>) dst(%dma_wait3A_215 : memref<10240x128xf32, #tpu.memory_space<vmem_shared>>)
      }
      %scan3A_158 = arith.constant 20 : i32
    } else {
    }
    %eq3A_123 = arith.constant 1 : i32
    %eq3A_124 = arith.cmpi eq, %arg0, %eq3A_123 : i32
    %convert_element_type3A_125 = arith.extui %eq3A_124 : i1 to i32
    %cond3A_126 = arith.constant 0 : i32
    %cond3A_127 = arith.cmpi ne, %convert_element_type3A_125, %cond3A_126 : i32
    scf.if %cond3A_127 {
      %mul3A_140 = arith.constant 80 : i32
      %mul3A_141 = arith.muli %arg1, %mul3A_140 : i32
      %add3A_142 = arith.constant 0 : i32
      %add3A_143 = arith.addi %mul3A_141, %add3A_142 : i32
      "tpu.region"() ({
        %run_scoped3A = tpu.sem_alloc : memref<!tpu.dma_semaphore, #tpu.memory_space<semaphore_mem>>
        %dma_start3A_159 = arith.constant 0 : i32
        %dma_start3A_160 = tpu.memref_slice %arg6[%add3A_143, %dma_start3A_159] : memref<1280x128xi32, #tpu.memory_space<hbm>> -> memref<40x128xi32, #tpu.memory_space<hbm>>
        %dma_start3A_161 = arith.constant 0 : i32
        %dma_start3A_162 = tpu.memref_slice %arg6[%add3A_143, %dma_start3A_161] : memref<1280x128xi32, #tpu.memory_space<hbm>> -> memref<40x128xi32, #tpu.memory_space<hbm>>
        tpu.enqueue_dma source(%dma_start3A_162 : memref<40x128xi32, #tpu.memory_space<hbm>>) target(%arg14 : memref<40x128xi32, #tpu.memory_space<vmem>>) target_semaphore(%run_scoped3A : memref<!tpu.dma_semaphore, #tpu.memory_space<semaphore_mem>>)
        %dma_wait3A_163 = arith.constant 0 : i32
        %dma_wait3A_164 = tpu.memref_slice %arg6[%add3A_143, %dma_wait3A_163] : memref<1280x128xi32, #tpu.memory_space<hbm>> -> memref<40x128xi32, #tpu.memory_space<hbm>>
        %dma_wait3A_165 = arith.constant 0 : i32
        %dma_wait3A_166 = tpu.memref_slice %arg6[%add3A_143, %dma_wait3A_165] : memref<1280x128xi32, #tpu.memory_space<hbm>> -> memref<40x128xi32, #tpu.memory_space<hbm>>
        tpu.wait_dma2 semaphore(%run_scoped3A : memref<!tpu.dma_semaphore, #tpu.memory_space<semaphore_mem>>) src(%dma_wait3A_166 : memref<40x128xi32, #tpu.memory_space<hbm>>) dst(%arg14 : memref<40x128xi32, #tpu.memory_space<vmem>>)
        tpu.yield
      }) : () -> ()
      "tpu.region"() ({
        %run_scoped3A = tpu.sem_alloc : memref<!tpu.dma_semaphore, #tpu.memory_space<semaphore_mem>>
        %dma_start3A_159 = arith.constant 0 : i32
        %dma_start3A_160 = tpu.memref_slice %arg7[%add3A_143, %dma_start3A_159] : memref<1280x128xi32, #tpu.memory_space<hbm>> -> memref<40x128xi32, #tpu.memory_space<hbm>>
        %dma_start3A_161 = arith.constant 0 : i32
        %dma_start3A_162 = tpu.memref_slice %arg7[%add3A_143, %dma_start3A_161] : memref<1280x128xi32, #tpu.memory_space<hbm>> -> memref<40x128xi32, #tpu.memory_space<hbm>>
        tpu.enqueue_dma source(%dma_start3A_162 : memref<40x128xi32, #tpu.memory_space<hbm>>) target(%arg15 : memref<40x128xi32, #tpu.memory_space<vmem>>) target_semaphore(%run_scoped3A : memref<!tpu.dma_semaphore, #tpu.memory_space<semaphore_mem>>)
        %dma_wait3A_163 = arith.constant 0 : i32
        %dma_wait3A_164 = tpu.memref_slice %arg7[%add3A_143, %dma_wait3A_163] : memref<1280x128xi32, #tpu.memory_space<hbm>> -> memref<40x128xi32, #tpu.memory_space<hbm>>
        %dma_wait3A_165 = arith.constant 0 : i32
        %dma_wait3A_166 = tpu.memref_slice %arg7[%add3A_143, %dma_wait3A_165] : memref<1280x128xi32, #tpu.memory_space<hbm>> -> memref<40x128xi32, #tpu.memory_space<hbm>>
        tpu.wait_dma2 semaphore(%run_scoped3A : memref<!tpu.dma_semaphore, #tpu.memory_space<semaphore_mem>>) src(%dma_wait3A_166 : memref<40x128xi32, #tpu.memory_space<hbm>>) dst(%arg15 : memref<40x128xi32, #tpu.memory_space<vmem>>)
        tpu.yield
      }) : () -> ()
      %scan3A = arith.constant 0 : i32
      %scan3A_144 = arith.constant 0 : i32
      %scan3A_145 = arith.constant 20 : i32
      %scan3A_146 = arith.addi %scan3A_144, %scan3A_145 : i32
      %scan3A_147 = arith.constant 1 : i32
      scf.for %scan3A_159 = %scan3A_144 to %scan3A_146 step %scan3A_147  : i32 {
        %mul3A_160 = arith.constant 2 : i32
        %mul3A_161 = arith.muli %mul3A_160, %scan3A_159 : i32
        %dma_start3A_162 = arith.constant 0 : i32
        %dma_start3A_163 = tpu.memref_slice %arg14[%mul3A_161, %dma_start3A_162] : memref<40x128xi32, #tpu.memory_space<vmem>> -> memref<1x128xi32, #tpu.memory_space<vmem>>
        %dma_start3A_164 = tpu.memref_squeeze %dma_start3A_163 : memref<1x128xi32, #tpu.memory_space<vmem>> -> memref<128xi32, #tpu.memory_space<vmem>>
        %dma_start3A_165 = arith.constant 0 : i32
        %dma_start3A_166 = arith.constant 0 : i32
        %dma_start3A_167 = tpu.memref_slice %arg5[%dma_start3A_165, %dma_start3A_166] : memref<10240x128xf32, #tpu.memory_space<hbm>> -> memref<10240x128xf32, #tpu.memory_space<hbm>>
        tpu.enqueue_indirect_dma source(%dma_start3A_167 : memref<10240x128xf32, #tpu.memory_space<hbm>>) target(%arg16 : memref<128x128xf32, #tpu.memory_space<vmem>>) offsets(%dma_start3A_164 : memref<128xi32, #tpu.memory_space<vmem>>) semaphore(%arg18 : memref<!tpu.dma_semaphore, #tpu.memory_space<semaphore_mem>>)
        %add3A_168 = arith.constant 1 : i32
        %add3A_169 = arith.addi %mul3A_161, %add3A_168 : i32
        %dma_start3A_170 = arith.constant 0 : i32
        %dma_start3A_171 = tpu.memref_slice %arg14[%add3A_169, %dma_start3A_170] : memref<40x128xi32, #tpu.memory_space<vmem>> -> memref<1x128xi32, #tpu.memory_space<vmem>>
        %dma_start3A_172 = tpu.memref_squeeze %dma_start3A_171 : memref<1x128xi32, #tpu.memory_space<vmem>> -> memref<128xi32, #tpu.memory_space<vmem>>
        %dma_start3A_173 = arith.constant 0 : i32
        %dma_start3A_174 = arith.constant 0 : i32
        %dma_start3A_175 = tpu.memref_slice %arg5[%dma_start3A_173, %dma_start3A_174] : memref<10240x128xf32, #tpu.memory_space<hbm>> -> memref<10240x128xf32, #tpu.memory_space<hbm>>
        tpu.enqueue_indirect_dma source(%dma_start3A_175 : memref<10240x128xf32, #tpu.memory_space<hbm>>) target(%arg17 : memref<128x128xf32, #tpu.memory_space<vmem>>) offsets(%dma_start3A_172 : memref<128xi32, #tpu.memory_space<vmem>>) semaphore(%arg19 : memref<!tpu.dma_semaphore, #tpu.memory_space<semaphore_mem>>)
        %dma_wait3A_176 = arith.constant 0 : i32
        %dma_wait3A_177 = tpu.memref_slice %arg14[%mul3A_161, %dma_wait3A_176] : memref<40x128xi32, #tpu.memory_space<vmem>> -> memref<1x128xi32, #tpu.memory_space<vmem>>
        %dma_wait3A_178 = tpu.memref_squeeze %dma_wait3A_177 : memref<1x128xi32, #tpu.memory_space<vmem>> -> memref<128xi32, #tpu.memory_space<vmem>>
        %dma_wait3A_179 = arith.constant 0 : i32
        %dma_wait3A_180 = arith.constant 0 : i32
        %dma_wait3A_181 = tpu.memref_slice %arg5[%dma_wait3A_179, %dma_wait3A_180] : memref<10240x128xf32, #tpu.memory_space<hbm>> -> memref<10240x128xf32, #tpu.memory_space<hbm>>
        tpu.wait_indirect_dma semaphore(%arg18 : memref<!tpu.dma_semaphore, #tpu.memory_space<semaphore_mem>>) src(%dma_wait3A_181 : memref<10240x128xf32, #tpu.memory_space<hbm>>) dst(%arg16 : memref<128x128xf32, #tpu.memory_space<vmem>>)
        %dma_start3A_182 = arith.constant 0 : i32
        %dma_start3A_183 = tpu.memref_slice %arg15[%mul3A_161, %dma_start3A_182] : memref<40x128xi32, #tpu.memory_space<vmem>> -> memref<1x128xi32, #tpu.memory_space<vmem>>
        %dma_start3A_184 = tpu.memref_squeeze %dma_start3A_183 : memref<1x128xi32, #tpu.memory_space<vmem>> -> memref<128xi32, #tpu.memory_space<vmem>>
        %dma_start3A_185 = arith.constant 0 : i32
        %dma_start3A_186 = arith.constant 0 : i32
        %dma_start3A_187 = tpu.memref_slice %arg13[%dma_start3A_185, %dma_start3A_186] : memref<10240x128xf32, #tpu.memory_space<vmem_shared>> -> memref<10240x128xf32, #tpu.memory_space<vmem_shared>>
        tpu.enqueue_indirect_dma source(%arg16 : memref<128x128xf32, #tpu.memory_space<vmem>>) target(%dma_start3A_187 : memref<10240x128xf32, #tpu.memory_space<vmem_shared>>) offsets(%dma_start3A_184 : memref<128xi32, #tpu.memory_space<vmem>>) semaphore(%arg20 : memref<!tpu.dma_semaphore, #tpu.memory_space<semaphore_mem>>) {add = true}
        %dma_wait3A_188 = arith.constant 0 : i32
        %dma_wait3A_189 = tpu.memref_slice %arg14[%add3A_169, %dma_wait3A_188] : memref<40x128xi32, #tpu.memory_space<vmem>> -> memref<1x128xi32, #tpu.memory_space<vmem>>
        %dma_wait3A_190 = tpu.memref_squeeze %dma_wait3A_189 : memref<1x128xi32, #tpu.memory_space<vmem>> -> memref<128xi32, #tpu.memory_space<vmem>>
        %dma_wait3A_191 = arith.constant 0 : i32
        %dma_wait3A_192 = arith.constant 0 : i32
        %dma_wait3A_193 = tpu.memref_slice %arg5[%dma_wait3A_191, %dma_wait3A_192] : memref<10240x128xf32, #tpu.memory_space<hbm>> -> memref<10240x128xf32, #tpu.memory_space<hbm>>
        tpu.wait_indirect_dma semaphore(%arg19 : memref<!tpu.dma_semaphore, #tpu.memory_space<semaphore_mem>>) src(%dma_wait3A_193 : memref<10240x128xf32, #tpu.memory_space<hbm>>) dst(%arg17 : memref<128x128xf32, #tpu.memory_space<vmem>>)
        %add3A_194 = arith.constant 1 : i32
        %add3A_195 = arith.addi %mul3A_161, %add3A_194 : i32
        %dma_start3A_196 = arith.constant 0 : i32
        %dma_start3A_197 = tpu.memref_slice %arg15[%add3A_195, %dma_start3A_196] : memref<40x128xi32, #tpu.memory_space<vmem>> -> memref<1x128xi32, #tpu.memory_space<vmem>>
        %dma_start3A_198 = tpu.memref_squeeze %dma_start3A_197 : memref<1x128xi32, #tpu.memory_space<vmem>> -> memref<128xi32, #tpu.memory_space<vmem>>
        %dma_start3A_199 = arith.constant 0 : i32
        %dma_start3A_200 = arith.constant 0 : i32
        %dma_start3A_201 = tpu.memref_slice %arg13[%dma_start3A_199, %dma_start3A_200] : memref<10240x128xf32, #tpu.memory_space<vmem_shared>> -> memref<10240x128xf32, #tpu.memory_space<vmem_shared>>
        tpu.enqueue_indirect_dma source(%arg17 : memref<128x128xf32, #tpu.memory_space<vmem>>) target(%dma_start3A_201 : memref<10240x128xf32, #tpu.memory_space<vmem_shared>>) offsets(%dma_start3A_198 : memref<128xi32, #tpu.memory_space<vmem>>) semaphore(%arg21 : memref<!tpu.dma_semaphore, #tpu.memory_space<semaphore_mem>>) {add = true}
        %dma_wait3A_202 = arith.constant 0 : i32
        %dma_wait3A_203 = arith.constant 0 : i32
        %dma_wait3A_204 = tpu.memref_slice %arg15[%dma_wait3A_202, %dma_wait3A_203] : memref<40x128xi32, #tpu.memory_space<vmem>> -> memref<1x128xi32, #tpu.memory_space<vmem>>
        %dma_wait3A_205 = tpu.memref_squeeze %dma_wait3A_204 : memref<1x128xi32, #tpu.memory_space<vmem>> -> memref<128xi32, #tpu.memory_space<vmem>>
        %dma_wait3A_206 = arith.constant 0 : i32
        %dma_wait3A_207 = arith.constant 0 : i32
        %dma_wait3A_208 = tpu.memref_slice %arg13[%dma_wait3A_206, %dma_wait3A_207] : memref<10240x128xf32, #tpu.memory_space<vmem_shared>> -> memref<10240x128xf32, #tpu.memory_space<vmem_shared>>
        tpu.wait_indirect_dma semaphore(%arg20 : memref<!tpu.dma_semaphore, #tpu.memory_space<semaphore_mem>>) src(%arg16 : memref<128x128xf32, #tpu.memory_space<vmem>>) dst(%dma_wait3A_208 : memref<10240x128xf32, #tpu.memory_space<vmem_shared>>)
        %dma_wait3A_209 = arith.constant 0 : i32
        %dma_wait3A_210 = arith.constant 0 : i32
        %dma_wait3A_211 = tpu.memref_slice %arg15[%dma_wait3A_209, %dma_wait3A_210] : memref<40x128xi32, #tpu.memory_space<vmem>> -> memref<1x128xi32, #tpu.memory_space<vmem>>
        %dma_wait3A_212 = tpu.memref_squeeze %dma_wait3A_211 : memref<1x128xi32, #tpu.memory_space<vmem>> -> memref<128xi32, #tpu.memory_space<vmem>>
        %dma_wait3A_213 = arith.constant 0 : i32
        %dma_wait3A_214 = arith.constant 0 : i32
        %dma_wait3A_215 = tpu.memref_slice %arg13[%dma_wait3A_213, %dma_wait3A_214] : memref<10240x128xf32, #tpu.memory_space<vmem_shared>> -> memref<10240x128xf32, #tpu.memory_space<vmem_shared>>
        tpu.wait_indirect_dma semaphore(%arg21 : memref<!tpu.dma_semaphore, #tpu.memory_space<semaphore_mem>>) src(%arg17 : memref<128x128xf32, #tpu.memory_space<vmem>>) dst(%dma_wait3A_215 : memref<10240x128xf32, #tpu.memory_space<vmem_shared>>)
      }
      %scan3A_148 = arith.constant 20 : i32
      %mul3A_149 = arith.constant 80 : i32
      %mul3A_150 = arith.muli %arg1, %mul3A_149 : i32
      %add3A_151 = arith.constant 40 : i32
      %add3A_152 = arith.addi %mul3A_150, %add3A_151 : i32
      "tpu.region"() ({
        %run_scoped3A = tpu.sem_alloc : memref<!tpu.dma_semaphore, #tpu.memory_space<semaphore_mem>>
        %dma_start3A_159 = arith.constant 0 : i32
        %dma_start3A_160 = tpu.memref_slice %arg6[%add3A_152, %dma_start3A_159] : memref<1280x128xi32, #tpu.memory_space<hbm>> -> memref<40x128xi32, #tpu.memory_space<hbm>>
        %dma_start3A_161 = arith.constant 0 : i32
        %dma_start3A_162 = tpu.memref_slice %arg6[%add3A_152, %dma_start3A_161] : memref<1280x128xi32, #tpu.memory_space<hbm>> -> memref<40x128xi32, #tpu.memory_space<hbm>>
        tpu.enqueue_dma source(%dma_start3A_162 : memref<40x128xi32, #tpu.memory_space<hbm>>) target(%arg14 : memref<40x128xi32, #tpu.memory_space<vmem>>) target_semaphore(%run_scoped3A : memref<!tpu.dma_semaphore, #tpu.memory_space<semaphore_mem>>)
        %dma_wait3A_163 = arith.constant 0 : i32
        %dma_wait3A_164 = tpu.memref_slice %arg6[%add3A_152, %dma_wait3A_163] : memref<1280x128xi32, #tpu.memory_space<hbm>> -> memref<40x128xi32, #tpu.memory_space<hbm>>
        %dma_wait3A_165 = arith.constant 0 : i32
        %dma_wait3A_166 = tpu.memref_slice %arg6[%add3A_152, %dma_wait3A_165] : memref<1280x128xi32, #tpu.memory_space<hbm>> -> memref<40x128xi32, #tpu.memory_space<hbm>>
        tpu.wait_dma2 semaphore(%run_scoped3A : memref<!tpu.dma_semaphore, #tpu.memory_space<semaphore_mem>>) src(%dma_wait3A_166 : memref<40x128xi32, #tpu.memory_space<hbm>>) dst(%arg14 : memref<40x128xi32, #tpu.memory_space<vmem>>)
        tpu.yield
      }) : () -> ()
      "tpu.region"() ({
        %run_scoped3A = tpu.sem_alloc : memref<!tpu.dma_semaphore, #tpu.memory_space<semaphore_mem>>
        %dma_start3A_159 = arith.constant 0 : i32
        %dma_start3A_160 = tpu.memref_slice %arg7[%add3A_152, %dma_start3A_159] : memref<1280x128xi32, #tpu.memory_space<hbm>> -> memref<40x128xi32, #tpu.memory_space<hbm>>
        %dma_start3A_161 = arith.constant 0 : i32
        %dma_start3A_162 = tpu.memref_slice %arg7[%add3A_152, %dma_start3A_161] : memref<1280x128xi32, #tpu.memory_space<hbm>> -> memref<40x128xi32, #tpu.memory_space<hbm>>
        tpu.enqueue_dma source(%dma_start3A_162 : memref<40x128xi32, #tpu.memory_space<hbm>>) target(%arg15 : memref<40x128xi32, #tpu.memory_space<vmem>>) target_semaphore(%run_scoped3A : memref<!tpu.dma_semaphore, #tpu.memory_space<semaphore_mem>>)
        %dma_wait3A_163 = arith.constant 0 : i32
        %dma_wait3A_164 = tpu.memref_slice %arg7[%add3A_152, %dma_wait3A_163] : memref<1280x128xi32, #tpu.memory_space<hbm>> -> memref<40x128xi32, #tpu.memory_space<hbm>>
        %dma_wait3A_165 = arith.constant 0 : i32
        %dma_wait3A_166 = tpu.memref_slice %arg7[%add3A_152, %dma_wait3A_165] : memref<1280x128xi32, #tpu.memory_space<hbm>> -> memref<40x128xi32, #tpu.memory_space<hbm>>
        tpu.wait_dma2 semaphore(%run_scoped3A : memref<!tpu.dma_semaphore, #tpu.memory_space<semaphore_mem>>) src(%dma_wait3A_166 : memref<40x128xi32, #tpu.memory_space<hbm>>) dst(%arg15 : memref<40x128xi32, #tpu.memory_space<vmem>>)
        tpu.yield
      }) : () -> ()
      %scan3A_153 = arith.constant 0 : i32
      %scan3A_154 = arith.constant 0 : i32
      %scan3A_155 = arith.constant 20 : i32
      %scan3A_156 = arith.addi %scan3A_154, %scan3A_155 : i32
      %scan3A_157 = arith.constant 1 : i32
      scf.for %scan3A_159 = %scan3A_154 to %scan3A_156 step %scan3A_157  : i32 {
        %mul3A_160 = arith.constant 2 : i32
        %mul3A_161 = arith.muli %mul3A_160, %scan3A_159 : i32
        %dma_start3A_162 = arith.constant 0 : i32
        %dma_start3A_163 = tpu.memref_slice %arg14[%mul3A_161, %dma_start3A_162] : memref<40x128xi32, #tpu.memory_space<vmem>> -> memref<1x128xi32, #tpu.memory_space<vmem>>
        %dma_start3A_164 = tpu.memref_squeeze %dma_start3A_163 : memref<1x128xi32, #tpu.memory_space<vmem>> -> memref<128xi32, #tpu.memory_space<vmem>>
        %dma_start3A_165 = arith.constant 0 : i32
        %dma_start3A_166 = arith.constant 0 : i32
        %dma_start3A_167 = tpu.memref_slice %arg5[%dma_start3A_165, %dma_start3A_166] : memref<10240x128xf32, #tpu.memory_space<hbm>> -> memref<10240x128xf32, #tpu.memory_space<hbm>>
        tpu.enqueue_indirect_dma source(%dma_start3A_167 : memref<10240x128xf32, #tpu.memory_space<hbm>>) target(%arg16 : memref<128x128xf32, #tpu.memory_space<vmem>>) offsets(%dma_start3A_164 : memref<128xi32, #tpu.memory_space<vmem>>) semaphore(%arg18 : memref<!tpu.dma_semaphore, #tpu.memory_space<semaphore_mem>>)
        %add3A_168 = arith.constant 1 : i32
        %add3A_169 = arith.addi %mul3A_161, %add3A_168 : i32
        %dma_start3A_170 = arith.constant 0 : i32
        %dma_start3A_171 = tpu.memref_slice %arg14[%add3A_169, %dma_start3A_170] : memref<40x128xi32, #tpu.memory_space<vmem>> -> memref<1x128xi32, #tpu.memory_space<vmem>>
        %dma_start3A_172 = tpu.memref_squeeze %dma_start3A_171 : memref<1x128xi32, #tpu.memory_space<vmem>> -> memref<128xi32, #tpu.memory_space<vmem>>
        %dma_start3A_173 = arith.constant 0 : i32
        %dma_start3A_174 = arith.constant 0 : i32
        %dma_start3A_175 = tpu.memref_slice %arg5[%dma_start3A_173, %dma_start3A_174] : memref<10240x128xf32, #tpu.memory_space<hbm>> -> memref<10240x128xf32, #tpu.memory_space<hbm>>
        tpu.enqueue_indirect_dma source(%dma_start3A_175 : memref<10240x128xf32, #tpu.memory_space<hbm>>) target(%arg17 : memref<128x128xf32, #tpu.memory_space<vmem>>) offsets(%dma_start3A_172 : memref<128xi32, #tpu.memory_space<vmem>>) semaphore(%arg19 : memref<!tpu.dma_semaphore, #tpu.memory_space<semaphore_mem>>)
        %dma_wait3A_176 = arith.constant 0 : i32
        %dma_wait3A_177 = tpu.memref_slice %arg14[%mul3A_161, %dma_wait3A_176] : memref<40x128xi32, #tpu.memory_space<vmem>> -> memref<1x128xi32, #tpu.memory_space<vmem>>
        %dma_wait3A_178 = tpu.memref_squeeze %dma_wait3A_177 : memref<1x128xi32, #tpu.memory_space<vmem>> -> memref<128xi32, #tpu.memory_space<vmem>>
        %dma_wait3A_179 = arith.constant 0 : i32
        %dma_wait3A_180 = arith.constant 0 : i32
        %dma_wait3A_181 = tpu.memref_slice %arg5[%dma_wait3A_179, %dma_wait3A_180] : memref<10240x128xf32, #tpu.memory_space<hbm>> -> memref<10240x128xf32, #tpu.memory_space<hbm>>
        tpu.wait_indirect_dma semaphore(%arg18 : memref<!tpu.dma_semaphore, #tpu.memory_space<semaphore_mem>>) src(%dma_wait3A_181 : memref<10240x128xf32, #tpu.memory_space<hbm>>) dst(%arg16 : memref<128x128xf32, #tpu.memory_space<vmem>>)
        %dma_start3A_182 = arith.constant 0 : i32
        %dma_start3A_183 = tpu.memref_slice %arg15[%mul3A_161, %dma_start3A_182] : memref<40x128xi32, #tpu.memory_space<vmem>> -> memref<1x128xi32, #tpu.memory_space<vmem>>
        %dma_start3A_184 = tpu.memref_squeeze %dma_start3A_183 : memref<1x128xi32, #tpu.memory_space<vmem>> -> memref<128xi32, #tpu.memory_space<vmem>>
        %dma_start3A_185 = arith.constant 0 : i32
        %dma_start3A_186 = arith.constant 0 : i32
        %dma_start3A_187 = tpu.memref_slice %arg13[%dma_start3A_185, %dma_start3A_186] : memref<10240x128xf32, #tpu.memory_space<vmem_shared>> -> memref<10240x128xf32, #tpu.memory_space<vmem_shared>>
        tpu.enqueue_indirect_dma source(%arg16 : memref<128x128xf32, #tpu.memory_space<vmem>>) target(%dma_start3A_187 : memref<10240x128xf32, #tpu.memory_space<vmem_shared>>) offsets(%dma_start3A_184 : memref<128xi32, #tpu.memory_space<vmem>>) semaphore(%arg20 : memref<!tpu.dma_semaphore, #tpu.memory_space<semaphore_mem>>) {add = true}
        %dma_wait3A_188 = arith.constant 0 : i32
        %dma_wait3A_189 = tpu.memref_slice %arg14[%add3A_169, %dma_wait3A_188] : memref<40x128xi32, #tpu.memory_space<vmem>> -> memref<1x128xi32, #tpu.memory_space<vmem>>
        %dma_wait3A_190 = tpu.memref_squeeze %dma_wait3A_189 : memref<1x128xi32, #tpu.memory_space<vmem>> -> memref<128xi32, #tpu.memory_space<vmem>>
        %dma_wait3A_191 = arith.constant 0 : i32
        %dma_wait3A_192 = arith.constant 0 : i32
        %dma_wait3A_193 = tpu.memref_slice %arg5[%dma_wait3A_191, %dma_wait3A_192] : memref<10240x128xf32, #tpu.memory_space<hbm>> -> memref<10240x128xf32, #tpu.memory_space<hbm>>
        tpu.wait_indirect_dma semaphore(%arg19 : memref<!tpu.dma_semaphore, #tpu.memory_space<semaphore_mem>>) src(%dma_wait3A_193 : memref<10240x128xf32, #tpu.memory_space<hbm>>) dst(%arg17 : memref<128x128xf32, #tpu.memory_space<vmem>>)
        %add3A_194 = arith.constant 1 : i32
        %add3A_195 = arith.addi %mul3A_161, %add3A_194 : i32
        %dma_start3A_196 = arith.constant 0 : i32
        %dma_start3A_197 = tpu.memref_slice %arg15[%add3A_195, %dma_start3A_196] : memref<40x128xi32, #tpu.memory_space<vmem>> -> memref<1x128xi32, #tpu.memory_space<vmem>>
        %dma_start3A_198 = tpu.memref_squeeze %dma_start3A_197 : memref<1x128xi32, #tpu.memory_space<vmem>> -> memref<128xi32, #tpu.memory_space<vmem>>
        %dma_start3A_199 = arith.constant 0 : i32
        %dma_start3A_200 = arith.constant 0 : i32
        %dma_start3A_201 = tpu.memref_slice %arg13[%dma_start3A_199, %dma_start3A_200] : memref<10240x128xf32, #tpu.memory_space<vmem_shared>> -> memref<10240x128xf32, #tpu.memory_space<vmem_shared>>
        tpu.enqueue_indirect_dma source(%arg17 : memref<128x128xf32, #tpu.memory_space<vmem>>) target(%dma_start3A_201 : memref<10240x128xf32, #tpu.memory_space<vmem_shared>>) offsets(%dma_start3A_198 : memref<128xi32, #tpu.memory_space<vmem>>) semaphore(%arg21 : memref<!tpu.dma_semaphore, #tpu.memory_space<semaphore_mem>>) {add = true}
        %dma_wait3A_202 = arith.constant 0 : i32
        %dma_wait3A_203 = arith.constant 0 : i32
        %dma_wait3A_204 = tpu.memref_slice %arg15[%dma_wait3A_202, %dma_wait3A_203] : memref<40x128xi32, #tpu.memory_space<vmem>> -> memref<1x128xi32, #tpu.memory_space<vmem>>
        %dma_wait3A_205 = tpu.memref_squeeze %dma_wait3A_204 : memref<1x128xi32, #tpu.memory_space<vmem>> -> memref<128xi32, #tpu.memory_space<vmem>>
        %dma_wait3A_206 = arith.constant 0 : i32
        %dma_wait3A_207 = arith.constant 0 : i32
        %dma_wait3A_208 = tpu.memref_slice %arg13[%dma_wait3A_206, %dma_wait3A_207] : memref<10240x128xf32, #tpu.memory_space<vmem_shared>> -> memref<10240x128xf32, #tpu.memory_space<vmem_shared>>
        tpu.wait_indirect_dma semaphore(%arg20 : memref<!tpu.dma_semaphore, #tpu.memory_space<semaphore_mem>>) src(%arg16 : memref<128x128xf32, #tpu.memory_space<vmem>>) dst(%dma_wait3A_208 : memref<10240x128xf32, #tpu.memory_space<vmem_shared>>)
        %dma_wait3A_209 = arith.constant 0 : i32
        %dma_wait3A_210 = arith.constant 0 : i32
        %dma_wait3A_211 = tpu.memref_slice %arg15[%dma_wait3A_209, %dma_wait3A_210] : memref<40x128xi32, #tpu.memory_space<vmem>> -> memref<1x128xi32, #tpu.memory_space<vmem>>
        %dma_wait3A_212 = tpu.memref_squeeze %dma_wait3A_211 : memref<1x128xi32, #tpu.memory_space<vmem>> -> memref<128xi32, #tpu.memory_space<vmem>>
        %dma_wait3A_213 = arith.constant 0 : i32
        %dma_wait3A_214 = arith.constant 0 : i32
        %dma_wait3A_215 = tpu.memref_slice %arg13[%dma_wait3A_213, %dma_wait3A_214] : memref<10240x128xf32, #tpu.memory_space<vmem_shared>> -> memref<10240x128xf32, #tpu.memory_space<vmem_shared>>
        tpu.wait_indirect_dma semaphore(%arg21 : memref<!tpu.dma_semaphore, #tpu.memory_space<semaphore_mem>>) src(%arg17 : memref<128x128xf32, #tpu.memory_space<vmem>>) dst(%dma_wait3A_215 : memref<10240x128xf32, #tpu.memory_space<vmem_shared>>)
      }
      %scan3A_158 = arith.constant 20 : i32
    } else {
    }
    %barrier3A_128 = arith.constant 0 : index
    tpu.barrier barrier_id(%barrier3A_128)
    %eq3A_129 = arith.constant 0 : i32
    %eq3A_130 = arith.cmpi eq, %arg0, %eq3A_129 : i32
    %convert_element_type3A_131 = arith.extui %eq3A_130 : i1 to i32
    %cond3A_132 = arith.constant 0 : i32
    %cond3A_133 = arith.cmpi ne, %convert_element_type3A_131, %cond3A_132 : i32
    scf.if %cond3A_133 {
      %add3A_140 = arith.constant 0 : i32
      %add3A_141 = arith.addi %mul3A_0, %add3A_140 : i32
      "tpu.region"() ({
        %run_scoped3A = tpu.sem_alloc : memref<!tpu.dma_semaphore, #tpu.memory_space<semaphore_mem>>
        %dma_start3A_200 = arith.constant 0 : i32
        %dma_start3A_201 = tpu.memref_slice %arg13[%add3A_141, %dma_start3A_200] : memref<10240x128xf32, #tpu.memory_space<vmem_shared>> -> memref<128x128xf32, #tpu.memory_space<vmem_shared>>
        %dma_start3A_202 = arith.constant 0 : i32
        %dma_start3A_203 = tpu.memref_slice %arg13[%add3A_141, %dma_start3A_202] : memref<10240x128xf32, #tpu.memory_space<vmem_shared>> -> memref<128x128xf32, #tpu.memory_space<vmem_shared>>
        tpu.enqueue_dma source(%dma_start3A_203 : memref<128x128xf32, #tpu.memory_space<vmem_shared>>) target(%arg16 : memref<128x128xf32, #tpu.memory_space<vmem>>) target_semaphore(%run_scoped3A : memref<!tpu.dma_semaphore, #tpu.memory_space<semaphore_mem>>)
        %dma_wait3A_204 = arith.constant 0 : i32
        %dma_wait3A_205 = tpu.memref_slice %arg13[%add3A_141, %dma_wait3A_204] : memref<10240x128xf32, #tpu.memory_space<vmem_shared>> -> memref<128x128xf32, #tpu.memory_space<vmem_shared>>
        %dma_wait3A_206 = arith.constant 0 : i32
        %dma_wait3A_207 = tpu.memref_slice %arg13[%add3A_141, %dma_wait3A_206] : memref<10240x128xf32, #tpu.memory_space<vmem_shared>> -> memref<128x128xf32, #tpu.memory_space<vmem_shared>>
        tpu.wait_dma2 semaphore(%run_scoped3A : memref<!tpu.dma_semaphore, #tpu.memory_space<semaphore_mem>>) src(%dma_wait3A_207 : memref<128x128xf32, #tpu.memory_space<vmem_shared>>) dst(%arg16 : memref<128x128xf32, #tpu.memory_space<vmem>>)
        tpu.yield
      }) : () -> ()
      %add3A_142 = arith.constant 0 : i32
      %add3A_143 = arith.addi %mul3A_0, %add3A_142 : i32
      %dma_start3A_144 = arith.constant 0 : i32
      %dma_start3A_145 = tpu.memref_slice %arg10[%add3A_143, %dma_start3A_144] : memref<10240x128xf32, #tpu.memory_space<hbm>> -> memref<128x128xf32, #tpu.memory_space<hbm>>
      %dma_start3A_146 = arith.constant 0 : i32
      %dma_start3A_147 = tpu.memref_slice %arg10[%add3A_143, %dma_start3A_146] : memref<10240x128xf32, #tpu.memory_space<hbm>> -> memref<128x128xf32, #tpu.memory_space<hbm>>
      tpu.enqueue_dma source(%arg16 : memref<128x128xf32, #tpu.memory_space<vmem>>) target(%dma_start3A_147 : memref<128x128xf32, #tpu.memory_space<hbm>>) target_semaphore(%arg18 : memref<!tpu.dma_semaphore, #tpu.memory_space<semaphore_mem>>)
      %add3A_148 = arith.constant 128 : i32
      %add3A_149 = arith.addi %mul3A_0, %add3A_148 : i32
      "tpu.region"() ({
        %run_scoped3A = tpu.sem_alloc : memref<!tpu.dma_semaphore, #tpu.memory_space<semaphore_mem>>
        %dma_start3A_200 = arith.constant 0 : i32
        %dma_start3A_201 = tpu.memref_slice %arg13[%add3A_149, %dma_start3A_200] : memref<10240x128xf32, #tpu.memory_space<vmem_shared>> -> memref<128x128xf32, #tpu.memory_space<vmem_shared>>
        %dma_start3A_202 = arith.constant 0 : i32
        %dma_start3A_203 = tpu.memref_slice %arg13[%add3A_149, %dma_start3A_202] : memref<10240x128xf32, #tpu.memory_space<vmem_shared>> -> memref<128x128xf32, #tpu.memory_space<vmem_shared>>
        tpu.enqueue_dma source(%dma_start3A_203 : memref<128x128xf32, #tpu.memory_space<vmem_shared>>) target(%arg17 : memref<128x128xf32, #tpu.memory_space<vmem>>) target_semaphore(%run_scoped3A : memref<!tpu.dma_semaphore, #tpu.memory_space<semaphore_mem>>)
        %dma_wait3A_204 = arith.constant 0 : i32
        %dma_wait3A_205 = tpu.memref_slice %arg13[%add3A_149, %dma_wait3A_204] : memref<10240x128xf32, #tpu.memory_space<vmem_shared>> -> memref<128x128xf32, #tpu.memory_space<vmem_shared>>
        %dma_wait3A_206 = arith.constant 0 : i32
        %dma_wait3A_207 = tpu.memref_slice %arg13[%add3A_149, %dma_wait3A_206] : memref<10240x128xf32, #tpu.memory_space<vmem_shared>> -> memref<128x128xf32, #tpu.memory_space<vmem_shared>>
        tpu.wait_dma2 semaphore(%run_scoped3A : memref<!tpu.dma_semaphore, #tpu.memory_space<semaphore_mem>>) src(%dma_wait3A_207 : memref<128x128xf32, #tpu.memory_space<vmem_shared>>) dst(%arg17 : memref<128x128xf32, #tpu.memory_space<vmem>>)
        tpu.yield
      }) : () -> ()
      %add3A_150 = arith.constant 128 : i32
      %add3A_151 = arith.addi %mul3A_0, %add3A_150 : i32
      %dma_start3A_152 = arith.constant 0 : i32
      %dma_start3A_153 = tpu.memref_slice %arg10[%add3A_151, %dma_start3A_152] : memref<10240x128xf32, #tpu.memory_space<hbm>> -> memref<128x128xf32, #tpu.memory_space<hbm>>
      %dma_start3A_154 = arith.constant 0 : i32
      %dma_start3A_155 = tpu.memref_slice %arg10[%add3A_151, %dma_start3A_154] : memref<10240x128xf32, #tpu.memory_space<hbm>> -> memref<128x128xf32, #tpu.memory_space<hbm>>
      tpu.enqueue_dma source(%arg17 : memref<128x128xf32, #tpu.memory_space<vmem>>) target(%dma_start3A_155 : memref<128x128xf32, #tpu.memory_space<hbm>>) target_semaphore(%arg19 : memref<!tpu.dma_semaphore, #tpu.memory_space<semaphore_mem>>)
      %dma_wait3A_156 = arith.constant 0 : i32
      %dma_wait3A_157 = tpu.memref_slice %arg10[%add3A_143, %dma_wait3A_156] : memref<10240x128xf32, #tpu.memory_space<hbm>> -> memref<128x128xf32, #tpu.memory_space<hbm>>
      %dma_wait3A_158 = arith.constant 0 : i32
      %dma_wait3A_159 = tpu.memref_slice %arg10[%add3A_143, %dma_wait3A_158] : memref<10240x128xf32, #tpu.memory_space<hbm>> -> memref<128x128xf32, #tpu.memory_space<hbm>>
      tpu.wait_dma2 semaphore(%arg18 : memref<!tpu.dma_semaphore, #tpu.memory_space<semaphore_mem>>) src(%arg16 : memref<128x128xf32, #tpu.memory_space<vmem>>) dst(%dma_wait3A_159 : memref<128x128xf32, #tpu.memory_space<hbm>>)
      %add3A_160 = arith.constant 256 : i32
      %add3A_161 = arith.addi %mul3A_0, %add3A_160 : i32
      "tpu.region"() ({
        %run_scoped3A = tpu.sem_alloc : memref<!tpu.dma_semaphore, #tpu.memory_space<semaphore_mem>>
        %dma_start3A_200 = arith.constant 0 : i32
        %dma_start3A_201 = tpu.memref_slice %arg13[%add3A_161, %dma_start3A_200] : memref<10240x128xf32, #tpu.memory_space<vmem_shared>> -> memref<128x128xf32, #tpu.memory_space<vmem_shared>>
        %dma_start3A_202 = arith.constant 0 : i32
        %dma_start3A_203 = tpu.memref_slice %arg13[%add3A_161, %dma_start3A_202] : memref<10240x128xf32, #tpu.memory_space<vmem_shared>> -> memref<128x128xf32, #tpu.memory_space<vmem_shared>>
        tpu.enqueue_dma source(%dma_start3A_203 : memref<128x128xf32, #tpu.memory_space<vmem_shared>>) target(%arg16 : memref<128x128xf32, #tpu.memory_space<vmem>>) target_semaphore(%run_scoped3A : memref<!tpu.dma_semaphore, #tpu.memory_space<semaphore_mem>>)
        %dma_wait3A_204 = arith.constant 0 : i32
        %dma_wait3A_205 = tpu.memref_slice %arg13[%add3A_161, %dma_wait3A_204] : memref<10240x128xf32, #tpu.memory_space<vmem_shared>> -> memref<128x128xf32, #tpu.memory_space<vmem_shared>>
        %dma_wait3A_206 = arith.constant 0 : i32
        %dma_wait3A_207 = tpu.memref_slice %arg13[%add3A_161, %dma_wait3A_206] : memref<10240x128xf32, #tpu.memory_space<vmem_shared>> -> memref<128x128xf32, #tpu.memory_space<vmem_shared>>
        tpu.wait_dma2 semaphore(%run_scoped3A : memref<!tpu.dma_semaphore, #tpu.memory_space<semaphore_mem>>) src(%dma_wait3A_207 : memref<128x128xf32, #tpu.memory_space<vmem_shared>>) dst(%arg16 : memref<128x128xf32, #tpu.memory_space<vmem>>)
        tpu.yield
      }) : () -> ()
      %add3A_162 = arith.constant 256 : i32
      %add3A_163 = arith.addi %mul3A_0, %add3A_162 : i32
      %dma_start3A_164 = arith.constant 0 : i32
      %dma_start3A_165 = tpu.memref_slice %arg10[%add3A_163, %dma_start3A_164] : memref<10240x128xf32, #tpu.memory_space<hbm>> -> memref<128x128xf32, #tpu.memory_space<hbm>>
      %dma_start3A_166 = arith.constant 0 : i32
      %dma_start3A_167 = tpu.memref_slice %arg10[%add3A_163, %dma_start3A_166] : memref<10240x128xf32, #tpu.memory_space<hbm>> -> memref<128x128xf32, #tpu.memory_space<hbm>>
      tpu.enqueue_dma source(%arg16 : memref<128x128xf32, #tpu.memory_space<vmem>>) target(%dma_start3A_167 : memref<128x128xf32, #tpu.memory_space<hbm>>) target_semaphore(%arg18 : memref<!tpu.dma_semaphore, #tpu.memory_space<semaphore_mem>>)
      %dma_wait3A_168 = arith.constant 0 : i32
      %dma_wait3A_169 = tpu.memref_slice %arg10[%add3A_151, %dma_wait3A_168] : memref<10240x128xf32, #tpu.memory_space<hbm>> -> memref<128x128xf32, #tpu.memory_space<hbm>>
      %dma_wait3A_170 = arith.constant 0 : i32
      %dma_wait3A_171 = tpu.memref_slice %arg10[%add3A_151, %dma_wait3A_170] : memref<10240x128xf32, #tpu.memory_space<hbm>> -> memref<128x128xf32, #tpu.memory_space<hbm>>
      tpu.wait_dma2 semaphore(%arg19 : memref<!tpu.dma_semaphore, #tpu.memory_space<semaphore_mem>>) src(%arg17 : memref<128x128xf32, #tpu.memory_space<vmem>>) dst(%dma_wait3A_171 : memref<128x128xf32, #tpu.memory_space<hbm>>)
      %add3A_172 = arith.constant 384 : i32
      %add3A_173 = arith.addi %mul3A_0, %add3A_172 : i32
      "tpu.region"() ({
        %run_scoped3A = tpu.sem_alloc : memref<!tpu.dma_semaphore, #tpu.memory_space<semaphore_mem>>
        %dma_start3A_200 = arith.constant 0 : i32
        %dma_start3A_201 = tpu.memref_slice %arg13[%add3A_173, %dma_start3A_200] : memref<10240x128xf32, #tpu.memory_space<vmem_shared>> -> memref<128x128xf32, #tpu.memory_space<vmem_shared>>
        %dma_start3A_202 = arith.constant 0 : i32
        %dma_start3A_203 = tpu.memref_slice %arg13[%add3A_173, %dma_start3A_202] : memref<10240x128xf32, #tpu.memory_space<vmem_shared>> -> memref<128x128xf32, #tpu.memory_space<vmem_shared>>
        tpu.enqueue_dma source(%dma_start3A_203 : memref<128x128xf32, #tpu.memory_space<vmem_shared>>) target(%arg17 : memref<128x128xf32, #tpu.memory_space<vmem>>) target_semaphore(%run_scoped3A : memref<!tpu.dma_semaphore, #tpu.memory_space<semaphore_mem>>)
        %dma_wait3A_204 = arith.constant 0 : i32
        %dma_wait3A_205 = tpu.memref_slice %arg13[%add3A_173, %dma_wait3A_204] : memref<10240x128xf32, #tpu.memory_space<vmem_shared>> -> memref<128x128xf32, #tpu.memory_space<vmem_shared>>
        %dma_wait3A_206 = arith.constant 0 : i32
        %dma_wait3A_207 = tpu.memref_slice %arg13[%add3A_173, %dma_wait3A_206] : memref<10240x128xf32, #tpu.memory_space<vmem_shared>> -> memref<128x128xf32, #tpu.memory_space<vmem_shared>>
        tpu.wait_dma2 semaphore(%run_scoped3A : memref<!tpu.dma_semaphore, #tpu.memory_space<semaphore_mem>>) src(%dma_wait3A_207 : memref<128x128xf32, #tpu.memory_space<vmem_shared>>) dst(%arg17 : memref<128x128xf32, #tpu.memory_space<vmem>>)
        tpu.yield
      }) : () -> ()
      %add3A_174 = arith.constant 384 : i32
      %add3A_175 = arith.addi %mul3A_0, %add3A_174 : i32
      %dma_start3A_176 = arith.constant 0 : i32
      %dma_start3A_177 = tpu.memref_slice %arg10[%add3A_175, %dma_start3A_176] : memref<10240x128xf32, #tpu.memory_space<hbm>> -> memref<128x128xf32, #tpu.memory_space<hbm>>
      %dma_start3A_178 = arith.constant 0 : i32
      %dma_start3A_179 = tpu.memref_slice %arg10[%add3A_175, %dma_start3A_178] : memref<10240x128xf32, #tpu.memory_space<hbm>> -> memref<128x128xf32, #tpu.memory_space<hbm>>
      tpu.enqueue_dma source(%arg17 : memref<128x128xf32, #tpu.memory_space<vmem>>) target(%dma_start3A_179 : memref<128x128xf32, #tpu.memory_space<hbm>>) target_semaphore(%arg19 : memref<!tpu.dma_semaphore, #tpu.memory_space<semaphore_mem>>)
      %dma_wait3A_180 = arith.constant 0 : i32
      %dma_wait3A_181 = tpu.memref_slice %arg10[%add3A_163, %dma_wait3A_180] : memref<10240x128xf32, #tpu.memory_space<hbm>> -> memref<128x128xf32, #tpu.memory_space<hbm>>
      %dma_wait3A_182 = arith.constant 0 : i32
      %dma_wait3A_183 = tpu.memref_slice %arg10[%add3A_163, %dma_wait3A_182] : memref<10240x128xf32, #tpu.memory_space<hbm>> -> memref<128x128xf32, #tpu.memory_space<hbm>>
      tpu.wait_dma2 semaphore(%arg18 : memref<!tpu.dma_semaphore, #tpu.memory_space<semaphore_mem>>) src(%arg16 : memref<128x128xf32, #tpu.memory_space<vmem>>) dst(%dma_wait3A_183 : memref<128x128xf32, #tpu.memory_space<hbm>>)
      %add3A_184 = arith.constant 512 : i32
      %add3A_185 = arith.addi %mul3A_0, %add3A_184 : i32
      "tpu.region"() ({
        %run_scoped3A = tpu.sem_alloc : memref<!tpu.dma_semaphore, #tpu.memory_space<semaphore_mem>>
        %dma_start3A_200 = arith.constant 0 : i32
        %dma_start3A_201 = tpu.memref_slice %arg13[%add3A_185, %dma_start3A_200] : memref<10240x128xf32, #tpu.memory_space<vmem_shared>> -> memref<128x128xf32, #tpu.memory_space<vmem_shared>>
        %dma_start3A_202 = arith.constant 0 : i32
        %dma_start3A_203 = tpu.memref_slice %arg13[%add3A_185, %dma_start3A_202] : memref<10240x128xf32, #tpu.memory_space<vmem_shared>> -> memref<128x128xf32, #tpu.memory_space<vmem_shared>>
        tpu.enqueue_dma source(%dma_start3A_203 : memref<128x128xf32, #tpu.memory_space<vmem_shared>>) target(%arg16 : memref<128x128xf32, #tpu.memory_space<vmem>>) target_semaphore(%run_scoped3A : memref<!tpu.dma_semaphore, #tpu.memory_space<semaphore_mem>>)
        %dma_wait3A_204 = arith.constant 0 : i32
        %dma_wait3A_205 = tpu.memref_slice %arg13[%add3A_185, %dma_wait3A_204] : memref<10240x128xf32, #tpu.memory_space<vmem_shared>> -> memref<128x128xf32, #tpu.memory_space<vmem_shared>>
        %dma_wait3A_206 = arith.constant 0 : i32
        %dma_wait3A_207 = tpu.memref_slice %arg13[%add3A_185, %dma_wait3A_206] : memref<10240x128xf32, #tpu.memory_space<vmem_shared>> -> memref<128x128xf32, #tpu.memory_space<vmem_shared>>
        tpu.wait_dma2 semaphore(%run_scoped3A : memref<!tpu.dma_semaphore, #tpu.memory_space<semaphore_mem>>) src(%dma_wait3A_207 : memref<128x128xf32, #tpu.memory_space<vmem_shared>>) dst(%arg16 : memref<128x128xf32, #tpu.memory_space<vmem>>)
        tpu.yield
      }) : () -> ()
      %add3A_186 = arith.constant 512 : i32
      %add3A_187 = arith.addi %mul3A_0, %add3A_186 : i32
      %dma_start3A_188 = arith.constant 0 : i32
      %dma_start3A_189 = tpu.memref_slice %arg10[%add3A_187, %dma_start3A_188] : memref<10240x128xf32, #tpu.memory_space<hbm>> -> memref<128x128xf32, #tpu.memory_space<hbm>>
      %dma_start3A_190 = arith.constant 0 : i32
      %dma_start3A_191 = tpu.memref_slice %arg10[%add3A_187, %dma_start3A_190] : memref<10240x128xf32, #tpu.memory_space<hbm>> -> memref<128x128xf32, #tpu.memory_space<hbm>>
      tpu.enqueue_dma source(%arg16 : memref<128x128xf32, #tpu.memory_space<vmem>>) target(%dma_start3A_191 : memref<128x128xf32, #tpu.memory_space<hbm>>) target_semaphore(%arg18 : memref<!tpu.dma_semaphore, #tpu.memory_space<semaphore_mem>>)
      %dma_wait3A_192 = arith.constant 0 : i32
      %dma_wait3A_193 = tpu.memref_slice %arg10[%add3A_187, %dma_wait3A_192] : memref<10240x128xf32, #tpu.memory_space<hbm>> -> memref<128x128xf32, #tpu.memory_space<hbm>>
      %dma_wait3A_194 = arith.constant 0 : i32
      %dma_wait3A_195 = tpu.memref_slice %arg10[%add3A_187, %dma_wait3A_194] : memref<10240x128xf32, #tpu.memory_space<hbm>> -> memref<128x128xf32, #tpu.memory_space<hbm>>
      tpu.wait_dma2 semaphore(%arg18 : memref<!tpu.dma_semaphore, #tpu.memory_space<semaphore_mem>>) src(%arg16 : memref<128x128xf32, #tpu.memory_space<vmem>>) dst(%dma_wait3A_195 : memref<128x128xf32, #tpu.memory_space<hbm>>)
      %dma_wait3A_196 = arith.constant 0 : i32
      %dma_wait3A_197 = tpu.memref_slice %arg10[%add3A_175, %dma_wait3A_196] : memref<10240x128xf32, #tpu.memory_space<hbm>> -> memref<128x128xf32, #tpu.memory_space<hbm>>
      %dma_wait3A_198 = arith.constant 0 : i32
      %dma_wait3A_199 = tpu.memref_slice %arg10[%add3A_175, %dma_wait3A_198] : memref<10240x128xf32, #tpu.memory_space<hbm>> -> memref<128x128xf32, #tpu.memory_space<hbm>>
      tpu.wait_dma2 semaphore(%arg19 : memref<!tpu.dma_semaphore, #tpu.memory_space<semaphore_mem>>) src(%arg17 : memref<128x128xf32, #tpu.memory_space<vmem>>) dst(%dma_wait3A_199 : memref<128x128xf32, #tpu.memory_space<hbm>>)
    } else {
    }
    %eq3A_134 = arith.constant 1 : i32
    %eq3A_135 = arith.cmpi eq, %arg0, %eq3A_134 : i32
    %convert_element_type3A_136 = arith.extui %eq3A_135 : i1 to i32
    %cond3A_137 = arith.constant 0 : i32
    %cond3A_138 = arith.cmpi ne, %convert_element_type3A_136, %cond3A_137 : i32
    scf.if %cond3A_138 {
      %add3A_140 = arith.constant 0 : i32
      %add3A_141 = arith.addi %mul3A_0, %add3A_140 : i32
      "tpu.region"() ({
        %run_scoped3A = tpu.sem_alloc : memref<!tpu.dma_semaphore, #tpu.memory_space<semaphore_mem>>
        %dma_start3A_200 = arith.constant 0 : i32
        %dma_start3A_201 = tpu.memref_slice %arg13[%add3A_141, %dma_start3A_200] : memref<10240x128xf32, #tpu.memory_space<vmem_shared>> -> memref<128x128xf32, #tpu.memory_space<vmem_shared>>
        %dma_start3A_202 = arith.constant 0 : i32
        %dma_start3A_203 = tpu.memref_slice %arg13[%add3A_141, %dma_start3A_202] : memref<10240x128xf32, #tpu.memory_space<vmem_shared>> -> memref<128x128xf32, #tpu.memory_space<vmem_shared>>
        tpu.enqueue_dma source(%dma_start3A_203 : memref<128x128xf32, #tpu.memory_space<vmem_shared>>) target(%arg16 : memref<128x128xf32, #tpu.memory_space<vmem>>) target_semaphore(%run_scoped3A : memref<!tpu.dma_semaphore, #tpu.memory_space<semaphore_mem>>)
        %dma_wait3A_204 = arith.constant 0 : i32
        %dma_wait3A_205 = tpu.memref_slice %arg13[%add3A_141, %dma_wait3A_204] : memref<10240x128xf32, #tpu.memory_space<vmem_shared>> -> memref<128x128xf32, #tpu.memory_space<vmem_shared>>
        %dma_wait3A_206 = arith.constant 0 : i32
        %dma_wait3A_207 = tpu.memref_slice %arg13[%add3A_141, %dma_wait3A_206] : memref<10240x128xf32, #tpu.memory_space<vmem_shared>> -> memref<128x128xf32, #tpu.memory_space<vmem_shared>>
        tpu.wait_dma2 semaphore(%run_scoped3A : memref<!tpu.dma_semaphore, #tpu.memory_space<semaphore_mem>>) src(%dma_wait3A_207 : memref<128x128xf32, #tpu.memory_space<vmem_shared>>) dst(%arg16 : memref<128x128xf32, #tpu.memory_space<vmem>>)
        tpu.yield
      }) : () -> ()
      %add3A_142 = arith.constant 0 : i32
      %add3A_143 = arith.addi %mul3A_0, %add3A_142 : i32
      %dma_start3A_144 = arith.constant 0 : i32
      %dma_start3A_145 = tpu.memref_slice %arg12[%add3A_143, %dma_start3A_144] : memref<10240x128xf32, #tpu.memory_space<hbm>> -> memref<128x128xf32, #tpu.memory_space<hbm>>
      %dma_start3A_146 = arith.constant 0 : i32
      %dma_start3A_147 = tpu.memref_slice %arg12[%add3A_143, %dma_start3A_146] : memref<10240x128xf32, #tpu.memory_space<hbm>> -> memref<128x128xf32, #tpu.memory_space<hbm>>
      tpu.enqueue_dma source(%arg16 : memref<128x128xf32, #tpu.memory_space<vmem>>) target(%dma_start3A_147 : memref<128x128xf32, #tpu.memory_space<hbm>>) target_semaphore(%arg18 : memref<!tpu.dma_semaphore, #tpu.memory_space<semaphore_mem>>)
      %add3A_148 = arith.constant 128 : i32
      %add3A_149 = arith.addi %mul3A_0, %add3A_148 : i32
      "tpu.region"() ({
        %run_scoped3A = tpu.sem_alloc : memref<!tpu.dma_semaphore, #tpu.memory_space<semaphore_mem>>
        %dma_start3A_200 = arith.constant 0 : i32
        %dma_start3A_201 = tpu.memref_slice %arg13[%add3A_149, %dma_start3A_200] : memref<10240x128xf32, #tpu.memory_space<vmem_shared>> -> memref<128x128xf32, #tpu.memory_space<vmem_shared>>
        %dma_start3A_202 = arith.constant 0 : i32
        %dma_start3A_203 = tpu.memref_slice %arg13[%add3A_149, %dma_start3A_202] : memref<10240x128xf32, #tpu.memory_space<vmem_shared>> -> memref<128x128xf32, #tpu.memory_space<vmem_shared>>
        tpu.enqueue_dma source(%dma_start3A_203 : memref<128x128xf32, #tpu.memory_space<vmem_shared>>) target(%arg17 : memref<128x128xf32, #tpu.memory_space<vmem>>) target_semaphore(%run_scoped3A : memref<!tpu.dma_semaphore, #tpu.memory_space<semaphore_mem>>)
        %dma_wait3A_204 = arith.constant 0 : i32
        %dma_wait3A_205 = tpu.memref_slice %arg13[%add3A_149, %dma_wait3A_204] : memref<10240x128xf32, #tpu.memory_space<vmem_shared>> -> memref<128x128xf32, #tpu.memory_space<vmem_shared>>
        %dma_wait3A_206 = arith.constant 0 : i32
        %dma_wait3A_207 = tpu.memref_slice %arg13[%add3A_149, %dma_wait3A_206] : memref<10240x128xf32, #tpu.memory_space<vmem_shared>> -> memref<128x128xf32, #tpu.memory_space<vmem_shared>>
        tpu.wait_dma2 semaphore(%run_scoped3A : memref<!tpu.dma_semaphore, #tpu.memory_space<semaphore_mem>>) src(%dma_wait3A_207 : memref<128x128xf32, #tpu.memory_space<vmem_shared>>) dst(%arg17 : memref<128x128xf32, #tpu.memory_space<vmem>>)
        tpu.yield
      }) : () -> ()
      %add3A_150 = arith.constant 128 : i32
      %add3A_151 = arith.addi %mul3A_0, %add3A_150 : i32
      %dma_start3A_152 = arith.constant 0 : i32
      %dma_start3A_153 = tpu.memref_slice %arg12[%add3A_151, %dma_start3A_152] : memref<10240x128xf32, #tpu.memory_space<hbm>> -> memref<128x128xf32, #tpu.memory_space<hbm>>
      %dma_start3A_154 = arith.constant 0 : i32
      %dma_start3A_155 = tpu.memref_slice %arg12[%add3A_151, %dma_start3A_154] : memref<10240x128xf32, #tpu.memory_space<hbm>> -> memref<128x128xf32, #tpu.memory_space<hbm>>
      tpu.enqueue_dma source(%arg17 : memref<128x128xf32, #tpu.memory_space<vmem>>) target(%dma_start3A_155 : memref<128x128xf32, #tpu.memory_space<hbm>>) target_semaphore(%arg19 : memref<!tpu.dma_semaphore, #tpu.memory_space<semaphore_mem>>)
      %dma_wait3A_156 = arith.constant 0 : i32
      %dma_wait3A_157 = tpu.memref_slice %arg12[%add3A_143, %dma_wait3A_156] : memref<10240x128xf32, #tpu.memory_space<hbm>> -> memref<128x128xf32, #tpu.memory_space<hbm>>
      %dma_wait3A_158 = arith.constant 0 : i32
      %dma_wait3A_159 = tpu.memref_slice %arg12[%add3A_143, %dma_wait3A_158] : memref<10240x128xf32, #tpu.memory_space<hbm>> -> memref<128x128xf32, #tpu.memory_space<hbm>>
      tpu.wait_dma2 semaphore(%arg18 : memref<!tpu.dma_semaphore, #tpu.memory_space<semaphore_mem>>) src(%arg16 : memref<128x128xf32, #tpu.memory_space<vmem>>) dst(%dma_wait3A_159 : memref<128x128xf32, #tpu.memory_space<hbm>>)
      %add3A_160 = arith.constant 256 : i32
      %add3A_161 = arith.addi %mul3A_0, %add3A_160 : i32
      "tpu.region"() ({
        %run_scoped3A = tpu.sem_alloc : memref<!tpu.dma_semaphore, #tpu.memory_space<semaphore_mem>>
        %dma_start3A_200 = arith.constant 0 : i32
        %dma_start3A_201 = tpu.memref_slice %arg13[%add3A_161, %dma_start3A_200] : memref<10240x128xf32, #tpu.memory_space<vmem_shared>> -> memref<128x128xf32, #tpu.memory_space<vmem_shared>>
        %dma_start3A_202 = arith.constant 0 : i32
        %dma_start3A_203 = tpu.memref_slice %arg13[%add3A_161, %dma_start3A_202] : memref<10240x128xf32, #tpu.memory_space<vmem_shared>> -> memref<128x128xf32, #tpu.memory_space<vmem_shared>>
        tpu.enqueue_dma source(%dma_start3A_203 : memref<128x128xf32, #tpu.memory_space<vmem_shared>>) target(%arg16 : memref<128x128xf32, #tpu.memory_space<vmem>>) target_semaphore(%run_scoped3A : memref<!tpu.dma_semaphore, #tpu.memory_space<semaphore_mem>>)
        %dma_wait3A_204 = arith.constant 0 : i32
        %dma_wait3A_205 = tpu.memref_slice %arg13[%add3A_161, %dma_wait3A_204] : memref<10240x128xf32, #tpu.memory_space<vmem_shared>> -> memref<128x128xf32, #tpu.memory_space<vmem_shared>>
        %dma_wait3A_206 = arith.constant 0 : i32
        %dma_wait3A_207 = tpu.memref_slice %arg13[%add3A_161, %dma_wait3A_206] : memref<10240x128xf32, #tpu.memory_space<vmem_shared>> -> memref<128x128xf32, #tpu.memory_space<vmem_shared>>
        tpu.wait_dma2 semaphore(%run_scoped3A : memref<!tpu.dma_semaphore, #tpu.memory_space<semaphore_mem>>) src(%dma_wait3A_207 : memref<128x128xf32, #tpu.memory_space<vmem_shared>>) dst(%arg16 : memref<128x128xf32, #tpu.memory_space<vmem>>)
        tpu.yield
      }) : () -> ()
      %add3A_162 = arith.constant 256 : i32
      %add3A_163 = arith.addi %mul3A_0, %add3A_162 : i32
      %dma_start3A_164 = arith.constant 0 : i32
      %dma_start3A_165 = tpu.memref_slice %arg12[%add3A_163, %dma_start3A_164] : memref<10240x128xf32, #tpu.memory_space<hbm>> -> memref<128x128xf32, #tpu.memory_space<hbm>>
      %dma_start3A_166 = arith.constant 0 : i32
      %dma_start3A_167 = tpu.memref_slice %arg12[%add3A_163, %dma_start3A_166] : memref<10240x128xf32, #tpu.memory_space<hbm>> -> memref<128x128xf32, #tpu.memory_space<hbm>>
      tpu.enqueue_dma source(%arg16 : memref<128x128xf32, #tpu.memory_space<vmem>>) target(%dma_start3A_167 : memref<128x128xf32, #tpu.memory_space<hbm>>) target_semaphore(%arg18 : memref<!tpu.dma_semaphore, #tpu.memory_space<semaphore_mem>>)
      %dma_wait3A_168 = arith.constant 0 : i32
      %dma_wait3A_169 = tpu.memref_slice %arg12[%add3A_151, %dma_wait3A_168] : memref<10240x128xf32, #tpu.memory_space<hbm>> -> memref<128x128xf32, #tpu.memory_space<hbm>>
      %dma_wait3A_170 = arith.constant 0 : i32
      %dma_wait3A_171 = tpu.memref_slice %arg12[%add3A_151, %dma_wait3A_170] : memref<10240x128xf32, #tpu.memory_space<hbm>> -> memref<128x128xf32, #tpu.memory_space<hbm>>
      tpu.wait_dma2 semaphore(%arg19 : memref<!tpu.dma_semaphore, #tpu.memory_space<semaphore_mem>>) src(%arg17 : memref<128x128xf32, #tpu.memory_space<vmem>>) dst(%dma_wait3A_171 : memref<128x128xf32, #tpu.memory_space<hbm>>)
      %add3A_172 = arith.constant 384 : i32
      %add3A_173 = arith.addi %mul3A_0, %add3A_172 : i32
      "tpu.region"() ({
        %run_scoped3A = tpu.sem_alloc : memref<!tpu.dma_semaphore, #tpu.memory_space<semaphore_mem>>
        %dma_start3A_200 = arith.constant 0 : i32
        %dma_start3A_201 = tpu.memref_slice %arg13[%add3A_173, %dma_start3A_200] : memref<10240x128xf32, #tpu.memory_space<vmem_shared>> -> memref<128x128xf32, #tpu.memory_space<vmem_shared>>
        %dma_start3A_202 = arith.constant 0 : i32
        %dma_start3A_203 = tpu.memref_slice %arg13[%add3A_173, %dma_start3A_202] : memref<10240x128xf32, #tpu.memory_space<vmem_shared>> -> memref<128x128xf32, #tpu.memory_space<vmem_shared>>
        tpu.enqueue_dma source(%dma_start3A_203 : memref<128x128xf32, #tpu.memory_space<vmem_shared>>) target(%arg17 : memref<128x128xf32, #tpu.memory_space<vmem>>) target_semaphore(%run_scoped3A : memref<!tpu.dma_semaphore, #tpu.memory_space<semaphore_mem>>)
        %dma_wait3A_204 = arith.constant 0 : i32
        %dma_wait3A_205 = tpu.memref_slice %arg13[%add3A_173, %dma_wait3A_204] : memref<10240x128xf32, #tpu.memory_space<vmem_shared>> -> memref<128x128xf32, #tpu.memory_space<vmem_shared>>
        %dma_wait3A_206 = arith.constant 0 : i32
        %dma_wait3A_207 = tpu.memref_slice %arg13[%add3A_173, %dma_wait3A_206] : memref<10240x128xf32, #tpu.memory_space<vmem_shared>> -> memref<128x128xf32, #tpu.memory_space<vmem_shared>>
        tpu.wait_dma2 semaphore(%run_scoped3A : memref<!tpu.dma_semaphore, #tpu.memory_space<semaphore_mem>>) src(%dma_wait3A_207 : memref<128x128xf32, #tpu.memory_space<vmem_shared>>) dst(%arg17 : memref<128x128xf32, #tpu.memory_space<vmem>>)
        tpu.yield
      }) : () -> ()
      %add3A_174 = arith.constant 384 : i32
      %add3A_175 = arith.addi %mul3A_0, %add3A_174 : i32
      %dma_start3A_176 = arith.constant 0 : i32
      %dma_start3A_177 = tpu.memref_slice %arg12[%add3A_175, %dma_start3A_176] : memref<10240x128xf32, #tpu.memory_space<hbm>> -> memref<128x128xf32, #tpu.memory_space<hbm>>
      %dma_start3A_178 = arith.constant 0 : i32
      %dma_start3A_179 = tpu.memref_slice %arg12[%add3A_175, %dma_start3A_178] : memref<10240x128xf32, #tpu.memory_space<hbm>> -> memref<128x128xf32, #tpu.memory_space<hbm>>
      tpu.enqueue_dma source(%arg17 : memref<128x128xf32, #tpu.memory_space<vmem>>) target(%dma_start3A_179 : memref<128x128xf32, #tpu.memory_space<hbm>>) target_semaphore(%arg19 : memref<!tpu.dma_semaphore, #tpu.memory_space<semaphore_mem>>)
      %dma_wait3A_180 = arith.constant 0 : i32
      %dma_wait3A_181 = tpu.memref_slice %arg12[%add3A_163, %dma_wait3A_180] : memref<10240x128xf32, #tpu.memory_space<hbm>> -> memref<128x128xf32, #tpu.memory_space<hbm>>
      %dma_wait3A_182 = arith.constant 0 : i32
      %dma_wait3A_183 = tpu.memref_slice %arg12[%add3A_163, %dma_wait3A_182] : memref<10240x128xf32, #tpu.memory_space<hbm>> -> memref<128x128xf32, #tpu.memory_space<hbm>>
      tpu.wait_dma2 semaphore(%arg18 : memref<!tpu.dma_semaphore, #tpu.memory_space<semaphore_mem>>) src(%arg16 : memref<128x128xf32, #tpu.memory_space<vmem>>) dst(%dma_wait3A_183 : memref<128x128xf32, #tpu.memory_space<hbm>>)
      %add3A_184 = arith.constant 512 : i32
      %add3A_185 = arith.addi %mul3A_0, %add3A_184 : i32
      "tpu.region"() ({
        %run_scoped3A = tpu.sem_alloc : memref<!tpu.dma_semaphore, #tpu.memory_space<semaphore_mem>>
        %dma_start3A_200 = arith.constant 0 : i32
        %dma_start3A_201 = tpu.memref_slice %arg13[%add3A_185, %dma_start3A_200] : memref<10240x128xf32, #tpu.memory_space<vmem_shared>> -> memref<128x128xf32, #tpu.memory_space<vmem_shared>>
        %dma_start3A_202 = arith.constant 0 : i32
        %dma_start3A_203 = tpu.memref_slice %arg13[%add3A_185, %dma_start3A_202] : memref<10240x128xf32, #tpu.memory_space<vmem_shared>> -> memref<128x128xf32, #tpu.memory_space<vmem_shared>>
        tpu.enqueue_dma source(%dma_start3A_203 : memref<128x128xf32, #tpu.memory_space<vmem_shared>>) target(%arg16 : memref<128x128xf32, #tpu.memory_space<vmem>>) target_semaphore(%run_scoped3A : memref<!tpu.dma_semaphore, #tpu.memory_space<semaphore_mem>>)
        %dma_wait3A_204 = arith.constant 0 : i32
        %dma_wait3A_205 = tpu.memref_slice %arg13[%add3A_185, %dma_wait3A_204] : memref<10240x128xf32, #tpu.memory_space<vmem_shared>> -> memref<128x128xf32, #tpu.memory_space<vmem_shared>>
        %dma_wait3A_206 = arith.constant 0 : i32
        %dma_wait3A_207 = tpu.memref_slice %arg13[%add3A_185, %dma_wait3A_206] : memref<10240x128xf32, #tpu.memory_space<vmem_shared>> -> memref<128x128xf32, #tpu.memory_space<vmem_shared>>
        tpu.wait_dma2 semaphore(%run_scoped3A : memref<!tpu.dma_semaphore, #tpu.memory_space<semaphore_mem>>) src(%dma_wait3A_207 : memref<128x128xf32, #tpu.memory_space<vmem_shared>>) dst(%arg16 : memref<128x128xf32, #tpu.memory_space<vmem>>)
        tpu.yield
      }) : () -> ()
      %add3A_186 = arith.constant 512 : i32
      %add3A_187 = arith.addi %mul3A_0, %add3A_186 : i32
      %dma_start3A_188 = arith.constant 0 : i32
      %dma_start3A_189 = tpu.memref_slice %arg12[%add3A_187, %dma_start3A_188] : memref<10240x128xf32, #tpu.memory_space<hbm>> -> memref<128x128xf32, #tpu.memory_space<hbm>>
      %dma_start3A_190 = arith.constant 0 : i32
      %dma_start3A_191 = tpu.memref_slice %arg12[%add3A_187, %dma_start3A_190] : memref<10240x128xf32, #tpu.memory_space<hbm>> -> memref<128x128xf32, #tpu.memory_space<hbm>>
      tpu.enqueue_dma source(%arg16 : memref<128x128xf32, #tpu.memory_space<vmem>>) target(%dma_start3A_191 : memref<128x128xf32, #tpu.memory_space<hbm>>) target_semaphore(%arg18 : memref<!tpu.dma_semaphore, #tpu.memory_space<semaphore_mem>>)
      %dma_wait3A_192 = arith.constant 0 : i32
      %dma_wait3A_193 = tpu.memref_slice %arg12[%add3A_187, %dma_wait3A_192] : memref<10240x128xf32, #tpu.memory_space<hbm>> -> memref<128x128xf32, #tpu.memory_space<hbm>>
      %dma_wait3A_194 = arith.constant 0 : i32
      %dma_wait3A_195 = tpu.memref_slice %arg12[%add3A_187, %dma_wait3A_194] : memref<10240x128xf32, #tpu.memory_space<hbm>> -> memref<128x128xf32, #tpu.memory_space<hbm>>
      tpu.wait_dma2 semaphore(%arg18 : memref<!tpu.dma_semaphore, #tpu.memory_space<semaphore_mem>>) src(%arg16 : memref<128x128xf32, #tpu.memory_space<vmem>>) dst(%dma_wait3A_195 : memref<128x128xf32, #tpu.memory_space<hbm>>)
      %dma_wait3A_196 = arith.constant 0 : i32
      %dma_wait3A_197 = tpu.memref_slice %arg12[%add3A_175, %dma_wait3A_196] : memref<10240x128xf32, #tpu.memory_space<hbm>> -> memref<128x128xf32, #tpu.memory_space<hbm>>
      %dma_wait3A_198 = arith.constant 0 : i32
      %dma_wait3A_199 = tpu.memref_slice %arg12[%add3A_175, %dma_wait3A_198] : memref<10240x128xf32, #tpu.memory_space<hbm>> -> memref<128x128xf32, #tpu.memory_space<hbm>>
      tpu.wait_dma2 semaphore(%arg19 : memref<!tpu.dma_semaphore, #tpu.memory_space<semaphore_mem>>) src(%arg17 : memref<128x128xf32, #tpu.memory_space<vmem>>) dst(%dma_wait3A_199 : memref<128x128xf32, #tpu.memory_space<hbm>>)
    } else {
    }
    %barrier3A_139 = arith.constant 0 : index
    tpu.barrier barrier_id(%barrier3A_139)
    return
  }
}

#map = affine_map<(d0, d1) -> (0, 0)>
module attributes {stable_mosaic.version = 14 : i64} {
  func.func @body(%arg0: i32, %arg1: i32, %arg2: memref<10240x128xf32, #tpu.memory_space<hbm>>, %arg3: memref<10240x128xf32, #tpu.memory_space<hbm>>, %arg4: memref<10240x128xf32, #tpu.memory_space<hbm>>, %arg5: memref<10240x128xf32, #tpu.memory_space<hbm>>, %arg6: memref<1280x128xi32, #tpu.memory_space<hbm>>, %arg7: memref<1280x128xi32, #tpu.memory_space<hbm>>, %arg8: memref<128x128xf32, #tpu.memory_space<hbm>>, %arg9: memref<10240x128xf32, #tpu.memory_space<hbm>>, %arg10: memref<10240x128xf32, #tpu.memory_space<hbm>>, %arg11: memref<10240x128xf32, #tpu.memory_space<hbm>>, %arg12: memref<10240x128xf32, #tpu.memory_space<hbm>>, %arg13: memref<10240x128xf32, #tpu.memory_space<vmem_shared>>, %arg14: memref<40x128xi32, #tpu.memory_space<vmem>>, %arg15: memref<40x128xi32, #tpu.memory_space<vmem>>, %arg16: memref<128x128xf32, #tpu.memory_space<vmem>>, %arg17: memref<128x128xf32, #tpu.memory_space<vmem>>, %arg18: memref<!tpu.dma_semaphore, #tpu.memory_space<semaphore_mem>>, %arg19: memref<!tpu.dma_semaphore, #tpu.memory_space<semaphore_mem>>, %arg20: memref<!tpu.dma_semaphore, #tpu.memory_space<semaphore_mem>>, %arg21: memref<!tpu.dma_semaphore, #tpu.memory_space<semaphore_mem>>) attributes {dimension_semantics = [#tpu.dimension_semantics<core_parallel>, #tpu.dimension_semantics<subcore_parallel>], iteration_bounds = array<i64: 2, 16>, scalar_prefetch = 0 : i64, scratch_operands = 9 : i64, tpu.core_type = #tpu.core_type<sc_vector_subcore>, window_params = [{transform_indices = #map}, {transform_indices = #map}, {transform_indices = #map}, {transform_indices = #map}, {transform_indices = #map}, {transform_indices = #map}, {transform_indices = #map}, {transform_indices = #map}, {transform_indices = #map}, {transform_indices = #map}, {transform_indices = #map}]} {
    %mul3A = arith.constant 640 : i32
    %mul3A_0 = arith.muli %arg1, %mul3A : i32
    "tpu.region"() ({
      %run_scoped3A = tpu.sem_alloc : memref<!tpu.dma_semaphore, #tpu.memory_space<semaphore_mem>>
      tpu.enqueue_dma source(%arg8 : memref<128x128xf32, #tpu.memory_space<hbm>>) target(%arg16 : memref<128x128xf32, #tpu.memory_space<vmem>>) target_semaphore(%run_scoped3A : memref<!tpu.dma_semaphore, #tpu.memory_space<semaphore_mem>>)
      tpu.wait_dma2 semaphore(%run_scoped3A : memref<!tpu.dma_semaphore, #tpu.memory_space<semaphore_mem>>) src(%arg8 : memref<128x128xf32, #tpu.memory_space<hbm>>) dst(%arg16 : memref<128x128xf32, #tpu.memory_space<vmem>>)
      tpu.yield
    }) : () -> ()
    %add3A = arith.constant 0 : i32
    %add3A_1 = arith.addi %mul3A_0, %add3A : i32
    %dma_start3A = arith.constant 0 : i32
    %dma_start3A_2 = tpu.memref_slice %arg13[%add3A_1, %dma_start3A] : memref<10240x128xf32, #tpu.memory_space<vmem_shared>> -> memref<128x128xf32, #tpu.memory_space<vmem_shared>>
    %dma_start3A_3 = arith.constant 0 : i32
    %dma_start3A_4 = tpu.memref_slice %arg13[%add3A_1, %dma_start3A_3] : memref<10240x128xf32, #tpu.memory_space<vmem_shared>> -> memref<128x128xf32, #tpu.memory_space<vmem_shared>>
    tpu.enqueue_dma source(%arg16 : memref<128x128xf32, #tpu.memory_space<vmem>>) target(%dma_start3A_4 : memref<128x128xf32, #tpu.memory_space<vmem_shared>>) target_semaphore(%arg18 : memref<!tpu.dma_semaphore, #tpu.memory_space<semaphore_mem>>)
    %add3A_5 = arith.constant 128 : i32
    %add3A_6 = arith.addi %mul3A_0, %add3A_5 : i32
    %dma_start3A_7 = arith.constant 0 : i32
    %dma_start3A_8 = tpu.memref_slice %arg13[%add3A_6, %dma_start3A_7] : memref<10240x128xf32, #tpu.memory_space<vmem_shared>> -> memref<128x128xf32, #tpu.memory_space<vmem_shared>>
    %dma_start3A_9 = arith.constant 0 : i32
    %dma_start3A_10 = tpu.memref_slice %arg13[%add3A_6, %dma_start3A_9] : memref<10240x128xf32, #tpu.memory_space<vmem_shared>> -> memref<128x128xf32, #tpu.memory_space<vmem_shared>>
    tpu.enqueue_dma source(%arg16 : memref<128x128xf32, #tpu.memory_space<vmem>>) target(%dma_start3A_10 : memref<128x128xf32, #tpu.memory_space<vmem_shared>>) target_semaphore(%arg18 : memref<!tpu.dma_semaphore, #tpu.memory_space<semaphore_mem>>)
    %add3A_11 = arith.constant 256 : i32
    %add3A_12 = arith.addi %mul3A_0, %add3A_11 : i32
    %dma_start3A_13 = arith.constant 0 : i32
    %dma_start3A_14 = tpu.memref_slice %arg13[%add3A_12, %dma_start3A_13] : memref<10240x128xf32, #tpu.memory_space<vmem_shared>> -> memref<128x128xf32, #tpu.memory_space<vmem_shared>>
    %dma_start3A_15 = arith.constant 0 : i32
    %dma_start3A_16 = tpu.memref_slice %arg13[%add3A_12, %dma_start3A_15] : memref<10240x128xf32, #tpu.memory_space<vmem_shared>> -> memref<128x128xf32, #tpu.memory_space<vmem_shared>>
    tpu.enqueue_dma source(%arg16 : memref<128x128xf32, #tpu.memory_space<vmem>>) target(%dma_start3A_16 : memref<128x128xf32, #tpu.memory_space<vmem_shared>>) target_semaphore(%arg18 : memref<!tpu.dma_semaphore, #tpu.memory_space<semaphore_mem>>)
    %add3A_17 = arith.constant 384 : i32
    %add3A_18 = arith.addi %mul3A_0, %add3A_17 : i32
    %dma_start3A_19 = arith.constant 0 : i32
    %dma_start3A_20 = tpu.memref_slice %arg13[%add3A_18, %dma_start3A_19] : memref<10240x128xf32, #tpu.memory_space<vmem_shared>> -> memref<128x128xf32, #tpu.memory_space<vmem_shared>>
    %dma_start3A_21 = arith.constant 0 : i32
    %dma_start3A_22 = tpu.memref_slice %arg13[%add3A_18, %dma_start3A_21] : memref<10240x128xf32, #tpu.memory_space<vmem_shared>> -> memref<128x128xf32, #tpu.memory_space<vmem_shared>>
    tpu.enqueue_dma source(%arg16 : memref<128x128xf32, #tpu.memory_space<vmem>>) target(%dma_start3A_22 : memref<128x128xf32, #tpu.memory_space<vmem_shared>>) target_semaphore(%arg18 : memref<!tpu.dma_semaphore, #tpu.memory_space<semaphore_mem>>)
    %add3A_23 = arith.constant 512 : i32
    %add3A_24 = arith.addi %mul3A_0, %add3A_23 : i32
    %dma_start3A_25 = arith.constant 0 : i32
    %dma_start3A_26 = tpu.memref_slice %arg13[%add3A_24, %dma_start3A_25] : memref<10240x128xf32, #tpu.memory_space<vmem_shared>> -> memref<128x128xf32, #tpu.memory_space<vmem_shared>>
    %dma_start3A_27 = arith.constant 0 : i32
    %dma_start3A_28 = tpu.memref_slice %arg13[%add3A_24, %dma_start3A_27] : memref<10240x128xf32, #tpu.memory_space<vmem_shared>> -> memref<128x128xf32, #tpu.memory_space<vmem_shared>>
    tpu.enqueue_dma source(%arg16 : memref<128x128xf32, #tpu.memory_space<vmem>>) target(%dma_start3A_28 : memref<128x128xf32, #tpu.memory_space<vmem_shared>>) target_semaphore(%arg18 : memref<!tpu.dma_semaphore, #tpu.memory_space<semaphore_mem>>)
    %dma_wait3A = arith.constant 0 : i32
    %dma_wait3A_29 = tpu.memref_slice %arg13[%add3A_1, %dma_wait3A] : memref<10240x128xf32, #tpu.memory_space<vmem_shared>> -> memref<128x128xf32, #tpu.memory_space<vmem_shared>>
    %dma_wait3A_30 = arith.constant 0 : i32
    %dma_wait3A_31 = tpu.memref_slice %arg13[%add3A_1, %dma_wait3A_30] : memref<10240x128xf32, #tpu.memory_space<vmem_shared>> -> memref<128x128xf32, #tpu.memory_space<vmem_shared>>
    tpu.wait_dma2 semaphore(%arg18 : memref<!tpu.dma_semaphore, #tpu.memory_space<semaphore_mem>>) src(%arg16 : memref<128x128xf32, #tpu.memory_space<vmem>>) dst(%dma_wait3A_31 : memref<128x128xf32, #tpu.memory_space<vmem_shared>>)
    %dma_wait3A_32 = arith.constant 0 : i32
    %dma_wait3A_33 = tpu.memref_slice %arg13[%add3A_6, %dma_wait3A_32] : memref<10240x128xf32, #tpu.memory_space<vmem_shared>> -> memref<128x128xf32, #tpu.memory_space<vmem_shared>>
    %dma_wait3A_34 = arith.constant 0 : i32
    %dma_wait3A_35 = tpu.memref_slice %arg13[%add3A_6, %dma_wait3A_34] : memref<10240x128xf32, #tpu.memory_space<vmem_shared>> -> memref<128x128xf32, #tpu.memory_space<vmem_shared>>
    tpu.wait_dma2 semaphore(%arg18 : memref<!tpu.dma_semaphore, #tpu.memory_space<semaphore_mem>>) src(%arg16 : memref<128x128xf32, #tpu.memory_space<vmem>>) dst(%dma_wait3A_35 : memref<128x128xf32, #tpu.memory_space<vmem_shared>>)
    %dma_wait3A_36 = arith.constant 0 : i32
    %dma_wait3A_37 = tpu.memref_slice %arg13[%add3A_12, %dma_wait3A_36] : memref<10240x128xf32, #tpu.memory_space<vmem_shared>> -> memref<128x128xf32, #tpu.memory_space<vmem_shared>>
    %dma_wait3A_38 = arith.constant 0 : i32
    %dma_wait3A_39 = tpu.memref_slice %arg13[%add3A_12, %dma_wait3A_38] : memref<10240x128xf32, #tpu.memory_space<vmem_shared>> -> memref<128x128xf32, #tpu.memory_space<vmem_shared>>
    tpu.wait_dma2 semaphore(%arg18 : memref<!tpu.dma_semaphore, #tpu.memory_space<semaphore_mem>>) src(%arg16 : memref<128x128xf32, #tpu.memory_space<vmem>>) dst(%dma_wait3A_39 : memref<128x128xf32, #tpu.memory_space<vmem_shared>>)
    %dma_wait3A_40 = arith.constant 0 : i32
    %dma_wait3A_41 = tpu.memref_slice %arg13[%add3A_18, %dma_wait3A_40] : memref<10240x128xf32, #tpu.memory_space<vmem_shared>> -> memref<128x128xf32, #tpu.memory_space<vmem_shared>>
    %dma_wait3A_42 = arith.constant 0 : i32
    %dma_wait3A_43 = tpu.memref_slice %arg13[%add3A_18, %dma_wait3A_42] : memref<10240x128xf32, #tpu.memory_space<vmem_shared>> -> memref<128x128xf32, #tpu.memory_space<vmem_shared>>
    tpu.wait_dma2 semaphore(%arg18 : memref<!tpu.dma_semaphore, #tpu.memory_space<semaphore_mem>>) src(%arg16 : memref<128x128xf32, #tpu.memory_space<vmem>>) dst(%dma_wait3A_43 : memref<128x128xf32, #tpu.memory_space<vmem_shared>>)
    %dma_wait3A_44 = arith.constant 0 : i32
    %dma_wait3A_45 = tpu.memref_slice %arg13[%add3A_24, %dma_wait3A_44] : memref<10240x128xf32, #tpu.memory_space<vmem_shared>> -> memref<128x128xf32, #tpu.memory_space<vmem_shared>>
    %dma_wait3A_46 = arith.constant 0 : i32
    %dma_wait3A_47 = tpu.memref_slice %arg13[%add3A_24, %dma_wait3A_46] : memref<10240x128xf32, #tpu.memory_space<vmem_shared>> -> memref<128x128xf32, #tpu.memory_space<vmem_shared>>
    tpu.wait_dma2 semaphore(%arg18 : memref<!tpu.dma_semaphore, #tpu.memory_space<semaphore_mem>>) src(%arg16 : memref<128x128xf32, #tpu.memory_space<vmem>>) dst(%dma_wait3A_47 : memref<128x128xf32, #tpu.memory_space<vmem_shared>>)
    %barrier3A = arith.constant 0 : index
    tpu.barrier barrier_id(%barrier3A)
    %eq3A = arith.constant 0 : i32
    %eq3A_48 = arith.cmpi eq, %arg0, %eq3A : i32
    %convert_element_type3A = arith.extui %eq3A_48 : i1 to i32
    %cond3A = arith.constant 0 : i32
    %cond3A_49 = arith.cmpi ne, %convert_element_type3A, %cond3A : i32
    scf.if %cond3A_49 {
      %mul3A_140 = arith.constant 80 : i32
      %mul3A_141 = arith.muli %arg1, %mul3A_140 : i32
      %add3A_142 = arith.constant 0 : i32
      %add3A_143 = arith.addi %mul3A_141, %add3A_142 : i32
      "tpu.region"() ({
        %run_scoped3A = tpu.sem_alloc : memref<!tpu.dma_semaphore, #tpu.memory_space<semaphore_mem>>
        %dma_start3A_159 = arith.constant 0 : i32
        %dma_start3A_160 = tpu.memref_slice %arg6[%add3A_143, %dma_start3A_159] : memref<1280x128xi32, #tpu.memory_space<hbm>> -> memref<40x128xi32, #tpu.memory_space<hbm>>
        %dma_start3A_161 = arith.constant 0 : i32
        %dma_start3A_162 = tpu.memref_slice %arg6[%add3A_143, %dma_start3A_161] : memref<1280x128xi32, #tpu.memory_space<hbm>> -> memref<40x128xi32, #tpu.memory_space<hbm>>
        tpu.enqueue_dma source(%dma_start3A_162 : memref<40x128xi32, #tpu.memory_space<hbm>>) target(%arg14 : memref<40x128xi32, #tpu.memory_space<vmem>>) target_semaphore(%run_scoped3A : memref<!tpu.dma_semaphore, #tpu.memory_space<semaphore_mem>>)
        %dma_wait3A_163 = arith.constant 0 : i32
        %dma_wait3A_164 = tpu.memref_slice %arg6[%add3A_143, %dma_wait3A_163] : memref<1280x128xi32, #tpu.memory_space<hbm>> -> memref<40x128xi32, #tpu.memory_space<hbm>>
        %dma_wait3A_165 = arith.constant 0 : i32
        %dma_wait3A_166 = tpu.memref_slice %arg6[%add3A_143, %dma_wait3A_165] : memref<1280x128xi32, #tpu.memory_space<hbm>> -> memref<40x128xi32, #tpu.memory_space<hbm>>
        tpu.wait_dma2 semaphore(%run_scoped3A : memref<!tpu.dma_semaphore, #tpu.memory_space<semaphore_mem>>) src(%dma_wait3A_166 : memref<40x128xi32, #tpu.memory_space<hbm>>) dst(%arg14 : memref<40x128xi32, #tpu.memory_space<vmem>>)
        tpu.yield
      }) : () -> ()
      "tpu.region"() ({
        %run_scoped3A = tpu.sem_alloc : memref<!tpu.dma_semaphore, #tpu.memory_space<semaphore_mem>>
        %dma_start3A_159 = arith.constant 0 : i32
        %dma_start3A_160 = tpu.memref_slice %arg7[%add3A_143, %dma_start3A_159] : memref<1280x128xi32, #tpu.memory_space<hbm>> -> memref<40x128xi32, #tpu.memory_space<hbm>>
        %dma_start3A_161 = arith.constant 0 : i32
        %dma_start3A_162 = tpu.memref_slice %arg7[%add3A_143, %dma_start3A_161] : memref<1280x128xi32, #tpu.memory_space<hbm>> -> memref<40x128xi32, #tpu.memory_space<hbm>>
        tpu.enqueue_dma source(%dma_start3A_162 : memref<40x128xi32, #tpu.memory_space<hbm>>) target(%arg15 : memref<40x128xi32, #tpu.memory_space<vmem>>) target_semaphore(%run_scoped3A : memref<!tpu.dma_semaphore, #tpu.memory_space<semaphore_mem>>)
        %dma_wait3A_163 = arith.constant 0 : i32
        %dma_wait3A_164 = tpu.memref_slice %arg7[%add3A_143, %dma_wait3A_163] : memref<1280x128xi32, #tpu.memory_space<hbm>> -> memref<40x128xi32, #tpu.memory_space<hbm>>
        %dma_wait3A_165 = arith.constant 0 : i32
        %dma_wait3A_166 = tpu.memref_slice %arg7[%add3A_143, %dma_wait3A_165] : memref<1280x128xi32, #tpu.memory_space<hbm>> -> memref<40x128xi32, #tpu.memory_space<hbm>>
        tpu.wait_dma2 semaphore(%run_scoped3A : memref<!tpu.dma_semaphore, #tpu.memory_space<semaphore_mem>>) src(%dma_wait3A_166 : memref<40x128xi32, #tpu.memory_space<hbm>>) dst(%arg15 : memref<40x128xi32, #tpu.memory_space<vmem>>)
        tpu.yield
      }) : () -> ()
      %scan3A = arith.constant 0 : i32
      %scan3A_144 = arith.constant 0 : i32
      %scan3A_145 = arith.constant 20 : i32
      %scan3A_146 = arith.addi %scan3A_144, %scan3A_145 : i32
      %scan3A_147 = arith.constant 1 : i32
      scf.for %scan3A_159 = %scan3A_144 to %scan3A_146 step %scan3A_147  : i32 {
        %mul3A_160 = arith.constant 2 : i32
        %mul3A_161 = arith.muli %mul3A_160, %scan3A_159 : i32
        %dma_start3A_162 = arith.constant 0 : i32
        %dma_start3A_163 = tpu.memref_slice %arg14[%mul3A_161, %dma_start3A_162] : memref<40x128xi32, #tpu.memory_space<vmem>> -> memref<1x128xi32, #tpu.memory_space<vmem>>
        %dma_start3A_164 = tpu.memref_squeeze %dma_start3A_163 : memref<1x128xi32, #tpu.memory_space<vmem>> -> memref<128xi32, #tpu.memory_space<vmem>>
        %dma_start3A_165 = arith.constant 0 : i32
        %dma_start3A_166 = arith.constant 0 : i32
        %dma_start3A_167 = tpu.memref_slice %arg2[%dma_start3A_165, %dma_start3A_166] : memref<10240x128xf32, #tpu.memory_space<hbm>> -> memref<10240x128xf32, #tpu.memory_space<hbm>>
        tpu.enqueue_indirect_dma source(%dma_start3A_167 : memref<10240x128xf32, #tpu.memory_space<hbm>>) target(%arg16 : memref<128x128xf32, #tpu.memory_space<vmem>>) offsets(%dma_start3A_164 : memref<128xi32, #tpu.memory_space<vmem>>) semaphore(%arg18 : memref<!tpu.dma_semaphore, #tpu.memory_space<semaphore_mem>>)
        %add3A_168 = arith.constant 1 : i32
        %add3A_169 = arith.addi %mul3A_161, %add3A_168 : i32
        %dma_start3A_170 = arith.constant 0 : i32
        %dma_start3A_171 = tpu.memref_slice %arg14[%add3A_169, %dma_start3A_170] : memref<40x128xi32, #tpu.memory_space<vmem>> -> memref<1x128xi32, #tpu.memory_space<vmem>>
        %dma_start3A_172 = tpu.memref_squeeze %dma_start3A_171 : memref<1x128xi32, #tpu.memory_space<vmem>> -> memref<128xi32, #tpu.memory_space<vmem>>
        %dma_start3A_173 = arith.constant 0 : i32
        %dma_start3A_174 = arith.constant 0 : i32
        %dma_start3A_175 = tpu.memref_slice %arg2[%dma_start3A_173, %dma_start3A_174] : memref<10240x128xf32, #tpu.memory_space<hbm>> -> memref<10240x128xf32, #tpu.memory_space<hbm>>
        tpu.enqueue_indirect_dma source(%dma_start3A_175 : memref<10240x128xf32, #tpu.memory_space<hbm>>) target(%arg17 : memref<128x128xf32, #tpu.memory_space<vmem>>) offsets(%dma_start3A_172 : memref<128xi32, #tpu.memory_space<vmem>>) semaphore(%arg19 : memref<!tpu.dma_semaphore, #tpu.memory_space<semaphore_mem>>)
        %dma_wait3A_176 = arith.constant 0 : i32
        %dma_wait3A_177 = tpu.memref_slice %arg14[%mul3A_161, %dma_wait3A_176] : memref<40x128xi32, #tpu.memory_space<vmem>> -> memref<1x128xi32, #tpu.memory_space<vmem>>
        %dma_wait3A_178 = tpu.memref_squeeze %dma_wait3A_177 : memref<1x128xi32, #tpu.memory_space<vmem>> -> memref<128xi32, #tpu.memory_space<vmem>>
        %dma_wait3A_179 = arith.constant 0 : i32
        %dma_wait3A_180 = arith.constant 0 : i32
        %dma_wait3A_181 = tpu.memref_slice %arg2[%dma_wait3A_179, %dma_wait3A_180] : memref<10240x128xf32, #tpu.memory_space<hbm>> -> memref<10240x128xf32, #tpu.memory_space<hbm>>
        tpu.wait_indirect_dma semaphore(%arg18 : memref<!tpu.dma_semaphore, #tpu.memory_space<semaphore_mem>>) src(%dma_wait3A_181 : memref<10240x128xf32, #tpu.memory_space<hbm>>) dst(%arg16 : memref<128x128xf32, #tpu.memory_space<vmem>>)
        %dma_start3A_182 = arith.constant 0 : i32
        %dma_start3A_183 = tpu.memref_slice %arg15[%mul3A_161, %dma_start3A_182] : memref<40x128xi32, #tpu.memory_space<vmem>> -> memref<1x128xi32, #tpu.memory_space<vmem>>
        %dma_start3A_184 = tpu.memref_squeeze %dma_start3A_183 : memref<1x128xi32, #tpu.memory_space<vmem>> -> memref<128xi32, #tpu.memory_space<vmem>>
        %dma_start3A_185 = arith.constant 0 : i32
        %dma_start3A_186 = arith.constant 0 : i32
        %dma_start3A_187 = tpu.memref_slice %arg13[%dma_start3A_185, %dma_start3A_186] : memref<10240x128xf32, #tpu.memory_space<vmem_shared>> -> memref<10240x128xf32, #tpu.memory_space<vmem_shared>>
        tpu.enqueue_indirect_dma source(%arg16 : memref<128x128xf32, #tpu.memory_space<vmem>>) target(%dma_start3A_187 : memref<10240x128xf32, #tpu.memory_space<vmem_shared>>) offsets(%dma_start3A_184 : memref<128xi32, #tpu.memory_space<vmem>>) semaphore(%arg20 : memref<!tpu.dma_semaphore, #tpu.memory_space<semaphore_mem>>) {add = true}
        %dma_wait3A_188 = arith.constant 0 : i32
        %dma_wait3A_189 = tpu.memref_slice %arg14[%add3A_169, %dma_wait3A_188] : memref<40x128xi32, #tpu.memory_space<vmem>> -> memref<1x128xi32, #tpu.memory_space<vmem>>
        %dma_wait3A_190 = tpu.memref_squeeze %dma_wait3A_189 : memref<1x128xi32, #tpu.memory_space<vmem>> -> memref<128xi32, #tpu.memory_space<vmem>>
        %dma_wait3A_191 = arith.constant 0 : i32
        %dma_wait3A_192 = arith.constant 0 : i32
        %dma_wait3A_193 = tpu.memref_slice %arg2[%dma_wait3A_191, %dma_wait3A_192] : memref<10240x128xf32, #tpu.memory_space<hbm>> -> memref<10240x128xf32, #tpu.memory_space<hbm>>
        tpu.wait_indirect_dma semaphore(%arg19 : memref<!tpu.dma_semaphore, #tpu.memory_space<semaphore_mem>>) src(%dma_wait3A_193 : memref<10240x128xf32, #tpu.memory_space<hbm>>) dst(%arg17 : memref<128x128xf32, #tpu.memory_space<vmem>>)
        %add3A_194 = arith.constant 1 : i32
        %add3A_195 = arith.addi %mul3A_161, %add3A_194 : i32
        %dma_start3A_196 = arith.constant 0 : i32
        %dma_start3A_197 = tpu.memref_slice %arg15[%add3A_195, %dma_start3A_196] : memref<40x128xi32, #tpu.memory_space<vmem>> -> memref<1x128xi32, #tpu.memory_space<vmem>>
        %dma_start3A_198 = tpu.memref_squeeze %dma_start3A_197 : memref<1x128xi32, #tpu.memory_space<vmem>> -> memref<128xi32, #tpu.memory_space<vmem>>
        %dma_start3A_199 = arith.constant 0 : i32
        %dma_start3A_200 = arith.constant 0 : i32
        %dma_start3A_201 = tpu.memref_slice %arg13[%dma_start3A_199, %dma_start3A_200] : memref<10240x128xf32, #tpu.memory_space<vmem_shared>> -> memref<10240x128xf32, #tpu.memory_space<vmem_shared>>
        tpu.enqueue_indirect_dma source(%arg17 : memref<128x128xf32, #tpu.memory_space<vmem>>) target(%dma_start3A_201 : memref<10240x128xf32, #tpu.memory_space<vmem_shared>>) offsets(%dma_start3A_198 : memref<128xi32, #tpu.memory_space<vmem>>) semaphore(%arg21 : memref<!tpu.dma_semaphore, #tpu.memory_space<semaphore_mem>>) {add = true}
        %dma_wait3A_202 = arith.constant 0 : i32
        %dma_wait3A_203 = arith.constant 0 : i32
        %dma_wait3A_204 = tpu.memref_slice %arg15[%dma_wait3A_202, %dma_wait3A_203] : memref<40x128xi32, #tpu.memory_space<vmem>> -> memref<1x128xi32, #tpu.memory_space<vmem>>
        %dma_wait3A_205 = tpu.memref_squeeze %dma_wait3A_204 : memref<1x128xi32, #tpu.memory_space<vmem>> -> memref<128xi32, #tpu.memory_space<vmem>>
        %dma_wait3A_206 = arith.constant 0 : i32
        %dma_wait3A_207 = arith.constant 0 : i32
        %dma_wait3A_208 = tpu.memref_slice %arg13[%dma_wait3A_206, %dma_wait3A_207] : memref<10240x128xf32, #tpu.memory_space<vmem_shared>> -> memref<10240x128xf32, #tpu.memory_space<vmem_shared>>
        tpu.wait_indirect_dma semaphore(%arg20 : memref<!tpu.dma_semaphore, #tpu.memory_space<semaphore_mem>>) src(%arg16 : memref<128x128xf32, #tpu.memory_space<vmem>>) dst(%dma_wait3A_208 : memref<10240x128xf32, #tpu.memory_space<vmem_shared>>)
        %dma_wait3A_209 = arith.constant 0 : i32
        %dma_wait3A_210 = arith.constant 0 : i32
        %dma_wait3A_211 = tpu.memref_slice %arg15[%dma_wait3A_209, %dma_wait3A_210] : memref<40x128xi32, #tpu.memory_space<vmem>> -> memref<1x128xi32, #tpu.memory_space<vmem>>
        %dma_wait3A_212 = tpu.memref_squeeze %dma_wait3A_211 : memref<1x128xi32, #tpu.memory_space<vmem>> -> memref<128xi32, #tpu.memory_space<vmem>>
        %dma_wait3A_213 = arith.constant 0 : i32
        %dma_wait3A_214 = arith.constant 0 : i32
        %dma_wait3A_215 = tpu.memref_slice %arg13[%dma_wait3A_213, %dma_wait3A_214] : memref<10240x128xf32, #tpu.memory_space<vmem_shared>> -> memref<10240x128xf32, #tpu.memory_space<vmem_shared>>
        tpu.wait_indirect_dma semaphore(%arg21 : memref<!tpu.dma_semaphore, #tpu.memory_space<semaphore_mem>>) src(%arg17 : memref<128x128xf32, #tpu.memory_space<vmem>>) dst(%dma_wait3A_215 : memref<10240x128xf32, #tpu.memory_space<vmem_shared>>)
      }
      %scan3A_148 = arith.constant 20 : i32
      %mul3A_149 = arith.constant 80 : i32
      %mul3A_150 = arith.muli %arg1, %mul3A_149 : i32
      %add3A_151 = arith.constant 40 : i32
      %add3A_152 = arith.addi %mul3A_150, %add3A_151 : i32
      "tpu.region"() ({
        %run_scoped3A = tpu.sem_alloc : memref<!tpu.dma_semaphore, #tpu.memory_space<semaphore_mem>>
        %dma_start3A_159 = arith.constant 0 : i32
        %dma_start3A_160 = tpu.memref_slice %arg6[%add3A_152, %dma_start3A_159] : memref<1280x128xi32, #tpu.memory_space<hbm>> -> memref<40x128xi32, #tpu.memory_space<hbm>>
        %dma_start3A_161 = arith.constant 0 : i32
        %dma_start3A_162 = tpu.memref_slice %arg6[%add3A_152, %dma_start3A_161] : memref<1280x128xi32, #tpu.memory_space<hbm>> -> memref<40x128xi32, #tpu.memory_space<hbm>>
        tpu.enqueue_dma source(%dma_start3A_162 : memref<40x128xi32, #tpu.memory_space<hbm>>) target(%arg14 : memref<40x128xi32, #tpu.memory_space<vmem>>) target_semaphore(%run_scoped3A : memref<!tpu.dma_semaphore, #tpu.memory_space<semaphore_mem>>)
        %dma_wait3A_163 = arith.constant 0 : i32
        %dma_wait3A_164 = tpu.memref_slice %arg6[%add3A_152, %dma_wait3A_163] : memref<1280x128xi32, #tpu.memory_space<hbm>> -> memref<40x128xi32, #tpu.memory_space<hbm>>
        %dma_wait3A_165 = arith.constant 0 : i32
        %dma_wait3A_166 = tpu.memref_slice %arg6[%add3A_152, %dma_wait3A_165] : memref<1280x128xi32, #tpu.memory_space<hbm>> -> memref<40x128xi32, #tpu.memory_space<hbm>>
        tpu.wait_dma2 semaphore(%run_scoped3A : memref<!tpu.dma_semaphore, #tpu.memory_space<semaphore_mem>>) src(%dma_wait3A_166 : memref<40x128xi32, #tpu.memory_space<hbm>>) dst(%arg14 : memref<40x128xi32, #tpu.memory_space<vmem>>)
        tpu.yield
      }) : () -> ()
      "tpu.region"() ({
        %run_scoped3A = tpu.sem_alloc : memref<!tpu.dma_semaphore, #tpu.memory_space<semaphore_mem>>
        %dma_start3A_159 = arith.constant 0 : i32
        %dma_start3A_160 = tpu.memref_slice %arg7[%add3A_152, %dma_start3A_159] : memref<1280x128xi32, #tpu.memory_space<hbm>> -> memref<40x128xi32, #tpu.memory_space<hbm>>
        %dma_start3A_161 = arith.constant 0 : i32
        %dma_start3A_162 = tpu.memref_slice %arg7[%add3A_152, %dma_start3A_161] : memref<1280x128xi32, #tpu.memory_space<hbm>> -> memref<40x128xi32, #tpu.memory_space<hbm>>
        tpu.enqueue_dma source(%dma_start3A_162 : memref<40x128xi32, #tpu.memory_space<hbm>>) target(%arg15 : memref<40x128xi32, #tpu.memory_space<vmem>>) target_semaphore(%run_scoped3A : memref<!tpu.dma_semaphore, #tpu.memory_space<semaphore_mem>>)
        %dma_wait3A_163 = arith.constant 0 : i32
        %dma_wait3A_164 = tpu.memref_slice %arg7[%add3A_152, %dma_wait3A_163] : memref<1280x128xi32, #tpu.memory_space<hbm>> -> memref<40x128xi32, #tpu.memory_space<hbm>>
        %dma_wait3A_165 = arith.constant 0 : i32
        %dma_wait3A_166 = tpu.memref_slice %arg7[%add3A_152, %dma_wait3A_165] : memref<1280x128xi32, #tpu.memory_space<hbm>> -> memref<40x128xi32, #tpu.memory_space<hbm>>
        tpu.wait_dma2 semaphore(%run_scoped3A : memref<!tpu.dma_semaphore, #tpu.memory_space<semaphore_mem>>) src(%dma_wait3A_166 : memref<40x128xi32, #tpu.memory_space<hbm>>) dst(%arg15 : memref<40x128xi32, #tpu.memory_space<vmem>>)
        tpu.yield
      }) : () -> ()
      %scan3A_153 = arith.constant 0 : i32
      %scan3A_154 = arith.constant 0 : i32
      %scan3A_155 = arith.constant 20 : i32
      %scan3A_156 = arith.addi %scan3A_154, %scan3A_155 : i32
      %scan3A_157 = arith.constant 1 : i32
      scf.for %scan3A_159 = %scan3A_154 to %scan3A_156 step %scan3A_157  : i32 {
        %mul3A_160 = arith.constant 2 : i32
        %mul3A_161 = arith.muli %mul3A_160, %scan3A_159 : i32
        %dma_start3A_162 = arith.constant 0 : i32
        %dma_start3A_163 = tpu.memref_slice %arg14[%mul3A_161, %dma_start3A_162] : memref<40x128xi32, #tpu.memory_space<vmem>> -> memref<1x128xi32, #tpu.memory_space<vmem>>
        %dma_start3A_164 = tpu.memref_squeeze %dma_start3A_163 : memref<1x128xi32, #tpu.memory_space<vmem>> -> memref<128xi32, #tpu.memory_space<vmem>>
        %dma_start3A_165 = arith.constant 0 : i32
        %dma_start3A_166 = arith.constant 0 : i32
        %dma_start3A_167 = tpu.memref_slice %arg2[%dma_start3A_165, %dma_start3A_166] : memref<10240x128xf32, #tpu.memory_space<hbm>> -> memref<10240x128xf32, #tpu.memory_space<hbm>>
        tpu.enqueue_indirect_dma source(%dma_start3A_167 : memref<10240x128xf32, #tpu.memory_space<hbm>>) target(%arg16 : memref<128x128xf32, #tpu.memory_space<vmem>>) offsets(%dma_start3A_164 : memref<128xi32, #tpu.memory_space<vmem>>) semaphore(%arg18 : memref<!tpu.dma_semaphore, #tpu.memory_space<semaphore_mem>>)
        %add3A_168 = arith.constant 1 : i32
        %add3A_169 = arith.addi %mul3A_161, %add3A_168 : i32
        %dma_start3A_170 = arith.constant 0 : i32
        %dma_start3A_171 = tpu.memref_slice %arg14[%add3A_169, %dma_start3A_170] : memref<40x128xi32, #tpu.memory_space<vmem>> -> memref<1x128xi32, #tpu.memory_space<vmem>>
        %dma_start3A_172 = tpu.memref_squeeze %dma_start3A_171 : memref<1x128xi32, #tpu.memory_space<vmem>> -> memref<128xi32, #tpu.memory_space<vmem>>
        %dma_start3A_173 = arith.constant 0 : i32
        %dma_start3A_174 = arith.constant 0 : i32
        %dma_start3A_175 = tpu.memref_slice %arg2[%dma_start3A_173, %dma_start3A_174] : memref<10240x128xf32, #tpu.memory_space<hbm>> -> memref<10240x128xf32, #tpu.memory_space<hbm>>
        tpu.enqueue_indirect_dma source(%dma_start3A_175 : memref<10240x128xf32, #tpu.memory_space<hbm>>) target(%arg17 : memref<128x128xf32, #tpu.memory_space<vmem>>) offsets(%dma_start3A_172 : memref<128xi32, #tpu.memory_space<vmem>>) semaphore(%arg19 : memref<!tpu.dma_semaphore, #tpu.memory_space<semaphore_mem>>)
        %dma_wait3A_176 = arith.constant 0 : i32
        %dma_wait3A_177 = tpu.memref_slice %arg14[%mul3A_161, %dma_wait3A_176] : memref<40x128xi32, #tpu.memory_space<vmem>> -> memref<1x128xi32, #tpu.memory_space<vmem>>
        %dma_wait3A_178 = tpu.memref_squeeze %dma_wait3A_177 : memref<1x128xi32, #tpu.memory_space<vmem>> -> memref<128xi32, #tpu.memory_space<vmem>>
        %dma_wait3A_179 = arith.constant 0 : i32
        %dma_wait3A_180 = arith.constant 0 : i32
        %dma_wait3A_181 = tpu.memref_slice %arg2[%dma_wait3A_179, %dma_wait3A_180] : memref<10240x128xf32, #tpu.memory_space<hbm>> -> memref<10240x128xf32, #tpu.memory_space<hbm>>
        tpu.wait_indirect_dma semaphore(%arg18 : memref<!tpu.dma_semaphore, #tpu.memory_space<semaphore_mem>>) src(%dma_wait3A_181 : memref<10240x128xf32, #tpu.memory_space<hbm>>) dst(%arg16 : memref<128x128xf32, #tpu.memory_space<vmem>>)
        %dma_start3A_182 = arith.constant 0 : i32
        %dma_start3A_183 = tpu.memref_slice %arg15[%mul3A_161, %dma_start3A_182] : memref<40x128xi32, #tpu.memory_space<vmem>> -> memref<1x128xi32, #tpu.memory_space<vmem>>
        %dma_start3A_184 = tpu.memref_squeeze %dma_start3A_183 : memref<1x128xi32, #tpu.memory_space<vmem>> -> memref<128xi32, #tpu.memory_space<vmem>>
        %dma_start3A_185 = arith.constant 0 : i32
        %dma_start3A_186 = arith.constant 0 : i32
        %dma_start3A_187 = tpu.memref_slice %arg13[%dma_start3A_185, %dma_start3A_186] : memref<10240x128xf32, #tpu.memory_space<vmem_shared>> -> memref<10240x128xf32, #tpu.memory_space<vmem_shared>>
        tpu.enqueue_indirect_dma source(%arg16 : memref<128x128xf32, #tpu.memory_space<vmem>>) target(%dma_start3A_187 : memref<10240x128xf32, #tpu.memory_space<vmem_shared>>) offsets(%dma_start3A_184 : memref<128xi32, #tpu.memory_space<vmem>>) semaphore(%arg20 : memref<!tpu.dma_semaphore, #tpu.memory_space<semaphore_mem>>) {add = true}
        %dma_wait3A_188 = arith.constant 0 : i32
        %dma_wait3A_189 = tpu.memref_slice %arg14[%add3A_169, %dma_wait3A_188] : memref<40x128xi32, #tpu.memory_space<vmem>> -> memref<1x128xi32, #tpu.memory_space<vmem>>
        %dma_wait3A_190 = tpu.memref_squeeze %dma_wait3A_189 : memref<1x128xi32, #tpu.memory_space<vmem>> -> memref<128xi32, #tpu.memory_space<vmem>>
        %dma_wait3A_191 = arith.constant 0 : i32
        %dma_wait3A_192 = arith.constant 0 : i32
        %dma_wait3A_193 = tpu.memref_slice %arg2[%dma_wait3A_191, %dma_wait3A_192] : memref<10240x128xf32, #tpu.memory_space<hbm>> -> memref<10240x128xf32, #tpu.memory_space<hbm>>
        tpu.wait_indirect_dma semaphore(%arg19 : memref<!tpu.dma_semaphore, #tpu.memory_space<semaphore_mem>>) src(%dma_wait3A_193 : memref<10240x128xf32, #tpu.memory_space<hbm>>) dst(%arg17 : memref<128x128xf32, #tpu.memory_space<vmem>>)
        %add3A_194 = arith.constant 1 : i32
        %add3A_195 = arith.addi %mul3A_161, %add3A_194 : i32
        %dma_start3A_196 = arith.constant 0 : i32
        %dma_start3A_197 = tpu.memref_slice %arg15[%add3A_195, %dma_start3A_196] : memref<40x128xi32, #tpu.memory_space<vmem>> -> memref<1x128xi32, #tpu.memory_space<vmem>>
        %dma_start3A_198 = tpu.memref_squeeze %dma_start3A_197 : memref<1x128xi32, #tpu.memory_space<vmem>> -> memref<128xi32, #tpu.memory_space<vmem>>
        %dma_start3A_199 = arith.constant 0 : i32
        %dma_start3A_200 = arith.constant 0 : i32
        %dma_start3A_201 = tpu.memref_slice %arg13[%dma_start3A_199, %dma_start3A_200] : memref<10240x128xf32, #tpu.memory_space<vmem_shared>> -> memref<10240x128xf32, #tpu.memory_space<vmem_shared>>
        tpu.enqueue_indirect_dma source(%arg17 : memref<128x128xf32, #tpu.memory_space<vmem>>) target(%dma_start3A_201 : memref<10240x128xf32, #tpu.memory_space<vmem_shared>>) offsets(%dma_start3A_198 : memref<128xi32, #tpu.memory_space<vmem>>) semaphore(%arg21 : memref<!tpu.dma_semaphore, #tpu.memory_space<semaphore_mem>>) {add = true}
        %dma_wait3A_202 = arith.constant 0 : i32
        %dma_wait3A_203 = arith.constant 0 : i32
        %dma_wait3A_204 = tpu.memref_slice %arg15[%dma_wait3A_202, %dma_wait3A_203] : memref<40x128xi32, #tpu.memory_space<vmem>> -> memref<1x128xi32, #tpu.memory_space<vmem>>
        %dma_wait3A_205 = tpu.memref_squeeze %dma_wait3A_204 : memref<1x128xi32, #tpu.memory_space<vmem>> -> memref<128xi32, #tpu.memory_space<vmem>>
        %dma_wait3A_206 = arith.constant 0 : i32
        %dma_wait3A_207 = arith.constant 0 : i32
        %dma_wait3A_208 = tpu.memref_slice %arg13[%dma_wait3A_206, %dma_wait3A_207] : memref<10240x128xf32, #tpu.memory_space<vmem_shared>> -> memref<10240x128xf32, #tpu.memory_space<vmem_shared>>
        tpu.wait_indirect_dma semaphore(%arg20 : memref<!tpu.dma_semaphore, #tpu.memory_space<semaphore_mem>>) src(%arg16 : memref<128x128xf32, #tpu.memory_space<vmem>>) dst(%dma_wait3A_208 : memref<10240x128xf32, #tpu.memory_space<vmem_shared>>)
        %dma_wait3A_209 = arith.constant 0 : i32
        %dma_wait3A_210 = arith.constant 0 : i32
        %dma_wait3A_211 = tpu.memref_slice %arg15[%dma_wait3A_209, %dma_wait3A_210] : memref<40x128xi32, #tpu.memory_space<vmem>> -> memref<1x128xi32, #tpu.memory_space<vmem>>
        %dma_wait3A_212 = tpu.memref_squeeze %dma_wait3A_211 : memref<1x128xi32, #tpu.memory_space<vmem>> -> memref<128xi32, #tpu.memory_space<vmem>>
        %dma_wait3A_213 = arith.constant 0 : i32
        %dma_wait3A_214 = arith.constant 0 : i32
        %dma_wait3A_215 = tpu.memref_slice %arg13[%dma_wait3A_213, %dma_wait3A_214] : memref<10240x128xf32, #tpu.memory_space<vmem_shared>> -> memref<10240x128xf32, #tpu.memory_space<vmem_shared>>
        tpu.wait_indirect_dma semaphore(%arg21 : memref<!tpu.dma_semaphore, #tpu.memory_space<semaphore_mem>>) src(%arg17 : memref<128x128xf32, #tpu.memory_space<vmem>>) dst(%dma_wait3A_215 : memref<10240x128xf32, #tpu.memory_space<vmem_shared>>)
      }
      %scan3A_158 = arith.constant 20 : i32
    } else {
    }
    %eq3A_50 = arith.constant 1 : i32
    %eq3A_51 = arith.cmpi eq, %arg0, %eq3A_50 : i32
    %convert_element_type3A_52 = arith.extui %eq3A_51 : i1 to i32
    %cond3A_53 = arith.constant 0 : i32
    %cond3A_54 = arith.cmpi ne, %convert_element_type3A_52, %cond3A_53 : i32
    scf.if %cond3A_54 {
      %mul3A_140 = arith.constant 80 : i32
      %mul3A_141 = arith.muli %arg1, %mul3A_140 : i32
      %add3A_142 = arith.constant 0 : i32
      %add3A_143 = arith.addi %mul3A_141, %add3A_142 : i32
      "tpu.region"() ({
        %run_scoped3A = tpu.sem_alloc : memref<!tpu.dma_semaphore, #tpu.memory_space<semaphore_mem>>
        %dma_start3A_159 = arith.constant 0 : i32
        %dma_start3A_160 = tpu.memref_slice %arg6[%add3A_143, %dma_start3A_159] : memref<1280x128xi32, #tpu.memory_space<hbm>> -> memref<40x128xi32, #tpu.memory_space<hbm>>
        %dma_start3A_161 = arith.constant 0 : i32
        %dma_start3A_162 = tpu.memref_slice %arg6[%add3A_143, %dma_start3A_161] : memref<1280x128xi32, #tpu.memory_space<hbm>> -> memref<40x128xi32, #tpu.memory_space<hbm>>
        tpu.enqueue_dma source(%dma_start3A_162 : memref<40x128xi32, #tpu.memory_space<hbm>>) target(%arg14 : memref<40x128xi32, #tpu.memory_space<vmem>>) target_semaphore(%run_scoped3A : memref<!tpu.dma_semaphore, #tpu.memory_space<semaphore_mem>>)
        %dma_wait3A_163 = arith.constant 0 : i32
        %dma_wait3A_164 = tpu.memref_slice %arg6[%add3A_143, %dma_wait3A_163] : memref<1280x128xi32, #tpu.memory_space<hbm>> -> memref<40x128xi32, #tpu.memory_space<hbm>>
        %dma_wait3A_165 = arith.constant 0 : i32
        %dma_wait3A_166 = tpu.memref_slice %arg6[%add3A_143, %dma_wait3A_165] : memref<1280x128xi32, #tpu.memory_space<hbm>> -> memref<40x128xi32, #tpu.memory_space<hbm>>
        tpu.wait_dma2 semaphore(%run_scoped3A : memref<!tpu.dma_semaphore, #tpu.memory_space<semaphore_mem>>) src(%dma_wait3A_166 : memref<40x128xi32, #tpu.memory_space<hbm>>) dst(%arg14 : memref<40x128xi32, #tpu.memory_space<vmem>>)
        tpu.yield
      }) : () -> ()
      "tpu.region"() ({
        %run_scoped3A = tpu.sem_alloc : memref<!tpu.dma_semaphore, #tpu.memory_space<semaphore_mem>>
        %dma_start3A_159 = arith.constant 0 : i32
        %dma_start3A_160 = tpu.memref_slice %arg7[%add3A_143, %dma_start3A_159] : memref<1280x128xi32, #tpu.memory_space<hbm>> -> memref<40x128xi32, #tpu.memory_space<hbm>>
        %dma_start3A_161 = arith.constant 0 : i32
        %dma_start3A_162 = tpu.memref_slice %arg7[%add3A_143, %dma_start3A_161] : memref<1280x128xi32, #tpu.memory_space<hbm>> -> memref<40x128xi32, #tpu.memory_space<hbm>>
        tpu.enqueue_dma source(%dma_start3A_162 : memref<40x128xi32, #tpu.memory_space<hbm>>) target(%arg15 : memref<40x128xi32, #tpu.memory_space<vmem>>) target_semaphore(%run_scoped3A : memref<!tpu.dma_semaphore, #tpu.memory_space<semaphore_mem>>)
        %dma_wait3A_163 = arith.constant 0 : i32
        %dma_wait3A_164 = tpu.memref_slice %arg7[%add3A_143, %dma_wait3A_163] : memref<1280x128xi32, #tpu.memory_space<hbm>> -> memref<40x128xi32, #tpu.memory_space<hbm>>
        %dma_wait3A_165 = arith.constant 0 : i32
        %dma_wait3A_166 = tpu.memref_slice %arg7[%add3A_143, %dma_wait3A_165] : memref<1280x128xi32, #tpu.memory_space<hbm>> -> memref<40x128xi32, #tpu.memory_space<hbm>>
        tpu.wait_dma2 semaphore(%run_scoped3A : memref<!tpu.dma_semaphore, #tpu.memory_space<semaphore_mem>>) src(%dma_wait3A_166 : memref<40x128xi32, #tpu.memory_space<hbm>>) dst(%arg15 : memref<40x128xi32, #tpu.memory_space<vmem>>)
        tpu.yield
      }) : () -> ()
      %scan3A = arith.constant 0 : i32
      %scan3A_144 = arith.constant 0 : i32
      %scan3A_145 = arith.constant 20 : i32
      %scan3A_146 = arith.addi %scan3A_144, %scan3A_145 : i32
      %scan3A_147 = arith.constant 1 : i32
      scf.for %scan3A_159 = %scan3A_144 to %scan3A_146 step %scan3A_147  : i32 {
        %mul3A_160 = arith.constant 2 : i32
        %mul3A_161 = arith.muli %mul3A_160, %scan3A_159 : i32
        %dma_start3A_162 = arith.constant 0 : i32
        %dma_start3A_163 = tpu.memref_slice %arg14[%mul3A_161, %dma_start3A_162] : memref<40x128xi32, #tpu.memory_space<vmem>> -> memref<1x128xi32, #tpu.memory_space<vmem>>
        %dma_start3A_164 = tpu.memref_squeeze %dma_start3A_163 : memref<1x128xi32, #tpu.memory_space<vmem>> -> memref<128xi32, #tpu.memory_space<vmem>>
        %dma_start3A_165 = arith.constant 0 : i32
        %dma_start3A_166 = arith.constant 0 : i32
        %dma_start3A_167 = tpu.memref_slice %arg4[%dma_start3A_165, %dma_start3A_166] : memref<10240x128xf32, #tpu.memory_space<hbm>> -> memref<10240x128xf32, #tpu.memory_space<hbm>>
        tpu.enqueue_indirect_dma source(%dma_start3A_167 : memref<10240x128xf32, #tpu.memory_space<hbm>>) target(%arg16 : memref<128x128xf32, #tpu.memory_space<vmem>>) offsets(%dma_start3A_164 : memref<128xi32, #tpu.memory_space<vmem>>) semaphore(%arg18 : memref<!tpu.dma_semaphore, #tpu.memory_space<semaphore_mem>>)
        %add3A_168 = arith.constant 1 : i32
        %add3A_169 = arith.addi %mul3A_161, %add3A_168 : i32
        %dma_start3A_170 = arith.constant 0 : i32
        %dma_start3A_171 = tpu.memref_slice %arg14[%add3A_169, %dma_start3A_170] : memref<40x128xi32, #tpu.memory_space<vmem>> -> memref<1x128xi32, #tpu.memory_space<vmem>>
        %dma_start3A_172 = tpu.memref_squeeze %dma_start3A_171 : memref<1x128xi32, #tpu.memory_space<vmem>> -> memref<128xi32, #tpu.memory_space<vmem>>
        %dma_start3A_173 = arith.constant 0 : i32
        %dma_start3A_174 = arith.constant 0 : i32
        %dma_start3A_175 = tpu.memref_slice %arg4[%dma_start3A_173, %dma_start3A_174] : memref<10240x128xf32, #tpu.memory_space<hbm>> -> memref<10240x128xf32, #tpu.memory_space<hbm>>
        tpu.enqueue_indirect_dma source(%dma_start3A_175 : memref<10240x128xf32, #tpu.memory_space<hbm>>) target(%arg17 : memref<128x128xf32, #tpu.memory_space<vmem>>) offsets(%dma_start3A_172 : memref<128xi32, #tpu.memory_space<vmem>>) semaphore(%arg19 : memref<!tpu.dma_semaphore, #tpu.memory_space<semaphore_mem>>)
        %dma_wait3A_176 = arith.constant 0 : i32
        %dma_wait3A_177 = tpu.memref_slice %arg14[%mul3A_161, %dma_wait3A_176] : memref<40x128xi32, #tpu.memory_space<vmem>> -> memref<1x128xi32, #tpu.memory_space<vmem>>
        %dma_wait3A_178 = tpu.memref_squeeze %dma_wait3A_177 : memref<1x128xi32, #tpu.memory_space<vmem>> -> memref<128xi32, #tpu.memory_space<vmem>>
        %dma_wait3A_179 = arith.constant 0 : i32
        %dma_wait3A_180 = arith.constant 0 : i32
        %dma_wait3A_181 = tpu.memref_slice %arg4[%dma_wait3A_179, %dma_wait3A_180] : memref<10240x128xf32, #tpu.memory_space<hbm>> -> memref<10240x128xf32, #tpu.memory_space<hbm>>
        tpu.wait_indirect_dma semaphore(%arg18 : memref<!tpu.dma_semaphore, #tpu.memory_space<semaphore_mem>>) src(%dma_wait3A_181 : memref<10240x128xf32, #tpu.memory_space<hbm>>) dst(%arg16 : memref<128x128xf32, #tpu.memory_space<vmem>>)
        %dma_start3A_182 = arith.constant 0 : i32
        %dma_start3A_183 = tpu.memref_slice %arg15[%mul3A_161, %dma_start3A_182] : memref<40x128xi32, #tpu.memory_space<vmem>> -> memref<1x128xi32, #tpu.memory_space<vmem>>
        %dma_start3A_184 = tpu.memref_squeeze %dma_start3A_183 : memref<1x128xi32, #tpu.memory_space<vmem>> -> memref<128xi32, #tpu.memory_space<vmem>>
        %dma_start3A_185 = arith.constant 0 : i32
        %dma_start3A_186 = arith.constant 0 : i32
        %dma_start3A_187 = tpu.memref_slice %arg13[%dma_start3A_185, %dma_start3A_186] : memref<10240x128xf32, #tpu.memory_space<vmem_shared>> -> memref<10240x128xf32, #tpu.memory_space<vmem_shared>>
        tpu.enqueue_indirect_dma source(%arg16 : memref<128x128xf32, #tpu.memory_space<vmem>>) target(%dma_start3A_187 : memref<10240x128xf32, #tpu.memory_space<vmem_shared>>) offsets(%dma_start3A_184 : memref<128xi32, #tpu.memory_space<vmem>>) semaphore(%arg20 : memref<!tpu.dma_semaphore, #tpu.memory_space<semaphore_mem>>) {add = true}
        %dma_wait3A_188 = arith.constant 0 : i32
        %dma_wait3A_189 = tpu.memref_slice %arg14[%add3A_169, %dma_wait3A_188] : memref<40x128xi32, #tpu.memory_space<vmem>> -> memref<1x128xi32, #tpu.memory_space<vmem>>
        %dma_wait3A_190 = tpu.memref_squeeze %dma_wait3A_189 : memref<1x128xi32, #tpu.memory_space<vmem>> -> memref<128xi32, #tpu.memory_space<vmem>>
        %dma_wait3A_191 = arith.constant 0 : i32
        %dma_wait3A_192 = arith.constant 0 : i32
        %dma_wait3A_193 = tpu.memref_slice %arg4[%dma_wait3A_191, %dma_wait3A_192] : memref<10240x128xf32, #tpu.memory_space<hbm>> -> memref<10240x128xf32, #tpu.memory_space<hbm>>
        tpu.wait_indirect_dma semaphore(%arg19 : memref<!tpu.dma_semaphore, #tpu.memory_space<semaphore_mem>>) src(%dma_wait3A_193 : memref<10240x128xf32, #tpu.memory_space<hbm>>) dst(%arg17 : memref<128x128xf32, #tpu.memory_space<vmem>>)
        %add3A_194 = arith.constant 1 : i32
        %add3A_195 = arith.addi %mul3A_161, %add3A_194 : i32
        %dma_start3A_196 = arith.constant 0 : i32
        %dma_start3A_197 = tpu.memref_slice %arg15[%add3A_195, %dma_start3A_196] : memref<40x128xi32, #tpu.memory_space<vmem>> -> memref<1x128xi32, #tpu.memory_space<vmem>>
        %dma_start3A_198 = tpu.memref_squeeze %dma_start3A_197 : memref<1x128xi32, #tpu.memory_space<vmem>> -> memref<128xi32, #tpu.memory_space<vmem>>
        %dma_start3A_199 = arith.constant 0 : i32
        %dma_start3A_200 = arith.constant 0 : i32
        %dma_start3A_201 = tpu.memref_slice %arg13[%dma_start3A_199, %dma_start3A_200] : memref<10240x128xf32, #tpu.memory_space<vmem_shared>> -> memref<10240x128xf32, #tpu.memory_space<vmem_shared>>
        tpu.enqueue_indirect_dma source(%arg17 : memref<128x128xf32, #tpu.memory_space<vmem>>) target(%dma_start3A_201 : memref<10240x128xf32, #tpu.memory_space<vmem_shared>>) offsets(%dma_start3A_198 : memref<128xi32, #tpu.memory_space<vmem>>) semaphore(%arg21 : memref<!tpu.dma_semaphore, #tpu.memory_space<semaphore_mem>>) {add = true}
        %dma_wait3A_202 = arith.constant 0 : i32
        %dma_wait3A_203 = arith.constant 0 : i32
        %dma_wait3A_204 = tpu.memref_slice %arg15[%dma_wait3A_202, %dma_wait3A_203] : memref<40x128xi32, #tpu.memory_space<vmem>> -> memref<1x128xi32, #tpu.memory_space<vmem>>
        %dma_wait3A_205 = tpu.memref_squeeze %dma_wait3A_204 : memref<1x128xi32, #tpu.memory_space<vmem>> -> memref<128xi32, #tpu.memory_space<vmem>>
        %dma_wait3A_206 = arith.constant 0 : i32
        %dma_wait3A_207 = arith.constant 0 : i32
        %dma_wait3A_208 = tpu.memref_slice %arg13[%dma_wait3A_206, %dma_wait3A_207] : memref<10240x128xf32, #tpu.memory_space<vmem_shared>> -> memref<10240x128xf32, #tpu.memory_space<vmem_shared>>
        tpu.wait_indirect_dma semaphore(%arg20 : memref<!tpu.dma_semaphore, #tpu.memory_space<semaphore_mem>>) src(%arg16 : memref<128x128xf32, #tpu.memory_space<vmem>>) dst(%dma_wait3A_208 : memref<10240x128xf32, #tpu.memory_space<vmem_shared>>)
        %dma_wait3A_209 = arith.constant 0 : i32
        %dma_wait3A_210 = arith.constant 0 : i32
        %dma_wait3A_211 = tpu.memref_slice %arg15[%dma_wait3A_209, %dma_wait3A_210] : memref<40x128xi32, #tpu.memory_space<vmem>> -> memref<1x128xi32, #tpu.memory_space<vmem>>
        %dma_wait3A_212 = tpu.memref_squeeze %dma_wait3A_211 : memref<1x128xi32, #tpu.memory_space<vmem>> -> memref<128xi32, #tpu.memory_space<vmem>>
        %dma_wait3A_213 = arith.constant 0 : i32
        %dma_wait3A_214 = arith.constant 0 : i32
        %dma_wait3A_215 = tpu.memref_slice %arg13[%dma_wait3A_213, %dma_wait3A_214] : memref<10240x128xf32, #tpu.memory_space<vmem_shared>> -> memref<10240x128xf32, #tpu.memory_space<vmem_shared>>
        tpu.wait_indirect_dma semaphore(%arg21 : memref<!tpu.dma_semaphore, #tpu.memory_space<semaphore_mem>>) src(%arg17 : memref<128x128xf32, #tpu.memory_space<vmem>>) dst(%dma_wait3A_215 : memref<10240x128xf32, #tpu.memory_space<vmem_shared>>)
      }
      %scan3A_148 = arith.constant 20 : i32
      %mul3A_149 = arith.constant 80 : i32
      %mul3A_150 = arith.muli %arg1, %mul3A_149 : i32
      %add3A_151 = arith.constant 40 : i32
      %add3A_152 = arith.addi %mul3A_150, %add3A_151 : i32
      "tpu.region"() ({
        %run_scoped3A = tpu.sem_alloc : memref<!tpu.dma_semaphore, #tpu.memory_space<semaphore_mem>>
        %dma_start3A_159 = arith.constant 0 : i32
        %dma_start3A_160 = tpu.memref_slice %arg6[%add3A_152, %dma_start3A_159] : memref<1280x128xi32, #tpu.memory_space<hbm>> -> memref<40x128xi32, #tpu.memory_space<hbm>>
        %dma_start3A_161 = arith.constant 0 : i32
        %dma_start3A_162 = tpu.memref_slice %arg6[%add3A_152, %dma_start3A_161] : memref<1280x128xi32, #tpu.memory_space<hbm>> -> memref<40x128xi32, #tpu.memory_space<hbm>>
        tpu.enqueue_dma source(%dma_start3A_162 : memref<40x128xi32, #tpu.memory_space<hbm>>) target(%arg14 : memref<40x128xi32, #tpu.memory_space<vmem>>) target_semaphore(%run_scoped3A : memref<!tpu.dma_semaphore, #tpu.memory_space<semaphore_mem>>)
        %dma_wait3A_163 = arith.constant 0 : i32
        %dma_wait3A_164 = tpu.memref_slice %arg6[%add3A_152, %dma_wait3A_163] : memref<1280x128xi32, #tpu.memory_space<hbm>> -> memref<40x128xi32, #tpu.memory_space<hbm>>
        %dma_wait3A_165 = arith.constant 0 : i32
        %dma_wait3A_166 = tpu.memref_slice %arg6[%add3A_152, %dma_wait3A_165] : memref<1280x128xi32, #tpu.memory_space<hbm>> -> memref<40x128xi32, #tpu.memory_space<hbm>>
        tpu.wait_dma2 semaphore(%run_scoped3A : memref<!tpu.dma_semaphore, #tpu.memory_space<semaphore_mem>>) src(%dma_wait3A_166 : memref<40x128xi32, #tpu.memory_space<hbm>>) dst(%arg14 : memref<40x128xi32, #tpu.memory_space<vmem>>)
        tpu.yield
      }) : () -> ()
      "tpu.region"() ({
        %run_scoped3A = tpu.sem_alloc : memref<!tpu.dma_semaphore, #tpu.memory_space<semaphore_mem>>
        %dma_start3A_159 = arith.constant 0 : i32
        %dma_start3A_160 = tpu.memref_slice %arg7[%add3A_152, %dma_start3A_159] : memref<1280x128xi32, #tpu.memory_space<hbm>> -> memref<40x128xi32, #tpu.memory_space<hbm>>
        %dma_start3A_161 = arith.constant 0 : i32
        %dma_start3A_162 = tpu.memref_slice %arg7[%add3A_152, %dma_start3A_161] : memref<1280x128xi32, #tpu.memory_space<hbm>> -> memref<40x128xi32, #tpu.memory_space<hbm>>
        tpu.enqueue_dma source(%dma_start3A_162 : memref<40x128xi32, #tpu.memory_space<hbm>>) target(%arg15 : memref<40x128xi32, #tpu.memory_space<vmem>>) target_semaphore(%run_scoped3A : memref<!tpu.dma_semaphore, #tpu.memory_space<semaphore_mem>>)
        %dma_wait3A_163 = arith.constant 0 : i32
        %dma_wait3A_164 = tpu.memref_slice %arg7[%add3A_152, %dma_wait3A_163] : memref<1280x128xi32, #tpu.memory_space<hbm>> -> memref<40x128xi32, #tpu.memory_space<hbm>>
        %dma_wait3A_165 = arith.constant 0 : i32
        %dma_wait3A_166 = tpu.memref_slice %arg7[%add3A_152, %dma_wait3A_165] : memref<1280x128xi32, #tpu.memory_space<hbm>> -> memref<40x128xi32, #tpu.memory_space<hbm>>
        tpu.wait_dma2 semaphore(%run_scoped3A : memref<!tpu.dma_semaphore, #tpu.memory_space<semaphore_mem>>) src(%dma_wait3A_166 : memref<40x128xi32, #tpu.memory_space<hbm>>) dst(%arg15 : memref<40x128xi32, #tpu.memory_space<vmem>>)
        tpu.yield
      }) : () -> ()
      %scan3A_153 = arith.constant 0 : i32
      %scan3A_154 = arith.constant 0 : i32
      %scan3A_155 = arith.constant 20 : i32
      %scan3A_156 = arith.addi %scan3A_154, %scan3A_155 : i32
      %scan3A_157 = arith.constant 1 : i32
      scf.for %scan3A_159 = %scan3A_154 to %scan3A_156 step %scan3A_157  : i32 {
        %mul3A_160 = arith.constant 2 : i32
        %mul3A_161 = arith.muli %mul3A_160, %scan3A_159 : i32
        %dma_start3A_162 = arith.constant 0 : i32
        %dma_start3A_163 = tpu.memref_slice %arg14[%mul3A_161, %dma_start3A_162] : memref<40x128xi32, #tpu.memory_space<vmem>> -> memref<1x128xi32, #tpu.memory_space<vmem>>
        %dma_start3A_164 = tpu.memref_squeeze %dma_start3A_163 : memref<1x128xi32, #tpu.memory_space<vmem>> -> memref<128xi32, #tpu.memory_space<vmem>>
        %dma_start3A_165 = arith.constant 0 : i32
        %dma_start3A_166 = arith.constant 0 : i32
        %dma_start3A_167 = tpu.memref_slice %arg4[%dma_start3A_165, %dma_start3A_166] : memref<10240x128xf32, #tpu.memory_space<hbm>> -> memref<10240x128xf32, #tpu.memory_space<hbm>>
        tpu.enqueue_indirect_dma source(%dma_start3A_167 : memref<10240x128xf32, #tpu.memory_space<hbm>>) target(%arg16 : memref<128x128xf32, #tpu.memory_space<vmem>>) offsets(%dma_start3A_164 : memref<128xi32, #tpu.memory_space<vmem>>) semaphore(%arg18 : memref<!tpu.dma_semaphore, #tpu.memory_space<semaphore_mem>>)
        %add3A_168 = arith.constant 1 : i32
        %add3A_169 = arith.addi %mul3A_161, %add3A_168 : i32
        %dma_start3A_170 = arith.constant 0 : i32
        %dma_start3A_171 = tpu.memref_slice %arg14[%add3A_169, %dma_start3A_170] : memref<40x128xi32, #tpu.memory_space<vmem>> -> memref<1x128xi32, #tpu.memory_space<vmem>>
        %dma_start3A_172 = tpu.memref_squeeze %dma_start3A_171 : memref<1x128xi32, #tpu.memory_space<vmem>> -> memref<128xi32, #tpu.memory_space<vmem>>
        %dma_start3A_173 = arith.constant 0 : i32
        %dma_start3A_174 = arith.constant 0 : i32
        %dma_start3A_175 = tpu.memref_slice %arg4[%dma_start3A_173, %dma_start3A_174] : memref<10240x128xf32, #tpu.memory_space<hbm>> -> memref<10240x128xf32, #tpu.memory_space<hbm>>
        tpu.enqueue_indirect_dma source(%dma_start3A_175 : memref<10240x128xf32, #tpu.memory_space<hbm>>) target(%arg17 : memref<128x128xf32, #tpu.memory_space<vmem>>) offsets(%dma_start3A_172 : memref<128xi32, #tpu.memory_space<vmem>>) semaphore(%arg19 : memref<!tpu.dma_semaphore, #tpu.memory_space<semaphore_mem>>)
        %dma_wait3A_176 = arith.constant 0 : i32
        %dma_wait3A_177 = tpu.memref_slice %arg14[%mul3A_161, %dma_wait3A_176] : memref<40x128xi32, #tpu.memory_space<vmem>> -> memref<1x128xi32, #tpu.memory_space<vmem>>
        %dma_wait3A_178 = tpu.memref_squeeze %dma_wait3A_177 : memref<1x128xi32, #tpu.memory_space<vmem>> -> memref<128xi32, #tpu.memory_space<vmem>>
        %dma_wait3A_179 = arith.constant 0 : i32
        %dma_wait3A_180 = arith.constant 0 : i32
        %dma_wait3A_181 = tpu.memref_slice %arg4[%dma_wait3A_179, %dma_wait3A_180] : memref<10240x128xf32, #tpu.memory_space<hbm>> -> memref<10240x128xf32, #tpu.memory_space<hbm>>
        tpu.wait_indirect_dma semaphore(%arg18 : memref<!tpu.dma_semaphore, #tpu.memory_space<semaphore_mem>>) src(%dma_wait3A_181 : memref<10240x128xf32, #tpu.memory_space<hbm>>) dst(%arg16 : memref<128x128xf32, #tpu.memory_space<vmem>>)
        %dma_start3A_182 = arith.constant 0 : i32
        %dma_start3A_183 = tpu.memref_slice %arg15[%mul3A_161, %dma_start3A_182] : memref<40x128xi32, #tpu.memory_space<vmem>> -> memref<1x128xi32, #tpu.memory_space<vmem>>
        %dma_start3A_184 = tpu.memref_squeeze %dma_start3A_183 : memref<1x128xi32, #tpu.memory_space<vmem>> -> memref<128xi32, #tpu.memory_space<vmem>>
        %dma_start3A_185 = arith.constant 0 : i32
        %dma_start3A_186 = arith.constant 0 : i32
        %dma_start3A_187 = tpu.memref_slice %arg13[%dma_start3A_185, %dma_start3A_186] : memref<10240x128xf32, #tpu.memory_space<vmem_shared>> -> memref<10240x128xf32, #tpu.memory_space<vmem_shared>>
        tpu.enqueue_indirect_dma source(%arg16 : memref<128x128xf32, #tpu.memory_space<vmem>>) target(%dma_start3A_187 : memref<10240x128xf32, #tpu.memory_space<vmem_shared>>) offsets(%dma_start3A_184 : memref<128xi32, #tpu.memory_space<vmem>>) semaphore(%arg20 : memref<!tpu.dma_semaphore, #tpu.memory_space<semaphore_mem>>) {add = true}
        %dma_wait3A_188 = arith.constant 0 : i32
        %dma_wait3A_189 = tpu.memref_slice %arg14[%add3A_169, %dma_wait3A_188] : memref<40x128xi32, #tpu.memory_space<vmem>> -> memref<1x128xi32, #tpu.memory_space<vmem>>
        %dma_wait3A_190 = tpu.memref_squeeze %dma_wait3A_189 : memref<1x128xi32, #tpu.memory_space<vmem>> -> memref<128xi32, #tpu.memory_space<vmem>>
        %dma_wait3A_191 = arith.constant 0 : i32
        %dma_wait3A_192 = arith.constant 0 : i32
        %dma_wait3A_193 = tpu.memref_slice %arg4[%dma_wait3A_191, %dma_wait3A_192] : memref<10240x128xf32, #tpu.memory_space<hbm>> -> memref<10240x128xf32, #tpu.memory_space<hbm>>
        tpu.wait_indirect_dma semaphore(%arg19 : memref<!tpu.dma_semaphore, #tpu.memory_space<semaphore_mem>>) src(%dma_wait3A_193 : memref<10240x128xf32, #tpu.memory_space<hbm>>) dst(%arg17 : memref<128x128xf32, #tpu.memory_space<vmem>>)
        %add3A_194 = arith.constant 1 : i32
        %add3A_195 = arith.addi %mul3A_161, %add3A_194 : i32
        %dma_start3A_196 = arith.constant 0 : i32
        %dma_start3A_197 = tpu.memref_slice %arg15[%add3A_195, %dma_start3A_196] : memref<40x128xi32, #tpu.memory_space<vmem>> -> memref<1x128xi32, #tpu.memory_space<vmem>>
        %dma_start3A_198 = tpu.memref_squeeze %dma_start3A_197 : memref<1x128xi32, #tpu.memory_space<vmem>> -> memref<128xi32, #tpu.memory_space<vmem>>
        %dma_start3A_199 = arith.constant 0 : i32
        %dma_start3A_200 = arith.constant 0 : i32
        %dma_start3A_201 = tpu.memref_slice %arg13[%dma_start3A_199, %dma_start3A_200] : memref<10240x128xf32, #tpu.memory_space<vmem_shared>> -> memref<10240x128xf32, #tpu.memory_space<vmem_shared>>
        tpu.enqueue_indirect_dma source(%arg17 : memref<128x128xf32, #tpu.memory_space<vmem>>) target(%dma_start3A_201 : memref<10240x128xf32, #tpu.memory_space<vmem_shared>>) offsets(%dma_start3A_198 : memref<128xi32, #tpu.memory_space<vmem>>) semaphore(%arg21 : memref<!tpu.dma_semaphore, #tpu.memory_space<semaphore_mem>>) {add = true}
        %dma_wait3A_202 = arith.constant 0 : i32
        %dma_wait3A_203 = arith.constant 0 : i32
        %dma_wait3A_204 = tpu.memref_slice %arg15[%dma_wait3A_202, %dma_wait3A_203] : memref<40x128xi32, #tpu.memory_space<vmem>> -> memref<1x128xi32, #tpu.memory_space<vmem>>
        %dma_wait3A_205 = tpu.memref_squeeze %dma_wait3A_204 : memref<1x128xi32, #tpu.memory_space<vmem>> -> memref<128xi32, #tpu.memory_space<vmem>>
        %dma_wait3A_206 = arith.constant 0 : i32
        %dma_wait3A_207 = arith.constant 0 : i32
        %dma_wait3A_208 = tpu.memref_slice %arg13[%dma_wait3A_206, %dma_wait3A_207] : memref<10240x128xf32, #tpu.memory_space<vmem_shared>> -> memref<10240x128xf32, #tpu.memory_space<vmem_shared>>
        tpu.wait_indirect_dma semaphore(%arg20 : memref<!tpu.dma_semaphore, #tpu.memory_space<semaphore_mem>>) src(%arg16 : memref<128x128xf32, #tpu.memory_space<vmem>>) dst(%dma_wait3A_208 : memref<10240x128xf32, #tpu.memory_space<vmem_shared>>)
        %dma_wait3A_209 = arith.constant 0 : i32
        %dma_wait3A_210 = arith.constant 0 : i32
        %dma_wait3A_211 = tpu.memref_slice %arg15[%dma_wait3A_209, %dma_wait3A_210] : memref<40x128xi32, #tpu.memory_space<vmem>> -> memref<1x128xi32, #tpu.memory_space<vmem>>
        %dma_wait3A_212 = tpu.memref_squeeze %dma_wait3A_211 : memref<1x128xi32, #tpu.memory_space<vmem>> -> memref<128xi32, #tpu.memory_space<vmem>>
        %dma_wait3A_213 = arith.constant 0 : i32
        %dma_wait3A_214 = arith.constant 0 : i32
        %dma_wait3A_215 = tpu.memref_slice %arg13[%dma_wait3A_213, %dma_wait3A_214] : memref<10240x128xf32, #tpu.memory_space<vmem_shared>> -> memref<10240x128xf32, #tpu.memory_space<vmem_shared>>
        tpu.wait_indirect_dma semaphore(%arg21 : memref<!tpu.dma_semaphore, #tpu.memory_space<semaphore_mem>>) src(%arg17 : memref<128x128xf32, #tpu.memory_space<vmem>>) dst(%dma_wait3A_215 : memref<10240x128xf32, #tpu.memory_space<vmem_shared>>)
      }
      %scan3A_158 = arith.constant 20 : i32
    } else {
    }
    %barrier3A_55 = arith.constant 0 : index
    tpu.barrier barrier_id(%barrier3A_55)
    %eq3A_56 = arith.constant 0 : i32
    %eq3A_57 = arith.cmpi eq, %arg0, %eq3A_56 : i32
    %convert_element_type3A_58 = arith.extui %eq3A_57 : i1 to i32
    %cond3A_59 = arith.constant 0 : i32
    %cond3A_60 = arith.cmpi ne, %convert_element_type3A_58, %cond3A_59 : i32
    scf.if %cond3A_60 {
      %add3A_140 = arith.constant 0 : i32
      %add3A_141 = arith.addi %mul3A_0, %add3A_140 : i32
      "tpu.region"() ({
        %run_scoped3A = tpu.sem_alloc : memref<!tpu.dma_semaphore, #tpu.memory_space<semaphore_mem>>
        %dma_start3A_200 = arith.constant 0 : i32
        %dma_start3A_201 = tpu.memref_slice %arg13[%add3A_141, %dma_start3A_200] : memref<10240x128xf32, #tpu.memory_space<vmem_shared>> -> memref<128x128xf32, #tpu.memory_space<vmem_shared>>
        %dma_start3A_202 = arith.constant 0 : i32
        %dma_start3A_203 = tpu.memref_slice %arg13[%add3A_141, %dma_start3A_202] : memref<10240x128xf32, #tpu.memory_space<vmem_shared>> -> memref<128x128xf32, #tpu.memory_space<vmem_shared>>
        tpu.enqueue_dma source(%dma_start3A_203 : memref<128x128xf32, #tpu.memory_space<vmem_shared>>) target(%arg16 : memref<128x128xf32, #tpu.memory_space<vmem>>) target_semaphore(%run_scoped3A : memref<!tpu.dma_semaphore, #tpu.memory_space<semaphore_mem>>)
        %dma_wait3A_204 = arith.constant 0 : i32
        %dma_wait3A_205 = tpu.memref_slice %arg13[%add3A_141, %dma_wait3A_204] : memref<10240x128xf32, #tpu.memory_space<vmem_shared>> -> memref<128x128xf32, #tpu.memory_space<vmem_shared>>
        %dma_wait3A_206 = arith.constant 0 : i32
        %dma_wait3A_207 = tpu.memref_slice %arg13[%add3A_141, %dma_wait3A_206] : memref<10240x128xf32, #tpu.memory_space<vmem_shared>> -> memref<128x128xf32, #tpu.memory_space<vmem_shared>>
        tpu.wait_dma2 semaphore(%run_scoped3A : memref<!tpu.dma_semaphore, #tpu.memory_space<semaphore_mem>>) src(%dma_wait3A_207 : memref<128x128xf32, #tpu.memory_space<vmem_shared>>) dst(%arg16 : memref<128x128xf32, #tpu.memory_space<vmem>>)
        tpu.yield
      }) : () -> ()
      %add3A_142 = arith.constant 0 : i32
      %add3A_143 = arith.addi %mul3A_0, %add3A_142 : i32
      %dma_start3A_144 = arith.constant 0 : i32
      %dma_start3A_145 = tpu.memref_slice %arg9[%add3A_143, %dma_start3A_144] : memref<10240x128xf32, #tpu.memory_space<hbm>> -> memref<128x128xf32, #tpu.memory_space<hbm>>
      %dma_start3A_146 = arith.constant 0 : i32
      %dma_start3A_147 = tpu.memref_slice %arg9[%add3A_143, %dma_start3A_146] : memref<10240x128xf32, #tpu.memory_space<hbm>> -> memref<128x128xf32, #tpu.memory_space<hbm>>
      tpu.enqueue_dma source(%arg16 : memref<128x128xf32, #tpu.memory_space<vmem>>) target(%dma_start3A_147 : memref<128x128xf32, #tpu.memory_space<hbm>>) target_semaphore(%arg18 : memref<!tpu.dma_semaphore, #tpu.memory_space<semaphore_mem>>)
      %add3A_148 = arith.constant 128 : i32
      %add3A_149 = arith.addi %mul3A_0, %add3A_148 : i32
      "tpu.region"() ({
        %run_scoped3A = tpu.sem_alloc : memref<!tpu.dma_semaphore, #tpu.memory_space<semaphore_mem>>
        %dma_start3A_200 = arith.constant 0 : i32
        %dma_start3A_201 = tpu.memref_slice %arg13[%add3A_149, %dma_start3A_200] : memref<10240x128xf32, #tpu.memory_space<vmem_shared>> -> memref<128x128xf32, #tpu.memory_space<vmem_shared>>
        %dma_start3A_202 = arith.constant 0 : i32
        %dma_start3A_203 = tpu.memref_slice %arg13[%add3A_149, %dma_start3A_202] : memref<10240x128xf32, #tpu.memory_space<vmem_shared>> -> memref<128x128xf32, #tpu.memory_space<vmem_shared>>
        tpu.enqueue_dma source(%dma_start3A_203 : memref<128x128xf32, #tpu.memory_space<vmem_shared>>) target(%arg17 : memref<128x128xf32, #tpu.memory_space<vmem>>) target_semaphore(%run_scoped3A : memref<!tpu.dma_semaphore, #tpu.memory_space<semaphore_mem>>)
        %dma_wait3A_204 = arith.constant 0 : i32
        %dma_wait3A_205 = tpu.memref_slice %arg13[%add3A_149, %dma_wait3A_204] : memref<10240x128xf32, #tpu.memory_space<vmem_shared>> -> memref<128x128xf32, #tpu.memory_space<vmem_shared>>
        %dma_wait3A_206 = arith.constant 0 : i32
        %dma_wait3A_207 = tpu.memref_slice %arg13[%add3A_149, %dma_wait3A_206] : memref<10240x128xf32, #tpu.memory_space<vmem_shared>> -> memref<128x128xf32, #tpu.memory_space<vmem_shared>>
        tpu.wait_dma2 semaphore(%run_scoped3A : memref<!tpu.dma_semaphore, #tpu.memory_space<semaphore_mem>>) src(%dma_wait3A_207 : memref<128x128xf32, #tpu.memory_space<vmem_shared>>) dst(%arg17 : memref<128x128xf32, #tpu.memory_space<vmem>>)
        tpu.yield
      }) : () -> ()
      %add3A_150 = arith.constant 128 : i32
      %add3A_151 = arith.addi %mul3A_0, %add3A_150 : i32
      %dma_start3A_152 = arith.constant 0 : i32
      %dma_start3A_153 = tpu.memref_slice %arg9[%add3A_151, %dma_start3A_152] : memref<10240x128xf32, #tpu.memory_space<hbm>> -> memref<128x128xf32, #tpu.memory_space<hbm>>
      %dma_start3A_154 = arith.constant 0 : i32
      %dma_start3A_155 = tpu.memref_slice %arg9[%add3A_151, %dma_start3A_154] : memref<10240x128xf32, #tpu.memory_space<hbm>> -> memref<128x128xf32, #tpu.memory_space<hbm>>
      tpu.enqueue_dma source(%arg17 : memref<128x128xf32, #tpu.memory_space<vmem>>) target(%dma_start3A_155 : memref<128x128xf32, #tpu.memory_space<hbm>>) target_semaphore(%arg19 : memref<!tpu.dma_semaphore, #tpu.memory_space<semaphore_mem>>)
      %dma_wait3A_156 = arith.constant 0 : i32
      %dma_wait3A_157 = tpu.memref_slice %arg9[%add3A_143, %dma_wait3A_156] : memref<10240x128xf32, #tpu.memory_space<hbm>> -> memref<128x128xf32, #tpu.memory_space<hbm>>
      %dma_wait3A_158 = arith.constant 0 : i32
      %dma_wait3A_159 = tpu.memref_slice %arg9[%add3A_143, %dma_wait3A_158] : memref<10240x128xf32, #tpu.memory_space<hbm>> -> memref<128x128xf32, #tpu.memory_space<hbm>>
      tpu.wait_dma2 semaphore(%arg18 : memref<!tpu.dma_semaphore, #tpu.memory_space<semaphore_mem>>) src(%arg16 : memref<128x128xf32, #tpu.memory_space<vmem>>) dst(%dma_wait3A_159 : memref<128x128xf32, #tpu.memory_space<hbm>>)
      %add3A_160 = arith.constant 256 : i32
      %add3A_161 = arith.addi %mul3A_0, %add3A_160 : i32
      "tpu.region"() ({
        %run_scoped3A = tpu.sem_alloc : memref<!tpu.dma_semaphore, #tpu.memory_space<semaphore_mem>>
        %dma_start3A_200 = arith.constant 0 : i32
        %dma_start3A_201 = tpu.memref_slice %arg13[%add3A_161, %dma_start3A_200] : memref<10240x128xf32, #tpu.memory_space<vmem_shared>> -> memref<128x128xf32, #tpu.memory_space<vmem_shared>>
        %dma_start3A_202 = arith.constant 0 : i32
        %dma_start3A_203 = tpu.memref_slice %arg13[%add3A_161, %dma_start3A_202] : memref<10240x128xf32, #tpu.memory_space<vmem_shared>> -> memref<128x128xf32, #tpu.memory_space<vmem_shared>>
        tpu.enqueue_dma source(%dma_start3A_203 : memref<128x128xf32, #tpu.memory_space<vmem_shared>>) target(%arg16 : memref<128x128xf32, #tpu.memory_space<vmem>>) target_semaphore(%run_scoped3A : memref<!tpu.dma_semaphore, #tpu.memory_space<semaphore_mem>>)
        %dma_wait3A_204 = arith.constant 0 : i32
        %dma_wait3A_205 = tpu.memref_slice %arg13[%add3A_161, %dma_wait3A_204] : memref<10240x128xf32, #tpu.memory_space<vmem_shared>> -> memref<128x128xf32, #tpu.memory_space<vmem_shared>>
        %dma_wait3A_206 = arith.constant 0 : i32
        %dma_wait3A_207 = tpu.memref_slice %arg13[%add3A_161, %dma_wait3A_206] : memref<10240x128xf32, #tpu.memory_space<vmem_shared>> -> memref<128x128xf32, #tpu.memory_space<vmem_shared>>
        tpu.wait_dma2 semaphore(%run_scoped3A : memref<!tpu.dma_semaphore, #tpu.memory_space<semaphore_mem>>) src(%dma_wait3A_207 : memref<128x128xf32, #tpu.memory_space<vmem_shared>>) dst(%arg16 : memref<128x128xf32, #tpu.memory_space<vmem>>)
        tpu.yield
      }) : () -> ()
      %add3A_162 = arith.constant 256 : i32
      %add3A_163 = arith.addi %mul3A_0, %add3A_162 : i32
      %dma_start3A_164 = arith.constant 0 : i32
      %dma_start3A_165 = tpu.memref_slice %arg9[%add3A_163, %dma_start3A_164] : memref<10240x128xf32, #tpu.memory_space<hbm>> -> memref<128x128xf32, #tpu.memory_space<hbm>>
      %dma_start3A_166 = arith.constant 0 : i32
      %dma_start3A_167 = tpu.memref_slice %arg9[%add3A_163, %dma_start3A_166] : memref<10240x128xf32, #tpu.memory_space<hbm>> -> memref<128x128xf32, #tpu.memory_space<hbm>>
      tpu.enqueue_dma source(%arg16 : memref<128x128xf32, #tpu.memory_space<vmem>>) target(%dma_start3A_167 : memref<128x128xf32, #tpu.memory_space<hbm>>) target_semaphore(%arg18 : memref<!tpu.dma_semaphore, #tpu.memory_space<semaphore_mem>>)
      %dma_wait3A_168 = arith.constant 0 : i32
      %dma_wait3A_169 = tpu.memref_slice %arg9[%add3A_151, %dma_wait3A_168] : memref<10240x128xf32, #tpu.memory_space<hbm>> -> memref<128x128xf32, #tpu.memory_space<hbm>>
      %dma_wait3A_170 = arith.constant 0 : i32
      %dma_wait3A_171 = tpu.memref_slice %arg9[%add3A_151, %dma_wait3A_170] : memref<10240x128xf32, #tpu.memory_space<hbm>> -> memref<128x128xf32, #tpu.memory_space<hbm>>
      tpu.wait_dma2 semaphore(%arg19 : memref<!tpu.dma_semaphore, #tpu.memory_space<semaphore_mem>>) src(%arg17 : memref<128x128xf32, #tpu.memory_space<vmem>>) dst(%dma_wait3A_171 : memref<128x128xf32, #tpu.memory_space<hbm>>)
      %add3A_172 = arith.constant 384 : i32
      %add3A_173 = arith.addi %mul3A_0, %add3A_172 : i32
      "tpu.region"() ({
        %run_scoped3A = tpu.sem_alloc : memref<!tpu.dma_semaphore, #tpu.memory_space<semaphore_mem>>
        %dma_start3A_200 = arith.constant 0 : i32
        %dma_start3A_201 = tpu.memref_slice %arg13[%add3A_173, %dma_start3A_200] : memref<10240x128xf32, #tpu.memory_space<vmem_shared>> -> memref<128x128xf32, #tpu.memory_space<vmem_shared>>
        %dma_start3A_202 = arith.constant 0 : i32
        %dma_start3A_203 = tpu.memref_slice %arg13[%add3A_173, %dma_start3A_202] : memref<10240x128xf32, #tpu.memory_space<vmem_shared>> -> memref<128x128xf32, #tpu.memory_space<vmem_shared>>
        tpu.enqueue_dma source(%dma_start3A_203 : memref<128x128xf32, #tpu.memory_space<vmem_shared>>) target(%arg17 : memref<128x128xf32, #tpu.memory_space<vmem>>) target_semaphore(%run_scoped3A : memref<!tpu.dma_semaphore, #tpu.memory_space<semaphore_mem>>)
        %dma_wait3A_204 = arith.constant 0 : i32
        %dma_wait3A_205 = tpu.memref_slice %arg13[%add3A_173, %dma_wait3A_204] : memref<10240x128xf32, #tpu.memory_space<vmem_shared>> -> memref<128x128xf32, #tpu.memory_space<vmem_shared>>
        %dma_wait3A_206 = arith.constant 0 : i32
        %dma_wait3A_207 = tpu.memref_slice %arg13[%add3A_173, %dma_wait3A_206] : memref<10240x128xf32, #tpu.memory_space<vmem_shared>> -> memref<128x128xf32, #tpu.memory_space<vmem_shared>>
        tpu.wait_dma2 semaphore(%run_scoped3A : memref<!tpu.dma_semaphore, #tpu.memory_space<semaphore_mem>>) src(%dma_wait3A_207 : memref<128x128xf32, #tpu.memory_space<vmem_shared>>) dst(%arg17 : memref<128x128xf32, #tpu.memory_space<vmem>>)
        tpu.yield
      }) : () -> ()
      %add3A_174 = arith.constant 384 : i32
      %add3A_175 = arith.addi %mul3A_0, %add3A_174 : i32
      %dma_start3A_176 = arith.constant 0 : i32
      %dma_start3A_177 = tpu.memref_slice %arg9[%add3A_175, %dma_start3A_176] : memref<10240x128xf32, #tpu.memory_space<hbm>> -> memref<128x128xf32, #tpu.memory_space<hbm>>
      %dma_start3A_178 = arith.constant 0 : i32
      %dma_start3A_179 = tpu.memref_slice %arg9[%add3A_175, %dma_start3A_178] : memref<10240x128xf32, #tpu.memory_space<hbm>> -> memref<128x128xf32, #tpu.memory_space<hbm>>
      tpu.enqueue_dma source(%arg17 : memref<128x128xf32, #tpu.memory_space<vmem>>) target(%dma_start3A_179 : memref<128x128xf32, #tpu.memory_space<hbm>>) target_semaphore(%arg19 : memref<!tpu.dma_semaphore, #tpu.memory_space<semaphore_mem>>)
      %dma_wait3A_180 = arith.constant 0 : i32
      %dma_wait3A_181 = tpu.memref_slice %arg9[%add3A_163, %dma_wait3A_180] : memref<10240x128xf32, #tpu.memory_space<hbm>> -> memref<128x128xf32, #tpu.memory_space<hbm>>
      %dma_wait3A_182 = arith.constant 0 : i32
      %dma_wait3A_183 = tpu.memref_slice %arg9[%add3A_163, %dma_wait3A_182] : memref<10240x128xf32, #tpu.memory_space<hbm>> -> memref<128x128xf32, #tpu.memory_space<hbm>>
      tpu.wait_dma2 semaphore(%arg18 : memref<!tpu.dma_semaphore, #tpu.memory_space<semaphore_mem>>) src(%arg16 : memref<128x128xf32, #tpu.memory_space<vmem>>) dst(%dma_wait3A_183 : memref<128x128xf32, #tpu.memory_space<hbm>>)
      %add3A_184 = arith.constant 512 : i32
      %add3A_185 = arith.addi %mul3A_0, %add3A_184 : i32
      "tpu.region"() ({
        %run_scoped3A = tpu.sem_alloc : memref<!tpu.dma_semaphore, #tpu.memory_space<semaphore_mem>>
        %dma_start3A_200 = arith.constant 0 : i32
        %dma_start3A_201 = tpu.memref_slice %arg13[%add3A_185, %dma_start3A_200] : memref<10240x128xf32, #tpu.memory_space<vmem_shared>> -> memref<128x128xf32, #tpu.memory_space<vmem_shared>>
        %dma_start3A_202 = arith.constant 0 : i32
        %dma_start3A_203 = tpu.memref_slice %arg13[%add3A_185, %dma_start3A_202] : memref<10240x128xf32, #tpu.memory_space<vmem_shared>> -> memref<128x128xf32, #tpu.memory_space<vmem_shared>>
        tpu.enqueue_dma source(%dma_start3A_203 : memref<128x128xf32, #tpu.memory_space<vmem_shared>>) target(%arg16 : memref<128x128xf32, #tpu.memory_space<vmem>>) target_semaphore(%run_scoped3A : memref<!tpu.dma_semaphore, #tpu.memory_space<semaphore_mem>>)
        %dma_wait3A_204 = arith.constant 0 : i32
        %dma_wait3A_205 = tpu.memref_slice %arg13[%add3A_185, %dma_wait3A_204] : memref<10240x128xf32, #tpu.memory_space<vmem_shared>> -> memref<128x128xf32, #tpu.memory_space<vmem_shared>>
        %dma_wait3A_206 = arith.constant 0 : i32
        %dma_wait3A_207 = tpu.memref_slice %arg13[%add3A_185, %dma_wait3A_206] : memref<10240x128xf32, #tpu.memory_space<vmem_shared>> -> memref<128x128xf32, #tpu.memory_space<vmem_shared>>
        tpu.wait_dma2 semaphore(%run_scoped3A : memref<!tpu.dma_semaphore, #tpu.memory_space<semaphore_mem>>) src(%dma_wait3A_207 : memref<128x128xf32, #tpu.memory_space<vmem_shared>>) dst(%arg16 : memref<128x128xf32, #tpu.memory_space<vmem>>)
        tpu.yield
      }) : () -> ()
      %add3A_186 = arith.constant 512 : i32
      %add3A_187 = arith.addi %mul3A_0, %add3A_186 : i32
      %dma_start3A_188 = arith.constant 0 : i32
      %dma_start3A_189 = tpu.memref_slice %arg9[%add3A_187, %dma_start3A_188] : memref<10240x128xf32, #tpu.memory_space<hbm>> -> memref<128x128xf32, #tpu.memory_space<hbm>>
      %dma_start3A_190 = arith.constant 0 : i32
      %dma_start3A_191 = tpu.memref_slice %arg9[%add3A_187, %dma_start3A_190] : memref<10240x128xf32, #tpu.memory_space<hbm>> -> memref<128x128xf32, #tpu.memory_space<hbm>>
      tpu.enqueue_dma source(%arg16 : memref<128x128xf32, #tpu.memory_space<vmem>>) target(%dma_start3A_191 : memref<128x128xf32, #tpu.memory_space<hbm>>) target_semaphore(%arg18 : memref<!tpu.dma_semaphore, #tpu.memory_space<semaphore_mem>>)
      %dma_wait3A_192 = arith.constant 0 : i32
      %dma_wait3A_193 = tpu.memref_slice %arg9[%add3A_187, %dma_wait3A_192] : memref<10240x128xf32, #tpu.memory_space<hbm>> -> memref<128x128xf32, #tpu.memory_space<hbm>>
      %dma_wait3A_194 = arith.constant 0 : i32
      %dma_wait3A_195 = tpu.memref_slice %arg9[%add3A_187, %dma_wait3A_194] : memref<10240x128xf32, #tpu.memory_space<hbm>> -> memref<128x128xf32, #tpu.memory_space<hbm>>
      tpu.wait_dma2 semaphore(%arg18 : memref<!tpu.dma_semaphore, #tpu.memory_space<semaphore_mem>>) src(%arg16 : memref<128x128xf32, #tpu.memory_space<vmem>>) dst(%dma_wait3A_195 : memref<128x128xf32, #tpu.memory_space<hbm>>)
      %dma_wait3A_196 = arith.constant 0 : i32
      %dma_wait3A_197 = tpu.memref_slice %arg9[%add3A_175, %dma_wait3A_196] : memref<10240x128xf32, #tpu.memory_space<hbm>> -> memref<128x128xf32, #tpu.memory_space<hbm>>
      %dma_wait3A_198 = arith.constant 0 : i32
      %dma_wait3A_199 = tpu.memref_slice %arg9[%add3A_175, %dma_wait3A_198] : memref<10240x128xf32, #tpu.memory_space<hbm>> -> memref<128x128xf32, #tpu.memory_space<hbm>>
      tpu.wait_dma2 semaphore(%arg19 : memref<!tpu.dma_semaphore, #tpu.memory_space<semaphore_mem>>) src(%arg17 : memref<128x128xf32, #tpu.memory_space<vmem>>) dst(%dma_wait3A_199 : memref<128x128xf32, #tpu.memory_space<hbm>>)
    } else {
    }
    %eq3A_61 = arith.constant 1 : i32
    %eq3A_62 = arith.cmpi eq, %arg0, %eq3A_61 : i32
    %convert_element_type3A_63 = arith.extui %eq3A_62 : i1 to i32
    %cond3A_64 = arith.constant 0 : i32
    %cond3A_65 = arith.cmpi ne, %convert_element_type3A_63, %cond3A_64 : i32
    scf.if %cond3A_65 {
      %add3A_140 = arith.constant 0 : i32
      %add3A_141 = arith.addi %mul3A_0, %add3A_140 : i32
      "tpu.region"() ({
        %run_scoped3A = tpu.sem_alloc : memref<!tpu.dma_semaphore, #tpu.memory_space<semaphore_mem>>
        %dma_start3A_200 = arith.constant 0 : i32
        %dma_start3A_201 = tpu.memref_slice %arg13[%add3A_141, %dma_start3A_200] : memref<10240x128xf32, #tpu.memory_space<vmem_shared>> -> memref<128x128xf32, #tpu.memory_space<vmem_shared>>
        %dma_start3A_202 = arith.constant 0 : i32
        %dma_start3A_203 = tpu.memref_slice %arg13[%add3A_141, %dma_start3A_202] : memref<10240x128xf32, #tpu.memory_space<vmem_shared>> -> memref<128x128xf32, #tpu.memory_space<vmem_shared>>
        tpu.enqueue_dma source(%dma_start3A_203 : memref<128x128xf32, #tpu.memory_space<vmem_shared>>) target(%arg16 : memref<128x128xf32, #tpu.memory_space<vmem>>) target_semaphore(%run_scoped3A : memref<!tpu.dma_semaphore, #tpu.memory_space<semaphore_mem>>)
        %dma_wait3A_204 = arith.constant 0 : i32
        %dma_wait3A_205 = tpu.memref_slice %arg13[%add3A_141, %dma_wait3A_204] : memref<10240x128xf32, #tpu.memory_space<vmem_shared>> -> memref<128x128xf32, #tpu.memory_space<vmem_shared>>
        %dma_wait3A_206 = arith.constant 0 : i32
        %dma_wait3A_207 = tpu.memref_slice %arg13[%add3A_141, %dma_wait3A_206] : memref<10240x128xf32, #tpu.memory_space<vmem_shared>> -> memref<128x128xf32, #tpu.memory_space<vmem_shared>>
        tpu.wait_dma2 semaphore(%run_scoped3A : memref<!tpu.dma_semaphore, #tpu.memory_space<semaphore_mem>>) src(%dma_wait3A_207 : memref<128x128xf32, #tpu.memory_space<vmem_shared>>) dst(%arg16 : memref<128x128xf32, #tpu.memory_space<vmem>>)
        tpu.yield
      }) : () -> ()
      %add3A_142 = arith.constant 0 : i32
      %add3A_143 = arith.addi %mul3A_0, %add3A_142 : i32
      %dma_start3A_144 = arith.constant 0 : i32
      %dma_start3A_145 = tpu.memref_slice %arg11[%add3A_143, %dma_start3A_144] : memref<10240x128xf32, #tpu.memory_space<hbm>> -> memref<128x128xf32, #tpu.memory_space<hbm>>
      %dma_start3A_146 = arith.constant 0 : i32
      %dma_start3A_147 = tpu.memref_slice %arg11[%add3A_143, %dma_start3A_146] : memref<10240x128xf32, #tpu.memory_space<hbm>> -> memref<128x128xf32, #tpu.memory_space<hbm>>
      tpu.enqueue_dma source(%arg16 : memref<128x128xf32, #tpu.memory_space<vmem>>) target(%dma_start3A_147 : memref<128x128xf32, #tpu.memory_space<hbm>>) target_semaphore(%arg18 : memref<!tpu.dma_semaphore, #tpu.memory_space<semaphore_mem>>)
      %add3A_148 = arith.constant 128 : i32
      %add3A_149 = arith.addi %mul3A_0, %add3A_148 : i32
      "tpu.region"() ({
        %run_scoped3A = tpu.sem_alloc : memref<!tpu.dma_semaphore, #tpu.memory_space<semaphore_mem>>
        %dma_start3A_200 = arith.constant 0 : i32
        %dma_start3A_201 = tpu.memref_slice %arg13[%add3A_149, %dma_start3A_200] : memref<10240x128xf32, #tpu.memory_space<vmem_shared>> -> memref<128x128xf32, #tpu.memory_space<vmem_shared>>
        %dma_start3A_202 = arith.constant 0 : i32
        %dma_start3A_203 = tpu.memref_slice %arg13[%add3A_149, %dma_start3A_202] : memref<10240x128xf32, #tpu.memory_space<vmem_shared>> -> memref<128x128xf32, #tpu.memory_space<vmem_shared>>
        tpu.enqueue_dma source(%dma_start3A_203 : memref<128x128xf32, #tpu.memory_space<vmem_shared>>) target(%arg17 : memref<128x128xf32, #tpu.memory_space<vmem>>) target_semaphore(%run_scoped3A : memref<!tpu.dma_semaphore, #tpu.memory_space<semaphore_mem>>)
        %dma_wait3A_204 = arith.constant 0 : i32
        %dma_wait3A_205 = tpu.memref_slice %arg13[%add3A_149, %dma_wait3A_204] : memref<10240x128xf32, #tpu.memory_space<vmem_shared>> -> memref<128x128xf32, #tpu.memory_space<vmem_shared>>
        %dma_wait3A_206 = arith.constant 0 : i32
        %dma_wait3A_207 = tpu.memref_slice %arg13[%add3A_149, %dma_wait3A_206] : memref<10240x128xf32, #tpu.memory_space<vmem_shared>> -> memref<128x128xf32, #tpu.memory_space<vmem_shared>>
        tpu.wait_dma2 semaphore(%run_scoped3A : memref<!tpu.dma_semaphore, #tpu.memory_space<semaphore_mem>>) src(%dma_wait3A_207 : memref<128x128xf32, #tpu.memory_space<vmem_shared>>) dst(%arg17 : memref<128x128xf32, #tpu.memory_space<vmem>>)
        tpu.yield
      }) : () -> ()
      %add3A_150 = arith.constant 128 : i32
      %add3A_151 = arith.addi %mul3A_0, %add3A_150 : i32
      %dma_start3A_152 = arith.constant 0 : i32
      %dma_start3A_153 = tpu.memref_slice %arg11[%add3A_151, %dma_start3A_152] : memref<10240x128xf32, #tpu.memory_space<hbm>> -> memref<128x128xf32, #tpu.memory_space<hbm>>
      %dma_start3A_154 = arith.constant 0 : i32
      %dma_start3A_155 = tpu.memref_slice %arg11[%add3A_151, %dma_start3A_154] : memref<10240x128xf32, #tpu.memory_space<hbm>> -> memref<128x128xf32, #tpu.memory_space<hbm>>
      tpu.enqueue_dma source(%arg17 : memref<128x128xf32, #tpu.memory_space<vmem>>) target(%dma_start3A_155 : memref<128x128xf32, #tpu.memory_space<hbm>>) target_semaphore(%arg19 : memref<!tpu.dma_semaphore, #tpu.memory_space<semaphore_mem>>)
      %dma_wait3A_156 = arith.constant 0 : i32
      %dma_wait3A_157 = tpu.memref_slice %arg11[%add3A_143, %dma_wait3A_156] : memref<10240x128xf32, #tpu.memory_space<hbm>> -> memref<128x128xf32, #tpu.memory_space<hbm>>
      %dma_wait3A_158 = arith.constant 0 : i32
      %dma_wait3A_159 = tpu.memref_slice %arg11[%add3A_143, %dma_wait3A_158] : memref<10240x128xf32, #tpu.memory_space<hbm>> -> memref<128x128xf32, #tpu.memory_space<hbm>>
      tpu.wait_dma2 semaphore(%arg18 : memref<!tpu.dma_semaphore, #tpu.memory_space<semaphore_mem>>) src(%arg16 : memref<128x128xf32, #tpu.memory_space<vmem>>) dst(%dma_wait3A_159 : memref<128x128xf32, #tpu.memory_space<hbm>>)
      %add3A_160 = arith.constant 256 : i32
      %add3A_161 = arith.addi %mul3A_0, %add3A_160 : i32
      "tpu.region"() ({
        %run_scoped3A = tpu.sem_alloc : memref<!tpu.dma_semaphore, #tpu.memory_space<semaphore_mem>>
        %dma_start3A_200 = arith.constant 0 : i32
        %dma_start3A_201 = tpu.memref_slice %arg13[%add3A_161, %dma_start3A_200] : memref<10240x128xf32, #tpu.memory_space<vmem_shared>> -> memref<128x128xf32, #tpu.memory_space<vmem_shared>>
        %dma_start3A_202 = arith.constant 0 : i32
        %dma_start3A_203 = tpu.memref_slice %arg13[%add3A_161, %dma_start3A_202] : memref<10240x128xf32, #tpu.memory_space<vmem_shared>> -> memref<128x128xf32, #tpu.memory_space<vmem_shared>>
        tpu.enqueue_dma source(%dma_start3A_203 : memref<128x128xf32, #tpu.memory_space<vmem_shared>>) target(%arg16 : memref<128x128xf32, #tpu.memory_space<vmem>>) target_semaphore(%run_scoped3A : memref<!tpu.dma_semaphore, #tpu.memory_space<semaphore_mem>>)
        %dma_wait3A_204 = arith.constant 0 : i32
        %dma_wait3A_205 = tpu.memref_slice %arg13[%add3A_161, %dma_wait3A_204] : memref<10240x128xf32, #tpu.memory_space<vmem_shared>> -> memref<128x128xf32, #tpu.memory_space<vmem_shared>>
        %dma_wait3A_206 = arith.constant 0 : i32
        %dma_wait3A_207 = tpu.memref_slice %arg13[%add3A_161, %dma_wait3A_206] : memref<10240x128xf32, #tpu.memory_space<vmem_shared>> -> memref<128x128xf32, #tpu.memory_space<vmem_shared>>
        tpu.wait_dma2 semaphore(%run_scoped3A : memref<!tpu.dma_semaphore, #tpu.memory_space<semaphore_mem>>) src(%dma_wait3A_207 : memref<128x128xf32, #tpu.memory_space<vmem_shared>>) dst(%arg16 : memref<128x128xf32, #tpu.memory_space<vmem>>)
        tpu.yield
      }) : () -> ()
      %add3A_162 = arith.constant 256 : i32
      %add3A_163 = arith.addi %mul3A_0, %add3A_162 : i32
      %dma_start3A_164 = arith.constant 0 : i32
      %dma_start3A_165 = tpu.memref_slice %arg11[%add3A_163, %dma_start3A_164] : memref<10240x128xf32, #tpu.memory_space<hbm>> -> memref<128x128xf32, #tpu.memory_space<hbm>>
      %dma_start3A_166 = arith.constant 0 : i32
      %dma_start3A_167 = tpu.memref_slice %arg11[%add3A_163, %dma_start3A_166] : memref<10240x128xf32, #tpu.memory_space<hbm>> -> memref<128x128xf32, #tpu.memory_space<hbm>>
      tpu.enqueue_dma source(%arg16 : memref<128x128xf32, #tpu.memory_space<vmem>>) target(%dma_start3A_167 : memref<128x128xf32, #tpu.memory_space<hbm>>) target_semaphore(%arg18 : memref<!tpu.dma_semaphore, #tpu.memory_space<semaphore_mem>>)
      %dma_wait3A_168 = arith.constant 0 : i32
      %dma_wait3A_169 = tpu.memref_slice %arg11[%add3A_151, %dma_wait3A_168] : memref<10240x128xf32, #tpu.memory_space<hbm>> -> memref<128x128xf32, #tpu.memory_space<hbm>>
      %dma_wait3A_170 = arith.constant 0 : i32
      %dma_wait3A_171 = tpu.memref_slice %arg11[%add3A_151, %dma_wait3A_170] : memref<10240x128xf32, #tpu.memory_space<hbm>> -> memref<128x128xf32, #tpu.memory_space<hbm>>
      tpu.wait_dma2 semaphore(%arg19 : memref<!tpu.dma_semaphore, #tpu.memory_space<semaphore_mem>>) src(%arg17 : memref<128x128xf32, #tpu.memory_space<vmem>>) dst(%dma_wait3A_171 : memref<128x128xf32, #tpu.memory_space<hbm>>)
      %add3A_172 = arith.constant 384 : i32
      %add3A_173 = arith.addi %mul3A_0, %add3A_172 : i32
      "tpu.region"() ({
        %run_scoped3A = tpu.sem_alloc : memref<!tpu.dma_semaphore, #tpu.memory_space<semaphore_mem>>
        %dma_start3A_200 = arith.constant 0 : i32
        %dma_start3A_201 = tpu.memref_slice %arg13[%add3A_173, %dma_start3A_200] : memref<10240x128xf32, #tpu.memory_space<vmem_shared>> -> memref<128x128xf32, #tpu.memory_space<vmem_shared>>
        %dma_start3A_202 = arith.constant 0 : i32
        %dma_start3A_203 = tpu.memref_slice %arg13[%add3A_173, %dma_start3A_202] : memref<10240x128xf32, #tpu.memory_space<vmem_shared>> -> memref<128x128xf32, #tpu.memory_space<vmem_shared>>
        tpu.enqueue_dma source(%dma_start3A_203 : memref<128x128xf32, #tpu.memory_space<vmem_shared>>) target(%arg17 : memref<128x128xf32, #tpu.memory_space<vmem>>) target_semaphore(%run_scoped3A : memref<!tpu.dma_semaphore, #tpu.memory_space<semaphore_mem>>)
        %dma_wait3A_204 = arith.constant 0 : i32
        %dma_wait3A_205 = tpu.memref_slice %arg13[%add3A_173, %dma_wait3A_204] : memref<10240x128xf32, #tpu.memory_space<vmem_shared>> -> memref<128x128xf32, #tpu.memory_space<vmem_shared>>
        %dma_wait3A_206 = arith.constant 0 : i32
        %dma_wait3A_207 = tpu.memref_slice %arg13[%add3A_173, %dma_wait3A_206] : memref<10240x128xf32, #tpu.memory_space<vmem_shared>> -> memref<128x128xf32, #tpu.memory_space<vmem_shared>>
        tpu.wait_dma2 semaphore(%run_scoped3A : memref<!tpu.dma_semaphore, #tpu.memory_space<semaphore_mem>>) src(%dma_wait3A_207 : memref<128x128xf32, #tpu.memory_space<vmem_shared>>) dst(%arg17 : memref<128x128xf32, #tpu.memory_space<vmem>>)
        tpu.yield
      }) : () -> ()
      %add3A_174 = arith.constant 384 : i32
      %add3A_175 = arith.addi %mul3A_0, %add3A_174 : i32
      %dma_start3A_176 = arith.constant 0 : i32
      %dma_start3A_177 = tpu.memref_slice %arg11[%add3A_175, %dma_start3A_176] : memref<10240x128xf32, #tpu.memory_space<hbm>> -> memref<128x128xf32, #tpu.memory_space<hbm>>
      %dma_start3A_178 = arith.constant 0 : i32
      %dma_start3A_179 = tpu.memref_slice %arg11[%add3A_175, %dma_start3A_178] : memref<10240x128xf32, #tpu.memory_space<hbm>> -> memref<128x128xf32, #tpu.memory_space<hbm>>
      tpu.enqueue_dma source(%arg17 : memref<128x128xf32, #tpu.memory_space<vmem>>) target(%dma_start3A_179 : memref<128x128xf32, #tpu.memory_space<hbm>>) target_semaphore(%arg19 : memref<!tpu.dma_semaphore, #tpu.memory_space<semaphore_mem>>)
      %dma_wait3A_180 = arith.constant 0 : i32
      %dma_wait3A_181 = tpu.memref_slice %arg11[%add3A_163, %dma_wait3A_180] : memref<10240x128xf32, #tpu.memory_space<hbm>> -> memref<128x128xf32, #tpu.memory_space<hbm>>
      %dma_wait3A_182 = arith.constant 0 : i32
      %dma_wait3A_183 = tpu.memref_slice %arg11[%add3A_163, %dma_wait3A_182] : memref<10240x128xf32, #tpu.memory_space<hbm>> -> memref<128x128xf32, #tpu.memory_space<hbm>>
      tpu.wait_dma2 semaphore(%arg18 : memref<!tpu.dma_semaphore, #tpu.memory_space<semaphore_mem>>) src(%arg16 : memref<128x128xf32, #tpu.memory_space<vmem>>) dst(%dma_wait3A_183 : memref<128x128xf32, #tpu.memory_space<hbm>>)
      %add3A_184 = arith.constant 512 : i32
      %add3A_185 = arith.addi %mul3A_0, %add3A_184 : i32
      "tpu.region"() ({
        %run_scoped3A = tpu.sem_alloc : memref<!tpu.dma_semaphore, #tpu.memory_space<semaphore_mem>>
        %dma_start3A_200 = arith.constant 0 : i32
        %dma_start3A_201 = tpu.memref_slice %arg13[%add3A_185, %dma_start3A_200] : memref<10240x128xf32, #tpu.memory_space<vmem_shared>> -> memref<128x128xf32, #tpu.memory_space<vmem_shared>>
        %dma_start3A_202 = arith.constant 0 : i32
        %dma_start3A_203 = tpu.memref_slice %arg13[%add3A_185, %dma_start3A_202] : memref<10240x128xf32, #tpu.memory_space<vmem_shared>> -> memref<128x128xf32, #tpu.memory_space<vmem_shared>>
        tpu.enqueue_dma source(%dma_start3A_203 : memref<128x128xf32, #tpu.memory_space<vmem_shared>>) target(%arg16 : memref<128x128xf32, #tpu.memory_space<vmem>>) target_semaphore(%run_scoped3A : memref<!tpu.dma_semaphore, #tpu.memory_space<semaphore_mem>>)
        %dma_wait3A_204 = arith.constant 0 : i32
        %dma_wait3A_205 = tpu.memref_slice %arg13[%add3A_185, %dma_wait3A_204] : memref<10240x128xf32, #tpu.memory_space<vmem_shared>> -> memref<128x128xf32, #tpu.memory_space<vmem_shared>>
        %dma_wait3A_206 = arith.constant 0 : i32
        %dma_wait3A_207 = tpu.memref_slice %arg13[%add3A_185, %dma_wait3A_206] : memref<10240x128xf32, #tpu.memory_space<vmem_shared>> -> memref<128x128xf32, #tpu.memory_space<vmem_shared>>
        tpu.wait_dma2 semaphore(%run_scoped3A : memref<!tpu.dma_semaphore, #tpu.memory_space<semaphore_mem>>) src(%dma_wait3A_207 : memref<128x128xf32, #tpu.memory_space<vmem_shared>>) dst(%arg16 : memref<128x128xf32, #tpu.memory_space<vmem>>)
        tpu.yield
      }) : () -> ()
      %add3A_186 = arith.constant 512 : i32
      %add3A_187 = arith.addi %mul3A_0, %add3A_186 : i32
      %dma_start3A_188 = arith.constant 0 : i32
      %dma_start3A_189 = tpu.memref_slice %arg11[%add3A_187, %dma_start3A_188] : memref<10240x128xf32, #tpu.memory_space<hbm>> -> memref<128x128xf32, #tpu.memory_space<hbm>>
      %dma_start3A_190 = arith.constant 0 : i32
      %dma_start3A_191 = tpu.memref_slice %arg11[%add3A_187, %dma_start3A_190] : memref<10240x128xf32, #tpu.memory_space<hbm>> -> memref<128x128xf32, #tpu.memory_space<hbm>>
      tpu.enqueue_dma source(%arg16 : memref<128x128xf32, #tpu.memory_space<vmem>>) target(%dma_start3A_191 : memref<128x128xf32, #tpu.memory_space<hbm>>) target_semaphore(%arg18 : memref<!tpu.dma_semaphore, #tpu.memory_space<semaphore_mem>>)
      %dma_wait3A_192 = arith.constant 0 : i32
      %dma_wait3A_193 = tpu.memref_slice %arg11[%add3A_187, %dma_wait3A_192] : memref<10240x128xf32, #tpu.memory_space<hbm>> -> memref<128x128xf32, #tpu.memory_space<hbm>>
      %dma_wait3A_194 = arith.constant 0 : i32
      %dma_wait3A_195 = tpu.memref_slice %arg11[%add3A_187, %dma_wait3A_194] : memref<10240x128xf32, #tpu.memory_space<hbm>> -> memref<128x128xf32, #tpu.memory_space<hbm>>
      tpu.wait_dma2 semaphore(%arg18 : memref<!tpu.dma_semaphore, #tpu.memory_space<semaphore_mem>>) src(%arg16 : memref<128x128xf32, #tpu.memory_space<vmem>>) dst(%dma_wait3A_195 : memref<128x128xf32, #tpu.memory_space<hbm>>)
      %dma_wait3A_196 = arith.constant 0 : i32
      %dma_wait3A_197 = tpu.memref_slice %arg11[%add3A_175, %dma_wait3A_196] : memref<10240x128xf32, #tpu.memory_space<hbm>> -> memref<128x128xf32, #tpu.memory_space<hbm>>
      %dma_wait3A_198 = arith.constant 0 : i32
      %dma_wait3A_199 = tpu.memref_slice %arg11[%add3A_175, %dma_wait3A_198] : memref<10240x128xf32, #tpu.memory_space<hbm>> -> memref<128x128xf32, #tpu.memory_space<hbm>>
      tpu.wait_dma2 semaphore(%arg19 : memref<!tpu.dma_semaphore, #tpu.memory_space<semaphore_mem>>) src(%arg17 : memref<128x128xf32, #tpu.memory_space<vmem>>) dst(%dma_wait3A_199 : memref<128x128xf32, #tpu.memory_space<hbm>>)
    } else {
    }
    %barrier3A_66 = arith.constant 0 : index
    tpu.barrier barrier_id(%barrier3A_66)
    "tpu.region"() ({
      %run_scoped3A = tpu.sem_alloc : memref<!tpu.dma_semaphore, #tpu.memory_space<semaphore_mem>>
      tpu.enqueue_dma source(%arg8 : memref<128x128xf32, #tpu.memory_space<hbm>>) target(%arg16 : memref<128x128xf32, #tpu.memory_space<vmem>>) target_semaphore(%run_scoped3A : memref<!tpu.dma_semaphore, #tpu.memory_space<semaphore_mem>>)
      tpu.wait_dma2 semaphore(%run_scoped3A : memref<!tpu.dma_semaphore, #tpu.memory_space<semaphore_mem>>) src(%arg8 : memref<128x128xf32, #tpu.memory_space<hbm>>) dst(%arg16 : memref<128x128xf32, #tpu.memory_space<vmem>>)
      tpu.yield
    }) : () -> ()
    %add3A_67 = arith.constant 0 : i32
    %add3A_68 = arith.addi %mul3A_0, %add3A_67 : i32
    %dma_start3A_69 = arith.constant 0 : i32
    %dma_start3A_70 = tpu.memref_slice %arg13[%add3A_68, %dma_start3A_69] : memref<10240x128xf32, #tpu.memory_space<vmem_shared>> -> memref<128x128xf32, #tpu.memory_space<vmem_shared>>
    %dma_start3A_71 = arith.constant 0 : i32
    %dma_start3A_72 = tpu.memref_slice %arg13[%add3A_68, %dma_start3A_71] : memref<10240x128xf32, #tpu.memory_space<vmem_shared>> -> memref<128x128xf32, #tpu.memory_space<vmem_shared>>
    tpu.enqueue_dma source(%arg16 : memref<128x128xf32, #tpu.memory_space<vmem>>) target(%dma_start3A_72 : memref<128x128xf32, #tpu.memory_space<vmem_shared>>) target_semaphore(%arg18 : memref<!tpu.dma_semaphore, #tpu.memory_space<semaphore_mem>>)
    %add3A_73 = arith.constant 128 : i32
    %add3A_74 = arith.addi %mul3A_0, %add3A_73 : i32
    %dma_start3A_75 = arith.constant 0 : i32
    %dma_start3A_76 = tpu.memref_slice %arg13[%add3A_74, %dma_start3A_75] : memref<10240x128xf32, #tpu.memory_space<vmem_shared>> -> memref<128x128xf32, #tpu.memory_space<vmem_shared>>
    %dma_start3A_77 = arith.constant 0 : i32
    %dma_start3A_78 = tpu.memref_slice %arg13[%add3A_74, %dma_start3A_77] : memref<10240x128xf32, #tpu.memory_space<vmem_shared>> -> memref<128x128xf32, #tpu.memory_space<vmem_shared>>
    tpu.enqueue_dma source(%arg16 : memref<128x128xf32, #tpu.memory_space<vmem>>) target(%dma_start3A_78 : memref<128x128xf32, #tpu.memory_space<vmem_shared>>) target_semaphore(%arg18 : memref<!tpu.dma_semaphore, #tpu.memory_space<semaphore_mem>>)
    %add3A_79 = arith.constant 256 : i32
    %add3A_80 = arith.addi %mul3A_0, %add3A_79 : i32
    %dma_start3A_81 = arith.constant 0 : i32
    %dma_start3A_82 = tpu.memref_slice %arg13[%add3A_80, %dma_start3A_81] : memref<10240x128xf32, #tpu.memory_space<vmem_shared>> -> memref<128x128xf32, #tpu.memory_space<vmem_shared>>
    %dma_start3A_83 = arith.constant 0 : i32
    %dma_start3A_84 = tpu.memref_slice %arg13[%add3A_80, %dma_start3A_83] : memref<10240x128xf32, #tpu.memory_space<vmem_shared>> -> memref<128x128xf32, #tpu.memory_space<vmem_shared>>
    tpu.enqueue_dma source(%arg16 : memref<128x128xf32, #tpu.memory_space<vmem>>) target(%dma_start3A_84 : memref<128x128xf32, #tpu.memory_space<vmem_shared>>) target_semaphore(%arg18 : memref<!tpu.dma_semaphore, #tpu.memory_space<semaphore_mem>>)
    %add3A_85 = arith.constant 384 : i32
    %add3A_86 = arith.addi %mul3A_0, %add3A_85 : i32
    %dma_start3A_87 = arith.constant 0 : i32
    %dma_start3A_88 = tpu.memref_slice %arg13[%add3A_86, %dma_start3A_87] : memref<10240x128xf32, #tpu.memory_space<vmem_shared>> -> memref<128x128xf32, #tpu.memory_space<vmem_shared>>
    %dma_start3A_89 = arith.constant 0 : i32
    %dma_start3A_90 = tpu.memref_slice %arg13[%add3A_86, %dma_start3A_89] : memref<10240x128xf32, #tpu.memory_space<vmem_shared>> -> memref<128x128xf32, #tpu.memory_space<vmem_shared>>
    tpu.enqueue_dma source(%arg16 : memref<128x128xf32, #tpu.memory_space<vmem>>) target(%dma_start3A_90 : memref<128x128xf32, #tpu.memory_space<vmem_shared>>) target_semaphore(%arg18 : memref<!tpu.dma_semaphore, #tpu.memory_space<semaphore_mem>>)
    %add3A_91 = arith.constant 512 : i32
    %add3A_92 = arith.addi %mul3A_0, %add3A_91 : i32
    %dma_start3A_93 = arith.constant 0 : i32
    %dma_start3A_94 = tpu.memref_slice %arg13[%add3A_92, %dma_start3A_93] : memref<10240x128xf32, #tpu.memory_space<vmem_shared>> -> memref<128x128xf32, #tpu.memory_space<vmem_shared>>
    %dma_start3A_95 = arith.constant 0 : i32
    %dma_start3A_96 = tpu.memref_slice %arg13[%add3A_92, %dma_start3A_95] : memref<10240x128xf32, #tpu.memory_space<vmem_shared>> -> memref<128x128xf32, #tpu.memory_space<vmem_shared>>
    tpu.enqueue_dma source(%arg16 : memref<128x128xf32, #tpu.memory_space<vmem>>) target(%dma_start3A_96 : memref<128x128xf32, #tpu.memory_space<vmem_shared>>) target_semaphore(%arg18 : memref<!tpu.dma_semaphore, #tpu.memory_space<semaphore_mem>>)
    %dma_wait3A_97 = arith.constant 0 : i32
    %dma_wait3A_98 = tpu.memref_slice %arg13[%add3A_68, %dma_wait3A_97] : memref<10240x128xf32, #tpu.memory_space<vmem_shared>> -> memref<128x128xf32, #tpu.memory_space<vmem_shared>>
    %dma_wait3A_99 = arith.constant 0 : i32
    %dma_wait3A_100 = tpu.memref_slice %arg13[%add3A_68, %dma_wait3A_99] : memref<10240x128xf32, #tpu.memory_space<vmem_shared>> -> memref<128x128xf32, #tpu.memory_space<vmem_shared>>
    tpu.wait_dma2 semaphore(%arg18 : memref<!tpu.dma_semaphore, #tpu.memory_space<semaphore_mem>>) src(%arg16 : memref<128x128xf32, #tpu.memory_space<vmem>>) dst(%dma_wait3A_100 : memref<128x128xf32, #tpu.memory_space<vmem_shared>>)
    %dma_wait3A_101 = arith.constant 0 : i32
    %dma_wait3A_102 = tpu.memref_slice %arg13[%add3A_74, %dma_wait3A_101] : memref<10240x128xf32, #tpu.memory_space<vmem_shared>> -> memref<128x128xf32, #tpu.memory_space<vmem_shared>>
    %dma_wait3A_103 = arith.constant 0 : i32
    %dma_wait3A_104 = tpu.memref_slice %arg13[%add3A_74, %dma_wait3A_103] : memref<10240x128xf32, #tpu.memory_space<vmem_shared>> -> memref<128x128xf32, #tpu.memory_space<vmem_shared>>
    tpu.wait_dma2 semaphore(%arg18 : memref<!tpu.dma_semaphore, #tpu.memory_space<semaphore_mem>>) src(%arg16 : memref<128x128xf32, #tpu.memory_space<vmem>>) dst(%dma_wait3A_104 : memref<128x128xf32, #tpu.memory_space<vmem_shared>>)
    %dma_wait3A_105 = arith.constant 0 : i32
    %dma_wait3A_106 = tpu.memref_slice %arg13[%add3A_80, %dma_wait3A_105] : memref<10240x128xf32, #tpu.memory_space<vmem_shared>> -> memref<128x128xf32, #tpu.memory_space<vmem_shared>>
    %dma_wait3A_107 = arith.constant 0 : i32
    %dma_wait3A_108 = tpu.memref_slice %arg13[%add3A_80, %dma_wait3A_107] : memref<10240x128xf32, #tpu.memory_space<vmem_shared>> -> memref<128x128xf32, #tpu.memory_space<vmem_shared>>
    tpu.wait_dma2 semaphore(%arg18 : memref<!tpu.dma_semaphore, #tpu.memory_space<semaphore_mem>>) src(%arg16 : memref<128x128xf32, #tpu.memory_space<vmem>>) dst(%dma_wait3A_108 : memref<128x128xf32, #tpu.memory_space<vmem_shared>>)
    %dma_wait3A_109 = arith.constant 0 : i32
    %dma_wait3A_110 = tpu.memref_slice %arg13[%add3A_86, %dma_wait3A_109] : memref<10240x128xf32, #tpu.memory_space<vmem_shared>> -> memref<128x128xf32, #tpu.memory_space<vmem_shared>>
    %dma_wait3A_111 = arith.constant 0 : i32
    %dma_wait3A_112 = tpu.memref_slice %arg13[%add3A_86, %dma_wait3A_111] : memref<10240x128xf32, #tpu.memory_space<vmem_shared>> -> memref<128x128xf32, #tpu.memory_space<vmem_shared>>
    tpu.wait_dma2 semaphore(%arg18 : memref<!tpu.dma_semaphore, #tpu.memory_space<semaphore_mem>>) src(%arg16 : memref<128x128xf32, #tpu.memory_space<vmem>>) dst(%dma_wait3A_112 : memref<128x128xf32, #tpu.memory_space<vmem_shared>>)
    %dma_wait3A_113 = arith.constant 0 : i32
    %dma_wait3A_114 = tpu.memref_slice %arg13[%add3A_92, %dma_wait3A_113] : memref<10240x128xf32, #tpu.memory_space<vmem_shared>> -> memref<128x128xf32, #tpu.memory_space<vmem_shared>>
    %dma_wait3A_115 = arith.constant 0 : i32
    %dma_wait3A_116 = tpu.memref_slice %arg13[%add3A_92, %dma_wait3A_115] : memref<10240x128xf32, #tpu.memory_space<vmem_shared>> -> memref<128x128xf32, #tpu.memory_space<vmem_shared>>
    tpu.wait_dma2 semaphore(%arg18 : memref<!tpu.dma_semaphore, #tpu.memory_space<semaphore_mem>>) src(%arg16 : memref<128x128xf32, #tpu.memory_space<vmem>>) dst(%dma_wait3A_116 : memref<128x128xf32, #tpu.memory_space<vmem_shared>>)
    %barrier3A_117 = arith.constant 0 : index
    tpu.barrier barrier_id(%barrier3A_117)
    %eq3A_118 = arith.constant 0 : i32
    %eq3A_119 = arith.cmpi eq, %arg0, %eq3A_118 : i32
    %convert_element_type3A_120 = arith.extui %eq3A_119 : i1 to i32
    %cond3A_121 = arith.constant 0 : i32
    %cond3A_122 = arith.cmpi ne, %convert_element_type3A_120, %cond3A_121 : i32
    scf.if %cond3A_122 {
      %mul3A_140 = arith.constant 80 : i32
      %mul3A_141 = arith.muli %arg1, %mul3A_140 : i32
      %add3A_142 = arith.constant 0 : i32
      %add3A_143 = arith.addi %mul3A_141, %add3A_142 : i32
      "tpu.region"() ({
        %run_scoped3A = tpu.sem_alloc : memref<!tpu.dma_semaphore, #tpu.memory_space<semaphore_mem>>
        %dma_start3A_159 = arith.constant 0 : i32
        %dma_start3A_160 = tpu.memref_slice %arg6[%add3A_143, %dma_start3A_159] : memref<1280x128xi32, #tpu.memory_space<hbm>> -> memref<40x128xi32, #tpu.memory_space<hbm>>
        %dma_start3A_161 = arith.constant 0 : i32
        %dma_start3A_162 = tpu.memref_slice %arg6[%add3A_143, %dma_start3A_161] : memref<1280x128xi32, #tpu.memory_space<hbm>> -> memref<40x128xi32, #tpu.memory_space<hbm>>
        tpu.enqueue_dma source(%dma_start3A_162 : memref<40x128xi32, #tpu.memory_space<hbm>>) target(%arg14 : memref<40x128xi32, #tpu.memory_space<vmem>>) target_semaphore(%run_scoped3A : memref<!tpu.dma_semaphore, #tpu.memory_space<semaphore_mem>>)
        %dma_wait3A_163 = arith.constant 0 : i32
        %dma_wait3A_164 = tpu.memref_slice %arg6[%add3A_143, %dma_wait3A_163] : memref<1280x128xi32, #tpu.memory_space<hbm>> -> memref<40x128xi32, #tpu.memory_space<hbm>>
        %dma_wait3A_165 = arith.constant 0 : i32
        %dma_wait3A_166 = tpu.memref_slice %arg6[%add3A_143, %dma_wait3A_165] : memref<1280x128xi32, #tpu.memory_space<hbm>> -> memref<40x128xi32, #tpu.memory_space<hbm>>
        tpu.wait_dma2 semaphore(%run_scoped3A : memref<!tpu.dma_semaphore, #tpu.memory_space<semaphore_mem>>) src(%dma_wait3A_166 : memref<40x128xi32, #tpu.memory_space<hbm>>) dst(%arg14 : memref<40x128xi32, #tpu.memory_space<vmem>>)
        tpu.yield
      }) : () -> ()
      "tpu.region"() ({
        %run_scoped3A = tpu.sem_alloc : memref<!tpu.dma_semaphore, #tpu.memory_space<semaphore_mem>>
        %dma_start3A_159 = arith.constant 0 : i32
        %dma_start3A_160 = tpu.memref_slice %arg7[%add3A_143, %dma_start3A_159] : memref<1280x128xi32, #tpu.memory_space<hbm>> -> memref<40x128xi32, #tpu.memory_space<hbm>>
        %dma_start3A_161 = arith.constant 0 : i32
        %dma_start3A_162 = tpu.memref_slice %arg7[%add3A_143, %dma_start3A_161] : memref<1280x128xi32, #tpu.memory_space<hbm>> -> memref<40x128xi32, #tpu.memory_space<hbm>>
        tpu.enqueue_dma source(%dma_start3A_162 : memref<40x128xi32, #tpu.memory_space<hbm>>) target(%arg15 : memref<40x128xi32, #tpu.memory_space<vmem>>) target_semaphore(%run_scoped3A : memref<!tpu.dma_semaphore, #tpu.memory_space<semaphore_mem>>)
        %dma_wait3A_163 = arith.constant 0 : i32
        %dma_wait3A_164 = tpu.memref_slice %arg7[%add3A_143, %dma_wait3A_163] : memref<1280x128xi32, #tpu.memory_space<hbm>> -> memref<40x128xi32, #tpu.memory_space<hbm>>
        %dma_wait3A_165 = arith.constant 0 : i32
        %dma_wait3A_166 = tpu.memref_slice %arg7[%add3A_143, %dma_wait3A_165] : memref<1280x128xi32, #tpu.memory_space<hbm>> -> memref<40x128xi32, #tpu.memory_space<hbm>>
        tpu.wait_dma2 semaphore(%run_scoped3A : memref<!tpu.dma_semaphore, #tpu.memory_space<semaphore_mem>>) src(%dma_wait3A_166 : memref<40x128xi32, #tpu.memory_space<hbm>>) dst(%arg15 : memref<40x128xi32, #tpu.memory_space<vmem>>)
        tpu.yield
      }) : () -> ()
      %scan3A = arith.constant 0 : i32
      %scan3A_144 = arith.constant 0 : i32
      %scan3A_145 = arith.constant 20 : i32
      %scan3A_146 = arith.addi %scan3A_144, %scan3A_145 : i32
      %scan3A_147 = arith.constant 1 : i32
      scf.for %scan3A_159 = %scan3A_144 to %scan3A_146 step %scan3A_147  : i32 {
        %mul3A_160 = arith.constant 2 : i32
        %mul3A_161 = arith.muli %mul3A_160, %scan3A_159 : i32
        %dma_start3A_162 = arith.constant 0 : i32
        %dma_start3A_163 = tpu.memref_slice %arg14[%mul3A_161, %dma_start3A_162] : memref<40x128xi32, #tpu.memory_space<vmem>> -> memref<1x128xi32, #tpu.memory_space<vmem>>
        %dma_start3A_164 = tpu.memref_squeeze %dma_start3A_163 : memref<1x128xi32, #tpu.memory_space<vmem>> -> memref<128xi32, #tpu.memory_space<vmem>>
        %dma_start3A_165 = arith.constant 0 : i32
        %dma_start3A_166 = arith.constant 0 : i32
        %dma_start3A_167 = tpu.memref_slice %arg3[%dma_start3A_165, %dma_start3A_166] : memref<10240x128xf32, #tpu.memory_space<hbm>> -> memref<10240x128xf32, #tpu.memory_space<hbm>>
        tpu.enqueue_indirect_dma source(%dma_start3A_167 : memref<10240x128xf32, #tpu.memory_space<hbm>>) target(%arg16 : memref<128x128xf32, #tpu.memory_space<vmem>>) offsets(%dma_start3A_164 : memref<128xi32, #tpu.memory_space<vmem>>) semaphore(%arg18 : memref<!tpu.dma_semaphore, #tpu.memory_space<semaphore_mem>>)
        %add3A_168 = arith.constant 1 : i32
        %add3A_169 = arith.addi %mul3A_161, %add3A_168 : i32
        %dma_start3A_170 = arith.constant 0 : i32
        %dma_start3A_171 = tpu.memref_slice %arg14[%add3A_169, %dma_start3A_170] : memref<40x128xi32, #tpu.memory_space<vmem>> -> memref<1x128xi32, #tpu.memory_space<vmem>>
        %dma_start3A_172 = tpu.memref_squeeze %dma_start3A_171 : memref<1x128xi32, #tpu.memory_space<vmem>> -> memref<128xi32, #tpu.memory_space<vmem>>
        %dma_start3A_173 = arith.constant 0 : i32
        %dma_start3A_174 = arith.constant 0 : i32
        %dma_start3A_175 = tpu.memref_slice %arg3[%dma_start3A_173, %dma_start3A_174] : memref<10240x128xf32, #tpu.memory_space<hbm>> -> memref<10240x128xf32, #tpu.memory_space<hbm>>
        tpu.enqueue_indirect_dma source(%dma_start3A_175 : memref<10240x128xf32, #tpu.memory_space<hbm>>) target(%arg17 : memref<128x128xf32, #tpu.memory_space<vmem>>) offsets(%dma_start3A_172 : memref<128xi32, #tpu.memory_space<vmem>>) semaphore(%arg19 : memref<!tpu.dma_semaphore, #tpu.memory_space<semaphore_mem>>)
        %dma_wait3A_176 = arith.constant 0 : i32
        %dma_wait3A_177 = tpu.memref_slice %arg14[%mul3A_161, %dma_wait3A_176] : memref<40x128xi32, #tpu.memory_space<vmem>> -> memref<1x128xi32, #tpu.memory_space<vmem>>
        %dma_wait3A_178 = tpu.memref_squeeze %dma_wait3A_177 : memref<1x128xi32, #tpu.memory_space<vmem>> -> memref<128xi32, #tpu.memory_space<vmem>>
        %dma_wait3A_179 = arith.constant 0 : i32
        %dma_wait3A_180 = arith.constant 0 : i32
        %dma_wait3A_181 = tpu.memref_slice %arg3[%dma_wait3A_179, %dma_wait3A_180] : memref<10240x128xf32, #tpu.memory_space<hbm>> -> memref<10240x128xf32, #tpu.memory_space<hbm>>
        tpu.wait_indirect_dma semaphore(%arg18 : memref<!tpu.dma_semaphore, #tpu.memory_space<semaphore_mem>>) src(%dma_wait3A_181 : memref<10240x128xf32, #tpu.memory_space<hbm>>) dst(%arg16 : memref<128x128xf32, #tpu.memory_space<vmem>>)
        %dma_start3A_182 = arith.constant 0 : i32
        %dma_start3A_183 = tpu.memref_slice %arg15[%mul3A_161, %dma_start3A_182] : memref<40x128xi32, #tpu.memory_space<vmem>> -> memref<1x128xi32, #tpu.memory_space<vmem>>
        %dma_start3A_184 = tpu.memref_squeeze %dma_start3A_183 : memref<1x128xi32, #tpu.memory_space<vmem>> -> memref<128xi32, #tpu.memory_space<vmem>>
        %dma_start3A_185 = arith.constant 0 : i32
        %dma_start3A_186 = arith.constant 0 : i32
        %dma_start3A_187 = tpu.memref_slice %arg13[%dma_start3A_185, %dma_start3A_186] : memref<10240x128xf32, #tpu.memory_space<vmem_shared>> -> memref<10240x128xf32, #tpu.memory_space<vmem_shared>>
        tpu.enqueue_indirect_dma source(%arg16 : memref<128x128xf32, #tpu.memory_space<vmem>>) target(%dma_start3A_187 : memref<10240x128xf32, #tpu.memory_space<vmem_shared>>) offsets(%dma_start3A_184 : memref<128xi32, #tpu.memory_space<vmem>>) semaphore(%arg20 : memref<!tpu.dma_semaphore, #tpu.memory_space<semaphore_mem>>) {add = true}
        %dma_wait3A_188 = arith.constant 0 : i32
        %dma_wait3A_189 = tpu.memref_slice %arg14[%add3A_169, %dma_wait3A_188] : memref<40x128xi32, #tpu.memory_space<vmem>> -> memref<1x128xi32, #tpu.memory_space<vmem>>
        %dma_wait3A_190 = tpu.memref_squeeze %dma_wait3A_189 : memref<1x128xi32, #tpu.memory_space<vmem>> -> memref<128xi32, #tpu.memory_space<vmem>>
        %dma_wait3A_191 = arith.constant 0 : i32
        %dma_wait3A_192 = arith.constant 0 : i32
        %dma_wait3A_193 = tpu.memref_slice %arg3[%dma_wait3A_191, %dma_wait3A_192] : memref<10240x128xf32, #tpu.memory_space<hbm>> -> memref<10240x128xf32, #tpu.memory_space<hbm>>
        tpu.wait_indirect_dma semaphore(%arg19 : memref<!tpu.dma_semaphore, #tpu.memory_space<semaphore_mem>>) src(%dma_wait3A_193 : memref<10240x128xf32, #tpu.memory_space<hbm>>) dst(%arg17 : memref<128x128xf32, #tpu.memory_space<vmem>>)
        %add3A_194 = arith.constant 1 : i32
        %add3A_195 = arith.addi %mul3A_161, %add3A_194 : i32
        %dma_start3A_196 = arith.constant 0 : i32
        %dma_start3A_197 = tpu.memref_slice %arg15[%add3A_195, %dma_start3A_196] : memref<40x128xi32, #tpu.memory_space<vmem>> -> memref<1x128xi32, #tpu.memory_space<vmem>>
        %dma_start3A_198 = tpu.memref_squeeze %dma_start3A_197 : memref<1x128xi32, #tpu.memory_space<vmem>> -> memref<128xi32, #tpu.memory_space<vmem>>
        %dma_start3A_199 = arith.constant 0 : i32
        %dma_start3A_200 = arith.constant 0 : i32
        %dma_start3A_201 = tpu.memref_slice %arg13[%dma_start3A_199, %dma_start3A_200] : memref<10240x128xf32, #tpu.memory_space<vmem_shared>> -> memref<10240x128xf32, #tpu.memory_space<vmem_shared>>
        tpu.enqueue_indirect_dma source(%arg17 : memref<128x128xf32, #tpu.memory_space<vmem>>) target(%dma_start3A_201 : memref<10240x128xf32, #tpu.memory_space<vmem_shared>>) offsets(%dma_start3A_198 : memref<128xi32, #tpu.memory_space<vmem>>) semaphore(%arg21 : memref<!tpu.dma_semaphore, #tpu.memory_space<semaphore_mem>>) {add = true}
        %dma_wait3A_202 = arith.constant 0 : i32
        %dma_wait3A_203 = arith.constant 0 : i32
        %dma_wait3A_204 = tpu.memref_slice %arg15[%dma_wait3A_202, %dma_wait3A_203] : memref<40x128xi32, #tpu.memory_space<vmem>> -> memref<1x128xi32, #tpu.memory_space<vmem>>
        %dma_wait3A_205 = tpu.memref_squeeze %dma_wait3A_204 : memref<1x128xi32, #tpu.memory_space<vmem>> -> memref<128xi32, #tpu.memory_space<vmem>>
        %dma_wait3A_206 = arith.constant 0 : i32
        %dma_wait3A_207 = arith.constant 0 : i32
        %dma_wait3A_208 = tpu.memref_slice %arg13[%dma_wait3A_206, %dma_wait3A_207] : memref<10240x128xf32, #tpu.memory_space<vmem_shared>> -> memref<10240x128xf32, #tpu.memory_space<vmem_shared>>
        tpu.wait_indirect_dma semaphore(%arg20 : memref<!tpu.dma_semaphore, #tpu.memory_space<semaphore_mem>>) src(%arg16 : memref<128x128xf32, #tpu.memory_space<vmem>>) dst(%dma_wait3A_208 : memref<10240x128xf32, #tpu.memory_space<vmem_shared>>)
        %dma_wait3A_209 = arith.constant 0 : i32
        %dma_wait3A_210 = arith.constant 0 : i32
        %dma_wait3A_211 = tpu.memref_slice %arg15[%dma_wait3A_209, %dma_wait3A_210] : memref<40x128xi32, #tpu.memory_space<vmem>> -> memref<1x128xi32, #tpu.memory_space<vmem>>
        %dma_wait3A_212 = tpu.memref_squeeze %dma_wait3A_211 : memref<1x128xi32, #tpu.memory_space<vmem>> -> memref<128xi32, #tpu.memory_space<vmem>>
        %dma_wait3A_213 = arith.constant 0 : i32
        %dma_wait3A_214 = arith.constant 0 : i32
        %dma_wait3A_215 = tpu.memref_slice %arg13[%dma_wait3A_213, %dma_wait3A_214] : memref<10240x128xf32, #tpu.memory_space<vmem_shared>> -> memref<10240x128xf32, #tpu.memory_space<vmem_shared>>
        tpu.wait_indirect_dma semaphore(%arg21 : memref<!tpu.dma_semaphore, #tpu.memory_space<semaphore_mem>>) src(%arg17 : memref<128x128xf32, #tpu.memory_space<vmem>>) dst(%dma_wait3A_215 : memref<10240x128xf32, #tpu.memory_space<vmem_shared>>)
      }
      %scan3A_148 = arith.constant 20 : i32
      %mul3A_149 = arith.constant 80 : i32
      %mul3A_150 = arith.muli %arg1, %mul3A_149 : i32
      %add3A_151 = arith.constant 40 : i32
      %add3A_152 = arith.addi %mul3A_150, %add3A_151 : i32
      "tpu.region"() ({
        %run_scoped3A = tpu.sem_alloc : memref<!tpu.dma_semaphore, #tpu.memory_space<semaphore_mem>>
        %dma_start3A_159 = arith.constant 0 : i32
        %dma_start3A_160 = tpu.memref_slice %arg6[%add3A_152, %dma_start3A_159] : memref<1280x128xi32, #tpu.memory_space<hbm>> -> memref<40x128xi32, #tpu.memory_space<hbm>>
        %dma_start3A_161 = arith.constant 0 : i32
        %dma_start3A_162 = tpu.memref_slice %arg6[%add3A_152, %dma_start3A_161] : memref<1280x128xi32, #tpu.memory_space<hbm>> -> memref<40x128xi32, #tpu.memory_space<hbm>>
        tpu.enqueue_dma source(%dma_start3A_162 : memref<40x128xi32, #tpu.memory_space<hbm>>) target(%arg14 : memref<40x128xi32, #tpu.memory_space<vmem>>) target_semaphore(%run_scoped3A : memref<!tpu.dma_semaphore, #tpu.memory_space<semaphore_mem>>)
        %dma_wait3A_163 = arith.constant 0 : i32
        %dma_wait3A_164 = tpu.memref_slice %arg6[%add3A_152, %dma_wait3A_163] : memref<1280x128xi32, #tpu.memory_space<hbm>> -> memref<40x128xi32, #tpu.memory_space<hbm>>
        %dma_wait3A_165 = arith.constant 0 : i32
        %dma_wait3A_166 = tpu.memref_slice %arg6[%add3A_152, %dma_wait3A_165] : memref<1280x128xi32, #tpu.memory_space<hbm>> -> memref<40x128xi32, #tpu.memory_space<hbm>>
        tpu.wait_dma2 semaphore(%run_scoped3A : memref<!tpu.dma_semaphore, #tpu.memory_space<semaphore_mem>>) src(%dma_wait3A_166 : memref<40x128xi32, #tpu.memory_space<hbm>>) dst(%arg14 : memref<40x128xi32, #tpu.memory_space<vmem>>)
        tpu.yield
      }) : () -> ()
      "tpu.region"() ({
        %run_scoped3A = tpu.sem_alloc : memref<!tpu.dma_semaphore, #tpu.memory_space<semaphore_mem>>
        %dma_start3A_159 = arith.constant 0 : i32
        %dma_start3A_160 = tpu.memref_slice %arg7[%add3A_152, %dma_start3A_159] : memref<1280x128xi32, #tpu.memory_space<hbm>> -> memref<40x128xi32, #tpu.memory_space<hbm>>
        %dma_start3A_161 = arith.constant 0 : i32
        %dma_start3A_162 = tpu.memref_slice %arg7[%add3A_152, %dma_start3A_161] : memref<1280x128xi32, #tpu.memory_space<hbm>> -> memref<40x128xi32, #tpu.memory_space<hbm>>
        tpu.enqueue_dma source(%dma_start3A_162 : memref<40x128xi32, #tpu.memory_space<hbm>>) target(%arg15 : memref<40x128xi32, #tpu.memory_space<vmem>>) target_semaphore(%run_scoped3A : memref<!tpu.dma_semaphore, #tpu.memory_space<semaphore_mem>>)
        %dma_wait3A_163 = arith.constant 0 : i32
        %dma_wait3A_164 = tpu.memref_slice %arg7[%add3A_152, %dma_wait3A_163] : memref<1280x128xi32, #tpu.memory_space<hbm>> -> memref<40x128xi32, #tpu.memory_space<hbm>>
        %dma_wait3A_165 = arith.constant 0 : i32
        %dma_wait3A_166 = tpu.memref_slice %arg7[%add3A_152, %dma_wait3A_165] : memref<1280x128xi32, #tpu.memory_space<hbm>> -> memref<40x128xi32, #tpu.memory_space<hbm>>
        tpu.wait_dma2 semaphore(%run_scoped3A : memref<!tpu.dma_semaphore, #tpu.memory_space<semaphore_mem>>) src(%dma_wait3A_166 : memref<40x128xi32, #tpu.memory_space<hbm>>) dst(%arg15 : memref<40x128xi32, #tpu.memory_space<vmem>>)
        tpu.yield
      }) : () -> ()
      %scan3A_153 = arith.constant 0 : i32
      %scan3A_154 = arith.constant 0 : i32
      %scan3A_155 = arith.constant 20 : i32
      %scan3A_156 = arith.addi %scan3A_154, %scan3A_155 : i32
      %scan3A_157 = arith.constant 1 : i32
      scf.for %scan3A_159 = %scan3A_154 to %scan3A_156 step %scan3A_157  : i32 {
        %mul3A_160 = arith.constant 2 : i32
        %mul3A_161 = arith.muli %mul3A_160, %scan3A_159 : i32
        %dma_start3A_162 = arith.constant 0 : i32
        %dma_start3A_163 = tpu.memref_slice %arg14[%mul3A_161, %dma_start3A_162] : memref<40x128xi32, #tpu.memory_space<vmem>> -> memref<1x128xi32, #tpu.memory_space<vmem>>
        %dma_start3A_164 = tpu.memref_squeeze %dma_start3A_163 : memref<1x128xi32, #tpu.memory_space<vmem>> -> memref<128xi32, #tpu.memory_space<vmem>>
        %dma_start3A_165 = arith.constant 0 : i32
        %dma_start3A_166 = arith.constant 0 : i32
        %dma_start3A_167 = tpu.memref_slice %arg3[%dma_start3A_165, %dma_start3A_166] : memref<10240x128xf32, #tpu.memory_space<hbm>> -> memref<10240x128xf32, #tpu.memory_space<hbm>>
        tpu.enqueue_indirect_dma source(%dma_start3A_167 : memref<10240x128xf32, #tpu.memory_space<hbm>>) target(%arg16 : memref<128x128xf32, #tpu.memory_space<vmem>>) offsets(%dma_start3A_164 : memref<128xi32, #tpu.memory_space<vmem>>) semaphore(%arg18 : memref<!tpu.dma_semaphore, #tpu.memory_space<semaphore_mem>>)
        %add3A_168 = arith.constant 1 : i32
        %add3A_169 = arith.addi %mul3A_161, %add3A_168 : i32
        %dma_start3A_170 = arith.constant 0 : i32
        %dma_start3A_171 = tpu.memref_slice %arg14[%add3A_169, %dma_start3A_170] : memref<40x128xi32, #tpu.memory_space<vmem>> -> memref<1x128xi32, #tpu.memory_space<vmem>>
        %dma_start3A_172 = tpu.memref_squeeze %dma_start3A_171 : memref<1x128xi32, #tpu.memory_space<vmem>> -> memref<128xi32, #tpu.memory_space<vmem>>
        %dma_start3A_173 = arith.constant 0 : i32
        %dma_start3A_174 = arith.constant 0 : i32
        %dma_start3A_175 = tpu.memref_slice %arg3[%dma_start3A_173, %dma_start3A_174] : memref<10240x128xf32, #tpu.memory_space<hbm>> -> memref<10240x128xf32, #tpu.memory_space<hbm>>
        tpu.enqueue_indirect_dma source(%dma_start3A_175 : memref<10240x128xf32, #tpu.memory_space<hbm>>) target(%arg17 : memref<128x128xf32, #tpu.memory_space<vmem>>) offsets(%dma_start3A_172 : memref<128xi32, #tpu.memory_space<vmem>>) semaphore(%arg19 : memref<!tpu.dma_semaphore, #tpu.memory_space<semaphore_mem>>)
        %dma_wait3A_176 = arith.constant 0 : i32
        %dma_wait3A_177 = tpu.memref_slice %arg14[%mul3A_161, %dma_wait3A_176] : memref<40x128xi32, #tpu.memory_space<vmem>> -> memref<1x128xi32, #tpu.memory_space<vmem>>
        %dma_wait3A_178 = tpu.memref_squeeze %dma_wait3A_177 : memref<1x128xi32, #tpu.memory_space<vmem>> -> memref<128xi32, #tpu.memory_space<vmem>>
        %dma_wait3A_179 = arith.constant 0 : i32
        %dma_wait3A_180 = arith.constant 0 : i32
        %dma_wait3A_181 = tpu.memref_slice %arg3[%dma_wait3A_179, %dma_wait3A_180] : memref<10240x128xf32, #tpu.memory_space<hbm>> -> memref<10240x128xf32, #tpu.memory_space<hbm>>
        tpu.wait_indirect_dma semaphore(%arg18 : memref<!tpu.dma_semaphore, #tpu.memory_space<semaphore_mem>>) src(%dma_wait3A_181 : memref<10240x128xf32, #tpu.memory_space<hbm>>) dst(%arg16 : memref<128x128xf32, #tpu.memory_space<vmem>>)
        %dma_start3A_182 = arith.constant 0 : i32
        %dma_start3A_183 = tpu.memref_slice %arg15[%mul3A_161, %dma_start3A_182] : memref<40x128xi32, #tpu.memory_space<vmem>> -> memref<1x128xi32, #tpu.memory_space<vmem>>
        %dma_start3A_184 = tpu.memref_squeeze %dma_start3A_183 : memref<1x128xi32, #tpu.memory_space<vmem>> -> memref<128xi32, #tpu.memory_space<vmem>>
        %dma_start3A_185 = arith.constant 0 : i32
        %dma_start3A_186 = arith.constant 0 : i32
        %dma_start3A_187 = tpu.memref_slice %arg13[%dma_start3A_185, %dma_start3A_186] : memref<10240x128xf32, #tpu.memory_space<vmem_shared>> -> memref<10240x128xf32, #tpu.memory_space<vmem_shared>>
        tpu.enqueue_indirect_dma source(%arg16 : memref<128x128xf32, #tpu.memory_space<vmem>>) target(%dma_start3A_187 : memref<10240x128xf32, #tpu.memory_space<vmem_shared>>) offsets(%dma_start3A_184 : memref<128xi32, #tpu.memory_space<vmem>>) semaphore(%arg20 : memref<!tpu.dma_semaphore, #tpu.memory_space<semaphore_mem>>) {add = true}
        %dma_wait3A_188 = arith.constant 0 : i32
        %dma_wait3A_189 = tpu.memref_slice %arg14[%add3A_169, %dma_wait3A_188] : memref<40x128xi32, #tpu.memory_space<vmem>> -> memref<1x128xi32, #tpu.memory_space<vmem>>
        %dma_wait3A_190 = tpu.memref_squeeze %dma_wait3A_189 : memref<1x128xi32, #tpu.memory_space<vmem>> -> memref<128xi32, #tpu.memory_space<vmem>>
        %dma_wait3A_191 = arith.constant 0 : i32
        %dma_wait3A_192 = arith.constant 0 : i32
        %dma_wait3A_193 = tpu.memref_slice %arg3[%dma_wait3A_191, %dma_wait3A_192] : memref<10240x128xf32, #tpu.memory_space<hbm>> -> memref<10240x128xf32, #tpu.memory_space<hbm>>
        tpu.wait_indirect_dma semaphore(%arg19 : memref<!tpu.dma_semaphore, #tpu.memory_space<semaphore_mem>>) src(%dma_wait3A_193 : memref<10240x128xf32, #tpu.memory_space<hbm>>) dst(%arg17 : memref<128x128xf32, #tpu.memory_space<vmem>>)
        %add3A_194 = arith.constant 1 : i32
        %add3A_195 = arith.addi %mul3A_161, %add3A_194 : i32
        %dma_start3A_196 = arith.constant 0 : i32
        %dma_start3A_197 = tpu.memref_slice %arg15[%add3A_195, %dma_start3A_196] : memref<40x128xi32, #tpu.memory_space<vmem>> -> memref<1x128xi32, #tpu.memory_space<vmem>>
        %dma_start3A_198 = tpu.memref_squeeze %dma_start3A_197 : memref<1x128xi32, #tpu.memory_space<vmem>> -> memref<128xi32, #tpu.memory_space<vmem>>
        %dma_start3A_199 = arith.constant 0 : i32
        %dma_start3A_200 = arith.constant 0 : i32
        %dma_start3A_201 = tpu.memref_slice %arg13[%dma_start3A_199, %dma_start3A_200] : memref<10240x128xf32, #tpu.memory_space<vmem_shared>> -> memref<10240x128xf32, #tpu.memory_space<vmem_shared>>
        tpu.enqueue_indirect_dma source(%arg17 : memref<128x128xf32, #tpu.memory_space<vmem>>) target(%dma_start3A_201 : memref<10240x128xf32, #tpu.memory_space<vmem_shared>>) offsets(%dma_start3A_198 : memref<128xi32, #tpu.memory_space<vmem>>) semaphore(%arg21 : memref<!tpu.dma_semaphore, #tpu.memory_space<semaphore_mem>>) {add = true}
        %dma_wait3A_202 = arith.constant 0 : i32
        %dma_wait3A_203 = arith.constant 0 : i32
        %dma_wait3A_204 = tpu.memref_slice %arg15[%dma_wait3A_202, %dma_wait3A_203] : memref<40x128xi32, #tpu.memory_space<vmem>> -> memref<1x128xi32, #tpu.memory_space<vmem>>
        %dma_wait3A_205 = tpu.memref_squeeze %dma_wait3A_204 : memref<1x128xi32, #tpu.memory_space<vmem>> -> memref<128xi32, #tpu.memory_space<vmem>>
        %dma_wait3A_206 = arith.constant 0 : i32
        %dma_wait3A_207 = arith.constant 0 : i32
        %dma_wait3A_208 = tpu.memref_slice %arg13[%dma_wait3A_206, %dma_wait3A_207] : memref<10240x128xf32, #tpu.memory_space<vmem_shared>> -> memref<10240x128xf32, #tpu.memory_space<vmem_shared>>
        tpu.wait_indirect_dma semaphore(%arg20 : memref<!tpu.dma_semaphore, #tpu.memory_space<semaphore_mem>>) src(%arg16 : memref<128x128xf32, #tpu.memory_space<vmem>>) dst(%dma_wait3A_208 : memref<10240x128xf32, #tpu.memory_space<vmem_shared>>)
        %dma_wait3A_209 = arith.constant 0 : i32
        %dma_wait3A_210 = arith.constant 0 : i32
        %dma_wait3A_211 = tpu.memref_slice %arg15[%dma_wait3A_209, %dma_wait3A_210] : memref<40x128xi32, #tpu.memory_space<vmem>> -> memref<1x128xi32, #tpu.memory_space<vmem>>
        %dma_wait3A_212 = tpu.memref_squeeze %dma_wait3A_211 : memref<1x128xi32, #tpu.memory_space<vmem>> -> memref<128xi32, #tpu.memory_space<vmem>>
        %dma_wait3A_213 = arith.constant 0 : i32
        %dma_wait3A_214 = arith.constant 0 : i32
        %dma_wait3A_215 = tpu.memref_slice %arg13[%dma_wait3A_213, %dma_wait3A_214] : memref<10240x128xf32, #tpu.memory_space<vmem_shared>> -> memref<10240x128xf32, #tpu.memory_space<vmem_shared>>
        tpu.wait_indirect_dma semaphore(%arg21 : memref<!tpu.dma_semaphore, #tpu.memory_space<semaphore_mem>>) src(%arg17 : memref<128x128xf32, #tpu.memory_space<vmem>>) dst(%dma_wait3A_215 : memref<10240x128xf32, #tpu.memory_space<vmem_shared>>)
      }
      %scan3A_158 = arith.constant 20 : i32
    } else {
    }
    %eq3A_123 = arith.constant 1 : i32
    %eq3A_124 = arith.cmpi eq, %arg0, %eq3A_123 : i32
    %convert_element_type3A_125 = arith.extui %eq3A_124 : i1 to i32
    %cond3A_126 = arith.constant 0 : i32
    %cond3A_127 = arith.cmpi ne, %convert_element_type3A_125, %cond3A_126 : i32
    scf.if %cond3A_127 {
      %mul3A_140 = arith.constant 80 : i32
      %mul3A_141 = arith.muli %arg1, %mul3A_140 : i32
      %add3A_142 = arith.constant 0 : i32
      %add3A_143 = arith.addi %mul3A_141, %add3A_142 : i32
      "tpu.region"() ({
        %run_scoped3A = tpu.sem_alloc : memref<!tpu.dma_semaphore, #tpu.memory_space<semaphore_mem>>
        %dma_start3A_159 = arith.constant 0 : i32
        %dma_start3A_160 = tpu.memref_slice %arg6[%add3A_143, %dma_start3A_159] : memref<1280x128xi32, #tpu.memory_space<hbm>> -> memref<40x128xi32, #tpu.memory_space<hbm>>
        %dma_start3A_161 = arith.constant 0 : i32
        %dma_start3A_162 = tpu.memref_slice %arg6[%add3A_143, %dma_start3A_161] : memref<1280x128xi32, #tpu.memory_space<hbm>> -> memref<40x128xi32, #tpu.memory_space<hbm>>
        tpu.enqueue_dma source(%dma_start3A_162 : memref<40x128xi32, #tpu.memory_space<hbm>>) target(%arg14 : memref<40x128xi32, #tpu.memory_space<vmem>>) target_semaphore(%run_scoped3A : memref<!tpu.dma_semaphore, #tpu.memory_space<semaphore_mem>>)
        %dma_wait3A_163 = arith.constant 0 : i32
        %dma_wait3A_164 = tpu.memref_slice %arg6[%add3A_143, %dma_wait3A_163] : memref<1280x128xi32, #tpu.memory_space<hbm>> -> memref<40x128xi32, #tpu.memory_space<hbm>>
        %dma_wait3A_165 = arith.constant 0 : i32
        %dma_wait3A_166 = tpu.memref_slice %arg6[%add3A_143, %dma_wait3A_165] : memref<1280x128xi32, #tpu.memory_space<hbm>> -> memref<40x128xi32, #tpu.memory_space<hbm>>
        tpu.wait_dma2 semaphore(%run_scoped3A : memref<!tpu.dma_semaphore, #tpu.memory_space<semaphore_mem>>) src(%dma_wait3A_166 : memref<40x128xi32, #tpu.memory_space<hbm>>) dst(%arg14 : memref<40x128xi32, #tpu.memory_space<vmem>>)
        tpu.yield
      }) : () -> ()
      "tpu.region"() ({
        %run_scoped3A = tpu.sem_alloc : memref<!tpu.dma_semaphore, #tpu.memory_space<semaphore_mem>>
        %dma_start3A_159 = arith.constant 0 : i32
        %dma_start3A_160 = tpu.memref_slice %arg7[%add3A_143, %dma_start3A_159] : memref<1280x128xi32, #tpu.memory_space<hbm>> -> memref<40x128xi32, #tpu.memory_space<hbm>>
        %dma_start3A_161 = arith.constant 0 : i32
        %dma_start3A_162 = tpu.memref_slice %arg7[%add3A_143, %dma_start3A_161] : memref<1280x128xi32, #tpu.memory_space<hbm>> -> memref<40x128xi32, #tpu.memory_space<hbm>>
        tpu.enqueue_dma source(%dma_start3A_162 : memref<40x128xi32, #tpu.memory_space<hbm>>) target(%arg15 : memref<40x128xi32, #tpu.memory_space<vmem>>) target_semaphore(%run_scoped3A : memref<!tpu.dma_semaphore, #tpu.memory_space<semaphore_mem>>)
        %dma_wait3A_163 = arith.constant 0 : i32
        %dma_wait3A_164 = tpu.memref_slice %arg7[%add3A_143, %dma_wait3A_163] : memref<1280x128xi32, #tpu.memory_space<hbm>> -> memref<40x128xi32, #tpu.memory_space<hbm>>
        %dma_wait3A_165 = arith.constant 0 : i32
        %dma_wait3A_166 = tpu.memref_slice %arg7[%add3A_143, %dma_wait3A_165] : memref<1280x128xi32, #tpu.memory_space<hbm>> -> memref<40x128xi32, #tpu.memory_space<hbm>>
        tpu.wait_dma2 semaphore(%run_scoped3A : memref<!tpu.dma_semaphore, #tpu.memory_space<semaphore_mem>>) src(%dma_wait3A_166 : memref<40x128xi32, #tpu.memory_space<hbm>>) dst(%arg15 : memref<40x128xi32, #tpu.memory_space<vmem>>)
        tpu.yield
      }) : () -> ()
      %scan3A = arith.constant 0 : i32
      %scan3A_144 = arith.constant 0 : i32
      %scan3A_145 = arith.constant 20 : i32
      %scan3A_146 = arith.addi %scan3A_144, %scan3A_145 : i32
      %scan3A_147 = arith.constant 1 : i32
      scf.for %scan3A_159 = %scan3A_144 to %scan3A_146 step %scan3A_147  : i32 {
        %mul3A_160 = arith.constant 2 : i32
        %mul3A_161 = arith.muli %mul3A_160, %scan3A_159 : i32
        %dma_start3A_162 = arith.constant 0 : i32
        %dma_start3A_163 = tpu.memref_slice %arg14[%mul3A_161, %dma_start3A_162] : memref<40x128xi32, #tpu.memory_space<vmem>> -> memref<1x128xi32, #tpu.memory_space<vmem>>
        %dma_start3A_164 = tpu.memref_squeeze %dma_start3A_163 : memref<1x128xi32, #tpu.memory_space<vmem>> -> memref<128xi32, #tpu.memory_space<vmem>>
        %dma_start3A_165 = arith.constant 0 : i32
        %dma_start3A_166 = arith.constant 0 : i32
        %dma_start3A_167 = tpu.memref_slice %arg5[%dma_start3A_165, %dma_start3A_166] : memref<10240x128xf32, #tpu.memory_space<hbm>> -> memref<10240x128xf32, #tpu.memory_space<hbm>>
        tpu.enqueue_indirect_dma source(%dma_start3A_167 : memref<10240x128xf32, #tpu.memory_space<hbm>>) target(%arg16 : memref<128x128xf32, #tpu.memory_space<vmem>>) offsets(%dma_start3A_164 : memref<128xi32, #tpu.memory_space<vmem>>) semaphore(%arg18 : memref<!tpu.dma_semaphore, #tpu.memory_space<semaphore_mem>>)
        %add3A_168 = arith.constant 1 : i32
        %add3A_169 = arith.addi %mul3A_161, %add3A_168 : i32
        %dma_start3A_170 = arith.constant 0 : i32
        %dma_start3A_171 = tpu.memref_slice %arg14[%add3A_169, %dma_start3A_170] : memref<40x128xi32, #tpu.memory_space<vmem>> -> memref<1x128xi32, #tpu.memory_space<vmem>>
        %dma_start3A_172 = tpu.memref_squeeze %dma_start3A_171 : memref<1x128xi32, #tpu.memory_space<vmem>> -> memref<128xi32, #tpu.memory_space<vmem>>
        %dma_start3A_173 = arith.constant 0 : i32
        %dma_start3A_174 = arith.constant 0 : i32
        %dma_start3A_175 = tpu.memref_slice %arg5[%dma_start3A_173, %dma_start3A_174] : memref<10240x128xf32, #tpu.memory_space<hbm>> -> memref<10240x128xf32, #tpu.memory_space<hbm>>
        tpu.enqueue_indirect_dma source(%dma_start3A_175 : memref<10240x128xf32, #tpu.memory_space<hbm>>) target(%arg17 : memref<128x128xf32, #tpu.memory_space<vmem>>) offsets(%dma_start3A_172 : memref<128xi32, #tpu.memory_space<vmem>>) semaphore(%arg19 : memref<!tpu.dma_semaphore, #tpu.memory_space<semaphore_mem>>)
        %dma_wait3A_176 = arith.constant 0 : i32
        %dma_wait3A_177 = tpu.memref_slice %arg14[%mul3A_161, %dma_wait3A_176] : memref<40x128xi32, #tpu.memory_space<vmem>> -> memref<1x128xi32, #tpu.memory_space<vmem>>
        %dma_wait3A_178 = tpu.memref_squeeze %dma_wait3A_177 : memref<1x128xi32, #tpu.memory_space<vmem>> -> memref<128xi32, #tpu.memory_space<vmem>>
        %dma_wait3A_179 = arith.constant 0 : i32
        %dma_wait3A_180 = arith.constant 0 : i32
        %dma_wait3A_181 = tpu.memref_slice %arg5[%dma_wait3A_179, %dma_wait3A_180] : memref<10240x128xf32, #tpu.memory_space<hbm>> -> memref<10240x128xf32, #tpu.memory_space<hbm>>
        tpu.wait_indirect_dma semaphore(%arg18 : memref<!tpu.dma_semaphore, #tpu.memory_space<semaphore_mem>>) src(%dma_wait3A_181 : memref<10240x128xf32, #tpu.memory_space<hbm>>) dst(%arg16 : memref<128x128xf32, #tpu.memory_space<vmem>>)
        %dma_start3A_182 = arith.constant 0 : i32
        %dma_start3A_183 = tpu.memref_slice %arg15[%mul3A_161, %dma_start3A_182] : memref<40x128xi32, #tpu.memory_space<vmem>> -> memref<1x128xi32, #tpu.memory_space<vmem>>
        %dma_start3A_184 = tpu.memref_squeeze %dma_start3A_183 : memref<1x128xi32, #tpu.memory_space<vmem>> -> memref<128xi32, #tpu.memory_space<vmem>>
        %dma_start3A_185 = arith.constant 0 : i32
        %dma_start3A_186 = arith.constant 0 : i32
        %dma_start3A_187 = tpu.memref_slice %arg13[%dma_start3A_185, %dma_start3A_186] : memref<10240x128xf32, #tpu.memory_space<vmem_shared>> -> memref<10240x128xf32, #tpu.memory_space<vmem_shared>>
        tpu.enqueue_indirect_dma source(%arg16 : memref<128x128xf32, #tpu.memory_space<vmem>>) target(%dma_start3A_187 : memref<10240x128xf32, #tpu.memory_space<vmem_shared>>) offsets(%dma_start3A_184 : memref<128xi32, #tpu.memory_space<vmem>>) semaphore(%arg20 : memref<!tpu.dma_semaphore, #tpu.memory_space<semaphore_mem>>) {add = true}
        %dma_wait3A_188 = arith.constant 0 : i32
        %dma_wait3A_189 = tpu.memref_slice %arg14[%add3A_169, %dma_wait3A_188] : memref<40x128xi32, #tpu.memory_space<vmem>> -> memref<1x128xi32, #tpu.memory_space<vmem>>
        %dma_wait3A_190 = tpu.memref_squeeze %dma_wait3A_189 : memref<1x128xi32, #tpu.memory_space<vmem>> -> memref<128xi32, #tpu.memory_space<vmem>>
        %dma_wait3A_191 = arith.constant 0 : i32
        %dma_wait3A_192 = arith.constant 0 : i32
        %dma_wait3A_193 = tpu.memref_slice %arg5[%dma_wait3A_191, %dma_wait3A_192] : memref<10240x128xf32, #tpu.memory_space<hbm>> -> memref<10240x128xf32, #tpu.memory_space<hbm>>
        tpu.wait_indirect_dma semaphore(%arg19 : memref<!tpu.dma_semaphore, #tpu.memory_space<semaphore_mem>>) src(%dma_wait3A_193 : memref<10240x128xf32, #tpu.memory_space<hbm>>) dst(%arg17 : memref<128x128xf32, #tpu.memory_space<vmem>>)
        %add3A_194 = arith.constant 1 : i32
        %add3A_195 = arith.addi %mul3A_161, %add3A_194 : i32
        %dma_start3A_196 = arith.constant 0 : i32
        %dma_start3A_197 = tpu.memref_slice %arg15[%add3A_195, %dma_start3A_196] : memref<40x128xi32, #tpu.memory_space<vmem>> -> memref<1x128xi32, #tpu.memory_space<vmem>>
        %dma_start3A_198 = tpu.memref_squeeze %dma_start3A_197 : memref<1x128xi32, #tpu.memory_space<vmem>> -> memref<128xi32, #tpu.memory_space<vmem>>
        %dma_start3A_199 = arith.constant 0 : i32
        %dma_start3A_200 = arith.constant 0 : i32
        %dma_start3A_201 = tpu.memref_slice %arg13[%dma_start3A_199, %dma_start3A_200] : memref<10240x128xf32, #tpu.memory_space<vmem_shared>> -> memref<10240x128xf32, #tpu.memory_space<vmem_shared>>
        tpu.enqueue_indirect_dma source(%arg17 : memref<128x128xf32, #tpu.memory_space<vmem>>) target(%dma_start3A_201 : memref<10240x128xf32, #tpu.memory_space<vmem_shared>>) offsets(%dma_start3A_198 : memref<128xi32, #tpu.memory_space<vmem>>) semaphore(%arg21 : memref<!tpu.dma_semaphore, #tpu.memory_space<semaphore_mem>>) {add = true}
        %dma_wait3A_202 = arith.constant 0 : i32
        %dma_wait3A_203 = arith.constant 0 : i32
        %dma_wait3A_204 = tpu.memref_slice %arg15[%dma_wait3A_202, %dma_wait3A_203] : memref<40x128xi32, #tpu.memory_space<vmem>> -> memref<1x128xi32, #tpu.memory_space<vmem>>
        %dma_wait3A_205 = tpu.memref_squeeze %dma_wait3A_204 : memref<1x128xi32, #tpu.memory_space<vmem>> -> memref<128xi32, #tpu.memory_space<vmem>>
        %dma_wait3A_206 = arith.constant 0 : i32
        %dma_wait3A_207 = arith.constant 0 : i32
        %dma_wait3A_208 = tpu.memref_slice %arg13[%dma_wait3A_206, %dma_wait3A_207] : memref<10240x128xf32, #tpu.memory_space<vmem_shared>> -> memref<10240x128xf32, #tpu.memory_space<vmem_shared>>
        tpu.wait_indirect_dma semaphore(%arg20 : memref<!tpu.dma_semaphore, #tpu.memory_space<semaphore_mem>>) src(%arg16 : memref<128x128xf32, #tpu.memory_space<vmem>>) dst(%dma_wait3A_208 : memref<10240x128xf32, #tpu.memory_space<vmem_shared>>)
        %dma_wait3A_209 = arith.constant 0 : i32
        %dma_wait3A_210 = arith.constant 0 : i32
        %dma_wait3A_211 = tpu.memref_slice %arg15[%dma_wait3A_209, %dma_wait3A_210] : memref<40x128xi32, #tpu.memory_space<vmem>> -> memref<1x128xi32, #tpu.memory_space<vmem>>
        %dma_wait3A_212 = tpu.memref_squeeze %dma_wait3A_211 : memref<1x128xi32, #tpu.memory_space<vmem>> -> memref<128xi32, #tpu.memory_space<vmem>>
        %dma_wait3A_213 = arith.constant 0 : i32
        %dma_wait3A_214 = arith.constant 0 : i32
        %dma_wait3A_215 = tpu.memref_slice %arg13[%dma_wait3A_213, %dma_wait3A_214] : memref<10240x128xf32, #tpu.memory_space<vmem_shared>> -> memref<10240x128xf32, #tpu.memory_space<vmem_shared>>
        tpu.wait_indirect_dma semaphore(%arg21 : memref<!tpu.dma_semaphore, #tpu.memory_space<semaphore_mem>>) src(%arg17 : memref<128x128xf32, #tpu.memory_space<vmem>>) dst(%dma_wait3A_215 : memref<10240x128xf32, #tpu.memory_space<vmem_shared>>)
      }
      %scan3A_148 = arith.constant 20 : i32
      %mul3A_149 = arith.constant 80 : i32
      %mul3A_150 = arith.muli %arg1, %mul3A_149 : i32
      %add3A_151 = arith.constant 40 : i32
      %add3A_152 = arith.addi %mul3A_150, %add3A_151 : i32
      "tpu.region"() ({
        %run_scoped3A = tpu.sem_alloc : memref<!tpu.dma_semaphore, #tpu.memory_space<semaphore_mem>>
        %dma_start3A_159 = arith.constant 0 : i32
        %dma_start3A_160 = tpu.memref_slice %arg6[%add3A_152, %dma_start3A_159] : memref<1280x128xi32, #tpu.memory_space<hbm>> -> memref<40x128xi32, #tpu.memory_space<hbm>>
        %dma_start3A_161 = arith.constant 0 : i32
        %dma_start3A_162 = tpu.memref_slice %arg6[%add3A_152, %dma_start3A_161] : memref<1280x128xi32, #tpu.memory_space<hbm>> -> memref<40x128xi32, #tpu.memory_space<hbm>>
        tpu.enqueue_dma source(%dma_start3A_162 : memref<40x128xi32, #tpu.memory_space<hbm>>) target(%arg14 : memref<40x128xi32, #tpu.memory_space<vmem>>) target_semaphore(%run_scoped3A : memref<!tpu.dma_semaphore, #tpu.memory_space<semaphore_mem>>)
        %dma_wait3A_163 = arith.constant 0 : i32
        %dma_wait3A_164 = tpu.memref_slice %arg6[%add3A_152, %dma_wait3A_163] : memref<1280x128xi32, #tpu.memory_space<hbm>> -> memref<40x128xi32, #tpu.memory_space<hbm>>
        %dma_wait3A_165 = arith.constant 0 : i32
        %dma_wait3A_166 = tpu.memref_slice %arg6[%add3A_152, %dma_wait3A_165] : memref<1280x128xi32, #tpu.memory_space<hbm>> -> memref<40x128xi32, #tpu.memory_space<hbm>>
        tpu.wait_dma2 semaphore(%run_scoped3A : memref<!tpu.dma_semaphore, #tpu.memory_space<semaphore_mem>>) src(%dma_wait3A_166 : memref<40x128xi32, #tpu.memory_space<hbm>>) dst(%arg14 : memref<40x128xi32, #tpu.memory_space<vmem>>)
        tpu.yield
      }) : () -> ()
      "tpu.region"() ({
        %run_scoped3A = tpu.sem_alloc : memref<!tpu.dma_semaphore, #tpu.memory_space<semaphore_mem>>
        %dma_start3A_159 = arith.constant 0 : i32
        %dma_start3A_160 = tpu.memref_slice %arg7[%add3A_152, %dma_start3A_159] : memref<1280x128xi32, #tpu.memory_space<hbm>> -> memref<40x128xi32, #tpu.memory_space<hbm>>
        %dma_start3A_161 = arith.constant 0 : i32
        %dma_start3A_162 = tpu.memref_slice %arg7[%add3A_152, %dma_start3A_161] : memref<1280x128xi32, #tpu.memory_space<hbm>> -> memref<40x128xi32, #tpu.memory_space<hbm>>
        tpu.enqueue_dma source(%dma_start3A_162 : memref<40x128xi32, #tpu.memory_space<hbm>>) target(%arg15 : memref<40x128xi32, #tpu.memory_space<vmem>>) target_semaphore(%run_scoped3A : memref<!tpu.dma_semaphore, #tpu.memory_space<semaphore_mem>>)
        %dma_wait3A_163 = arith.constant 0 : i32
        %dma_wait3A_164 = tpu.memref_slice %arg7[%add3A_152, %dma_wait3A_163] : memref<1280x128xi32, #tpu.memory_space<hbm>> -> memref<40x128xi32, #tpu.memory_space<hbm>>
        %dma_wait3A_165 = arith.constant 0 : i32
        %dma_wait3A_166 = tpu.memref_slice %arg7[%add3A_152, %dma_wait3A_165] : memref<1280x128xi32, #tpu.memory_space<hbm>> -> memref<40x128xi32, #tpu.memory_space<hbm>>
        tpu.wait_dma2 semaphore(%run_scoped3A : memref<!tpu.dma_semaphore, #tpu.memory_space<semaphore_mem>>) src(%dma_wait3A_166 : memref<40x128xi32, #tpu.memory_space<hbm>>) dst(%arg15 : memref<40x128xi32, #tpu.memory_space<vmem>>)
        tpu.yield
      }) : () -> ()
      %scan3A_153 = arith.constant 0 : i32
      %scan3A_154 = arith.constant 0 : i32
      %scan3A_155 = arith.constant 20 : i32
      %scan3A_156 = arith.addi %scan3A_154, %scan3A_155 : i32
      %scan3A_157 = arith.constant 1 : i32
      scf.for %scan3A_159 = %scan3A_154 to %scan3A_156 step %scan3A_157  : i32 {
        %mul3A_160 = arith.constant 2 : i32
        %mul3A_161 = arith.muli %mul3A_160, %scan3A_159 : i32
        %dma_start3A_162 = arith.constant 0 : i32
        %dma_start3A_163 = tpu.memref_slice %arg14[%mul3A_161, %dma_start3A_162] : memref<40x128xi32, #tpu.memory_space<vmem>> -> memref<1x128xi32, #tpu.memory_space<vmem>>
        %dma_start3A_164 = tpu.memref_squeeze %dma_start3A_163 : memref<1x128xi32, #tpu.memory_space<vmem>> -> memref<128xi32, #tpu.memory_space<vmem>>
        %dma_start3A_165 = arith.constant 0 : i32
        %dma_start3A_166 = arith.constant 0 : i32
        %dma_start3A_167 = tpu.memref_slice %arg5[%dma_start3A_165, %dma_start3A_166] : memref<10240x128xf32, #tpu.memory_space<hbm>> -> memref<10240x128xf32, #tpu.memory_space<hbm>>
        tpu.enqueue_indirect_dma source(%dma_start3A_167 : memref<10240x128xf32, #tpu.memory_space<hbm>>) target(%arg16 : memref<128x128xf32, #tpu.memory_space<vmem>>) offsets(%dma_start3A_164 : memref<128xi32, #tpu.memory_space<vmem>>) semaphore(%arg18 : memref<!tpu.dma_semaphore, #tpu.memory_space<semaphore_mem>>)
        %add3A_168 = arith.constant 1 : i32
        %add3A_169 = arith.addi %mul3A_161, %add3A_168 : i32
        %dma_start3A_170 = arith.constant 0 : i32
        %dma_start3A_171 = tpu.memref_slice %arg14[%add3A_169, %dma_start3A_170] : memref<40x128xi32, #tpu.memory_space<vmem>> -> memref<1x128xi32, #tpu.memory_space<vmem>>
        %dma_start3A_172 = tpu.memref_squeeze %dma_start3A_171 : memref<1x128xi32, #tpu.memory_space<vmem>> -> memref<128xi32, #tpu.memory_space<vmem>>
        %dma_start3A_173 = arith.constant 0 : i32
        %dma_start3A_174 = arith.constant 0 : i32
        %dma_start3A_175 = tpu.memref_slice %arg5[%dma_start3A_173, %dma_start3A_174] : memref<10240x128xf32, #tpu.memory_space<hbm>> -> memref<10240x128xf32, #tpu.memory_space<hbm>>
        tpu.enqueue_indirect_dma source(%dma_start3A_175 : memref<10240x128xf32, #tpu.memory_space<hbm>>) target(%arg17 : memref<128x128xf32, #tpu.memory_space<vmem>>) offsets(%dma_start3A_172 : memref<128xi32, #tpu.memory_space<vmem>>) semaphore(%arg19 : memref<!tpu.dma_semaphore, #tpu.memory_space<semaphore_mem>>)
        %dma_wait3A_176 = arith.constant 0 : i32
        %dma_wait3A_177 = tpu.memref_slice %arg14[%mul3A_161, %dma_wait3A_176] : memref<40x128xi32, #tpu.memory_space<vmem>> -> memref<1x128xi32, #tpu.memory_space<vmem>>
        %dma_wait3A_178 = tpu.memref_squeeze %dma_wait3A_177 : memref<1x128xi32, #tpu.memory_space<vmem>> -> memref<128xi32, #tpu.memory_space<vmem>>
        %dma_wait3A_179 = arith.constant 0 : i32
        %dma_wait3A_180 = arith.constant 0 : i32
        %dma_wait3A_181 = tpu.memref_slice %arg5[%dma_wait3A_179, %dma_wait3A_180] : memref<10240x128xf32, #tpu.memory_space<hbm>> -> memref<10240x128xf32, #tpu.memory_space<hbm>>
        tpu.wait_indirect_dma semaphore(%arg18 : memref<!tpu.dma_semaphore, #tpu.memory_space<semaphore_mem>>) src(%dma_wait3A_181 : memref<10240x128xf32, #tpu.memory_space<hbm>>) dst(%arg16 : memref<128x128xf32, #tpu.memory_space<vmem>>)
        %dma_start3A_182 = arith.constant 0 : i32
        %dma_start3A_183 = tpu.memref_slice %arg15[%mul3A_161, %dma_start3A_182] : memref<40x128xi32, #tpu.memory_space<vmem>> -> memref<1x128xi32, #tpu.memory_space<vmem>>
        %dma_start3A_184 = tpu.memref_squeeze %dma_start3A_183 : memref<1x128xi32, #tpu.memory_space<vmem>> -> memref<128xi32, #tpu.memory_space<vmem>>
        %dma_start3A_185 = arith.constant 0 : i32
        %dma_start3A_186 = arith.constant 0 : i32
        %dma_start3A_187 = tpu.memref_slice %arg13[%dma_start3A_185, %dma_start3A_186] : memref<10240x128xf32, #tpu.memory_space<vmem_shared>> -> memref<10240x128xf32, #tpu.memory_space<vmem_shared>>
        tpu.enqueue_indirect_dma source(%arg16 : memref<128x128xf32, #tpu.memory_space<vmem>>) target(%dma_start3A_187 : memref<10240x128xf32, #tpu.memory_space<vmem_shared>>) offsets(%dma_start3A_184 : memref<128xi32, #tpu.memory_space<vmem>>) semaphore(%arg20 : memref<!tpu.dma_semaphore, #tpu.memory_space<semaphore_mem>>) {add = true}
        %dma_wait3A_188 = arith.constant 0 : i32
        %dma_wait3A_189 = tpu.memref_slice %arg14[%add3A_169, %dma_wait3A_188] : memref<40x128xi32, #tpu.memory_space<vmem>> -> memref<1x128xi32, #tpu.memory_space<vmem>>
        %dma_wait3A_190 = tpu.memref_squeeze %dma_wait3A_189 : memref<1x128xi32, #tpu.memory_space<vmem>> -> memref<128xi32, #tpu.memory_space<vmem>>
        %dma_wait3A_191 = arith.constant 0 : i32
        %dma_wait3A_192 = arith.constant 0 : i32
        %dma_wait3A_193 = tpu.memref_slice %arg5[%dma_wait3A_191, %dma_wait3A_192] : memref<10240x128xf32, #tpu.memory_space<hbm>> -> memref<10240x128xf32, #tpu.memory_space<hbm>>
        tpu.wait_indirect_dma semaphore(%arg19 : memref<!tpu.dma_semaphore, #tpu.memory_space<semaphore_mem>>) src(%dma_wait3A_193 : memref<10240x128xf32, #tpu.memory_space<hbm>>) dst(%arg17 : memref<128x128xf32, #tpu.memory_space<vmem>>)
        %add3A_194 = arith.constant 1 : i32
        %add3A_195 = arith.addi %mul3A_161, %add3A_194 : i32
        %dma_start3A_196 = arith.constant 0 : i32
        %dma_start3A_197 = tpu.memref_slice %arg15[%add3A_195, %dma_start3A_196] : memref<40x128xi32, #tpu.memory_space<vmem>> -> memref<1x128xi32, #tpu.memory_space<vmem>>
        %dma_start3A_198 = tpu.memref_squeeze %dma_start3A_197 : memref<1x128xi32, #tpu.memory_space<vmem>> -> memref<128xi32, #tpu.memory_space<vmem>>
        %dma_start3A_199 = arith.constant 0 : i32
        %dma_start3A_200 = arith.constant 0 : i32
        %dma_start3A_201 = tpu.memref_slice %arg13[%dma_start3A_199, %dma_start3A_200] : memref<10240x128xf32, #tpu.memory_space<vmem_shared>> -> memref<10240x128xf32, #tpu.memory_space<vmem_shared>>
        tpu.enqueue_indirect_dma source(%arg17 : memref<128x128xf32, #tpu.memory_space<vmem>>) target(%dma_start3A_201 : memref<10240x128xf32, #tpu.memory_space<vmem_shared>>) offsets(%dma_start3A_198 : memref<128xi32, #tpu.memory_space<vmem>>) semaphore(%arg21 : memref<!tpu.dma_semaphore, #tpu.memory_space<semaphore_mem>>) {add = true}
        %dma_wait3A_202 = arith.constant 0 : i32
        %dma_wait3A_203 = arith.constant 0 : i32
        %dma_wait3A_204 = tpu.memref_slice %arg15[%dma_wait3A_202, %dma_wait3A_203] : memref<40x128xi32, #tpu.memory_space<vmem>> -> memref<1x128xi32, #tpu.memory_space<vmem>>
        %dma_wait3A_205 = tpu.memref_squeeze %dma_wait3A_204 : memref<1x128xi32, #tpu.memory_space<vmem>> -> memref<128xi32, #tpu.memory_space<vmem>>
        %dma_wait3A_206 = arith.constant 0 : i32
        %dma_wait3A_207 = arith.constant 0 : i32
        %dma_wait3A_208 = tpu.memref_slice %arg13[%dma_wait3A_206, %dma_wait3A_207] : memref<10240x128xf32, #tpu.memory_space<vmem_shared>> -> memref<10240x128xf32, #tpu.memory_space<vmem_shared>>
        tpu.wait_indirect_dma semaphore(%arg20 : memref<!tpu.dma_semaphore, #tpu.memory_space<semaphore_mem>>) src(%arg16 : memref<128x128xf32, #tpu.memory_space<vmem>>) dst(%dma_wait3A_208 : memref<10240x128xf32, #tpu.memory_space<vmem_shared>>)
        %dma_wait3A_209 = arith.constant 0 : i32
        %dma_wait3A_210 = arith.constant 0 : i32
        %dma_wait3A_211 = tpu.memref_slice %arg15[%dma_wait3A_209, %dma_wait3A_210] : memref<40x128xi32, #tpu.memory_space<vmem>> -> memref<1x128xi32, #tpu.memory_space<vmem>>
        %dma_wait3A_212 = tpu.memref_squeeze %dma_wait3A_211 : memref<1x128xi32, #tpu.memory_space<vmem>> -> memref<128xi32, #tpu.memory_space<vmem>>
        %dma_wait3A_213 = arith.constant 0 : i32
        %dma_wait3A_214 = arith.constant 0 : i32
        %dma_wait3A_215 = tpu.memref_slice %arg13[%dma_wait3A_213, %dma_wait3A_214] : memref<10240x128xf32, #tpu.memory_space<vmem_shared>> -> memref<10240x128xf32, #tpu.memory_space<vmem_shared>>
        tpu.wait_indirect_dma semaphore(%arg21 : memref<!tpu.dma_semaphore, #tpu.memory_space<semaphore_mem>>) src(%arg17 : memref<128x128xf32, #tpu.memory_space<vmem>>) dst(%dma_wait3A_215 : memref<10240x128xf32, #tpu.memory_space<vmem_shared>>)
      }
      %scan3A_158 = arith.constant 20 : i32
    } else {
    }
    %barrier3A_128 = arith.constant 0 : index
    tpu.barrier barrier_id(%barrier3A_128)
    %eq3A_129 = arith.constant 0 : i32
    %eq3A_130 = arith.cmpi eq, %arg0, %eq3A_129 : i32
    %convert_element_type3A_131 = arith.extui %eq3A_130 : i1 to i32
    %cond3A_132 = arith.constant 0 : i32
    %cond3A_133 = arith.cmpi ne, %convert_element_type3A_131, %cond3A_132 : i32
    scf.if %cond3A_133 {
      %add3A_140 = arith.constant 0 : i32
      %add3A_141 = arith.addi %mul3A_0, %add3A_140 : i32
      "tpu.region"() ({
        %run_scoped3A = tpu.sem_alloc : memref<!tpu.dma_semaphore, #tpu.memory_space<semaphore_mem>>
        %dma_start3A_200 = arith.constant 0 : i32
        %dma_start3A_201 = tpu.memref_slice %arg13[%add3A_141, %dma_start3A_200] : memref<10240x128xf32, #tpu.memory_space<vmem_shared>> -> memref<128x128xf32, #tpu.memory_space<vmem_shared>>
        %dma_start3A_202 = arith.constant 0 : i32
        %dma_start3A_203 = tpu.memref_slice %arg13[%add3A_141, %dma_start3A_202] : memref<10240x128xf32, #tpu.memory_space<vmem_shared>> -> memref<128x128xf32, #tpu.memory_space<vmem_shared>>
        tpu.enqueue_dma source(%dma_start3A_203 : memref<128x128xf32, #tpu.memory_space<vmem_shared>>) target(%arg16 : memref<128x128xf32, #tpu.memory_space<vmem>>) target_semaphore(%run_scoped3A : memref<!tpu.dma_semaphore, #tpu.memory_space<semaphore_mem>>)
        %dma_wait3A_204 = arith.constant 0 : i32
        %dma_wait3A_205 = tpu.memref_slice %arg13[%add3A_141, %dma_wait3A_204] : memref<10240x128xf32, #tpu.memory_space<vmem_shared>> -> memref<128x128xf32, #tpu.memory_space<vmem_shared>>
        %dma_wait3A_206 = arith.constant 0 : i32
        %dma_wait3A_207 = tpu.memref_slice %arg13[%add3A_141, %dma_wait3A_206] : memref<10240x128xf32, #tpu.memory_space<vmem_shared>> -> memref<128x128xf32, #tpu.memory_space<vmem_shared>>
        tpu.wait_dma2 semaphore(%run_scoped3A : memref<!tpu.dma_semaphore, #tpu.memory_space<semaphore_mem>>) src(%dma_wait3A_207 : memref<128x128xf32, #tpu.memory_space<vmem_shared>>) dst(%arg16 : memref<128x128xf32, #tpu.memory_space<vmem>>)
        tpu.yield
      }) : () -> ()
      %add3A_142 = arith.constant 0 : i32
      %add3A_143 = arith.addi %mul3A_0, %add3A_142 : i32
      %dma_start3A_144 = arith.constant 0 : i32
      %dma_start3A_145 = tpu.memref_slice %arg10[%add3A_143, %dma_start3A_144] : memref<10240x128xf32, #tpu.memory_space<hbm>> -> memref<128x128xf32, #tpu.memory_space<hbm>>
      %dma_start3A_146 = arith.constant 0 : i32
      %dma_start3A_147 = tpu.memref_slice %arg10[%add3A_143, %dma_start3A_146] : memref<10240x128xf32, #tpu.memory_space<hbm>> -> memref<128x128xf32, #tpu.memory_space<hbm>>
      tpu.enqueue_dma source(%arg16 : memref<128x128xf32, #tpu.memory_space<vmem>>) target(%dma_start3A_147 : memref<128x128xf32, #tpu.memory_space<hbm>>) target_semaphore(%arg18 : memref<!tpu.dma_semaphore, #tpu.memory_space<semaphore_mem>>)
      %add3A_148 = arith.constant 128 : i32
      %add3A_149 = arith.addi %mul3A_0, %add3A_148 : i32
      "tpu.region"() ({
        %run_scoped3A = tpu.sem_alloc : memref<!tpu.dma_semaphore, #tpu.memory_space<semaphore_mem>>
        %dma_start3A_200 = arith.constant 0 : i32
        %dma_start3A_201 = tpu.memref_slice %arg13[%add3A_149, %dma_start3A_200] : memref<10240x128xf32, #tpu.memory_space<vmem_shared>> -> memref<128x128xf32, #tpu.memory_space<vmem_shared>>
        %dma_start3A_202 = arith.constant 0 : i32
        %dma_start3A_203 = tpu.memref_slice %arg13[%add3A_149, %dma_start3A_202] : memref<10240x128xf32, #tpu.memory_space<vmem_shared>> -> memref<128x128xf32, #tpu.memory_space<vmem_shared>>
        tpu.enqueue_dma source(%dma_start3A_203 : memref<128x128xf32, #tpu.memory_space<vmem_shared>>) target(%arg17 : memref<128x128xf32, #tpu.memory_space<vmem>>) target_semaphore(%run_scoped3A : memref<!tpu.dma_semaphore, #tpu.memory_space<semaphore_mem>>)
        %dma_wait3A_204 = arith.constant 0 : i32
        %dma_wait3A_205 = tpu.memref_slice %arg13[%add3A_149, %dma_wait3A_204] : memref<10240x128xf32, #tpu.memory_space<vmem_shared>> -> memref<128x128xf32, #tpu.memory_space<vmem_shared>>
        %dma_wait3A_206 = arith.constant 0 : i32
        %dma_wait3A_207 = tpu.memref_slice %arg13[%add3A_149, %dma_wait3A_206] : memref<10240x128xf32, #tpu.memory_space<vmem_shared>> -> memref<128x128xf32, #tpu.memory_space<vmem_shared>>
        tpu.wait_dma2 semaphore(%run_scoped3A : memref<!tpu.dma_semaphore, #tpu.memory_space<semaphore_mem>>) src(%dma_wait3A_207 : memref<128x128xf32, #tpu.memory_space<vmem_shared>>) dst(%arg17 : memref<128x128xf32, #tpu.memory_space<vmem>>)
        tpu.yield
      }) : () -> ()
      %add3A_150 = arith.constant 128 : i32
      %add3A_151 = arith.addi %mul3A_0, %add3A_150 : i32
      %dma_start3A_152 = arith.constant 0 : i32
      %dma_start3A_153 = tpu.memref_slice %arg10[%add3A_151, %dma_start3A_152] : memref<10240x128xf32, #tpu.memory_space<hbm>> -> memref<128x128xf32, #tpu.memory_space<hbm>>
      %dma_start3A_154 = arith.constant 0 : i32
      %dma_start3A_155 = tpu.memref_slice %arg10[%add3A_151, %dma_start3A_154] : memref<10240x128xf32, #tpu.memory_space<hbm>> -> memref<128x128xf32, #tpu.memory_space<hbm>>
      tpu.enqueue_dma source(%arg17 : memref<128x128xf32, #tpu.memory_space<vmem>>) target(%dma_start3A_155 : memref<128x128xf32, #tpu.memory_space<hbm>>) target_semaphore(%arg19 : memref<!tpu.dma_semaphore, #tpu.memory_space<semaphore_mem>>)
      %dma_wait3A_156 = arith.constant 0 : i32
      %dma_wait3A_157 = tpu.memref_slice %arg10[%add3A_143, %dma_wait3A_156] : memref<10240x128xf32, #tpu.memory_space<hbm>> -> memref<128x128xf32, #tpu.memory_space<hbm>>
      %dma_wait3A_158 = arith.constant 0 : i32
      %dma_wait3A_159 = tpu.memref_slice %arg10[%add3A_143, %dma_wait3A_158] : memref<10240x128xf32, #tpu.memory_space<hbm>> -> memref<128x128xf32, #tpu.memory_space<hbm>>
      tpu.wait_dma2 semaphore(%arg18 : memref<!tpu.dma_semaphore, #tpu.memory_space<semaphore_mem>>) src(%arg16 : memref<128x128xf32, #tpu.memory_space<vmem>>) dst(%dma_wait3A_159 : memref<128x128xf32, #tpu.memory_space<hbm>>)
      %add3A_160 = arith.constant 256 : i32
      %add3A_161 = arith.addi %mul3A_0, %add3A_160 : i32
      "tpu.region"() ({
        %run_scoped3A = tpu.sem_alloc : memref<!tpu.dma_semaphore, #tpu.memory_space<semaphore_mem>>
        %dma_start3A_200 = arith.constant 0 : i32
        %dma_start3A_201 = tpu.memref_slice %arg13[%add3A_161, %dma_start3A_200] : memref<10240x128xf32, #tpu.memory_space<vmem_shared>> -> memref<128x128xf32, #tpu.memory_space<vmem_shared>>
        %dma_start3A_202 = arith.constant 0 : i32
        %dma_start3A_203 = tpu.memref_slice %arg13[%add3A_161, %dma_start3A_202] : memref<10240x128xf32, #tpu.memory_space<vmem_shared>> -> memref<128x128xf32, #tpu.memory_space<vmem_shared>>
        tpu.enqueue_dma source(%dma_start3A_203 : memref<128x128xf32, #tpu.memory_space<vmem_shared>>) target(%arg16 : memref<128x128xf32, #tpu.memory_space<vmem>>) target_semaphore(%run_scoped3A : memref<!tpu.dma_semaphore, #tpu.memory_space<semaphore_mem>>)
        %dma_wait3A_204 = arith.constant 0 : i32
        %dma_wait3A_205 = tpu.memref_slice %arg13[%add3A_161, %dma_wait3A_204] : memref<10240x128xf32, #tpu.memory_space<vmem_shared>> -> memref<128x128xf32, #tpu.memory_space<vmem_shared>>
        %dma_wait3A_206 = arith.constant 0 : i32
        %dma_wait3A_207 = tpu.memref_slice %arg13[%add3A_161, %dma_wait3A_206] : memref<10240x128xf32, #tpu.memory_space<vmem_shared>> -> memref<128x128xf32, #tpu.memory_space<vmem_shared>>
        tpu.wait_dma2 semaphore(%run_scoped3A : memref<!tpu.dma_semaphore, #tpu.memory_space<semaphore_mem>>) src(%dma_wait3A_207 : memref<128x128xf32, #tpu.memory_space<vmem_shared>>) dst(%arg16 : memref<128x128xf32, #tpu.memory_space<vmem>>)
        tpu.yield
      }) : () -> ()
      %add3A_162 = arith.constant 256 : i32
      %add3A_163 = arith.addi %mul3A_0, %add3A_162 : i32
      %dma_start3A_164 = arith.constant 0 : i32
      %dma_start3A_165 = tpu.memref_slice %arg10[%add3A_163, %dma_start3A_164] : memref<10240x128xf32, #tpu.memory_space<hbm>> -> memref<128x128xf32, #tpu.memory_space<hbm>>
      %dma_start3A_166 = arith.constant 0 : i32
      %dma_start3A_167 = tpu.memref_slice %arg10[%add3A_163, %dma_start3A_166] : memref<10240x128xf32, #tpu.memory_space<hbm>> -> memref<128x128xf32, #tpu.memory_space<hbm>>
      tpu.enqueue_dma source(%arg16 : memref<128x128xf32, #tpu.memory_space<vmem>>) target(%dma_start3A_167 : memref<128x128xf32, #tpu.memory_space<hbm>>) target_semaphore(%arg18 : memref<!tpu.dma_semaphore, #tpu.memory_space<semaphore_mem>>)
      %dma_wait3A_168 = arith.constant 0 : i32
      %dma_wait3A_169 = tpu.memref_slice %arg10[%add3A_151, %dma_wait3A_168] : memref<10240x128xf32, #tpu.memory_space<hbm>> -> memref<128x128xf32, #tpu.memory_space<hbm>>
      %dma_wait3A_170 = arith.constant 0 : i32
      %dma_wait3A_171 = tpu.memref_slice %arg10[%add3A_151, %dma_wait3A_170] : memref<10240x128xf32, #tpu.memory_space<hbm>> -> memref<128x128xf32, #tpu.memory_space<hbm>>
      tpu.wait_dma2 semaphore(%arg19 : memref<!tpu.dma_semaphore, #tpu.memory_space<semaphore_mem>>) src(%arg17 : memref<128x128xf32, #tpu.memory_space<vmem>>) dst(%dma_wait3A_171 : memref<128x128xf32, #tpu.memory_space<hbm>>)
      %add3A_172 = arith.constant 384 : i32
      %add3A_173 = arith.addi %mul3A_0, %add3A_172 : i32
      "tpu.region"() ({
        %run_scoped3A = tpu.sem_alloc : memref<!tpu.dma_semaphore, #tpu.memory_space<semaphore_mem>>
        %dma_start3A_200 = arith.constant 0 : i32
        %dma_start3A_201 = tpu.memref_slice %arg13[%add3A_173, %dma_start3A_200] : memref<10240x128xf32, #tpu.memory_space<vmem_shared>> -> memref<128x128xf32, #tpu.memory_space<vmem_shared>>
        %dma_start3A_202 = arith.constant 0 : i32
        %dma_start3A_203 = tpu.memref_slice %arg13[%add3A_173, %dma_start3A_202] : memref<10240x128xf32, #tpu.memory_space<vmem_shared>> -> memref<128x128xf32, #tpu.memory_space<vmem_shared>>
        tpu.enqueue_dma source(%dma_start3A_203 : memref<128x128xf32, #tpu.memory_space<vmem_shared>>) target(%arg17 : memref<128x128xf32, #tpu.memory_space<vmem>>) target_semaphore(%run_scoped3A : memref<!tpu.dma_semaphore, #tpu.memory_space<semaphore_mem>>)
        %dma_wait3A_204 = arith.constant 0 : i32
        %dma_wait3A_205 = tpu.memref_slice %arg13[%add3A_173, %dma_wait3A_204] : memref<10240x128xf32, #tpu.memory_space<vmem_shared>> -> memref<128x128xf32, #tpu.memory_space<vmem_shared>>
        %dma_wait3A_206 = arith.constant 0 : i32
        %dma_wait3A_207 = tpu.memref_slice %arg13[%add3A_173, %dma_wait3A_206] : memref<10240x128xf32, #tpu.memory_space<vmem_shared>> -> memref<128x128xf32, #tpu.memory_space<vmem_shared>>
        tpu.wait_dma2 semaphore(%run_scoped3A : memref<!tpu.dma_semaphore, #tpu.memory_space<semaphore_mem>>) src(%dma_wait3A_207 : memref<128x128xf32, #tpu.memory_space<vmem_shared>>) dst(%arg17 : memref<128x128xf32, #tpu.memory_space<vmem>>)
        tpu.yield
      }) : () -> ()
      %add3A_174 = arith.constant 384 : i32
      %add3A_175 = arith.addi %mul3A_0, %add3A_174 : i32
      %dma_start3A_176 = arith.constant 0 : i32
      %dma_start3A_177 = tpu.memref_slice %arg10[%add3A_175, %dma_start3A_176] : memref<10240x128xf32, #tpu.memory_space<hbm>> -> memref<128x128xf32, #tpu.memory_space<hbm>>
      %dma_start3A_178 = arith.constant 0 : i32
      %dma_start3A_179 = tpu.memref_slice %arg10[%add3A_175, %dma_start3A_178] : memref<10240x128xf32, #tpu.memory_space<hbm>> -> memref<128x128xf32, #tpu.memory_space<hbm>>
      tpu.enqueue_dma source(%arg17 : memref<128x128xf32, #tpu.memory_space<vmem>>) target(%dma_start3A_179 : memref<128x128xf32, #tpu.memory_space<hbm>>) target_semaphore(%arg19 : memref<!tpu.dma_semaphore, #tpu.memory_space<semaphore_mem>>)
      %dma_wait3A_180 = arith.constant 0 : i32
      %dma_wait3A_181 = tpu.memref_slice %arg10[%add3A_163, %dma_wait3A_180] : memref<10240x128xf32, #tpu.memory_space<hbm>> -> memref<128x128xf32, #tpu.memory_space<hbm>>
      %dma_wait3A_182 = arith.constant 0 : i32
      %dma_wait3A_183 = tpu.memref_slice %arg10[%add3A_163, %dma_wait3A_182] : memref<10240x128xf32, #tpu.memory_space<hbm>> -> memref<128x128xf32, #tpu.memory_space<hbm>>
      tpu.wait_dma2 semaphore(%arg18 : memref<!tpu.dma_semaphore, #tpu.memory_space<semaphore_mem>>) src(%arg16 : memref<128x128xf32, #tpu.memory_space<vmem>>) dst(%dma_wait3A_183 : memref<128x128xf32, #tpu.memory_space<hbm>>)
      %add3A_184 = arith.constant 512 : i32
      %add3A_185 = arith.addi %mul3A_0, %add3A_184 : i32
      "tpu.region"() ({
        %run_scoped3A = tpu.sem_alloc : memref<!tpu.dma_semaphore, #tpu.memory_space<semaphore_mem>>
        %dma_start3A_200 = arith.constant 0 : i32
        %dma_start3A_201 = tpu.memref_slice %arg13[%add3A_185, %dma_start3A_200] : memref<10240x128xf32, #tpu.memory_space<vmem_shared>> -> memref<128x128xf32, #tpu.memory_space<vmem_shared>>
        %dma_start3A_202 = arith.constant 0 : i32
        %dma_start3A_203 = tpu.memref_slice %arg13[%add3A_185, %dma_start3A_202] : memref<10240x128xf32, #tpu.memory_space<vmem_shared>> -> memref<128x128xf32, #tpu.memory_space<vmem_shared>>
        tpu.enqueue_dma source(%dma_start3A_203 : memref<128x128xf32, #tpu.memory_space<vmem_shared>>) target(%arg16 : memref<128x128xf32, #tpu.memory_space<vmem>>) target_semaphore(%run_scoped3A : memref<!tpu.dma_semaphore, #tpu.memory_space<semaphore_mem>>)
        %dma_wait3A_204 = arith.constant 0 : i32
        %dma_wait3A_205 = tpu.memref_slice %arg13[%add3A_185, %dma_wait3A_204] : memref<10240x128xf32, #tpu.memory_space<vmem_shared>> -> memref<128x128xf32, #tpu.memory_space<vmem_shared>>
        %dma_wait3A_206 = arith.constant 0 : i32
        %dma_wait3A_207 = tpu.memref_slice %arg13[%add3A_185, %dma_wait3A_206] : memref<10240x128xf32, #tpu.memory_space<vmem_shared>> -> memref<128x128xf32, #tpu.memory_space<vmem_shared>>
        tpu.wait_dma2 semaphore(%run_scoped3A : memref<!tpu.dma_semaphore, #tpu.memory_space<semaphore_mem>>) src(%dma_wait3A_207 : memref<128x128xf32, #tpu.memory_space<vmem_shared>>) dst(%arg16 : memref<128x128xf32, #tpu.memory_space<vmem>>)
        tpu.yield
      }) : () -> ()
      %add3A_186 = arith.constant 512 : i32
      %add3A_187 = arith.addi %mul3A_0, %add3A_186 : i32
      %dma_start3A_188 = arith.constant 0 : i32
      %dma_start3A_189 = tpu.memref_slice %arg10[%add3A_187, %dma_start3A_188] : memref<10240x128xf32, #tpu.memory_space<hbm>> -> memref<128x128xf32, #tpu.memory_space<hbm>>
      %dma_start3A_190 = arith.constant 0 : i32
      %dma_start3A_191 = tpu.memref_slice %arg10[%add3A_187, %dma_start3A_190] : memref<10240x128xf32, #tpu.memory_space<hbm>> -> memref<128x128xf32, #tpu.memory_space<hbm>>
      tpu.enqueue_dma source(%arg16 : memref<128x128xf32, #tpu.memory_space<vmem>>) target(%dma_start3A_191 : memref<128x128xf32, #tpu.memory_space<hbm>>) target_semaphore(%arg18 : memref<!tpu.dma_semaphore, #tpu.memory_space<semaphore_mem>>)
      %dma_wait3A_192 = arith.constant 0 : i32
      %dma_wait3A_193 = tpu.memref_slice %arg10[%add3A_187, %dma_wait3A_192] : memref<10240x128xf32, #tpu.memory_space<hbm>> -> memref<128x128xf32, #tpu.memory_space<hbm>>
      %dma_wait3A_194 = arith.constant 0 : i32
      %dma_wait3A_195 = tpu.memref_slice %arg10[%add3A_187, %dma_wait3A_194] : memref<10240x128xf32, #tpu.memory_space<hbm>> -> memref<128x128xf32, #tpu.memory_space<hbm>>
      tpu.wait_dma2 semaphore(%arg18 : memref<!tpu.dma_semaphore, #tpu.memory_space<semaphore_mem>>) src(%arg16 : memref<128x128xf32, #tpu.memory_space<vmem>>) dst(%dma_wait3A_195 : memref<128x128xf32, #tpu.memory_space<hbm>>)
      %dma_wait3A_196 = arith.constant 0 : i32
      %dma_wait3A_197 = tpu.memref_slice %arg10[%add3A_175, %dma_wait3A_196] : memref<10240x128xf32, #tpu.memory_space<hbm>> -> memref<128x128xf32, #tpu.memory_space<hbm>>
      %dma_wait3A_198 = arith.constant 0 : i32
      %dma_wait3A_199 = tpu.memref_slice %arg10[%add3A_175, %dma_wait3A_198] : memref<10240x128xf32, #tpu.memory_space<hbm>> -> memref<128x128xf32, #tpu.memory_space<hbm>>
      tpu.wait_dma2 semaphore(%arg19 : memref<!tpu.dma_semaphore, #tpu.memory_space<semaphore_mem>>) src(%arg17 : memref<128x128xf32, #tpu.memory_space<vmem>>) dst(%dma_wait3A_199 : memref<128x128xf32, #tpu.memory_space<hbm>>)
    } else {
    }
    %eq3A_134 = arith.constant 1 : i32
    %eq3A_135 = arith.cmpi eq, %arg0, %eq3A_134 : i32
    %convert_element_type3A_136 = arith.extui %eq3A_135 : i1 to i32
    %cond3A_137 = arith.constant 0 : i32
    %cond3A_138 = arith.cmpi ne, %convert_element_type3A_136, %cond3A_137 : i32
    scf.if %cond3A_138 {
      %add3A_140 = arith.constant 0 : i32
      %add3A_141 = arith.addi %mul3A_0, %add3A_140 : i32
      "tpu.region"() ({
        %run_scoped3A = tpu.sem_alloc : memref<!tpu.dma_semaphore, #tpu.memory_space<semaphore_mem>>
        %dma_start3A_200 = arith.constant 0 : i32
        %dma_start3A_201 = tpu.memref_slice %arg13[%add3A_141, %dma_start3A_200] : memref<10240x128xf32, #tpu.memory_space<vmem_shared>> -> memref<128x128xf32, #tpu.memory_space<vmem_shared>>
        %dma_start3A_202 = arith.constant 0 : i32
        %dma_start3A_203 = tpu.memref_slice %arg13[%add3A_141, %dma_start3A_202] : memref<10240x128xf32, #tpu.memory_space<vmem_shared>> -> memref<128x128xf32, #tpu.memory_space<vmem_shared>>
        tpu.enqueue_dma source(%dma_start3A_203 : memref<128x128xf32, #tpu.memory_space<vmem_shared>>) target(%arg16 : memref<128x128xf32, #tpu.memory_space<vmem>>) target_semaphore(%run_scoped3A : memref<!tpu.dma_semaphore, #tpu.memory_space<semaphore_mem>>)
        %dma_wait3A_204 = arith.constant 0 : i32
        %dma_wait3A_205 = tpu.memref_slice %arg13[%add3A_141, %dma_wait3A_204] : memref<10240x128xf32, #tpu.memory_space<vmem_shared>> -> memref<128x128xf32, #tpu.memory_space<vmem_shared>>
        %dma_wait3A_206 = arith.constant 0 : i32
        %dma_wait3A_207 = tpu.memref_slice %arg13[%add3A_141, %dma_wait3A_206] : memref<10240x128xf32, #tpu.memory_space<vmem_shared>> -> memref<128x128xf32, #tpu.memory_space<vmem_shared>>
        tpu.wait_dma2 semaphore(%run_scoped3A : memref<!tpu.dma_semaphore, #tpu.memory_space<semaphore_mem>>) src(%dma_wait3A_207 : memref<128x128xf32, #tpu.memory_space<vmem_shared>>) dst(%arg16 : memref<128x128xf32, #tpu.memory_space<vmem>>)
        tpu.yield
      }) : () -> ()
      %add3A_142 = arith.constant 0 : i32
      %add3A_143 = arith.addi %mul3A_0, %add3A_142 : i32
      %dma_start3A_144 = arith.constant 0 : i32
      %dma_start3A_145 = tpu.memref_slice %arg12[%add3A_143, %dma_start3A_144] : memref<10240x128xf32, #tpu.memory_space<hbm>> -> memref<128x128xf32, #tpu.memory_space<hbm>>
      %dma_start3A_146 = arith.constant 0 : i32
      %dma_start3A_147 = tpu.memref_slice %arg12[%add3A_143, %dma_start3A_146] : memref<10240x128xf32, #tpu.memory_space<hbm>> -> memref<128x128xf32, #tpu.memory_space<hbm>>
      tpu.enqueue_dma source(%arg16 : memref<128x128xf32, #tpu.memory_space<vmem>>) target(%dma_start3A_147 : memref<128x128xf32, #tpu.memory_space<hbm>>) target_semaphore(%arg18 : memref<!tpu.dma_semaphore, #tpu.memory_space<semaphore_mem>>)
      %add3A_148 = arith.constant 128 : i32
      %add3A_149 = arith.addi %mul3A_0, %add3A_148 : i32
      "tpu.region"() ({
        %run_scoped3A = tpu.sem_alloc : memref<!tpu.dma_semaphore, #tpu.memory_space<semaphore_mem>>
        %dma_start3A_200 = arith.constant 0 : i32
        %dma_start3A_201 = tpu.memref_slice %arg13[%add3A_149, %dma_start3A_200] : memref<10240x128xf32, #tpu.memory_space<vmem_shared>> -> memref<128x128xf32, #tpu.memory_space<vmem_shared>>
        %dma_start3A_202 = arith.constant 0 : i32
        %dma_start3A_203 = tpu.memref_slice %arg13[%add3A_149, %dma_start3A_202] : memref<10240x128xf32, #tpu.memory_space<vmem_shared>> -> memref<128x128xf32, #tpu.memory_space<vmem_shared>>
        tpu.enqueue_dma source(%dma_start3A_203 : memref<128x128xf32, #tpu.memory_space<vmem_shared>>) target(%arg17 : memref<128x128xf32, #tpu.memory_space<vmem>>) target_semaphore(%run_scoped3A : memref<!tpu.dma_semaphore, #tpu.memory_space<semaphore_mem>>)
        %dma_wait3A_204 = arith.constant 0 : i32
        %dma_wait3A_205 = tpu.memref_slice %arg13[%add3A_149, %dma_wait3A_204] : memref<10240x128xf32, #tpu.memory_space<vmem_shared>> -> memref<128x128xf32, #tpu.memory_space<vmem_shared>>
        %dma_wait3A_206 = arith.constant 0 : i32
        %dma_wait3A_207 = tpu.memref_slice %arg13[%add3A_149, %dma_wait3A_206] : memref<10240x128xf32, #tpu.memory_space<vmem_shared>> -> memref<128x128xf32, #tpu.memory_space<vmem_shared>>
        tpu.wait_dma2 semaphore(%run_scoped3A : memref<!tpu.dma_semaphore, #tpu.memory_space<semaphore_mem>>) src(%dma_wait3A_207 : memref<128x128xf32, #tpu.memory_space<vmem_shared>>) dst(%arg17 : memref<128x128xf32, #tpu.memory_space<vmem>>)
        tpu.yield
      }) : () -> ()
      %add3A_150 = arith.constant 128 : i32
      %add3A_151 = arith.addi %mul3A_0, %add3A_150 : i32
      %dma_start3A_152 = arith.constant 0 : i32
      %dma_start3A_153 = tpu.memref_slice %arg12[%add3A_151, %dma_start3A_152] : memref<10240x128xf32, #tpu.memory_space<hbm>> -> memref<128x128xf32, #tpu.memory_space<hbm>>
      %dma_start3A_154 = arith.constant 0 : i32
      %dma_start3A_155 = tpu.memref_slice %arg12[%add3A_151, %dma_start3A_154] : memref<10240x128xf32, #tpu.memory_space<hbm>> -> memref<128x128xf32, #tpu.memory_space<hbm>>
      tpu.enqueue_dma source(%arg17 : memref<128x128xf32, #tpu.memory_space<vmem>>) target(%dma_start3A_155 : memref<128x128xf32, #tpu.memory_space<hbm>>) target_semaphore(%arg19 : memref<!tpu.dma_semaphore, #tpu.memory_space<semaphore_mem>>)
      %dma_wait3A_156 = arith.constant 0 : i32
      %dma_wait3A_157 = tpu.memref_slice %arg12[%add3A_143, %dma_wait3A_156] : memref<10240x128xf32, #tpu.memory_space<hbm>> -> memref<128x128xf32, #tpu.memory_space<hbm>>
      %dma_wait3A_158 = arith.constant 0 : i32
      %dma_wait3A_159 = tpu.memref_slice %arg12[%add3A_143, %dma_wait3A_158] : memref<10240x128xf32, #tpu.memory_space<hbm>> -> memref<128x128xf32, #tpu.memory_space<hbm>>
      tpu.wait_dma2 semaphore(%arg18 : memref<!tpu.dma_semaphore, #tpu.memory_space<semaphore_mem>>) src(%arg16 : memref<128x128xf32, #tpu.memory_space<vmem>>) dst(%dma_wait3A_159 : memref<128x128xf32, #tpu.memory_space<hbm>>)
      %add3A_160 = arith.constant 256 : i32
      %add3A_161 = arith.addi %mul3A_0, %add3A_160 : i32
      "tpu.region"() ({
        %run_scoped3A = tpu.sem_alloc : memref<!tpu.dma_semaphore, #tpu.memory_space<semaphore_mem>>
        %dma_start3A_200 = arith.constant 0 : i32
        %dma_start3A_201 = tpu.memref_slice %arg13[%add3A_161, %dma_start3A_200] : memref<10240x128xf32, #tpu.memory_space<vmem_shared>> -> memref<128x128xf32, #tpu.memory_space<vmem_shared>>
        %dma_start3A_202 = arith.constant 0 : i32
        %dma_start3A_203 = tpu.memref_slice %arg13[%add3A_161, %dma_start3A_202] : memref<10240x128xf32, #tpu.memory_space<vmem_shared>> -> memref<128x128xf32, #tpu.memory_space<vmem_shared>>
        tpu.enqueue_dma source(%dma_start3A_203 : memref<128x128xf32, #tpu.memory_space<vmem_shared>>) target(%arg16 : memref<128x128xf32, #tpu.memory_space<vmem>>) target_semaphore(%run_scoped3A : memref<!tpu.dma_semaphore, #tpu.memory_space<semaphore_mem>>)
        %dma_wait3A_204 = arith.constant 0 : i32
        %dma_wait3A_205 = tpu.memref_slice %arg13[%add3A_161, %dma_wait3A_204] : memref<10240x128xf32, #tpu.memory_space<vmem_shared>> -> memref<128x128xf32, #tpu.memory_space<vmem_shared>>
        %dma_wait3A_206 = arith.constant 0 : i32
        %dma_wait3A_207 = tpu.memref_slice %arg13[%add3A_161, %dma_wait3A_206] : memref<10240x128xf32, #tpu.memory_space<vmem_shared>> -> memref<128x128xf32, #tpu.memory_space<vmem_shared>>
        tpu.wait_dma2 semaphore(%run_scoped3A : memref<!tpu.dma_semaphore, #tpu.memory_space<semaphore_mem>>) src(%dma_wait3A_207 : memref<128x128xf32, #tpu.memory_space<vmem_shared>>) dst(%arg16 : memref<128x128xf32, #tpu.memory_space<vmem>>)
        tpu.yield
      }) : () -> ()
      %add3A_162 = arith.constant 256 : i32
      %add3A_163 = arith.addi %mul3A_0, %add3A_162 : i32
      %dma_start3A_164 = arith.constant 0 : i32
      %dma_start3A_165 = tpu.memref_slice %arg12[%add3A_163, %dma_start3A_164] : memref<10240x128xf32, #tpu.memory_space<hbm>> -> memref<128x128xf32, #tpu.memory_space<hbm>>
      %dma_start3A_166 = arith.constant 0 : i32
      %dma_start3A_167 = tpu.memref_slice %arg12[%add3A_163, %dma_start3A_166] : memref<10240x128xf32, #tpu.memory_space<hbm>> -> memref<128x128xf32, #tpu.memory_space<hbm>>
      tpu.enqueue_dma source(%arg16 : memref<128x128xf32, #tpu.memory_space<vmem>>) target(%dma_start3A_167 : memref<128x128xf32, #tpu.memory_space<hbm>>) target_semaphore(%arg18 : memref<!tpu.dma_semaphore, #tpu.memory_space<semaphore_mem>>)
      %dma_wait3A_168 = arith.constant 0 : i32
      %dma_wait3A_169 = tpu.memref_slice %arg12[%add3A_151, %dma_wait3A_168] : memref<10240x128xf32, #tpu.memory_space<hbm>> -> memref<128x128xf32, #tpu.memory_space<hbm>>
      %dma_wait3A_170 = arith.constant 0 : i32
      %dma_wait3A_171 = tpu.memref_slice %arg12[%add3A_151, %dma_wait3A_170] : memref<10240x128xf32, #tpu.memory_space<hbm>> -> memref<128x128xf32, #tpu.memory_space<hbm>>
      tpu.wait_dma2 semaphore(%arg19 : memref<!tpu.dma_semaphore, #tpu.memory_space<semaphore_mem>>) src(%arg17 : memref<128x128xf32, #tpu.memory_space<vmem>>) dst(%dma_wait3A_171 : memref<128x128xf32, #tpu.memory_space<hbm>>)
      %add3A_172 = arith.constant 384 : i32
      %add3A_173 = arith.addi %mul3A_0, %add3A_172 : i32
      "tpu.region"() ({
        %run_scoped3A = tpu.sem_alloc : memref<!tpu.dma_semaphore, #tpu.memory_space<semaphore_mem>>
        %dma_start3A_200 = arith.constant 0 : i32
        %dma_start3A_201 = tpu.memref_slice %arg13[%add3A_173, %dma_start3A_200] : memref<10240x128xf32, #tpu.memory_space<vmem_shared>> -> memref<128x128xf32, #tpu.memory_space<vmem_shared>>
        %dma_start3A_202 = arith.constant 0 : i32
        %dma_start3A_203 = tpu.memref_slice %arg13[%add3A_173, %dma_start3A_202] : memref<10240x128xf32, #tpu.memory_space<vmem_shared>> -> memref<128x128xf32, #tpu.memory_space<vmem_shared>>
        tpu.enqueue_dma source(%dma_start3A_203 : memref<128x128xf32, #tpu.memory_space<vmem_shared>>) target(%arg17 : memref<128x128xf32, #tpu.memory_space<vmem>>) target_semaphore(%run_scoped3A : memref<!tpu.dma_semaphore, #tpu.memory_space<semaphore_mem>>)
        %dma_wait3A_204 = arith.constant 0 : i32
        %dma_wait3A_205 = tpu.memref_slice %arg13[%add3A_173, %dma_wait3A_204] : memref<10240x128xf32, #tpu.memory_space<vmem_shared>> -> memref<128x128xf32, #tpu.memory_space<vmem_shared>>
        %dma_wait3A_206 = arith.constant 0 : i32
        %dma_wait3A_207 = tpu.memref_slice %arg13[%add3A_173, %dma_wait3A_206] : memref<10240x128xf32, #tpu.memory_space<vmem_shared>> -> memref<128x128xf32, #tpu.memory_space<vmem_shared>>
        tpu.wait_dma2 semaphore(%run_scoped3A : memref<!tpu.dma_semaphore, #tpu.memory_space<semaphore_mem>>) src(%dma_wait3A_207 : memref<128x128xf32, #tpu.memory_space<vmem_shared>>) dst(%arg17 : memref<128x128xf32, #tpu.memory_space<vmem>>)
        tpu.yield
      }) : () -> ()
      %add3A_174 = arith.constant 384 : i32
      %add3A_175 = arith.addi %mul3A_0, %add3A_174 : i32
      %dma_start3A_176 = arith.constant 0 : i32
      %dma_start3A_177 = tpu.memref_slice %arg12[%add3A_175, %dma_start3A_176] : memref<10240x128xf32, #tpu.memory_space<hbm>> -> memref<128x128xf32, #tpu.memory_space<hbm>>
      %dma_start3A_178 = arith.constant 0 : i32
      %dma_start3A_179 = tpu.memref_slice %arg12[%add3A_175, %dma_start3A_178] : memref<10240x128xf32, #tpu.memory_space<hbm>> -> memref<128x128xf32, #tpu.memory_space<hbm>>
      tpu.enqueue_dma source(%arg17 : memref<128x128xf32, #tpu.memory_space<vmem>>) target(%dma_start3A_179 : memref<128x128xf32, #tpu.memory_space<hbm>>) target_semaphore(%arg19 : memref<!tpu.dma_semaphore, #tpu.memory_space<semaphore_mem>>)
      %dma_wait3A_180 = arith.constant 0 : i32
      %dma_wait3A_181 = tpu.memref_slice %arg12[%add3A_163, %dma_wait3A_180] : memref<10240x128xf32, #tpu.memory_space<hbm>> -> memref<128x128xf32, #tpu.memory_space<hbm>>
      %dma_wait3A_182 = arith.constant 0 : i32
      %dma_wait3A_183 = tpu.memref_slice %arg12[%add3A_163, %dma_wait3A_182] : memref<10240x128xf32, #tpu.memory_space<hbm>> -> memref<128x128xf32, #tpu.memory_space<hbm>>
      tpu.wait_dma2 semaphore(%arg18 : memref<!tpu.dma_semaphore, #tpu.memory_space<semaphore_mem>>) src(%arg16 : memref<128x128xf32, #tpu.memory_space<vmem>>) dst(%dma_wait3A_183 : memref<128x128xf32, #tpu.memory_space<hbm>>)
      %add3A_184 = arith.constant 512 : i32
      %add3A_185 = arith.addi %mul3A_0, %add3A_184 : i32
      "tpu.region"() ({
        %run_scoped3A = tpu.sem_alloc : memref<!tpu.dma_semaphore, #tpu.memory_space<semaphore_mem>>
        %dma_start3A_200 = arith.constant 0 : i32
        %dma_start3A_201 = tpu.memref_slice %arg13[%add3A_185, %dma_start3A_200] : memref<10240x128xf32, #tpu.memory_space<vmem_shared>> -> memref<128x128xf32, #tpu.memory_space<vmem_shared>>
        %dma_start3A_202 = arith.constant 0 : i32
        %dma_start3A_203 = tpu.memref_slice %arg13[%add3A_185, %dma_start3A_202] : memref<10240x128xf32, #tpu.memory_space<vmem_shared>> -> memref<128x128xf32, #tpu.memory_space<vmem_shared>>
        tpu.enqueue_dma source(%dma_start3A_203 : memref<128x128xf32, #tpu.memory_space<vmem_shared>>) target(%arg16 : memref<128x128xf32, #tpu.memory_space<vmem>>) target_semaphore(%run_scoped3A : memref<!tpu.dma_semaphore, #tpu.memory_space<semaphore_mem>>)
        %dma_wait3A_204 = arith.constant 0 : i32
        %dma_wait3A_205 = tpu.memref_slice %arg13[%add3A_185, %dma_wait3A_204] : memref<10240x128xf32, #tpu.memory_space<vmem_shared>> -> memref<128x128xf32, #tpu.memory_space<vmem_shared>>
        %dma_wait3A_206 = arith.constant 0 : i32
        %dma_wait3A_207 = tpu.memref_slice %arg13[%add3A_185, %dma_wait3A_206] : memref<10240x128xf32, #tpu.memory_space<vmem_shared>> -> memref<128x128xf32, #tpu.memory_space<vmem_shared>>
        tpu.wait_dma2 semaphore(%run_scoped3A : memref<!tpu.dma_semaphore, #tpu.memory_space<semaphore_mem>>) src(%dma_wait3A_207 : memref<128x128xf32, #tpu.memory_space<vmem_shared>>) dst(%arg16 : memref<128x128xf32, #tpu.memory_space<vmem>>)
        tpu.yield
      }) : () -> ()
      %add3A_186 = arith.constant 512 : i32
      %add3A_187 = arith.addi %mul3A_0, %add3A_186 : i32
      %dma_start3A_188 = arith.constant 0 : i32
      %dma_start3A_189 = tpu.memref_slice %arg12[%add3A_187, %dma_start3A_188] : memref<10240x128xf32, #tpu.memory_space<hbm>> -> memref<128x128xf32, #tpu.memory_space<hbm>>
      %dma_start3A_190 = arith.constant 0 : i32
      %dma_start3A_191 = tpu.memref_slice %arg12[%add3A_187, %dma_start3A_190] : memref<10240x128xf32, #tpu.memory_space<hbm>> -> memref<128x128xf32, #tpu.memory_space<hbm>>
      tpu.enqueue_dma source(%arg16 : memref<128x128xf32, #tpu.memory_space<vmem>>) target(%dma_start3A_191 : memref<128x128xf32, #tpu.memory_space<hbm>>) target_semaphore(%arg18 : memref<!tpu.dma_semaphore, #tpu.memory_space<semaphore_mem>>)
      %dma_wait3A_192 = arith.constant 0 : i32
      %dma_wait3A_193 = tpu.memref_slice %arg12[%add3A_187, %dma_wait3A_192] : memref<10240x128xf32, #tpu.memory_space<hbm>> -> memref<128x128xf32, #tpu.memory_space<hbm>>
      %dma_wait3A_194 = arith.constant 0 : i32
      %dma_wait3A_195 = tpu.memref_slice %arg12[%add3A_187, %dma_wait3A_194] : memref<10240x128xf32, #tpu.memory_space<hbm>> -> memref<128x128xf32, #tpu.memory_space<hbm>>
      tpu.wait_dma2 semaphore(%arg18 : memref<!tpu.dma_semaphore, #tpu.memory_space<semaphore_mem>>) src(%arg16 : memref<128x128xf32, #tpu.memory_space<vmem>>) dst(%dma_wait3A_195 : memref<128x128xf32, #tpu.memory_space<hbm>>)
      %dma_wait3A_196 = arith.constant 0 : i32
      %dma_wait3A_197 = tpu.memref_slice %arg12[%add3A_175, %dma_wait3A_196] : memref<10240x128xf32, #tpu.memory_space<hbm>> -> memref<128x128xf32, #tpu.memory_space<hbm>>
      %dma_wait3A_198 = arith.constant 0 : i32
      %dma_wait3A_199 = tpu.memref_slice %arg12[%add3A_175, %dma_wait3A_198] : memref<10240x128xf32, #tpu.memory_space<hbm>> -> memref<128x128xf32, #tpu.memory_space<hbm>>
      tpu.wait_dma2 semaphore(%arg19 : memref<!tpu.dma_semaphore, #tpu.memory_space<semaphore_mem>>) src(%arg17 : memref<128x128xf32, #tpu.memory_space<vmem>>) dst(%dma_wait3A_199 : memref<128x128xf32, #tpu.memory_space<hbm>>)
    } else {
    }
    %barrier3A_139 = arith.constant 0 : index
    tpu.barrier barrier_id(%barrier3A_139)
    return
  }
}

module attributes {stable_mosaic.version = 14 : i64} {
  func.func @_linA_body(%arg0: i32, %arg1: memref<256x256xf32, #tpu.memory_space<vmem>>, %arg2: memref<512x256xf32, #tpu.memory_space<vmem>>, %arg3: memref<1x512xf32, #tpu.memory_space<vmem>>, %arg4: memref<256x128xf32, #tpu.memory_space<vmem>>, %arg5: memref<256x128xf32, #tpu.memory_space<vmem>>, %arg6: memref<256x128xf32, #tpu.memory_space<vmem>>, %arg7: memref<256x128xf32, #tpu.memory_space<vmem>>) attributes {dimension_semantics = [#tpu.dimension_semantics<arbitrary>], iteration_bounds = array<i64: 40>, scalar_prefetch = 0 : i64, scratch_operands = 0 : i64, tpu.core_type = #tpu.core_type<tc>, window_params = [{transform_indices = @transform_0, window_bounds = array<i64: 256, 256>}, {pipeline_mode = #tpu.pipeline_mode<synchronous>, transform_indices = @transform_1, window_bounds = array<i64: 512, 256>}, {pipeline_mode = #tpu.pipeline_mode<synchronous>, transform_indices = @transform_2, window_bounds = array<i64: 1, 512>}, {transform_indices = @transform_3, window_bounds = array<i64: 256, 128>}, {transform_indices = @transform_4, window_bounds = array<i64: 256, 128>}, {transform_indices = @transform_5, window_bounds = array<i64: 256, 128>}, {transform_indices = @transform_6, window_bounds = array<i64: 256, 128>}]} {
    %get3A = arith.constant 0 : index
    %get3A_0 = arith.constant 0 : index
    %get3A_1 = vector.load %arg1[%get3A, %get3A_0] : memref<256x256xf32, #tpu.memory_space<vmem>>, vector<256x256xf32>
    %get3A_2 = arith.constant 0 : index
    %get3A_3 = arith.constant 0 : index
    %get3A_4 = vector.load %arg2[%get3A_2, %get3A_3] : memref<512x256xf32, #tpu.memory_space<vmem>>, vector<512x256xf32>
    %dot_general3A = arith.constant dense<0.000000e+00> : vector<256x512xf32>
    %dot_general3A_5 = tpu.matmul %get3A_1, %get3A_4, %dot_general3A {dimension_numbers = #tpu.dot_dimension_numbers<[1], [1], [0], [0], [0, 0, 1, 0], [], []>, transpose_lhs_hint = false} : vector<256x256xf32>, vector<512x256xf32>, vector<256x512xf32> -> vector<256x512xf32>
    %get3A_6 = arith.constant 0 : index
    %get3A_7 = arith.constant 0 : index
    %get3A_8 = vector.load %arg3[%get3A_6, %get3A_7] : memref<1x512xf32, #tpu.memory_space<vmem>>, vector<1x512xf32>
    %add3A = vector.broadcast %get3A_8 : vector<1x512xf32> to vector<256x512xf32>
    %add3A_9 = arith.addf %dot_general3A_5, %add3A : vector<256x512xf32>
    %mul3A = arith.mulf %add3A_9, %add3A_9 : vector<256x512xf32>
    %reduce_sum3A = arith.constant dense<0.000000e+00> : vector<256xf32>
    %reduce_sum3A_10 = vector.multi_reduction <add>, %mul3A, %reduce_sum3A [1] : vector<256x512xf32> to vector<256xf32>
    %broadcast_in_dim3A = vector.shape_cast %reduce_sum3A_10 : vector<256xf32> to vector<256x1xf32>
    %sqrt3A = math.sqrt %broadcast_in_dim3A : vector<256x1xf32>
    %add3A_11 = arith.constant 9.99999997E-7 : f32
    %add3A_12 = vector.broadcast %add3A_11 : f32 to vector<256x1xf32>
    %add3A_13 = arith.addf %sqrt3A, %add3A_12 : vector<256x1xf32>
    %div3A = vector.broadcast %add3A_13 : vector<256x1xf32> to vector<256x512xf32>
    %div3A_14 = arith.divf %add3A_9, %div3A : vector<256x512xf32>
    %slice3A = vector.extract_strided_slice %div3A_14 {offsets = [0, 0], sizes = [256, 128], strides = [1, 1]} : vector<256x512xf32> to vector<256x128xf32>
    %swap3A = arith.constant 0 : index
    %swap3A_15 = arith.constant 0 : index
    %swap3A_16 = vector.load %arg4[%swap3A, %swap3A_15] : memref<256x128xf32, #tpu.memory_space<vmem>>, vector<256x128xf32>
    tpu.vector_store %arg4[%swap3A, %swap3A_15], %slice3A {strides = array<i32>} : memref<256x128xf32, #tpu.memory_space<vmem>>, vector<256x128xf32>,
    %slice3A_17 = vector.extract_strided_slice %div3A_14 {offsets = [0, 128], sizes = [256, 128], strides = [1, 1]} : vector<256x512xf32> to vector<256x128xf32>
    %swap3A_18 = arith.constant 0 : index
    %swap3A_19 = arith.constant 0 : index
    %swap3A_20 = vector.load %arg5[%swap3A_18, %swap3A_19] : memref<256x128xf32, #tpu.memory_space<vmem>>, vector<256x128xf32>
    tpu.vector_store %arg5[%swap3A_18, %swap3A_19], %slice3A_17 {strides = array<i32>} : memref<256x128xf32, #tpu.memory_space<vmem>>, vector<256x128xf32>,
    %slice3A_21 = vector.extract_strided_slice %div3A_14 {offsets = [0, 256], sizes = [256, 128], strides = [1, 1]} : vector<256x512xf32> to vector<256x128xf32>
    %swap3A_22 = arith.constant 0 : index
    %swap3A_23 = arith.constant 0 : index
    %swap3A_24 = vector.load %arg6[%swap3A_22, %swap3A_23] : memref<256x128xf32, #tpu.memory_space<vmem>>, vector<256x128xf32>
    tpu.vector_store %arg6[%swap3A_22, %swap3A_23], %slice3A_21 {strides = array<i32>} : memref<256x128xf32, #tpu.memory_space<vmem>>, vector<256x128xf32>,
    %slice3A_25 = vector.extract_strided_slice %div3A_14 {offsets = [0, 384], sizes = [256, 128], strides = [1, 1]} : vector<256x512xf32> to vector<256x128xf32>
    %swap3A_26 = arith.constant 0 : index
    %swap3A_27 = arith.constant 0 : index
    %swap3A_28 = vector.load %arg7[%swap3A_26, %swap3A_27] : memref<256x128xf32, #tpu.memory_space<vmem>>, vector<256x128xf32>
    tpu.vector_store %arg7[%swap3A_26, %swap3A_27], %slice3A_25 {strides = array<i32>} : memref<256x128xf32, #tpu.memory_space<vmem>>, vector<256x128xf32>,
    return
  }
  func.func @transform_0(%arg0: i32) -> (i32, i32) {
    %c0_i32 = arith.constant 0 : i32
    %c0_i32_0 = arith.constant 0 : i32
    return %arg0, %c0_i32 : i32, i32
  }
  func.func @transform_1(%arg0: i32) -> (i32, i32) {
    %c0_i32 = arith.constant 0 : i32
    %c0_i32_0 = arith.constant 0 : i32
    %c0_i32_1 = arith.constant 0 : i32
    return %c0_i32, %c0_i32_0 : i32, i32
  }
  func.func @transform_2(%arg0: i32) -> (i32, i32) {
    %c0_i32 = arith.constant 0 : i32
    %c0_i32_0 = arith.constant 0 : i32
    %c0_i32_1 = arith.constant 0 : i32
    return %c0_i32, %c0_i32_0 : i32, i32
  }
  func.func @transform_3(%arg0: i32) -> (i32, i32) {
    %c0_i32 = arith.constant 0 : i32
    %c0_i32_0 = arith.constant 0 : i32
    return %arg0, %c0_i32 : i32, i32
  }
  func.func @transform_4(%arg0: i32) -> (i32, i32) {
    %c0_i32 = arith.constant 0 : i32
    %c0_i32_0 = arith.constant 0 : i32
    return %arg0, %c0_i32 : i32, i32
  }
  func.func @transform_5(%arg0: i32) -> (i32, i32) {
    %c0_i32 = arith.constant 0 : i32
    %c0_i32_0 = arith.constant 0 : i32
    return %arg0, %c0_i32 : i32, i32
  }
  func.func @transform_6(%arg0: i32) -> (i32, i32) {
    %c0_i32 = arith.constant 0 : i32
    %c0_i32_0 = arith.constant 0 : i32
    return %arg0, %c0_i32 : i32, i32
  }
}

module attributes {stable_mosaic.version = 14 : i64} {
  func.func @_mp_body_wrap(%arg0: i32, %arg1: memref<256x128xf32, #tpu.memory_space<vmem>>, %arg2: memref<256x128xf32, #tpu.memory_space<vmem>>, %arg3: memref<256x128xf32, #tpu.memory_space<vmem>>, %arg4: memref<256x128xf32, #tpu.memory_space<vmem>>, %arg5: memref<8x512xf32, #tpu.memory_space<vmem>>, %arg6: memref<512x512xf32, #tpu.memory_space<vmem>>, %arg7: memref<1x512xf32, #tpu.memory_space<vmem>>, %arg8: memref<512x512xf32, #tpu.memory_space<vmem>>, %arg9: memref<1x512xf32, #tpu.memory_space<vmem>>, %arg10: memref<256x128xf32, #tpu.memory_space<vmem>>, %arg11: memref<256x128xf32, #tpu.memory_space<vmem>>, %arg12: memref<256x128xf32, #tpu.memory_space<vmem>>, %arg13: memref<256x128xf32, #tpu.memory_space<vmem>>, %arg14: memref<1xf32, #tpu.memory_space<smem>>) attributes {dimension_semantics = [#tpu.dimension_semantics<arbitrary>], iteration_bounds = array<i64: 40>, scalar_prefetch = 0 : i64, scratch_operands = 1 : i64, tpu.core_type = #tpu.core_type<tc>, window_params = [{transform_indices = @transform_0, window_bounds = array<i64: 256, 128>}, {transform_indices = @transform_1, window_bounds = array<i64: 256, 128>}, {transform_indices = @transform_2, window_bounds = array<i64: 256, 128>}, {transform_indices = @transform_3, window_bounds = array<i64: 256, 128>}, {pipeline_mode = #tpu.pipeline_mode<synchronous>, transform_indices = @transform_4, window_bounds = array<i64: 8, 512>}, {pipeline_mode = #tpu.pipeline_mode<synchronous>, transform_indices = @transform_5, window_bounds = array<i64: 512, 512>}, {pipeline_mode = #tpu.pipeline_mode<synchronous>, transform_indices = @transform_6, window_bounds = array<i64: 1, 512>}, {pipeline_mode = #tpu.pipeline_mode<synchronous>, transform_indices = @transform_7, window_bounds = array<i64: 512, 512>}, {pipeline_mode = #tpu.pipeline_mode<synchronous>, transform_indices = @transform_8, window_bounds = array<i64: 1, 512>}, {transform_indices = @transform_9, window_bounds = array<i64: 256, 128>}, {transform_indices = @transform_10, window_bounds = array<i64: 256, 128>}, {transform_indices = @transform_11, window_bounds = array<i64: 256, 128>}, {transform_indices = @transform_12, window_bounds = array<i64: 256, 128>}]} {
    %get3A = arith.constant 0 : index
    %get3A_0 = arith.constant 0 : index
    %get3A_1 = vector.load %arg1[%get3A, %get3A_0] : memref<256x128xf32, #tpu.memory_space<vmem>>, vector<256x128xf32>
    %get3A_2 = arith.constant 0 : index
    %get3A_3 = arith.constant 0 : index
    %get3A_4 = vector.load %arg2[%get3A_2, %get3A_3] : memref<256x128xf32, #tpu.memory_space<vmem>>, vector<256x128xf32>
    %get3A_5 = arith.constant 0 : index
    %get3A_6 = arith.constant 0 : index
    %get3A_7 = vector.load %arg3[%get3A_5, %get3A_6] : memref<256x128xf32, #tpu.memory_space<vmem>>, vector<256x128xf32>
    %get3A_8 = arith.constant 0 : index
    %get3A_9 = arith.constant 0 : index
    %get3A_10 = vector.load %arg4[%get3A_8, %get3A_9] : memref<256x128xf32, #tpu.memory_space<vmem>>, vector<256x128xf32>
    %concatenate3A = tpu.concatenate %get3A_1, %get3A_4, %get3A_7, %get3A_10 in 1 : vector<256x128xf32>, vector<256x128xf32>, vector<256x128xf32>, vector<256x128xf32> -> vector<256x512xf32>
    %get3A_11 = arith.constant 0 : index
    %get3A_12 = arith.constant 0 : index
    %get3A_13 = vector.load %arg6[%get3A_11, %get3A_12] : memref<512x512xf32, #tpu.memory_space<vmem>>, vector<512x512xf32>
    %dot_general3A = arith.constant dense<0.000000e+00> : vector<256x512xf32>
    %dot_general3A_14 = tpu.matmul %concatenate3A, %get3A_13, %dot_general3A {dimension_numbers = #tpu.dot_dimension_numbers<[1], [1], [0], [0], [0, 0, 1, 0], [], []>, transpose_lhs_hint = false} : vector<256x512xf32>, vector<512x512xf32>, vector<256x512xf32> -> vector<256x512xf32>
    %get3A_15 = arith.constant 0 : index
    %get3A_16 = arith.constant 0 : index
    %get3A_17 = vector.load %arg7[%get3A_15, %get3A_16] : memref<1x512xf32, #tpu.memory_space<vmem>>, vector<1x512xf32>
    %add3A = vector.broadcast %get3A_17 : vector<1x512xf32> to vector<256x512xf32>
    %add3A_18 = arith.addf %dot_general3A_14, %add3A : vector<256x512xf32>
    %mul3A = arith.mulf %add3A_18, %add3A_18 : vector<256x512xf32>
    %reduce_sum3A = arith.constant dense<0.000000e+00> : vector<256xf32>
    %reduce_sum3A_19 = vector.multi_reduction <add>, %mul3A, %reduce_sum3A [1] : vector<256x512xf32> to vector<256xf32>
    %broadcast_in_dim3A = vector.shape_cast %reduce_sum3A_19 : vector<256xf32> to vector<256x1xf32>
    %sqrt3A = math.sqrt %broadcast_in_dim3A : vector<256x1xf32>
    %add3A_20 = arith.constant 9.99999997E-7 : f32
    %add3A_21 = vector.broadcast %add3A_20 : f32 to vector<256x1xf32>
    %add3A_22 = arith.addf %sqrt3A, %add3A_21 : vector<256x1xf32>
    %div3A = vector.broadcast %add3A_22 : vector<256x1xf32> to vector<256x512xf32>
    %div3A_23 = arith.divf %add3A_18, %div3A : vector<256x512xf32>
    %eq3A = arith.constant 0 : i32
    %eq3A_24 = arith.cmpi eq, %arg0, %eq3A : i32
    %convert_element_type3A = arith.extui %eq3A_24 : i1 to i32
    %cond3A = arith.constant 0 : i32
    %cond3A_25 = arith.cmpi ne, %convert_element_type3A, %cond3A : i32
    scf.if %cond3A_25 {
      %get3A_66 = arith.constant 0 : index
      %get3A_67 = arith.constant 0 : index
      %get3A_68 = vector.load %arg5[%get3A_66, %get3A_67] : memref<8x512xf32, #tpu.memory_space<vmem>>, vector<8x512xf32>
      %slice3A_69 = vector.extract_strided_slice %get3A_68 {offsets = [0, 0], sizes = [1, 512], strides = [1, 1]} : vector<8x512xf32> to vector<1x512xf32>
      %squeeze3A = vector.shape_cast %slice3A_69 : vector<1x512xf32> to vector<512xf32>
      %slice3A_70 = vector.extract_strided_slice %get3A_68 {offsets = [1, 0], sizes = [1, 512], strides = [1, 1]} : vector<8x512xf32> to vector<1x512xf32>
      %squeeze3A_71 = vector.shape_cast %slice3A_70 : vector<1x512xf32> to vector<512xf32>
      %slice3A_72 = vector.extract_strided_slice %get3A_68 {offsets = [2, 0], sizes = [1, 512], strides = [1, 1]} : vector<8x512xf32> to vector<1x512xf32>
      %squeeze3A_73 = vector.shape_cast %slice3A_72 : vector<1x512xf32> to vector<512xf32>
      %slice3A_74 = vector.extract_strided_slice %get3A_68 {offsets = [3, 0], sizes = [1, 512], strides = [1, 1]} : vector<8x512xf32> to vector<1x512xf32>
      %squeeze3A_75 = vector.shape_cast %slice3A_74 : vector<1x512xf32> to vector<512xf32>
      %mul3A_76 = arith.mulf %squeeze3A, %squeeze3A_73 : vector<512xf32>
      %reduce_sum3A_77 = vector.shape_cast %mul3A_76 : vector<512xf32> to vector<1x512xf32>
      %reduce_sum3A_78 = arith.constant dense<0.000000e+00> : vector<1xf32>
      %reduce_sum3A_79 = vector.multi_reduction <add>, %reduce_sum3A_77, %reduce_sum3A_78 [1] : vector<1x512xf32> to vector<1xf32>
      %reduce_sum3A_80 = vector.shape_cast %reduce_sum3A_79 : vector<1xf32> to vector<1x1xf32>
      %reduce_sum3A_81 = vector.extract %reduce_sum3A_80[0, 0] : f32 from vector<1x1xf32>
      %mul3A_82 = arith.mulf %squeeze3A_71, %squeeze3A_75 : vector<512xf32>
      %reduce_sum3A_83 = vector.shape_cast %mul3A_82 : vector<512xf32> to vector<1x512xf32>
      %reduce_sum3A_84 = arith.constant dense<0.000000e+00> : vector<1xf32>
      %reduce_sum3A_85 = vector.multi_reduction <add>, %reduce_sum3A_83, %reduce_sum3A_84 [1] : vector<1x512xf32> to vector<1xf32>
      %reduce_sum3A_86 = vector.shape_cast %reduce_sum3A_85 : vector<1xf32> to vector<1x1xf32>
      %reduce_sum3A_87 = vector.extract %reduce_sum3A_86[0, 0] : f32 from vector<1x1xf32>
      %mul3A_88 = arith.mulf %reduce_sum3A_81, %reduce_sum3A_87 : f32
      %mul3A_89 = arith.mulf %squeeze3A, %squeeze3A_75 : vector<512xf32>
      %reduce_sum3A_90 = vector.shape_cast %mul3A_89 : vector<512xf32> to vector<1x512xf32>
      %reduce_sum3A_91 = arith.constant dense<0.000000e+00> : vector<1xf32>
      %reduce_sum3A_92 = vector.multi_reduction <add>, %reduce_sum3A_90, %reduce_sum3A_91 [1] : vector<1x512xf32> to vector<1xf32>
      %reduce_sum3A_93 = vector.shape_cast %reduce_sum3A_92 : vector<1xf32> to vector<1x1xf32>
      %reduce_sum3A_94 = vector.extract %reduce_sum3A_93[0, 0] : f32 from vector<1x1xf32>
      %mul3A_95 = arith.mulf %squeeze3A_71, %squeeze3A_73 : vector<512xf32>
      %reduce_sum3A_96 = vector.shape_cast %mul3A_95 : vector<512xf32> to vector<1x512xf32>
      %reduce_sum3A_97 = arith.constant dense<0.000000e+00> : vector<1xf32>
      %reduce_sum3A_98 = vector.multi_reduction <add>, %reduce_sum3A_96, %reduce_sum3A_97 [1] : vector<1x512xf32> to vector<1xf32>
      %reduce_sum3A_99 = vector.shape_cast %reduce_sum3A_98 : vector<1xf32> to vector<1x1xf32>
      %reduce_sum3A_100 = vector.extract %reduce_sum3A_99[0, 0] : f32 from vector<1x1xf32>
      %mul3A_101 = arith.mulf %reduce_sum3A_94, %reduce_sum3A_100 : f32
      %add3A_102 = arith.constant 9.99999971E-10 : f32
      %add3A_103 = arith.addf %mul3A_101, %add3A_102 : f32
      %div3A_104 = arith.divf %mul3A_88, %add3A_103 : f32
      %slice3A_105 = vector.extract_strided_slice %div3A_23 {offsets = [0, 0], sizes = [1, 512], strides = [1, 1]} : vector<256x512xf32> to vector<1x512xf32>
      %squeeze3A_106 = vector.shape_cast %slice3A_105 : vector<1x512xf32> to vector<512xf32>
      %slice3A_107 = vector.extract_strided_slice %div3A_23 {offsets = [1, 0], sizes = [1, 512], strides = [1, 1]} : vector<256x512xf32> to vector<1x512xf32>
      %squeeze3A_108 = vector.shape_cast %slice3A_107 : vector<1x512xf32> to vector<512xf32>
      %slice3A_109 = vector.extract_strided_slice %div3A_23 {offsets = [2, 0], sizes = [1, 512], strides = [1, 1]} : vector<256x512xf32> to vector<1x512xf32>
      %squeeze3A_110 = vector.shape_cast %slice3A_109 : vector<1x512xf32> to vector<512xf32>
      %slice3A_111 = vector.extract_strided_slice %div3A_23 {offsets = [3, 0], sizes = [1, 512], strides = [1, 1]} : vector<256x512xf32> to vector<1x512xf32>
      %squeeze3A_112 = vector.shape_cast %slice3A_111 : vector<1x512xf32> to vector<512xf32>
      %mul3A_113 = arith.mulf %squeeze3A_106, %squeeze3A_110 : vector<512xf32>
      %reduce_sum3A_114 = vector.shape_cast %mul3A_113 : vector<512xf32> to vector<1x512xf32>
      %reduce_sum3A_115 = arith.constant dense<0.000000e+00> : vector<1xf32>
      %reduce_sum3A_116 = vector.multi_reduction <add>, %reduce_sum3A_114, %reduce_sum3A_115 [1] : vector<1x512xf32> to vector<1xf32>
      %reduce_sum3A_117 = vector.shape_cast %reduce_sum3A_116 : vector<1xf32> to vector<1x1xf32>
      %reduce_sum3A_118 = vector.extract %reduce_sum3A_117[0, 0] : f32 from vector<1x1xf32>
      %mul3A_119 = arith.mulf %squeeze3A_108, %squeeze3A_112 : vector<512xf32>
      %reduce_sum3A_120 = vector.shape_cast %mul3A_119 : vector<512xf32> to vector<1x512xf32>
      %reduce_sum3A_121 = arith.constant dense<0.000000e+00> : vector<1xf32>
      %reduce_sum3A_122 = vector.multi_reduction <add>, %reduce_sum3A_120, %reduce_sum3A_121 [1] : vector<1x512xf32> to vector<1xf32>
      %reduce_sum3A_123 = vector.shape_cast %reduce_sum3A_122 : vector<1xf32> to vector<1x1xf32>
      %reduce_sum3A_124 = vector.extract %reduce_sum3A_123[0, 0] : f32 from vector<1x1xf32>
      %mul3A_125 = arith.mulf %reduce_sum3A_118, %reduce_sum3A_124 : f32
      %mul3A_126 = arith.mulf %squeeze3A_106, %squeeze3A_112 : vector<512xf32>
      %reduce_sum3A_127 = vector.shape_cast %mul3A_126 : vector<512xf32> to vector<1x512xf32>
      %reduce_sum3A_128 = arith.constant dense<0.000000e+00> : vector<1xf32>
      %reduce_sum3A_129 = vector.multi_reduction <add>, %reduce_sum3A_127, %reduce_sum3A_128 [1] : vector<1x512xf32> to vector<1xf32>
      %reduce_sum3A_130 = vector.shape_cast %reduce_sum3A_129 : vector<1xf32> to vector<1x1xf32>
      %reduce_sum3A_131 = vector.extract %reduce_sum3A_130[0, 0] : f32 from vector<1x1xf32>
      %mul3A_132 = arith.mulf %squeeze3A_108, %squeeze3A_110 : vector<512xf32>
      %reduce_sum3A_133 = vector.shape_cast %mul3A_132 : vector<512xf32> to vector<1x512xf32>
      %reduce_sum3A_134 = arith.constant dense<0.000000e+00> : vector<1xf32>
      %reduce_sum3A_135 = vector.multi_reduction <add>, %reduce_sum3A_133, %reduce_sum3A_134 [1] : vector<1x512xf32> to vector<1xf32>
      %reduce_sum3A_136 = vector.shape_cast %reduce_sum3A_135 : vector<1xf32> to vector<1x1xf32>
      %reduce_sum3A_137 = vector.extract %reduce_sum3A_136[0, 0] : f32 from vector<1x1xf32>
      %mul3A_138 = arith.mulf %reduce_sum3A_131, %reduce_sum3A_137 : f32
      %add3A_139 = arith.constant 9.99999971E-10 : f32
      %add3A_140 = arith.addf %mul3A_138, %add3A_139 : f32
      %div3A_141 = arith.divf %mul3A_125, %add3A_140 : f32
      %ne3A = arith.cmpf one, %div3A_141, %div3A_141 : f32
      %not3A = arith.constant true
      %not3A_142 = arith.xori %ne3A, %not3A : i1
      %ne3A_143 = arith.cmpf one, %div3A_104, %div3A_104 : f32
      %not3A_144 = arith.constant true
      %not3A_145 = arith.xori %ne3A_143, %not3A_144 : i1
      %and3A = arith.andi %not3A_142, %not3A_145 : i1
      %ne3A_146 = arith.constant 0.000000e+00 : f32
      %ne3A_147 = arith.cmpf one, %div3A_141, %ne3A_146 : f32
      %and3A_148 = arith.andi %and3A, %ne3A_147 : i1
      %eq3A_149 = arith.constant 0.000000e+00 : f32
      %eq3A_150 = arith.cmpf oeq, %div3A_141, %eq3A_149 : f32
      %jit3A = arith.constant 1.000000e+00 : f32
      %select_n3A = arith.select %eq3A_150, %jit3A, %div3A_141 : f32
      %abs3A = math.absf %div3A_104 : f32
      %abs3A_151 = math.absf %select_n3A : f32
      %add3A_152 = arith.constant 9.99999971E-10 : f32
      %add3A_153 = arith.addf %abs3A_151, %add3A_152 : f32
      %div3A_154 = arith.divf %abs3A, %add3A_153 : f32
      %sqrt3A_155 = math.sqrt %div3A_154 : f32
      %sqrt3A_156 = math.sqrt %sqrt3A_155 : f32
      %jit3A_157 = arith.constant 1.000000e+00 : f32
      %select_n3A_158 = arith.select %and3A_148, %sqrt3A_156, %jit3A_157 : f32
      %swap3A_159 = arith.constant 0 : index
      %swap3A_160 = memref.load %arg14[%swap3A_159] : memref<1xf32, #tpu.memory_space<smem>>
      memref.store %select_n3A_158, %arg14[%swap3A_159] : memref<1xf32, #tpu.memory_space<smem>>
    } else {
    }
    %get3A_26 = arith.constant 0 : index
    %get3A_27 = memref.load %arg14[%get3A_26] : memref<1xf32, #tpu.memory_space<smem>>
    %get3A_28 = arith.constant 0 : index
    %get3A_29 = arith.constant 0 : index
    %get3A_30 = vector.load %arg8[%get3A_28, %get3A_29] : memref<512x512xf32, #tpu.memory_space<vmem>>, vector<512x512xf32>
    %dot_general3A_31 = arith.constant dense<0.000000e+00> : vector<256x512xf32>
    %dot_general3A_32 = tpu.matmul %div3A_23, %get3A_30, %dot_general3A_31 {dimension_numbers = #tpu.dot_dimension_numbers<[1], [1], [0], [0], [0, 0, 1, 0], [], []>, transpose_lhs_hint = false} : vector<256x512xf32>, vector<512x512xf32>, vector<256x512xf32> -> vector<256x512xf32>
    %mul3A_33 = vector.broadcast %get3A_27 : f32 to vector<256x512xf32>
    %mul3A_34 = arith.mulf %mul3A_33, %dot_general3A_32 : vector<256x512xf32>
    %get3A_35 = arith.constant 0 : index
    %get3A_36 = arith.constant 0 : index
    %get3A_37 = vector.load %arg9[%get3A_35, %get3A_36] : memref<1x512xf32, #tpu.memory_space<vmem>>, vector<1x512xf32>
    %add3A_38 = vector.broadcast %get3A_37 : vector<1x512xf32> to vector<256x512xf32>
    %add3A_39 = arith.addf %mul3A_34, %add3A_38 : vector<256x512xf32>
    %mul3A_40 = arith.mulf %add3A_39, %add3A_39 : vector<256x512xf32>
    %reduce_sum3A_41 = arith.constant dense<0.000000e+00> : vector<256xf32>
    %reduce_sum3A_42 = vector.multi_reduction <add>, %mul3A_40, %reduce_sum3A_41 [1] : vector<256x512xf32> to vector<256xf32>
    %broadcast_in_dim3A_43 = vector.shape_cast %reduce_sum3A_42 : vector<256xf32> to vector<256x1xf32>
    %sqrt3A_44 = math.sqrt %broadcast_in_dim3A_43 : vector<256x1xf32>
    %add3A_45 = arith.constant 9.99999997E-7 : f32
    %add3A_46 = vector.broadcast %add3A_45 : f32 to vector<256x1xf32>
    %add3A_47 = arith.addf %sqrt3A_44, %add3A_46 : vector<256x1xf32>
    %div3A_48 = vector.broadcast %add3A_47 : vector<256x1xf32> to vector<256x512xf32>
    %div3A_49 = arith.divf %add3A_39, %div3A_48 : vector<256x512xf32>
    %max3A = arith.constant 0.000000e+00 : f32
    %max3A_50 = vector.broadcast %max3A : f32 to vector<256x512xf32>
    %max3A_51 = arith.maximumf %div3A_49, %max3A_50 : vector<256x512xf32>
    %slice3A = vector.extract_strided_slice %max3A_51 {offsets = [0, 0], sizes = [256, 128], strides = [1, 1]} : vector<256x512xf32> to vector<256x128xf32>
    %swap3A = arith.constant 0 : index
    %swap3A_52 = arith.constant 0 : index
    %swap3A_53 = vector.load %arg10[%swap3A, %swap3A_52] : memref<256x128xf32, #tpu.memory_space<vmem>>, vector<256x128xf32>
    tpu.vector_store %arg10[%swap3A, %swap3A_52], %slice3A {strides = array<i32>} : memref<256x128xf32, #tpu.memory_space<vmem>>, vector<256x128xf32>,
    %slice3A_54 = vector.extract_strided_slice %max3A_51 {offsets = [0, 128], sizes = [256, 128], strides = [1, 1]} : vector<256x512xf32> to vector<256x128xf32>
    %swap3A_55 = arith.constant 0 : index
    %swap3A_56 = arith.constant 0 : index
    %swap3A_57 = vector.load %arg11[%swap3A_55, %swap3A_56] : memref<256x128xf32, #tpu.memory_space<vmem>>, vector<256x128xf32>
    tpu.vector_store %arg11[%swap3A_55, %swap3A_56], %slice3A_54 {strides = array<i32>} : memref<256x128xf32, #tpu.memory_space<vmem>>, vector<256x128xf32>,
    %slice3A_58 = vector.extract_strided_slice %max3A_51 {offsets = [0, 256], sizes = [256, 128], strides = [1, 1]} : vector<256x512xf32> to vector<256x128xf32>
    %swap3A_59 = arith.constant 0 : index
    %swap3A_60 = arith.constant 0 : index
    %swap3A_61 = vector.load %arg12[%swap3A_59, %swap3A_60] : memref<256x128xf32, #tpu.memory_space<vmem>>, vector<256x128xf32>
    tpu.vector_store %arg12[%swap3A_59, %swap3A_60], %slice3A_58 {strides = array<i32>} : memref<256x128xf32, #tpu.memory_space<vmem>>, vector<256x128xf32>,
    %slice3A_62 = vector.extract_strided_slice %max3A_51 {offsets = [0, 384], sizes = [256, 128], strides = [1, 1]} : vector<256x512xf32> to vector<256x128xf32>
    %swap3A_63 = arith.constant 0 : index
    %swap3A_64 = arith.constant 0 : index
    %swap3A_65 = vector.load %arg13[%swap3A_63, %swap3A_64] : memref<256x128xf32, #tpu.memory_space<vmem>>, vector<256x128xf32>
    tpu.vector_store %arg13[%swap3A_63, %swap3A_64], %slice3A_62 {strides = array<i32>} : memref<256x128xf32, #tpu.memory_space<vmem>>, vector<256x128xf32>,
    return
  }
  func.func @transform_0(%arg0: i32) -> (i32, i32) {
    %c0_i32 = arith.constant 0 : i32
    %c0_i32_0 = arith.constant 0 : i32
    return %arg0, %c0_i32 : i32, i32
  }
  func.func @transform_1(%arg0: i32) -> (i32, i32) {
    %c0_i32 = arith.constant 0 : i32
    %c0_i32_0 = arith.constant 0 : i32
    return %arg0, %c0_i32 : i32, i32
  }
  func.func @transform_2(%arg0: i32) -> (i32, i32) {
    %c0_i32 = arith.constant 0 : i32
    %c0_i32_0 = arith.constant 0 : i32
    return %arg0, %c0_i32 : i32, i32
  }
  func.func @transform_3(%arg0: i32) -> (i32, i32) {
    %c0_i32 = arith.constant 0 : i32
    %c0_i32_0 = arith.constant 0 : i32
    return %arg0, %c0_i32 : i32, i32
  }
  func.func @transform_4(%arg0: i32) -> (i32, i32) {
    %c0_i32 = arith.constant 0 : i32
    %c0_i32_0 = arith.constant 0 : i32
    %c0_i32_1 = arith.constant 0 : i32
    return %c0_i32, %c0_i32_0 : i32, i32
  }
  func.func @transform_5(%arg0: i32) -> (i32, i32) {
    %c0_i32 = arith.constant 0 : i32
    %c0_i32_0 = arith.constant 0 : i32
    %c0_i32_1 = arith.constant 0 : i32
    return %c0_i32, %c0_i32_0 : i32, i32
  }
  func.func @transform_6(%arg0: i32) -> (i32, i32) {
    %c0_i32 = arith.constant 0 : i32
    %c0_i32_0 = arith.constant 0 : i32
    %c0_i32_1 = arith.constant 0 : i32
    return %c0_i32, %c0_i32_0 : i32, i32
  }
  func.func @transform_7(%arg0: i32) -> (i32, i32) {
    %c0_i32 = arith.constant 0 : i32
    %c0_i32_0 = arith.constant 0 : i32
    %c0_i32_1 = arith.constant 0 : i32
    return %c0_i32, %c0_i32_0 : i32, i32
  }
  func.func @transform_8(%arg0: i32) -> (i32, i32) {
    %c0_i32 = arith.constant 0 : i32
    %c0_i32_0 = arith.constant 0 : i32
    %c0_i32_1 = arith.constant 0 : i32
    return %c0_i32, %c0_i32_0 : i32, i32
  }
  func.func @transform_9(%arg0: i32) -> (i32, i32) {
    %c0_i32 = arith.constant 0 : i32
    %c0_i32_0 = arith.constant 0 : i32
    return %arg0, %c0_i32 : i32, i32
  }
  func.func @transform_10(%arg0: i32) -> (i32, i32) {
    %c0_i32 = arith.constant 0 : i32
    %c0_i32_0 = arith.constant 0 : i32
    return %arg0, %c0_i32 : i32, i32
  }
  func.func @transform_11(%arg0: i32) -> (i32, i32) {
    %c0_i32 = arith.constant 0 : i32
    %c0_i32_0 = arith.constant 0 : i32
    return %arg0, %c0_i32 : i32, i32
  }
  func.func @transform_12(%arg0: i32) -> (i32, i32) {
    %c0_i32 = arith.constant 0 : i32
    %c0_i32_0 = arith.constant 0 : i32
    return %arg0, %c0_i32 : i32, i32
  }
}

module attributes {stable_mosaic.version = 14 : i64} {
  func.func @_mp_body_wrap(%arg0: i32, %arg1: memref<256x128xf32, #tpu.memory_space<vmem>>, %arg2: memref<256x128xf32, #tpu.memory_space<vmem>>, %arg3: memref<256x128xf32, #tpu.memory_space<vmem>>, %arg4: memref<256x128xf32, #tpu.memory_space<vmem>>, %arg5: memref<8x512xf32, #tpu.memory_space<vmem>>, %arg6: memref<512x512xf32, #tpu.memory_space<vmem>>, %arg7: memref<1x512xf32, #tpu.memory_space<vmem>>, %arg8: memref<256x512xf32, #tpu.memory_space<vmem>>, %arg9: memref<1x256xf32, #tpu.memory_space<vmem>>, %arg10: memref<256x256xf32, #tpu.memory_space<vmem>>, %arg11: memref<1xf32, #tpu.memory_space<smem>>) attributes {dimension_semantics = [#tpu.dimension_semantics<arbitrary>], iteration_bounds = array<i64: 40>, scalar_prefetch = 0 : i64, scratch_operands = 1 : i64, tpu.core_type = #tpu.core_type<tc>, window_params = [{transform_indices = @transform_0, window_bounds = array<i64: 256, 128>}, {transform_indices = @transform_1, window_bounds = array<i64: 256, 128>}, {transform_indices = @transform_2, window_bounds = array<i64: 256, 128>}, {transform_indices = @transform_3, window_bounds = array<i64: 256, 128>}, {pipeline_mode = #tpu.pipeline_mode<synchronous>, transform_indices = @transform_4, window_bounds = array<i64: 8, 512>}, {pipeline_mode = #tpu.pipeline_mode<synchronous>, transform_indices = @transform_5, window_bounds = array<i64: 512, 512>}, {pipeline_mode = #tpu.pipeline_mode<synchronous>, transform_indices = @transform_6, window_bounds = array<i64: 1, 512>}, {pipeline_mode = #tpu.pipeline_mode<synchronous>, transform_indices = @transform_7, window_bounds = array<i64: 256, 512>}, {pipeline_mode = #tpu.pipeline_mode<synchronous>, transform_indices = @transform_8, window_bounds = array<i64: 1, 256>}, {transform_indices = @transform_9, window_bounds = array<i64: 256, 256>}]} {
    %get3A = arith.constant 0 : index
    %get3A_0 = arith.constant 0 : index
    %get3A_1 = vector.load %arg1[%get3A, %get3A_0] : memref<256x128xf32, #tpu.memory_space<vmem>>, vector<256x128xf32>
    %get3A_2 = arith.constant 0 : index
    %get3A_3 = arith.constant 0 : index
    %get3A_4 = vector.load %arg2[%get3A_2, %get3A_3] : memref<256x128xf32, #tpu.memory_space<vmem>>, vector<256x128xf32>
    %get3A_5 = arith.constant 0 : index
    %get3A_6 = arith.constant 0 : index
    %get3A_7 = vector.load %arg3[%get3A_5, %get3A_6] : memref<256x128xf32, #tpu.memory_space<vmem>>, vector<256x128xf32>
    %get3A_8 = arith.constant 0 : index
    %get3A_9 = arith.constant 0 : index
    %get3A_10 = vector.load %arg4[%get3A_8, %get3A_9] : memref<256x128xf32, #tpu.memory_space<vmem>>, vector<256x128xf32>
    %concatenate3A = tpu.concatenate %get3A_1, %get3A_4, %get3A_7, %get3A_10 in 1 : vector<256x128xf32>, vector<256x128xf32>, vector<256x128xf32>, vector<256x128xf32> -> vector<256x512xf32>
    %get3A_11 = arith.constant 0 : index
    %get3A_12 = arith.constant 0 : index
    %get3A_13 = vector.load %arg6[%get3A_11, %get3A_12] : memref<512x512xf32, #tpu.memory_space<vmem>>, vector<512x512xf32>
    %dot_general3A = arith.constant dense<0.000000e+00> : vector<256x512xf32>
    %dot_general3A_14 = tpu.matmul %concatenate3A, %get3A_13, %dot_general3A {dimension_numbers = #tpu.dot_dimension_numbers<[1], [1], [0], [0], [0, 0, 1, 0], [], []>, transpose_lhs_hint = false} : vector<256x512xf32>, vector<512x512xf32>, vector<256x512xf32> -> vector<256x512xf32>
    %get3A_15 = arith.constant 0 : index
    %get3A_16 = arith.constant 0 : index
    %get3A_17 = vector.load %arg7[%get3A_15, %get3A_16] : memref<1x512xf32, #tpu.memory_space<vmem>>, vector<1x512xf32>
    %add3A = vector.broadcast %get3A_17 : vector<1x512xf32> to vector<256x512xf32>
    %add3A_18 = arith.addf %dot_general3A_14, %add3A : vector<256x512xf32>
    %mul3A = arith.mulf %add3A_18, %add3A_18 : vector<256x512xf32>
    %reduce_sum3A = arith.constant dense<0.000000e+00> : vector<256xf32>
    %reduce_sum3A_19 = vector.multi_reduction <add>, %mul3A, %reduce_sum3A [1] : vector<256x512xf32> to vector<256xf32>
    %broadcast_in_dim3A = vector.shape_cast %reduce_sum3A_19 : vector<256xf32> to vector<256x1xf32>
    %sqrt3A = math.sqrt %broadcast_in_dim3A : vector<256x1xf32>
    %add3A_20 = arith.constant 9.99999997E-7 : f32
    %add3A_21 = vector.broadcast %add3A_20 : f32 to vector<256x1xf32>
    %add3A_22 = arith.addf %sqrt3A, %add3A_21 : vector<256x1xf32>
    %div3A = vector.broadcast %add3A_22 : vector<256x1xf32> to vector<256x512xf32>
    %div3A_23 = arith.divf %add3A_18, %div3A : vector<256x512xf32>
    %eq3A = arith.constant 0 : i32
    %eq3A_24 = arith.cmpi eq, %arg0, %eq3A : i32
    %convert_element_type3A = arith.extui %eq3A_24 : i1 to i32
    %cond3A = arith.constant 0 : i32
    %cond3A_25 = arith.cmpi ne, %convert_element_type3A, %cond3A : i32
    scf.if %cond3A_25 {
      %get3A_54 = arith.constant 0 : index
      %get3A_55 = arith.constant 0 : index
      %get3A_56 = vector.load %arg5[%get3A_54, %get3A_55] : memref<8x512xf32, #tpu.memory_space<vmem>>, vector<8x512xf32>
      %slice3A = vector.extract_strided_slice %get3A_56 {offsets = [0, 0], sizes = [1, 512], strides = [1, 1]} : vector<8x512xf32> to vector<1x512xf32>
      %squeeze3A = vector.shape_cast %slice3A : vector<1x512xf32> to vector<512xf32>
      %slice3A_57 = vector.extract_strided_slice %get3A_56 {offsets = [1, 0], sizes = [1, 512], strides = [1, 1]} : vector<8x512xf32> to vector<1x512xf32>
      %squeeze3A_58 = vector.shape_cast %slice3A_57 : vector<1x512xf32> to vector<512xf32>
      %slice3A_59 = vector.extract_strided_slice %get3A_56 {offsets = [2, 0], sizes = [1, 512], strides = [1, 1]} : vector<8x512xf32> to vector<1x512xf32>
      %squeeze3A_60 = vector.shape_cast %slice3A_59 : vector<1x512xf32> to vector<512xf32>
      %slice3A_61 = vector.extract_strided_slice %get3A_56 {offsets = [3, 0], sizes = [1, 512], strides = [1, 1]} : vector<8x512xf32> to vector<1x512xf32>
      %squeeze3A_62 = vector.shape_cast %slice3A_61 : vector<1x512xf32> to vector<512xf32>
      %mul3A_63 = arith.mulf %squeeze3A, %squeeze3A_60 : vector<512xf32>
      %reduce_sum3A_64 = vector.shape_cast %mul3A_63 : vector<512xf32> to vector<1x512xf32>
      %reduce_sum3A_65 = arith.constant dense<0.000000e+00> : vector<1xf32>
      %reduce_sum3A_66 = vector.multi_reduction <add>, %reduce_sum3A_64, %reduce_sum3A_65 [1] : vector<1x512xf32> to vector<1xf32>
      %reduce_sum3A_67 = vector.shape_cast %reduce_sum3A_66 : vector<1xf32> to vector<1x1xf32>
      %reduce_sum3A_68 = vector.extract %reduce_sum3A_67[0, 0] : f32 from vector<1x1xf32>
      %mul3A_69 = arith.mulf %squeeze3A_58, %squeeze3A_62 : vector<512xf32>
      %reduce_sum3A_70 = vector.shape_cast %mul3A_69 : vector<512xf32> to vector<1x512xf32>
      %reduce_sum3A_71 = arith.constant dense<0.000000e+00> : vector<1xf32>
      %reduce_sum3A_72 = vector.multi_reduction <add>, %reduce_sum3A_70, %reduce_sum3A_71 [1] : vector<1x512xf32> to vector<1xf32>
      %reduce_sum3A_73 = vector.shape_cast %reduce_sum3A_72 : vector<1xf32> to vector<1x1xf32>
      %reduce_sum3A_74 = vector.extract %reduce_sum3A_73[0, 0] : f32 from vector<1x1xf32>
      %mul3A_75 = arith.mulf %reduce_sum3A_68, %reduce_sum3A_74 : f32
      %mul3A_76 = arith.mulf %squeeze3A, %squeeze3A_62 : vector<512xf32>
      %reduce_sum3A_77 = vector.shape_cast %mul3A_76 : vector<512xf32> to vector<1x512xf32>
      %reduce_sum3A_78 = arith.constant dense<0.000000e+00> : vector<1xf32>
      %reduce_sum3A_79 = vector.multi_reduction <add>, %reduce_sum3A_77, %reduce_sum3A_78 [1] : vector<1x512xf32> to vector<1xf32>
      %reduce_sum3A_80 = vector.shape_cast %reduce_sum3A_79 : vector<1xf32> to vector<1x1xf32>
      %reduce_sum3A_81 = vector.extract %reduce_sum3A_80[0, 0] : f32 from vector<1x1xf32>
      %mul3A_82 = arith.mulf %squeeze3A_58, %squeeze3A_60 : vector<512xf32>
      %reduce_sum3A_83 = vector.shape_cast %mul3A_82 : vector<512xf32> to vector<1x512xf32>
      %reduce_sum3A_84 = arith.constant dense<0.000000e+00> : vector<1xf32>
      %reduce_sum3A_85 = vector.multi_reduction <add>, %reduce_sum3A_83, %reduce_sum3A_84 [1] : vector<1x512xf32> to vector<1xf32>
      %reduce_sum3A_86 = vector.shape_cast %reduce_sum3A_85 : vector<1xf32> to vector<1x1xf32>
      %reduce_sum3A_87 = vector.extract %reduce_sum3A_86[0, 0] : f32 from vector<1x1xf32>
      %mul3A_88 = arith.mulf %reduce_sum3A_81, %reduce_sum3A_87 : f32
      %add3A_89 = arith.constant 9.99999971E-10 : f32
      %add3A_90 = arith.addf %mul3A_88, %add3A_89 : f32
      %div3A_91 = arith.divf %mul3A_75, %add3A_90 : f32
      %slice3A_92 = vector.extract_strided_slice %div3A_23 {offsets = [0, 0], sizes = [1, 512], strides = [1, 1]} : vector<256x512xf32> to vector<1x512xf32>
      %squeeze3A_93 = vector.shape_cast %slice3A_92 : vector<1x512xf32> to vector<512xf32>
      %slice3A_94 = vector.extract_strided_slice %div3A_23 {offsets = [1, 0], sizes = [1, 512], strides = [1, 1]} : vector<256x512xf32> to vector<1x512xf32>
      %squeeze3A_95 = vector.shape_cast %slice3A_94 : vector<1x512xf32> to vector<512xf32>
      %slice3A_96 = vector.extract_strided_slice %div3A_23 {offsets = [2, 0], sizes = [1, 512], strides = [1, 1]} : vector<256x512xf32> to vector<1x512xf32>
      %squeeze3A_97 = vector.shape_cast %slice3A_96 : vector<1x512xf32> to vector<512xf32>
      %slice3A_98 = vector.extract_strided_slice %div3A_23 {offsets = [3, 0], sizes = [1, 512], strides = [1, 1]} : vector<256x512xf32> to vector<1x512xf32>
      %squeeze3A_99 = vector.shape_cast %slice3A_98 : vector<1x512xf32> to vector<512xf32>
      %mul3A_100 = arith.mulf %squeeze3A_93, %squeeze3A_97 : vector<512xf32>
      %reduce_sum3A_101 = vector.shape_cast %mul3A_100 : vector<512xf32> to vector<1x512xf32>
      %reduce_sum3A_102 = arith.constant dense<0.000000e+00> : vector<1xf32>
      %reduce_sum3A_103 = vector.multi_reduction <add>, %reduce_sum3A_101, %reduce_sum3A_102 [1] : vector<1x512xf32> to vector<1xf32>
      %reduce_sum3A_104 = vector.shape_cast %reduce_sum3A_103 : vector<1xf32> to vector<1x1xf32>
      %reduce_sum3A_105 = vector.extract %reduce_sum3A_104[0, 0] : f32 from vector<1x1xf32>
      %mul3A_106 = arith.mulf %squeeze3A_95, %squeeze3A_99 : vector<512xf32>
      %reduce_sum3A_107 = vector.shape_cast %mul3A_106 : vector<512xf32> to vector<1x512xf32>
      %reduce_sum3A_108 = arith.constant dense<0.000000e+00> : vector<1xf32>
      %reduce_sum3A_109 = vector.multi_reduction <add>, %reduce_sum3A_107, %reduce_sum3A_108 [1] : vector<1x512xf32> to vector<1xf32>
      %reduce_sum3A_110 = vector.shape_cast %reduce_sum3A_109 : vector<1xf32> to vector<1x1xf32>
      %reduce_sum3A_111 = vector.extract %reduce_sum3A_110[0, 0] : f32 from vector<1x1xf32>
      %mul3A_112 = arith.mulf %reduce_sum3A_105, %reduce_sum3A_111 : f32
      %mul3A_113 = arith.mulf %squeeze3A_93, %squeeze3A_99 : vector<512xf32>
      %reduce_sum3A_114 = vector.shape_cast %mul3A_113 : vector<512xf32> to vector<1x512xf32>
      %reduce_sum3A_115 = arith.constant dense<0.000000e+00> : vector<1xf32>
      %reduce_sum3A_116 = vector.multi_reduction <add>, %reduce_sum3A_114, %reduce_sum3A_115 [1] : vector<1x512xf32> to vector<1xf32>
      %reduce_sum3A_117 = vector.shape_cast %reduce_sum3A_116 : vector<1xf32> to vector<1x1xf32>
      %reduce_sum3A_118 = vector.extract %reduce_sum3A_117[0, 0] : f32 from vector<1x1xf32>
      %mul3A_119 = arith.mulf %squeeze3A_95, %squeeze3A_97 : vector<512xf32>
      %reduce_sum3A_120 = vector.shape_cast %mul3A_119 : vector<512xf32> to vector<1x512xf32>
      %reduce_sum3A_121 = arith.constant dense<0.000000e+00> : vector<1xf32>
      %reduce_sum3A_122 = vector.multi_reduction <add>, %reduce_sum3A_120, %reduce_sum3A_121 [1] : vector<1x512xf32> to vector<1xf32>
      %reduce_sum3A_123 = vector.shape_cast %reduce_sum3A_122 : vector<1xf32> to vector<1x1xf32>
      %reduce_sum3A_124 = vector.extract %reduce_sum3A_123[0, 0] : f32 from vector<1x1xf32>
      %mul3A_125 = arith.mulf %reduce_sum3A_118, %reduce_sum3A_124 : f32
      %add3A_126 = arith.constant 9.99999971E-10 : f32
      %add3A_127 = arith.addf %mul3A_125, %add3A_126 : f32
      %div3A_128 = arith.divf %mul3A_112, %add3A_127 : f32
      %ne3A = arith.cmpf one, %div3A_128, %div3A_128 : f32
      %not3A = arith.constant true
      %not3A_129 = arith.xori %ne3A, %not3A : i1
      %ne3A_130 = arith.cmpf one, %div3A_91, %div3A_91 : f32
      %not3A_131 = arith.constant true
      %not3A_132 = arith.xori %ne3A_130, %not3A_131 : i1
      %and3A = arith.andi %not3A_129, %not3A_132 : i1
      %ne3A_133 = arith.constant 0.000000e+00 : f32
      %ne3A_134 = arith.cmpf one, %div3A_128, %ne3A_133 : f32
      %and3A_135 = arith.andi %and3A, %ne3A_134 : i1
      %eq3A_136 = arith.constant 0.000000e+00 : f32
      %eq3A_137 = arith.cmpf oeq, %div3A_128, %eq3A_136 : f32
      %jit3A = arith.constant 1.000000e+00 : f32
      %select_n3A = arith.select %eq3A_137, %jit3A, %div3A_128 : f32
      %abs3A = math.absf %div3A_91 : f32
      %abs3A_138 = math.absf %select_n3A : f32
      %add3A_139 = arith.constant 9.99999971E-10 : f32
      %add3A_140 = arith.addf %abs3A_138, %add3A_139 : f32
      %div3A_141 = arith.divf %abs3A, %add3A_140 : f32
      %sqrt3A_142 = math.sqrt %div3A_141 : f32
      %sqrt3A_143 = math.sqrt %sqrt3A_142 : f32
      %jit3A_144 = arith.constant 1.000000e+00 : f32
      %select_n3A_145 = arith.select %and3A_135, %sqrt3A_143, %jit3A_144 : f32
      %swap3A_146 = arith.constant 0 : index
      %swap3A_147 = memref.load %arg11[%swap3A_146] : memref<1xf32, #tpu.memory_space<smem>>
      memref.store %select_n3A_145, %arg11[%swap3A_146] : memref<1xf32, #tpu.memory_space<smem>>
    } else {
    }
    %get3A_26 = arith.constant 0 : index
    %get3A_27 = memref.load %arg11[%get3A_26] : memref<1xf32, #tpu.memory_space<smem>>
    %get3A_28 = arith.constant 0 : index
    %get3A_29 = arith.constant 0 : index
    %get3A_30 = vector.load %arg8[%get3A_28, %get3A_29] : memref<256x512xf32, #tpu.memory_space<vmem>>, vector<256x512xf32>
    %dot_general3A_31 = arith.constant dense<0.000000e+00> : vector<256x256xf32>
    %dot_general3A_32 = tpu.matmul %div3A_23, %get3A_30, %dot_general3A_31 {dimension_numbers = #tpu.dot_dimension_numbers<[1], [1], [0], [0], [0, 0, 1, 0], [], []>, transpose_lhs_hint = false} : vector<256x512xf32>, vector<256x512xf32>, vector<256x256xf32> -> vector<256x256xf32>
    %mul3A_33 = vector.broadcast %get3A_27 : f32 to vector<256x256xf32>
    %mul3A_34 = arith.mulf %mul3A_33, %dot_general3A_32 : vector<256x256xf32>
    %get3A_35 = arith.constant 0 : index
    %get3A_36 = arith.constant 0 : index
    %get3A_37 = vector.load %arg9[%get3A_35, %get3A_36] : memref<1x256xf32, #tpu.memory_space<vmem>>, vector<1x256xf32>
    %add3A_38 = vector.broadcast %get3A_37 : vector<1x256xf32> to vector<256x256xf32>
    %add3A_39 = arith.addf %mul3A_34, %add3A_38 : vector<256x256xf32>
    %mul3A_40 = arith.mulf %add3A_39, %add3A_39 : vector<256x256xf32>
    %reduce_sum3A_41 = arith.constant dense<0.000000e+00> : vector<256xf32>
    %reduce_sum3A_42 = vector.multi_reduction <add>, %mul3A_40, %reduce_sum3A_41 [1] : vector<256x256xf32> to vector<256xf32>
    %broadcast_in_dim3A_43 = vector.shape_cast %reduce_sum3A_42 : vector<256xf32> to vector<256x1xf32>
    %sqrt3A_44 = math.sqrt %broadcast_in_dim3A_43 : vector<256x1xf32>
    %add3A_45 = arith.constant 9.99999997E-7 : f32
    %add3A_46 = vector.broadcast %add3A_45 : f32 to vector<256x1xf32>
    %add3A_47 = arith.addf %sqrt3A_44, %add3A_46 : vector<256x1xf32>
    %div3A_48 = vector.broadcast %add3A_47 : vector<256x1xf32> to vector<256x256xf32>
    %div3A_49 = arith.divf %add3A_39, %div3A_48 : vector<256x256xf32>
    %max3A = arith.constant 0.000000e+00 : f32
    %max3A_50 = vector.broadcast %max3A : f32 to vector<256x256xf32>
    %max3A_51 = arith.maximumf %div3A_49, %max3A_50 : vector<256x256xf32>
    %swap3A = arith.constant 0 : index
    %swap3A_52 = arith.constant 0 : index
    %swap3A_53 = vector.load %arg10[%swap3A, %swap3A_52] : memref<256x256xf32, #tpu.memory_space<vmem>>, vector<256x256xf32>
    tpu.vector_store %arg10[%swap3A, %swap3A_52], %max3A_51 {strides = array<i32>} : memref<256x256xf32, #tpu.memory_space<vmem>>, vector<256x256xf32>,
    return
  }
  func.func @transform_0(%arg0: i32) -> (i32, i32) {
    %c0_i32 = arith.constant 0 : i32
    %c0_i32_0 = arith.constant 0 : i32
    return %arg0, %c0_i32 : i32, i32
  }
  func.func @transform_1(%arg0: i32) -> (i32, i32) {
    %c0_i32 = arith.constant 0 : i32
    %c0_i32_0 = arith.constant 0 : i32
    return %arg0, %c0_i32 : i32, i32
  }
  func.func @transform_2(%arg0: i32) -> (i32, i32) {
    %c0_i32 = arith.constant 0 : i32
    %c0_i32_0 = arith.constant 0 : i32
    return %arg0, %c0_i32 : i32, i32
  }
  func.func @transform_3(%arg0: i32) -> (i32, i32) {
    %c0_i32 = arith.constant 0 : i32
    %c0_i32_0 = arith.constant 0 : i32
    return %arg0, %c0_i32 : i32, i32
  }
  func.func @transform_4(%arg0: i32) -> (i32, i32) {
    %c0_i32 = arith.constant 0 : i32
    %c0_i32_0 = arith.constant 0 : i32
    %c0_i32_1 = arith.constant 0 : i32
    return %c0_i32, %c0_i32_0 : i32, i32
  }
  func.func @transform_5(%arg0: i32) -> (i32, i32) {
    %c0_i32 = arith.constant 0 : i32
    %c0_i32_0 = arith.constant 0 : i32
    %c0_i32_1 = arith.constant 0 : i32
    return %c0_i32, %c0_i32_0 : i32, i32
  }
  func.func @transform_6(%arg0: i32) -> (i32, i32) {
    %c0_i32 = arith.constant 0 : i32
    %c0_i32_0 = arith.constant 0 : i32
    %c0_i32_1 = arith.constant 0 : i32
    return %c0_i32, %c0_i32_0 : i32, i32
  }
  func.func @transform_7(%arg0: i32) -> (i32, i32) {
    %c0_i32 = arith.constant 0 : i32
    %c0_i32_0 = arith.constant 0 : i32
    %c0_i32_1 = arith.constant 0 : i32
    return %c0_i32, %c0_i32_0 : i32, i32
  }
  func.func @transform_8(%arg0: i32) -> (i32, i32) {
    %c0_i32 = arith.constant 0 : i32
    %c0_i32_0 = arith.constant 0 : i32
    %c0_i32_1 = arith.constant 0 : i32
    return %c0_i32, %c0_i32_0 : i32, i32
  }
  func.func @transform_9(%arg0: i32) -> (i32, i32) {
    %c0_i32 = arith.constant 0 : i32
    %c0_i32_0 = arith.constant 0 : i32
    return %arg0, %c0_i32 : i32, i32
  }
}

</mosaic_0001>

<sc_bundles>
// kernel: kernel.10.cloned.1.call-start
scs
__scs_entry_jumppad:
0x0: {  	(pc) =	sbr.rel $0x88, $3  }
0x1: {  	(tag) =	ssettag $0x0;
	lr =	simm.s32 $0x1  }
0x2: {  	[smem:$0x3F97] =	sst lr;
	_ =	strace $0xD0000000  }
0x3: {  	_ = 	snop  }
0x4: {  	_ = 	snop  }
0x5: {  	_ = 	snop  }
0x6: {  	_ = 	snop  }
0x7: {  	_ = 	snop  }
__scs_overlays_trampoline_lowered:
0x8: {  	[smem:$0x3FA6] =	sst s0  }
0x9: {  	[smem:$0x3FA7] =	sst s1  }
0xa: {  	[smem:$0x3FA8] =	sst s2  }
0xb: {  	[smem:$0x3FA9] =	sst s3  }
0xc: {  	[smem:$0x3FAA] =	sst s4  }
0xd: {  	[smem:$0x3FAB] =	sst s5  }
0xe: {  	[smem:$0x3FAC] =	sst s6  }
0xf: {  	[smem:$0x3FAD] =	sst s7  }
0x10: {  	[smem:$0x3FAE] =	sst s8  }
0x11: {  	[smem:$0x3FAF] =	sst s9;
	s0 =	simm.s32 @!p0 $0x0  }
0x12: {  	s1 =	sld [smem:$0x3F95];
	s0 =	simm.s32 @p0 $0x1  }
0x13: {  	[smem:$0x3FB0] =	sst s0;
	s0 =	simm.s32 @!p1 $0x0  }
0x14: {  	s2 =	sld [smem:$0x3F94];
	s0 =	simm.s32 @p1 $0x1  }
0x15: {  	[smem:$0x3FB1] =	sst s0;
	s0 =	simm.s32 @!p2 $0x0  }
0x16: {  	s3 =	sld [smem:$0x3FDB];
	s0 =	simm.s32 @p2 $0x1  }
0x17: {  	s4 =	simm.s32 $0x1BF5;
	[smem:$0x3FB3] =	sst s0  }
0x18: {  	s0 =	sld [smem:$0x3F96];
	_ =	swait.ge [sflag:s4], $0x0  }
0x19: {  	s7 =	sld [smem:$0x3F97]  }
0x1a: {  	s8 =	sadd.s32 $0xFFFFE003, lr  }
0x1b: {  	s9 =	sadd.s32 $0xFFFFFEF7, lr;
	s5 =	simm.s32 $0xFFFFFFFF;
	p2 =	slt.u32 s8, $0xFFFFF086  }
0x1c: {  	p1 =	slt.u32 s9, $0xF7A;
	s5 =	simm.s32 @!p2 $0x0  }
0x1d: {  	s5 =	simm.s32 @p1 $0x1;
	p0 =	seq.s32 s7, s2  }
0x1e: {  	s7 =	smul.u32 @!p0 $0xF7A, s2;
	p2 =	seq.s32 @!p0 s5, $0x0  }
0x1f: {  	s9 =	smul.u32 $0xF7A, s1;
	s8 =	simm.s32 @!p0 $0x1BF5;
	p2 =	por !p2, p0  }
0x20: {  	[sflag:s8] =	ssyncset.s32 @!p0 $0xFFFFF086;
	s6 =	sadd.s32 @!p0 s3, s7;
	s7 =	simm.s32 @!p0 $0x108  }
0x21: {  	s3 =	sadd.s32 s3, s9;
	s6 =	sadd.s32 @!p0 $0x88, s6;
	s7 =	simm.s32 @p2 $0x1082  }
0x22: {  	[simem:s7], [sflag:s8] =	dma.local @!p0 [hbm:s6], $0xF7A  }
0x23: {  	s9 =	sor.u32 $0xD0000000, s2;
	s6 =	simm.s32 $0x108;
	_ =	swait.ge @!p0 [sflag:s8], $0x0  }
0x24: {  	s3 =	sadd.s32 $0x88, s3;
	s6 =	simm.s32 @!p1 $0x1082;
	[sflag:s4] =	ssyncset.s32 $0xFFFFF086  }
0x25: {  	[simem:s6], [sflag:s4] =	dma.local [hbm:s3], $0xF7A  }
0x26: {  	[smem:$0x3F97] =	sst s1;
	(tag) =	ssettag s2;
	_ =	strace s9  }
0x27: {  	s1 =	sld [smem:$0x3FA7]  }
0x28: {  	s2 =	sld [smem:$0x3FA8]  }
0x29: {  	s4 =	sld [smem:$0x3FAA]  }
0x2a: {  	p0 =	seq.s32 s5, $0x0;
	s5 =	sld [smem:$0x3FAB]  }
0x2b: {  	s6 =	sld [smem:$0x3FAC]  }
0x2c: {  	s7 =	sld [smem:$0x3FAD]  }
0x2d: {  	s3 =	simm.s32 $0x108;
	s8 =	sld [smem:$0x3FAE]  }
0x2e: {  	s3 =	simm.s32 @!p0 $0x1082;
	s9 =	sld [smem:$0x3FAF]  }
0x2f: {  	lr =	sadd.s32 s0, s3;
	s0 =	sld [smem:$0x3FA6]  }
0x30: {  	s3 =	sld [smem:$0x3FA9]  }
0x31: {  	[smem:$0x3FB2] =	sst s10  }
0x32: {  	s10 =	sld [smem:$0x3FB0];
	_ =	sdelay $0x3  }
0x33: {  	p0 =	seq.s32 s10, $0x1;
	s10 =	sld [smem:$0x3FB2];
	_ =	sdelay $0x3  }
0x34: {  	[smem:$0x3FB2] =	sst s10  }
0x35: {  	s10 =	sld [smem:$0x3FB1];
	_ =	sdelay $0x3  }
0x36: {  	p1 =	seq.s32 s10, $0x1;
	s10 =	sld [smem:$0x3FB2];
	_ =	sdelay $0x3  }
0x37: {  	[smem:$0x3FB2] =	sst s10  }
0x38: {  	s10 =	sld [smem:$0x3FB3]  }
0x39: {  	_ = 	snop;
	(pc) =	sbr.ind lr, $3  }
0x3a: {  	_ = 	snop  }
0x3b: {  	_ = 	snop  }
0x3c: {  	p2 =	seq.s32 s10, $0x1;
	s10 =	sld [smem:$0x3FB2]  }
0x3d: {  	_ =	shalt  }
0x3e: {  	_ =	shalt  }
0x3f: {  	_ =	shalt  }
0x40: {  	_ =	shalt  }
0x41: {  	_ =	shalt  }
0x42: {  	_ =	shalt  }
0x43: {  	_ =	shalt  }
0x44: {  	_ =	shalt  }
0x45: {  	_ =	shalt  }
0x46: {  	_ =	shalt  }
0x47: {  	_ =	shalt  }
0x48: {  	_ =	shalt  }
0x49: {  	_ =	shalt  }
0x4a: {  	_ =	shalt  }
0x4b: {  	_ =	shalt  }
0x4c: {  	_ =	shalt  }
0x4d: {  	_ =	shalt  }
0x4e: {  	_ =	shalt  }
0x4f: {  	_ =	shalt  }
0x50: {  	_ =	shalt  }
0x51: {  	_ =	shalt  }
0x52: {  	_ =	shalt  }
0x53: {  	_ =	shalt  }
0x54: {  	_ =	shalt  }
0x55: {  	_ =	shalt  }
0x56: {  	_ =	shalt  }
0x57: {  	_ =	shalt  }
0x58: {  	_ =	shalt  }
0x59: {  	_ =	shalt  }
0x5a: {  	_ =	shalt  }
0x5b: {  	_ =	shalt  }
0x5c: {  	_ =	shalt  }
0x5d: {  	_ =	shalt  }
0x5e: {  	_ =	shalt  }
0x5f: {  	_ =	shalt  }
0x60: {  	_ =	shalt  }
0x61: {  	_ =	shalt  }
0x62: {  	_ =	shalt  }
0x63: {  	_ =	shalt  }
0x64: {  	_ =	shalt  }
0x65: {  	_ =	shalt  }
0x66: {  	_ =	shalt  }
0x67: {  	_ =	shalt  }
0x68: {  	_ =	shalt  }
0x69: {  	_ =	shalt  }
0x6a: {  	_ =	shalt  }
0x6b: {  	_ =	shalt  }
0x6c: {  	_ =	shalt  }
0x6d: {  	_ =	shalt  }
0x6e: {  	_ =	shalt  }
0x6f: {  	_ =	shalt  }
0x70: {  	_ =	shalt  }
0x71: {  	_ =	shalt  }
0x72: {  	_ =	shalt  }
0x73: {  	_ =	shalt  }
0x74: {  	_ =	shalt  }
0x75: {  	_ =	shalt  }
0x76: {  	_ =	shalt  }
0x77: {  	_ =	shalt  }
0x78: {  	_ =	shalt  }
0x79: {  	_ =	shalt  }
0x7a: {  	_ =	shalt  }
0x7b: {  	_ =	shalt  }
0x7c: {  	_ =	shalt  }
0x7d: {  	_ =	shalt  }
0x7e: {  	_ =	shalt  }
0x7f: {  	_ =	shalt  }
0x80: {  	_ =	shalt  }
0x81: {  	_ =	shalt  }
0x82: {  	_ =	shalt  }
0x83: {  	_ =	shalt  }
0x84: {  	_ =	shalt  }
0x85: {  	_ =	shalt  }
0x86: {  	_ =	shalt  }
0x87: {  	_ =	shalt  }
.Lfunc_end0:
.L_simem_size_0:
called_computation.1_lowered:
.L_overlay_start_0:
0x88: {  	s2 =	sld [smem:$0x3FD9]  }
0x89: {  	s3 =	sld [smem:$0x3FFE];
	_ =	sdelay $0x1  }
0x8a: {  	s1 =	srdreg.scid  }
0x8b: {  	s0 =	sand.u32 $0x1, s1  }
0x8c: {  	s17 =	sshll.u32 s0, $0xA;
	s2 =	sadd.s32 s3, s2  }
0x8d: {  	s2 =	sadd.s32 s2, s17  }
0x8e: {  	[smem:$0x3FBE] =	sst s2  }
0x8f: {  	_ = 	snop  }
0x90: {  	s2 =	sld [smem:$0x3FD0];
	(tm) =	ssettm $0x1  }
0x91: {  	s18 =	sld [smem:$0x3FFB];
	_ =	sdelay $0x3  }
0x92: {  	_ =	strace s18  }
0x93: {  	s3 =	sld [smem:$0x3FFC];
	_ =	sdelay $0x3  }
0x94: {  	_ =	strace s3  }
0x95: {  	s3 =	sld [smem:$0x3FFD];
	_ =	sdelay $0x3  }
0x96: {  	_ =	strace s3  }
0x97: {  	_ =	strace $0x8FFFFFFF  }
0x98: {  	s19 =	sld [smem:$0x3FDB];
	_ =	sdelay $0x1  }
0x99: {  	s4 =	simm.s32 $_scs_section_size  }
0x9a: {  	s5 =	simm.s32 $_size__tile_overlayer_lowered;
	s6 =	simm.s32 $_tile_overlayer_lowered  }
0x9b: {  	s22 =	simm.s32 $0x1BFF;
	s21 =	sshll.u32 s6, $0x1;
	s3 =	sadd.s32 s4, s19  }
0x9c: {  	s7 =	simm.s32 $0x0;
	s20 =	sshll.u32 s5, $0x1;
	s5 =	sadd.s32 s21, s3  }
0x9d: {  	[timem:s7], [sflag:s22] =	dma.local [hbm:s5], s20  }
0x9e: {  	_ =	swait.ge [sflag:s22], s20  }
0x9f: {  	s4 =	ssub.s32 $0x0, s20;
	[sflag:s22] =	ssyncset.done $0x0  }
0xa0: {  	[sflag:s22] =	ssyncadd.s32 s4;
	_ =	sdelay $0x1  }
0xa1: {  	s23 =	simm.s32 $0x1B8B  }
0xa2: {  	_ =	swait.ge [sflag:s23], $0x1  }
0xa3: {  	[sflag:s23] =	ssyncset.done $0x0  }
0xa4: {  	s25 =	simm.s32 $0x1B8E;
	s24 =	sld [smem:$0x3FFE];
	[sflag:s23] =	ssyncadd.s32 $0xFFFFFFFF  }
0xa5: {  	s26 =	simm.s32 $execute0_lowered;
	[smem:$0x3FD2] =	sst s25  }
0xa6: {  	s5 =	sshll.u32 s26, $0x1;
	_ =	strace $0x80000049;
	[dreg:$0x1] =	wrdreg $0xFFFFFFFF  }
0xa7: {  	s28 =	simm.s32 $_size_execute0_lowered;
	s3 =	sadd.s32 s3, s5;
	[dreg:$0x0] =	wrdreg $0x0  }
0xa8: {  	s5 =	sshll.u32 s28, $0x1;
	[dreg:$0x2] =	wrdreg s3  }
0xa9: {  	[dreg:$0x3] =	wrdreg s5  }
0xaa: {  	[dreg:$0x4] =	wrdreg $0xC0  }
0xab: {  	_ =	task [dreg:s7], $0x5FFFF  }
0xac: {  	[dreg:$0x1] =	wrdreg $0xFFFFFFFF  }
0xad: {  	[dreg:$0x0] =	wrdreg $0x60  }
0xae: {  	[dreg:$0x2] =	wrdreg s24  }
0xaf: {  	[dreg:$0x3] =	wrdreg s2  }
0xb0: {  	[dreg:$0x4] =	wrdreg $0x0  }
0xb1: {  	[dreg:$0x5] =	wrdreg $0x9  }
0xb2: {  	_ =	task.clear_ibuf [dreg:s7], $0x6FFFF;
	_ =	strace $0x90000049  }
0xb3: {  	s29 =	simm.s32 $0x9;
	_ =	strace $0x8000004B  }
0xb4: {  	_ =	swait.ge [sflag:s29], $0x1  }
0xb5: {  	[sflag:s29] =	ssyncadd.s32 $0xFFFFFFFF  }
0xb6: {  	_ =	strace $0x9000004B  }
0xb7: {  	_ =	sfence  }
0xb8: {  	s30 =	sld [smem:$0x0];
	_ =	sdelay $0x2  }
0xb9: {  	s31 =	sshll.u32 s1, $0xD;
	s1 =	sshrl.u32 s1, $0x2  }
0xba: {  	s3 =	sand.u32 $0x4000, s31;
	s1 =	sadd.s32 s1, s30  }
0xbb: {  	s0 =	sor.u32 s3, s0;
	s1 =	sshll.u32 s1, $0x11  }
0xbc: {  	s0 =	sor.u32 s1, s0  }
0xbd: {  	s0 =	sadd.s32 $0x8F2B, s0  }
0xbe: {  	[sflag:s0] =	ssyncadd.remote.s32 $0x1  }
0xbf: {  	_ =	sfence.sel $0xFFFF  }
0xc0: {  	[dreg:$0x0] =	wrdreg $0xFFFFFFFF;
	(pc) =	sbr.abs _section_cstart, $3  }
0xc1: {  	[dreg:$0x1] =	wrdreg $0xFFFFFFFF  }
0xc2: {  	_ =	task.clear_ibuf [dreg:s7], $0x2FFFF;
	_ =	strace $0x9FFFFFFF  }
0xc3: {  	(tm) =	ssettm $0x7FFFFFFF  }
tec
execute0_lowered:
.L_overlay_start_1:
0x0: {  	(tag) =	ssettag $0x1  }
0x1: {  	s0 =	rddreg [dreg:$0x0]  }
0x2: {  	s1 =	rddreg [dreg:$0x1]  }
0x3: {  	s2 =	rddreg [dreg:$0x2]  }
0x4: {  	s3 =	simm.s32 $0x0;
	s9 =	srdreg.scid;
	s15 =	stileid.u32  }
0x5: {  	s29 =	simm.s32 $0x16800;
	s30 =	simm.s32 $0x5;
	s31 =	simm.s32 $0x1  }
0x6: {  	s28 =	simm.s32 $0x4;
	[smem:$0x7FF] =	sst s3;
	s4 =	sadd.s32 $0x5D400, s0  }
0x7: {  	s5 =	sadd.s32 $0x3400, s0;
	s6 =	sadd.s32 $0x2B400, s0;
	s7 =	sadd.s32 $0x58400, s0  }
0x8: {  	s8 =	sadd.s32 $0x53400, s0;
	s10 =	sadd.s32 $0x85400, s0;
	s9 =	sand.u32 $0x1, s9  }
0x9: {  	s18 =	sadd.s32 $0x85C00, s0;
	_ =	strace $0x8000004A;
	[dreg:$0x4] =	wrdreg s10  }
0xa: {  	s11 =	smul.u32 $0x280, s15;
	s12 =	sadd.s32 $0xADC00, s0;
	[dreg:$0x5] =	wrdreg s18  }
0xb: {  	s13 =	smul.u32 $0x50000, s15;
	s14 =	sadd.s32 $0xD5C00, s0;
	[dreg:$0x6] =	wrdreg s12  }
0xc: {  	s0 =	sadd.s32 $0xFDC00, s0;
	s22 =	smul.u32 $0x2800, s15;
	[dreg:$0x7] =	wrdreg s14  }
0xd: {  	s16 =	smul.u32 $0x500, s15;
	s19 =	ssub.s32 $0x2, s9;
	[dreg:$0x8] =	wrdreg s0  }
0xe: {  	p0 =	sne.s32 s9, $0x0;
	s9 =	simm.s32 $0x80;
	s10 =	simm.s32 $0x1A800  }
0xf: {  	s20 =	sshrl.u32 s19, $0x1;
	s21 =	sshrl.u32 s13, $0x2;
	s12 =	sadd.s32 $0x80, s11  }
0x10: {  	s24 =	sadd.s32 $0x100, s11;
	[dreg:$0x9] =	wrdreg s22;
	s17 =	sshrl.u32 s22, $0x3  }
0x11: {  	s25 =	sadd.s32 s7, s16;
	s26 =	sadd.s32 s8, s16;
	s18 =	sadd.s32 $0x180, s11  }
0x12: {  	s0 =	ssub.s32 s19, s20;
	s14 =	sadd.s32 s21, s2;
	[dreg:$0xa] =	wrdreg s25  }
0x13: {  	s23 =	sshll.u32 s12, $0x7;
	[dreg:$0xb] =	wrdreg s26;
	s13 =	sadd.s32 $0x280, s17  }
0x14: {  	s17 =	sshll.u32 s24, $0x7;
	s19 =	sadd.s32 $0x200, s11;
	s26 =	sshll.u32 s18, $0x7  }
0x15: {  	s24 =	sshll.u32 s24, $0x4;
	s25 =	sshll.u32 s18, $0x4;
	s15 =	sadd.s32 s23, s2  }
0x16: {  	s7 =	sadd.s32 s7, s13;
	s16 =	sadd.s32 s8, s13;
	s20 =	sadd.s32 s17, s2  }
.Ltmp0:
0x17: {  	s11 =	sshll.u32 s19, $0x7;
	s21 =	sadd.s32 s26, s2;
	(pc) =	sbr.rel .LBB2_1-.Ltmp0, $4  }
0x18: {  	s23 =	sshll.u32 s12, $0x4;
	s26 =	sshll.u32 s19, $0x4;
	[dreg:$0xc] =	wrdreg s7  }
0x19: {  	s0 =	smax.u32 s0, $0x1;
	s12 =	simm.s32 $0x3;
	[dreg:$0xd] =	wrdreg s16  }
0x1a: {  	s8 =	simm.s32 $0x0;
	s22 =	sadd.s32 s11, s2;
	[dreg:$0xe] =	wrdreg s0  }
0x1b: {  	s0 =	simm.s32 $0x14000;
	s7 =	simm.s32 $0x15400;
	s11 =	simm.s32 $0x2  }
.LBB2_22:
0x1c: {  	s13 =	sadd.s32 $0x14000, s16;
	[sflag:s28] =	ssyncadd.s32 $0xFFFFC000  }
0x1d: {  	[tilespmem:s29], [sflag:$0x1] =	stream.indirect.gather [hbm4b:s1+s9], $0x80, s13, s9, $0xb8;
	[tilespmem:$0x1E800] =	vst v63  }
0x1e: {  	s17 =	sadd.s32 $0x14080, s16  }
0x1f: {  	[tilespmem:s10], [sflag:$0x2] =	stream.indirect.gather [hbm4b:s1+s9], $0x80, s17, s9, $0xb8;
	[tilespmem:$0x1E800] =	vst v63  }
0x20: {  	_ =	swait.ge [sflag:s31], $0x4000  }
0x21: {  	[sflag:s31] =	ssyncset.done $0x0  }
0x22: {  	s18 =	sadd.s32 $0x15400, s16;
	[sflag:s31] =	ssyncadd.s32 $0xFFFFC000  }
0x23: {  	[spmem:s2] =	stream.indirect.scatter.add.f32 [tilespmem:s29], [sflag:$0x3], $0x80, s18, s9, $0xb8;
	[tilespmem:$0x1E800] =	vst v63  }
0x24: {  	_ =	swait.ge [sflag:s11], $0x4000  }
0x25: {  	[sflag:s11] =	ssyncset.done $0x0  }
0x26: {  	s19 =	sadd.s32 $0x15480, s16;
	[sflag:s11] =	ssyncadd.s32 $0xFFFFC000  }
0x27: {  	[spmem:s2] =	stream.indirect.scatter.add.f32 [tilespmem:s10], [sflag:$0x4], $0x80, s19, s9, $0xb8;
	[tilespmem:$0x1E800] =	vst v63  }
0x28: {  	_ =	swait.ge [sflag:s12], $0x4000  }
0x29: {  	[sflag:s12] =	ssyncset.done $0x0  }
0x2a: {  	[sflag:s12] =	ssyncadd.s32 $0xFFFFC000  }
0x2b: {  	_ =	swait.ge [sflag:s28], $0x4000  }
0x2c: {  	[sflag:s28] =	ssyncset.done $0x0  }
0x2d: {  	s16 =	rddreg [dreg:$0x8];
	[sflag:s28] =	ssyncadd.s32 $0xFFFFC000  }
.LBB2_23:
0x2e: {  	[bflag:$0x0] =	sbarrier.arrive $0xFFFF  }
0x2f: {  	[tilespmem:s29], [sflag:$0x5] =	stream.linear.gather [spmem:s14], $0x4000, $0x38;
	[tilespmem:$0x1E800] =	vst v63  }
0x30: {  	_ =	swait.ge [sflag:s30], $0x4000  }
0x31: {  	[sflag:s30] =	ssyncset.done $0x0;
	s13 =	rddreg [dreg:$0x9]  }
0x32: {  	s13 =	sadd.s32 s16, s13;
	[sflag:s30] =	ssyncadd.s32 $0xFFFFC000  }
0x33: {  	[hbm4b:s13+s3] =	stream.linear.scatter [tilespmem:s29], [sflag:$0x1], $0x4000, $0x38;
	[tilespmem:$0x1E800] =	vst v63  }
0x34: {  	_ = 	snop  }
0x35: {  	[tilespmem:s10], [sflag:$0x5] =	stream.linear.gather [spmem:s15], $0x4000, $0x38;
	[tilespmem:$0x1E800] =	vst v63  }
0x36: {  	_ =	swait.ge [sflag:s30], $0x4000  }
0x37: {  	[sflag:s30] =	ssyncset.done $0x0  }
0x38: {  	s18 =	sadd.s32 s16, s23;
	[sflag:s30] =	ssyncadd.s32 $0xFFFFC000  }
0x39: {  	[hbm4b:s18+s3] =	stream.linear.scatter [tilespmem:s10], [sflag:$0x2], $0x4000, $0x38;
	[tilespmem:$0x1E800] =	vst v63  }
0x3a: {  	_ =	swait.ge [sflag:s31], $0x4000  }
0x3b: {  	[sflag:s31] =	ssyncset.done $0x0  }
0x3c: {  	[sflag:s31] =	ssyncadd.s32 $0xFFFFC000  }
0x3d: {  	[tilespmem:s29], [sflag:$0x5] =	stream.linear.gather [spmem:s20], $0x4000, $0x38;
	[tilespmem:$0x1E800] =	vst v63  }
0x3e: {  	_ =	swait.ge [sflag:s30], $0x4000  }
0x3f: {  	[sflag:s30] =	ssyncset.done $0x0  }
0x40: {  	s19 =	sadd.s32 s16, s24;
	[sflag:s30] =	ssyncadd.s32 $0xFFFFC000  }
0x41: {  	[hbm4b:s19+s3] =	stream.linear.scatter [tilespmem:s29], [sflag:$0x1], $0x4000, $0x38;
	[tilespmem:$0x1E800] =	vst v63  }
0x42: {  	_ =	swait.ge [sflag:s11], $0x4000  }
0x43: {  	[sflag:s11] =	ssyncset.done $0x0  }
0x44: {  	[sflag:s11] =	ssyncadd.s32 $0xFFFFC000  }
0x45: {  	[tilespmem:s10], [sflag:$0x5] =	stream.linear.gather [spmem:s21], $0x4000, $0x38;
	[tilespmem:$0x1E800] =	vst v63  }
0x46: {  	_ =	swait.ge [sflag:s30], $0x4000  }
0x47: {  	[sflag:s30] =	ssyncset.done $0x0  }
0x48: {  	s17 =	sadd.s32 s16, s25;
	[sflag:s30] =	ssyncadd.s32 $0xFFFFC000  }
0x49: {  	[hbm4b:s17+s3] =	stream.linear.scatter [tilespmem:s10], [sflag:$0x2], $0x4000, $0x38;
	[tilespmem:$0x1E800] =	vst v63  }
0x4a: {  	_ =	swait.ge [sflag:s31], $0x4000  }
0x4b: {  	[sflag:s31] =	ssyncset.done $0x0  }
0x4c: {  	[sflag:s31] =	ssyncadd.s32 $0xFFFFC000  }
0x4d: {  	[tilespmem:s29], [sflag:$0x5] =	stream.linear.gather [spmem:s22], $0x4000, $0x38;
	[tilespmem:$0x1E800] =	vst v63  }
0x4e: {  	_ =	swait.ge [sflag:s30], $0x4000  }
0x4f: {  	[sflag:s30] =	ssyncset.done $0x0  }
0x50: {  	s18 =	sadd.s32 s16, s26;
	[sflag:s30] =	ssyncadd.s32 $0xFFFFC000  }
0x51: {  	[hbm4b:s18+s3] =	stream.linear.scatter [tilespmem:s29], [sflag:$0x1], $0x4000, $0x38;
	[tilespmem:$0x1E800] =	vst v63  }
0x52: {  	_ =	swait.ge [sflag:s31], $0x4000  }
0x53: {  	[sflag:s31] =	ssyncset.done $0x0  }
0x54: {  	[sflag:s31] =	ssyncadd.s32 $0xFFFFC000  }
0x55: {  	_ =	swait.ge [sflag:s11], $0x4000  }
0x56: {  	s8 =	sadd.s32 $0x1, s8;
	s19 =	rddreg [dreg:$0xe]  }
0x57: {  	p1 =	sne.s32 s8, s19  }
.Ltmp1:
0x58: {  	_ = 	snop;
	(pc) =	sbr.rel @!p1 .LBB2_24-.Ltmp1, $3  }
0x59: {  	[sflag:s11] =	ssyncset.done $0x0  }
0x5a: {  	[sflag:s11] =	ssyncadd.s32 $0xFFFFC000  }
0x5b: {  	[bflag:$0x0] =	sbarrier.arrive $0xFFFF;
	_ =	sdelay $0x1  }
.LBB2_1:
0x5c: {  	s13 =	rddreg [dreg:$0x4]  }
0x5d: {  	[tilespmem:s29], [sflag:$0x5] =	stream.linear.gather [hbm4b:s13+s3], $0x4000, $0x38;
	[tilespmem:$0x1E800] =	vst v63  }
0x5e: {  	_ =	swait.ge [sflag:s30], $0x4000  }
0x5f: {  	[sflag:s30] =	ssyncset.done $0x0  }
0x60: {  	[sflag:s30] =	ssyncadd.s32 $0xFFFFC000  }
0x61: {  	[spmem:s14] =	stream.linear.scatter [tilespmem:s29], [sflag:$0x1], $0x4000, $0x38;
	[tilespmem:$0x1E800] =	vst v63  }
0x62: {  	_ = 	snop  }
0x63: {  	[spmem:s15] =	stream.linear.scatter [tilespmem:s29], [sflag:$0x1], $0x4000, $0x38;
	[tilespmem:$0x1E800] =	vst v63  }
0x64: {  	_ = 	snop  }
0x65: {  	[spmem:s20] =	stream.linear.scatter [tilespmem:s29], [sflag:$0x1], $0x4000, $0x38;
	[tilespmem:$0x1E800] =	vst v63  }
0x66: {  	_ = 	snop  }
0x67: {  	[spmem:s21] =	stream.linear.scatter [tilespmem:s29], [sflag:$0x1], $0x4000, $0x38;
	[tilespmem:$0x1E800] =	vst v63  }
0x68: {  	_ = 	snop  }
0x69: {  	[spmem:s22] =	stream.linear.scatter [tilespmem:s29], [sflag:$0x1], $0x4000, $0x38;
	[tilespmem:$0x1E800] =	vst v63  }
0x6a: {  	_ =	swait.ge [sflag:s31], $0x4000  }
0x6b: {  	[sflag:s31] =	ssyncset.done $0x0  }
0x6c: {  	[sflag:s31] =	ssyncadd.s32 $0xFFFFC000  }
0x6d: {  	_ =	swait.ge [sflag:s31], $0x4000  }
0x6e: {  	[sflag:s31] =	ssyncset.done $0x0  }
0x6f: {  	[sflag:s31] =	ssyncadd.s32 $0xFFFFC000  }
0x70: {  	_ =	swait.ge [sflag:s31], $0x4000  }
0x71: {  	[sflag:s31] =	ssyncset.done $0x0  }
0x72: {  	[sflag:s31] =	ssyncadd.s32 $0xFFFFC000  }
0x73: {  	_ =	swait.ge [sflag:s31], $0x4000  }
0x74: {  	[sflag:s31] =	ssyncset.done $0x0  }
0x75: {  	[sflag:s31] =	ssyncadd.s32 $0xFFFFC000  }
0x76: {  	_ =	swait.ge [sflag:s31], $0x4000  }
0x77: {  	[sflag:s31] =	ssyncset.done $0x0  }
0x78: {  	[sflag:s31] =	ssyncadd.s32 $0xFFFFC000  }
0x79: {  	[bflag:$0x0] =	sbarrier.arrive $0xFFFF  }
0x7a: {  	s18 =	rddreg [dreg:$0xa]  }
0x7b: {  	[tilespmem:s0], [sflag:$0x5] =	stream.linear.gather [hbm4b:s18+s3], $0x1400, $0x38;
	[tilespmem:$0x1E800] =	vst v63  }
0x7c: {  	_ =	swait.ge [sflag:s30], $0x1400  }
0x7d: {  	[sflag:s30] =	ssyncset.done $0x0  }
.Ltmp2:
0x7e: {  	s19 =	rddreg [dreg:$0xb];
	[sflag:s30] =	ssyncadd.s32 $0xFFFFEC00;
	(pc) =	sbr.rel @p0 .LBB2_7-.Ltmp2, $4  }
0x7f: {  	[tilespmem:s7], [sflag:$0x5] =	stream.linear.gather [hbm4b:s19+s3], $0x1400, $0x38;
	[tilespmem:$0x1E800] =	vst v63  }
0x80: {  	_ =	swait.ge [sflag:s30], $0x1400  }
0x81: {  	[sflag:s30] =	ssyncset.done $0x0  }
0x82: {  	[sflag:s30] =	ssyncadd.s32 $0xFFFFEC00  }
0x83: {  	s16 =	simm.s32 $0x14000  }
0x84: {  	[tilespmem:s29], [sflag:$0x1] =	stream.indirect.gather [hbm4b:s4+s9], $0x80, s16, s9, $0xb8;
	[tilespmem:$0x1E800] =	vst v63  }
0x85: {  	s17 =	simm.s32 $0x14080  }
0x86: {  	[tilespmem:s10], [sflag:$0x2] =	stream.indirect.gather [hbm4b:s4+s9], $0x80, s17, s9, $0xb8;
	[tilespmem:$0x1E800] =	vst v63  }
0x87: {  	_ =	swait.ge [sflag:s31], $0x4000  }
0x88: {  	[sflag:s31] =	ssyncset.done $0x0  }
0x89: {  	s18 =	simm.s32 $0x15400;
	[sflag:s31] =	ssyncadd.s32 $0xFFFFC000  }
0x8a: {  	[spmem:s2] =	stream.indirect.scatter.add.f32 [tilespmem:s29], [sflag:$0x3], $0x80, s18, s9, $0xb8;
	[tilespmem:$0x1E800] =	vst v63  }
0x8b: {  	_ =	swait.ge [sflag:s11], $0x4000  }
0x8c: {  	[sflag:s11] =	ssyncset.done $0x0  }
0x8d: {  	s19 =	simm.s32 $0x15480;
	[sflag:s11] =	ssyncadd.s32 $0xFFFFC000  }
0x8e: {  	[spmem:s2] =	stream.indirect.scatter.add.f32 [tilespmem:s10], [sflag:$0x4], $0x80, s19, s9, $0xb8;
	[tilespmem:$0x1E800] =	vst v63  }
0x8f: {  	_ =	swait.ge [sflag:s12], $0x4000  }
0x90: {  	[sflag:s12] =	ssyncset.done $0x0  }
0x91: {  	[sflag:s12] =	ssyncadd.s32 $0xFFFFC000  }
0x92: {  	_ =	swait.ge [sflag:s28], $0x4000  }
0x93: {  	s16 =	simm.s32 $0x100;
	s17 =	simm.s32 $0x800;
	[sflag:s28] =	ssyncset.done $0x0  }
.LBB2_3:
0x94: {  	s18 =	sadd.s32 $0x14000, s16  }
0x95: {  	[sflag:s28] =	ssyncadd.s32 $0xFFFFC000;
	s19 =	smov.u32 s17;
	s13 =	sadd.s32 $0x400, s17  }
0x96: {  	[tilespmem:s29], [sflag:$0x1] =	stream.indirect.gather [hbm4b:s4+s9], $0x80, s18, s9, $0xb8;
	[tilespmem:$0x1E800] =	vst v63  }
0x97: {  	p1 =	sne.s32 s17, $0x4C00;
	s17 =	sadd.s32 $0x14080, s16  }
0x98: {  	[tilespmem:s10], [sflag:$0x2] =	stream.indirect.gather [hbm4b:s4+s9], $0x80, s17, s9, $0xb8;
	[tilespmem:$0x1E800] =	vst v63  }
0x99: {  	_ =	swait.ge [sflag:s31], $0x4000  }
0x9a: {  	[sflag:s31] =	ssyncset.done $0x0  }
0x9b: {  	s17 =	sadd.s32 $0x15400, s16;
	[sflag:s31] =	ssyncadd.s32 $0xFFFFC000  }
0x9c: {  	[spmem:s2] =	stream.indirect.scatter.add.f32 [tilespmem:s29], [sflag:$0x3], $0x80, s17, s9, $0xb8;
	[tilespmem:$0x1E800] =	vst v63  }
0x9d: {  	_ =	swait.ge [sflag:s11], $0x4000  }
0x9e: {  	[sflag:s11] =	ssyncset.done $0x0  }
0x9f: {  	s16 =	sadd.s32 $0x15480, s16;
	[sflag:s11] =	ssyncadd.s32 $0xFFFFC000  }
0xa0: {  	[spmem:s2] =	stream.indirect.scatter.add.f32 [tilespmem:s10], [sflag:$0x4], $0x80, s16, s9, $0xb8;
	[tilespmem:$0x1E800] =	vst v63  }
.Ltmp3:
0xa1: {  	_ =	swait.ge [sflag:s12], $0x4000;
	(pc) =	sbr.rel @p1 .LBB2_3-.Ltmp3, $4  }
0xa2: {  	[sflag:s12] =	ssyncset.done $0x0  }
0xa3: {  	[sflag:s12] =	ssyncadd.s32 $0xFFFFC000  }
0xa4: {  	_ =	swait.ge [sflag:s28], $0x4000  }
0xa5: {  	s17 =	smov.u32 s13;
	s16 =	sshra.s32 s19, $0x2;
	[sflag:s28] =	ssyncset.done $0x0  }
0xa6: {  	s13 =	sadd.s32 $0x14000, s16;
	[sflag:s28] =	ssyncadd.s32 $0xFFFFC000  }
0xa7: {  	[tilespmem:s29], [sflag:$0x1] =	stream.indirect.gather [hbm4b:s4+s9], $0x80, s13, s9, $0xb8;
	[tilespmem:$0x1E800] =	vst v63  }
0xa8: {  	s18 =	sadd.s32 $0x14080, s16  }
0xa9: {  	[tilespmem:s10], [sflag:$0x2] =	stream.indirect.gather [hbm4b:s4+s9], $0x80, s18, s9, $0xb8;
	[tilespmem:$0x1E800] =	vst v63  }
0xaa: {  	_ =	swait.ge [sflag:s31], $0x4000  }
0xab: {  	[sflag:s31] =	ssyncset.done $0x0  }
0xac: {  	s19 =	sadd.s32 $0x15400, s16;
	[sflag:s31] =	ssyncadd.s32 $0xFFFFC000  }
0xad: {  	[spmem:s2] =	stream.indirect.scatter.add.f32 [tilespmem:s29], [sflag:$0x3], $0x80, s19, s9, $0xb8;
	[tilespmem:$0x1E800] =	vst v63  }
0xae: {  	_ =	swait.ge [sflag:s11], $0x4000  }
0xaf: {  	[sflag:s11] =	ssyncset.done $0x0  }
0xb0: {  	s16 =	sadd.s32 $0x15480, s16;
	[sflag:s11] =	ssyncadd.s32 $0xFFFFC000  }
0xb1: {  	[spmem:s2] =	stream.indirect.scatter.add.f32 [tilespmem:s10], [sflag:$0x4], $0x80, s16, s9, $0xb8;
	[tilespmem:$0x1E800] =	vst v63  }
0xb2: {  	_ =	swait.ge [sflag:s12], $0x4000  }
0xb3: {  	[sflag:s12] =	ssyncset.done $0x0  }
0xb4: {  	[sflag:s12] =	ssyncadd.s32 $0xFFFFC000  }
0xb5: {  	_ =	swait.ge [sflag:s28], $0x4000  }
0xb6: {  	[sflag:s28] =	ssyncset.done $0x0  }
0xb7: {  	s17 =	simm.s32 $0x0;
	s18 =	rddreg [dreg:$0xc];
	[sflag:s28] =	ssyncadd.s32 $0xFFFFC000  }
0xb8: {  	[tilespmem:s0], [sflag:$0x5] =	stream.linear.gather [hbm4b:s18+s17], $0x1400, $0x38;
	[tilespmem:$0x1E800] =	vst v63  }
0xb9: {  	_ =	swait.ge [sflag:s30], $0x1400  }
0xba: {  	[sflag:s30] =	ssyncset.done $0x0  }
0xbb: {  	s19 =	rddreg [dreg:$0xd];
	[sflag:s30] =	ssyncadd.s32 $0xFFFFEC00  }
0xbc: {  	[tilespmem:s7], [sflag:$0x5] =	stream.linear.gather [hbm4b:s19+s17], $0x1400, $0x38;
	[tilespmem:$0x1E800] =	vst v63  }
0xbd: {  	_ =	swait.ge [sflag:s30], $0x1400  }
0xbe: {  	[sflag:s30] =	ssyncset.done $0x0  }
0xbf: {  	s16 =	simm.s32 $0x14000;
	[sflag:s30] =	ssyncadd.s32 $0xFFFFEC00  }
0xc0: {  	[tilespmem:s29], [sflag:$0x1] =	stream.indirect.gather [hbm4b:s4+s9], $0x80, s16, s9, $0xb8;
	[tilespmem:$0x1E800] =	vst v63  }
0xc1: {  	s17 =	simm.s32 $0x14080  }
0xc2: {  	[tilespmem:s10], [sflag:$0x2] =	stream.indirect.gather [hbm4b:s4+s9], $0x80, s17, s9, $0xb8;
	[tilespmem:$0x1E800] =	vst v63  }
0xc3: {  	_ =	swait.ge [sflag:s31], $0x4000  }
0xc4: {  	[sflag:s31] =	ssyncset.done $0x0  }
0xc5: {  	s18 =	simm.s32 $0x15400;
	[sflag:s31] =	ssyncadd.s32 $0xFFFFC000  }
0xc6: {  	[spmem:s2] =	stream.indirect.scatter.add.f32 [tilespmem:s29], [sflag:$0x3], $0x80, s18, s9, $0xb8;
	[tilespmem:$0x1E800] =	vst v63  }
0xc7: {  	_ =	swait.ge [sflag:s11], $0x4000  }
0xc8: {  	[sflag:s11] =	ssyncset.done $0x0  }
0xc9: {  	s19 =	simm.s32 $0x15480;
	[sflag:s11] =	ssyncadd.s32 $0xFFFFC000  }
0xca: {  	[spmem:s2] =	stream.indirect.scatter.add.f32 [tilespmem:s10], [sflag:$0x4], $0x80, s19, s9, $0xb8;
	[tilespmem:$0x1E800] =	vst v63  }
0xcb: {  	_ =	swait.ge [sflag:s12], $0x4000  }
0xcc: {  	[sflag:s12] =	ssyncset.done $0x0  }
0xcd: {  	[sflag:s12] =	ssyncadd.s32 $0xFFFFC000  }
0xce: {  	_ =	swait.ge [sflag:s28], $0x4000  }
0xcf: {  	s16 =	simm.s32 $0x100;
	s17 =	simm.s32 $0x800;
	[sflag:s28] =	ssyncset.done $0x0  }
.LBB2_5:
0xd0: {  	s13 =	sadd.s32 $0x14000, s16  }
0xd1: {  	[sflag:s28] =	ssyncadd.s32 $0xFFFFC000;
	s18 =	smov.u32 s17;
	s19 =	sadd.s32 $0x400, s17  }
0xd2: {  	[tilespmem:s29], [sflag:$0x1] =	stream.indirect.gather [hbm4b:s4+s9], $0x80, s13, s9, $0xb8;
	[tilespmem:$0x1E800] =	vst v63  }
0xd3: {  	p1 =	seq.s32 s17, $0x4C00;
	s13 =	sadd.s32 $0x14080, s16  }
0xd4: {  	[tilespmem:s10], [sflag:$0x2] =	stream.indirect.gather [hbm4b:s4+s9], $0x80, s13, s9, $0xb8;
	[tilespmem:$0x1E800] =	vst v63  }
0xd5: {  	_ =	swait.ge [sflag:s31], $0x4000  }
0xd6: {  	[sflag:s31] =	ssyncset.done $0x0  }
0xd7: {  	s13 =	sadd.s32 $0x15400, s16;
	[sflag:s31] =	ssyncadd.s32 $0xFFFFC000  }
0xd8: {  	[spmem:s2] =	stream.indirect.scatter.add.f32 [tilespmem:s29], [sflag:$0x3], $0x80, s13, s9, $0xb8;
	[tilespmem:$0x1E800] =	vst v63  }
0xd9: {  	_ =	swait.ge [sflag:s11], $0x4000  }
0xda: {  	[sflag:s11] =	ssyncset.done $0x0  }
0xdb: {  	s13 =	sadd.s32 $0x15480, s16;
	[sflag:s11] =	ssyncadd.s32 $0xFFFFC000  }
0xdc: {  	[spmem:s2] =	stream.indirect.scatter.add.f32 [tilespmem:s10], [sflag:$0x4], $0x80, s13, s9, $0xb8;
	[tilespmem:$0x1E800] =	vst v63  }
.Ltmp4:
0xdd: {  	_ =	swait.ge [sflag:s12], $0x4000;
	(pc) =	sbr.rel @!p1 .LBB2_5-.Ltmp4, $4  }
0xde: {  	[sflag:s12] =	ssyncset.done $0x0  }
0xdf: {  	[sflag:s12] =	ssyncadd.s32 $0xFFFFC000  }
0xe0: {  	_ =	swait.ge [sflag:s28], $0x4000  }
0xe1: {  	s17 =	smov.u32 s19;
	s16 =	sshra.s32 s18, $0x2;
	[sflag:s28] =	ssyncset.done $0x0  }
0xe2: {  	s13 =	sadd.s32 $0x14000, s16;
	[sflag:s28] =	ssyncadd.s32 $0xFFFFC000  }
0xe3: {  	[tilespmem:s29], [sflag:$0x1] =	stream.indirect.gather [hbm4b:s4+s9], $0x80, s13, s9, $0xb8;
	[tilespmem:$0x1E800] =	vst v63  }
0xe4: {  	s17 =	sadd.s32 $0x14080, s16  }
0xe5: {  	[tilespmem:s10], [sflag:$0x2] =	stream.indirect.gather [hbm4b:s4+s9], $0x80, s17, s9, $0xb8;
	[tilespmem:$0x1E800] =	vst v63  }
0xe6: {  	_ =	swait.ge [sflag:s31], $0x4000  }
0xe7: {  	[sflag:s31] =	ssyncset.done $0x0  }
0xe8: {  	s18 =	sadd.s32 $0x15400, s16;
	[sflag:s31] =	ssyncadd.s32 $0xFFFFC000  }
0xe9: {  	[spmem:s2] =	stream.indirect.scatter.add.f32 [tilespmem:s29], [sflag:$0x3], $0x80, s18, s9, $0xb8;
	[tilespmem:$0x1E800] =	vst v63  }
0xea: {  	_ =	swait.ge [sflag:s11], $0x4000  }
0xeb: {  	[sflag:s11] =	ssyncset.done $0x0  }
0xec: {  	s19 =	sadd.s32 $0x15480, s16;
	[sflag:s11] =	ssyncadd.s32 $0xFFFFC000  }
0xed: {  	[spmem:s2] =	stream.indirect.scatter.add.f32 [tilespmem:s10], [sflag:$0x4], $0x80, s19, s9, $0xb8;
	[tilespmem:$0x1E800] =	vst v63  }
0xee: {  	_ =	swait.ge [sflag:s12], $0x4000  }
.Ltmp5:
0xef: {  	[sflag:s12] =	ssyncset.done $0x0;
	(pc) =	sbr.rel .LBB2_12-.Ltmp5, $4  }
0xf0: {  	[sflag:s12] =	ssyncadd.s32 $0xFFFFC000  }
0xf1: {  	_ =	swait.ge [sflag:s28], $0x4000  }
0xf2: {  	[sflag:s28] =	ssyncset.done $0x0  }
0xf3: {  	s17 =	rddreg [dreg:$0x5];
	[sflag:s28] =	ssyncadd.s32 $0xFFFFC000  }
.LBB2_7:
0xf4: {  	s13 =	simm.s32 $0x14000  }
0xf5: {  	[tilespmem:s29], [sflag:$0x1] =	stream.indirect.gather [hbm4b:s6+s9], $0x80, s13, s9, $0xb8;
	[tilespmem:$0x1E800] =	vst v63  }
0xf6: {  	s17 =	simm.s32 $0x14080  }
0xf7: {  	[tilespmem:s10], [sflag:$0x2] =	stream.indirect.gather [hbm4b:s6+s9], $0x80, s17, s9, $0xb8;
	[tilespmem:$0x1E800] =	vst v63  }
0xf8: {  	_ =	swait.ge [sflag:s31], $0x4000  }
0xf9: {  	[sflag:s31] =	ssyncset.done $0x0  }
0xfa: {  	s18 =	simm.s32 $0x15400;
	[sflag:s31] =	ssyncadd.s32 $0xFFFFC000  }
0xfb: {  	[spmem:s2] =	stream.indirect.scatter.add.f32 [tilespmem:s29], [sflag:$0x3], $0x80, s18, s9, $0xb8;
	[tilespmem:$0x1E800] =	vst v63  }
0xfc: {  	_ =	swait.ge [sflag:s11], $0x4000  }
0xfd: {  	[sflag:s11] =	ssyncset.done $0x0  }
0xfe: {  	s19 =	simm.s32 $0x15480;
	[sflag:s11] =	ssyncadd.s32 $0xFFFFC000  }
0xff: {  	[spmem:s2] =	stream.indirect.scatter.add.f32 [tilespmem:s10], [sflag:$0x4], $0x80, s19, s9, $0xb8;
	[tilespmem:$0x1E800] =	vst v63  }
0x100: {  	_ =	swait.ge [sflag:s12], $0x4000  }
0x101: {  	[sflag:s12] =	ssyncset.done $0x0  }
0x102: {  	[sflag:s12] =	ssyncadd.s32 $0xFFFFC000  }
0x103: {  	_ =	swait.ge [sflag:s28], $0x4000  }
0x104: {  	s16 =	simm.s32 $0x100;
	s17 =	simm.s32 $0x800;
	[sflag:s28] =	ssyncset.done $0x0  }
.LBB2_8:
0x105: {  	s13 =	sadd.s32 $0x14000, s16  }
0x106: {  	[sflag:s28] =	ssyncadd.s32 $0xFFFFC000;
	s18 =	smov.u32 s17;
	s19 =	sadd.s32 $0x400, s17  }
0x107: {  	[tilespmem:s29], [sflag:$0x1] =	stream.indirect.gather [hbm4b:s6+s9], $0x80, s13, s9, $0xb8;
	[tilespmem:$0x1E800] =	vst v63  }
0x108: {  	p1 =	sne.s32 s17, $0x4C00;
	s13 =	sadd.s32 $0x14080, s16  }
0x109: {  	[tilespmem:s10], [sflag:$0x2] =	stream.indirect.gather [hbm4b:s6+s9], $0x80, s13, s9, $0xb8;
	[tilespmem:$0x1E800] =	vst v63  }
0x10a: {  	_ =	swait.ge [sflag:s31], $0x4000  }
0x10b: {  	[sflag:s31] =	ssyncset.done $0x0  }
0x10c: {  	s13 =	sadd.s32 $0x15400, s16;
	[sflag:s31] =	ssyncadd.s32 $0xFFFFC000  }
0x10d: {  	[spmem:s2] =	stream.indirect.scatter.add.f32 [tilespmem:s29], [sflag:$0x3], $0x80, s13, s9, $0xb8;
	[tilespmem:$0x1E800] =	vst v63  }
0x10e: {  	_ =	swait.ge [sflag:s11], $0x4000  }
0x10f: {  	[sflag:s11] =	ssyncset.done $0x0  }
0x110: {  	s13 =	sadd.s32 $0x15480, s16;
	[sflag:s11] =	ssyncadd.s32 $0xFFFFC000  }
0x111: {  	[spmem:s2] =	stream.indirect.scatter.add.f32 [tilespmem:s10], [sflag:$0x4], $0x80, s13, s9, $0xb8;
	[tilespmem:$0x1E800] =	vst v63  }
.Ltmp6:
0x112: {  	_ =	swait.ge [sflag:s12], $0x4000;
	(pc) =	sbr.rel @p1 .LBB2_8-.Ltmp6, $4  }
0x113: {  	[sflag:s12] =	ssyncset.done $0x0  }
0x114: {  	[sflag:s12] =	ssyncadd.s32 $0xFFFFC000  }
0x115: {  	_ =	swait.ge [sflag:s28], $0x4000  }
0x116: {  	s17 =	smov.u32 s19;
	s16 =	sshra.s32 s18, $0x2;
	[sflag:s28] =	ssyncset.done $0x0  }
0x117: {  	s13 =	sadd.s32 $0x14000, s16;
	[sflag:s28] =	ssyncadd.s32 $0xFFFFC000  }
0x118: {  	[tilespmem:s29], [sflag:$0x1] =	stream.indirect.gather [hbm4b:s6+s9], $0x80, s13, s9, $0xb8;
	[tilespmem:$0x1E800] =	vst v63  }
0x119: {  	s18 =	sadd.s32 $0x14080, s16  }
0x11a: {  	[tilespmem:s10], [sflag:$0x2] =	stream.indirect.gather [hbm4b:s6+s9], $0x80, s18, s9, $0xb8;
	[tilespmem:$0x1E800] =	vst v63  }
0x11b: {  	_ =	swait.ge [sflag:s31], $0x4000  }
0x11c: {  	[sflag:s31] =	ssyncset.done $0x0  }
0x11d: {  	s19 =	sadd.s32 $0x15400, s16;
	[sflag:s31] =	ssyncadd.s32 $0xFFFFC000  }
0x11e: {  	[spmem:s2] =	stream.indirect.scatter.add.f32 [tilespmem:s29], [sflag:$0x3], $0x80, s19, s9, $0xb8;
	[tilespmem:$0x1E800] =	vst v63  }
0x11f: {  	_ =	swait.ge [sflag:s11], $0x4000  }
0x120: {  	[sflag:s11] =	ssyncset.done $0x0  }
0x121: {  	s16 =	sadd.s32 $0x15480, s16;
	[sflag:s11] =	ssyncadd.s32 $0xFFFFC000  }
0x122: {  	[spmem:s2] =	stream.indirect.scatter.add.f32 [tilespmem:s10], [sflag:$0x4], $0x80, s16, s9, $0xb8;
	[tilespmem:$0x1E800] =	vst v63  }
0x123: {  	_ =	swait.ge [sflag:s12], $0x4000  }
0x124: {  	[sflag:s12] =	ssyncset.done $0x0  }
0x125: {  	[sflag:s12] =	ssyncadd.s32 $0xFFFFC000  }
0x126: {  	_ =	swait.ge [sflag:s28], $0x4000  }
0x127: {  	[sflag:s28] =	ssyncset.done $0x0  }
0x128: {  	s17 =	simm.s32 $0x0;
	s18 =	rddreg [dreg:$0xc];
	[sflag:s28] =	ssyncadd.s32 $0xFFFFC000  }
0x129: {  	[tilespmem:s0], [sflag:$0x5] =	stream.linear.gather [hbm4b:s18+s17], $0x1400, $0x38;
	[tilespmem:$0x1E800] =	vst v63  }
0x12a: {  	_ =	swait.ge [sflag:s30], $0x1400  }
0x12b: {  	[sflag:s30] =	ssyncset.done $0x0  }
0x12c: {  	s19 =	rddreg [dreg:$0xd];
	[sflag:s30] =	ssyncadd.s32 $0xFFFFEC00  }
0x12d: {  	[tilespmem:s7], [sflag:$0x5] =	stream.linear.gather [hbm4b:s19+s17], $0x1400, $0x38;
	[tilespmem:$0x1E800] =	vst v63  }
0x12e: {  	_ =	swait.ge [sflag:s30], $0x1400  }
0x12f: {  	[sflag:s30] =	ssyncset.done $0x0  }
0x130: {  	s16 =	simm.s32 $0x14000;
	[sflag:s30] =	ssyncadd.s32 $0xFFFFEC00  }
0x131: {  	[tilespmem:s29], [sflag:$0x1] =	stream.indirect.gather [hbm4b:s6+s9], $0x80, s16, s9, $0xb8;
	[tilespmem:$0x1E800] =	vst v63  }
0x132: {  	s17 =	simm.s32 $0x14080  }
0x133: {  	[tilespmem:s10], [sflag:$0x2] =	stream.indirect.gather [hbm4b:s6+s9], $0x80, s17, s9, $0xb8;
	[tilespmem:$0x1E800] =	vst v63  }
0x134: {  	_ =	swait.ge [sflag:s31], $0x4000  }
0x135: {  	[sflag:s31] =	ssyncset.done $0x0  }
0x136: {  	s18 =	simm.s32 $0x15400;
	[sflag:s31] =	ssyncadd.s32 $0xFFFFC000  }
0x137: {  	[spmem:s2] =	stream.indirect.scatter.add.f32 [tilespmem:s29], [sflag:$0x3], $0x80, s18, s9, $0xb8;
	[tilespmem:$0x1E800] =	vst v63  }
0x138: {  	_ =	swait.ge [sflag:s11], $0x4000  }
0x139: {  	[sflag:s11] =	ssyncset.done $0x0  }
0x13a: {  	s19 =	simm.s32 $0x15480;
	[sflag:s11] =	ssyncadd.s32 $0xFFFFC000  }
0x13b: {  	[spmem:s2] =	stream.indirect.scatter.add.f32 [tilespmem:s10], [sflag:$0x4], $0x80, s19, s9, $0xb8;
	[tilespmem:$0x1E800] =	vst v63  }
0x13c: {  	_ =	swait.ge [sflag:s12], $0x4000  }
0x13d: {  	[sflag:s12] =	ssyncset.done $0x0  }
0x13e: {  	[sflag:s12] =	ssyncadd.s32 $0xFFFFC000  }
0x13f: {  	_ =	swait.ge [sflag:s28], $0x4000  }
0x140: {  	s16 =	simm.s32 $0x100;
	s17 =	simm.s32 $0x800;
	[sflag:s28] =	ssyncset.done $0x0  }
.LBB2_10:
0x141: {  	s13 =	sadd.s32 $0x14000, s16  }
0x142: {  	[sflag:s28] =	ssyncadd.s32 $0xFFFFC000;
	s18 =	smov.u32 s17;
	s19 =	sadd.s32 $0x400, s17  }
0x143: {  	[tilespmem:s29], [sflag:$0x1] =	stream.indirect.gather [hbm4b:s6+s9], $0x80, s13, s9, $0xb8;
	[tilespmem:$0x1E800] =	vst v63  }
0x144: {  	p1 =	sne.s32 s17, $0x4C00;
	s13 =	sadd.s32 $0x14080, s16  }
0x145: {  	[tilespmem:s10], [sflag:$0x2] =	stream.indirect.gather [hbm4b:s6+s9], $0x80, s13, s9, $0xb8;
	[tilespmem:$0x1E800] =	vst v63  }
0x146: {  	_ =	swait.ge [sflag:s31], $0x4000  }
0x147: {  	[sflag:s31] =	ssyncset.done $0x0  }
0x148: {  	s13 =	sadd.s32 $0x15400, s16;
	[sflag:s31] =	ssyncadd.s32 $0xFFFFC000  }
0x149: {  	[spmem:s2] =	stream.indirect.scatter.add.f32 [tilespmem:s29], [sflag:$0x3], $0x80, s13, s9, $0xb8;
	[tilespmem:$0x1E800] =	vst v63  }
0x14a: {  	_ =	swait.ge [sflag:s11], $0x4000  }
0x14b: {  	[sflag:s11] =	ssyncset.done $0x0  }
0x14c: {  	s13 =	sadd.s32 $0x15480, s16;
	[sflag:s11] =	ssyncadd.s32 $0xFFFFC000  }
0x14d: {  	[spmem:s2] =	stream.indirect.scatter.add.f32 [tilespmem:s10], [sflag:$0x4], $0x80, s13, s9, $0xb8;
	[tilespmem:$0x1E800] =	vst v63  }
.Ltmp7:
0x14e: {  	_ =	swait.ge [sflag:s12], $0x4000;
	(pc) =	sbr.rel @p1 .LBB2_10-.Ltmp7, $4  }
0x14f: {  	[sflag:s12] =	ssyncset.done $0x0  }
0x150: {  	[sflag:s12] =	ssyncadd.s32 $0xFFFFC000  }
0x151: {  	_ =	swait.ge [sflag:s28], $0x4000  }
0x152: {  	s17 =	smov.u32 s19;
	s16 =	sshra.s32 s18, $0x2;
	[sflag:s28] =	ssyncset.done $0x0  }
0x153: {  	s13 =	sadd.s32 $0x14000, s16;
	[sflag:s28] =	ssyncadd.s32 $0xFFFFC000  }
0x154: {  	[tilespmem:s29], [sflag:$0x1] =	stream.indirect.gather [hbm4b:s6+s9], $0x80, s13, s9, $0xb8;
	[tilespmem:$0x1E800] =	vst v63  }
0x155: {  	s17 =	sadd.s32 $0x14080, s16  }
0x156: {  	[tilespmem:s10], [sflag:$0x2] =	stream.indirect.gather [hbm4b:s6+s9], $0x80, s17, s9, $0xb8;
	[tilespmem:$0x1E800] =	vst v63  }
0x157: {  	_ =	swait.ge [sflag:s31], $0x4000  }
0x158: {  	[sflag:s31] =	ssyncset.done $0x0  }
0x159: {  	s18 =	sadd.s32 $0x15400, s16;
	[sflag:s31] =	ssyncadd.s32 $0xFFFFC000  }
0x15a: {  	[spmem:s2] =	stream.indirect.scatter.add.f32 [tilespmem:s29], [sflag:$0x3], $0x80, s18, s9, $0xb8;
	[tilespmem:$0x1E800] =	vst v63  }
0x15b: {  	_ =	swait.ge [sflag:s11], $0x4000  }
0x15c: {  	[sflag:s11] =	ssyncset.done $0x0  }
0x15d: {  	s19 =	sadd.s32 $0x15480, s16;
	[sflag:s11] =	ssyncadd.s32 $0xFFFFC000  }
0x15e: {  	[spmem:s2] =	stream.indirect.scatter.add.f32 [tilespmem:s10], [sflag:$0x4], $0x80, s19, s9, $0xb8;
	[tilespmem:$0x1E800] =	vst v63  }
0x15f: {  	_ =	swait.ge [sflag:s12], $0x4000  }
0x160: {  	[sflag:s12] =	ssyncset.done $0x0  }
0x161: {  	[sflag:s12] =	ssyncadd.s32 $0xFFFFC000  }
0x162: {  	_ =	swait.ge [sflag:s28], $0x4000  }
0x163: {  	[sflag:s28] =	ssyncset.done $0x0  }
0x164: {  	s17 =	rddreg [dreg:$0x7];
	[sflag:s28] =	ssyncadd.s32 $0xFFFFC000  }
.LBB2_12:
0x165: {  	[bflag:$0x0] =	sbarrier.arrive $0xFFFF  }
0x166: {  	[tilespmem:s29], [sflag:$0x5] =	stream.linear.gather [spmem:s14], $0x4000, $0x38;
	[tilespmem:$0x1E800] =	vst v63  }
0x167: {  	_ =	swait.ge [sflag:s30], $0x4000  }
0x168: {  	[sflag:s30] =	ssyncset.done $0x0;
	s13 =	rddreg [dreg:$0x9]  }
0x169: {  	s16 =	simm.s32 $0x0;
	s13 =	sadd.s32 s17, s13;
	[sflag:s30] =	ssyncadd.s32 $0xFFFFC000  }
0x16a: {  	[hbm4b:s13+s16] =	stream.linear.scatter [tilespmem:s29], [sflag:$0x1], $0x4000, $0x38;
	[tilespmem:$0x1E800] =	vst v63  }
0x16b: {  	_ = 	snop  }
0x16c: {  	[tilespmem:s10], [sflag:$0x5] =	stream.linear.gather [spmem:s15], $0x4000, $0x38;
	[tilespmem:$0x1E800] =	vst v63  }
0x16d: {  	_ =	swait.ge [sflag:s30], $0x4000  }
0x16e: {  	[sflag:s30] =	ssyncset.done $0x0  }
0x16f: {  	s18 =	sadd.s32 s17, s23;
	[sflag:s30] =	ssyncadd.s32 $0xFFFFC000  }
0x170: {  	[hbm4b:s18+s16] =	stream.linear.scatter [tilespmem:s10], [sflag:$0x2], $0x4000, $0x38;
	[tilespmem:$0x1E800] =	vst v63  }
0x171: {  	_ =	swait.ge [sflag:s31], $0x4000  }
0x172: {  	[sflag:s31] =	ssyncset.done $0x0  }
0x173: {  	[sflag:s31] =	ssyncadd.s32 $0xFFFFC000  }
0x174: {  	[tilespmem:s29], [sflag:$0x5] =	stream.linear.gather [spmem:s20], $0x4000, $0x38;
	[tilespmem:$0x1E800] =	vst v63  }
0x175: {  	_ =	swait.ge [sflag:s30], $0x4000  }
0x176: {  	[sflag:s30] =	ssyncset.done $0x0  }
0x177: {  	s19 =	sadd.s32 s17, s24;
	[sflag:s30] =	ssyncadd.s32 $0xFFFFC000  }
0x178: {  	[hbm4b:s19+s16] =	stream.linear.scatter [tilespmem:s29], [sflag:$0x1], $0x4000, $0x38;
	[tilespmem:$0x1E800] =	vst v63  }
0x179: {  	_ =	swait.ge [sflag:s11], $0x4000  }
0x17a: {  	[sflag:s11] =	ssyncset.done $0x0  }
0x17b: {  	[sflag:s11] =	ssyncadd.s32 $0xFFFFC000  }
0x17c: {  	[tilespmem:s10], [sflag:$0x5] =	stream.linear.gather [spmem:s21], $0x4000, $0x38;
	[tilespmem:$0x1E800] =	vst v63  }
0x17d: {  	_ =	swait.ge [sflag:s30], $0x4000  }
0x17e: {  	[sflag:s30] =	ssyncset.done $0x0  }
0x17f: {  	s18 =	sadd.s32 s17, s25;
	[sflag:s30] =	ssyncadd.s32 $0xFFFFC000  }
0x180: {  	[hbm4b:s18+s16] =	stream.linear.scatter [tilespmem:s10], [sflag:$0x2], $0x4000, $0x38;
	[tilespmem:$0x1E800] =	vst v63  }
0x181: {  	_ =	swait.ge [sflag:s31], $0x4000  }
0x182: {  	[sflag:s31] =	ssyncset.done $0x0  }
0x183: {  	[sflag:s31] =	ssyncadd.s32 $0xFFFFC000  }
0x184: {  	[tilespmem:s29], [sflag:$0x5] =	stream.linear.gather [spmem:s22], $0x4000, $0x38;
	[tilespmem:$0x1E800] =	vst v63  }
0x185: {  	_ =	swait.ge [sflag:s30], $0x4000  }
0x186: {  	[sflag:s30] =	ssyncset.done $0x0  }
0x187: {  	s19 =	sadd.s32 s17, s26;
	[sflag:s30] =	ssyncadd.s32 $0xFFFFC000  }
0x188: {  	[hbm4b:s19+s16] =	stream.linear.scatter [tilespmem:s29], [sflag:$0x1], $0x4000, $0x38;
	[tilespmem:$0x1E800] =	vst v63  }
0x189: {  	_ =	swait.ge [sflag:s31], $0x4000  }
0x18a: {  	[sflag:s31] =	ssyncset.done $0x0  }
0x18b: {  	[sflag:s31] =	ssyncadd.s32 $0xFFFFC000  }
0x18c: {  	_ =	swait.ge [sflag:s11], $0x4000  }
0x18d: {  	[sflag:s11] =	ssyncset.done $0x0  }
0x18e: {  	[sflag:s11] =	ssyncadd.s32 $0xFFFFC000  }
0x18f: {  	[bflag:$0x0] =	sbarrier.arrive $0xFFFF  }
0x190: {  	s17 =	rddreg [dreg:$0x4]  }
0x191: {  	[tilespmem:s29], [sflag:$0x5] =	stream.linear.gather [hbm4b:s17+s16], $0x4000, $0x38;
	[tilespmem:$0x1E800] =	vst v63  }
0x192: {  	_ =	swait.ge [sflag:s30], $0x4000  }
0x193: {  	[sflag:s30] =	ssyncset.done $0x0  }
0x194: {  	[sflag:s30] =	ssyncadd.s32 $0xFFFFC000  }
0x195: {  	[spmem:s14] =	stream.linear.scatter [tilespmem:s29], [sflag:$0x1], $0x4000, $0x38;
	[tilespmem:$0x1E800] =	vst v63  }
0x196: {  	_ = 	snop  }
0x197: {  	[spmem:s15] =	stream.linear.scatter [tilespmem:s29], [sflag:$0x1], $0x4000, $0x38;
	[tilespmem:$0x1E800] =	vst v63  }
0x198: {  	_ = 	snop  }
0x199: {  	[spmem:s20] =	stream.linear.scatter [tilespmem:s29], [sflag:$0x1], $0x4000, $0x38;
	[tilespmem:$0x1E800] =	vst v63  }
0x19a: {  	_ = 	snop  }
0x19b: {  	[spmem:s21] =	stream.linear.scatter [tilespmem:s29], [sflag:$0x1], $0x4000, $0x38;
	[tilespmem:$0x1E800] =	vst v63  }
0x19c: {  	_ = 	snop  }
0x19d: {  	[spmem:s22] =	stream.linear.scatter [tilespmem:s29], [sflag:$0x1], $0x4000, $0x38;
	[tilespmem:$0x1E800] =	vst v63  }
0x19e: {  	_ =	swait.ge [sflag:s31], $0x4000  }
0x19f: {  	[sflag:s31] =	ssyncset.done $0x0  }
0x1a0: {  	[sflag:s31] =	ssyncadd.s32 $0xFFFFC000  }
0x1a1: {  	_ =	swait.ge [sflag:s31], $0x4000  }
0x1a2: {  	[sflag:s31] =	ssyncset.done $0x0  }
0x1a3: {  	[sflag:s31] =	ssyncadd.s32 $0xFFFFC000  }
0x1a4: {  	_ =	swait.ge [sflag:s31], $0x4000  }
0x1a5: {  	[sflag:s31] =	ssyncset.done $0x0  }
0x1a6: {  	[sflag:s31] =	ssyncadd.s32 $0xFFFFC000  }
0x1a7: {  	_ =	swait.ge [sflag:s31], $0x4000  }
0x1a8: {  	[sflag:s31] =	ssyncset.done $0x0  }
0x1a9: {  	[sflag:s31] =	ssyncadd.s32 $0xFFFFC000  }
0x1aa: {  	_ =	swait.ge [sflag:s31], $0x4000  }
0x1ab: {  	[sflag:s31] =	ssyncset.done $0x0  }
0x1ac: {  	[sflag:s31] =	ssyncadd.s32 $0xFFFFC000  }
0x1ad: {  	[bflag:$0x0] =	sbarrier.arrive $0xFFFF  }
0x1ae: {  	s18 =	rddreg [dreg:$0xa]  }
0x1af: {  	[tilespmem:s0], [sflag:$0x5] =	stream.linear.gather [hbm4b:s18+s16], $0x1400, $0x38;
	[tilespmem:$0x1E800] =	vst v63  }
0x1b0: {  	_ =	swait.ge [sflag:s30], $0x1400  }
0x1b1: {  	[sflag:s30] =	ssyncset.done $0x0  }
.Ltmp8:
0x1b2: {  	s19 =	rddreg [dreg:$0xb];
	[sflag:s30] =	ssyncadd.s32 $0xFFFFEC00;
	(pc) =	sbr.rel @p0 .LBB2_18-.Ltmp8, $4  }
0x1b3: {  	[tilespmem:s7], [sflag:$0x5] =	stream.linear.gather [hbm4b:s19+s16], $0x1400, $0x38;
	[tilespmem:$0x1E800] =	vst v63  }
0x1b4: {  	_ =	swait.ge [sflag:s30], $0x1400  }
0x1b5: {  	[sflag:s30] =	ssyncset.done $0x0  }
0x1b6: {  	s13 =	simm.s32 $0x14000;
	[sflag:s30] =	ssyncadd.s32 $0xFFFFEC00  }
0x1b7: {  	[tilespmem:s29], [sflag:$0x1] =	stream.indirect.gather [hbm4b:s5+s9], $0x80, s13, s9, $0xb8;
	[tilespmem:$0x1E800] =	vst v63  }
0x1b8: {  	s17 =	simm.s32 $0x14080  }
0x1b9: {  	[tilespmem:s10], [sflag:$0x2] =	stream.indirect.gather [hbm4b:s5+s9], $0x80, s17, s9, $0xb8;
	[tilespmem:$0x1E800] =	vst v63  }
0x1ba: {  	_ =	swait.ge [sflag:s31], $0x4000  }
0x1bb: {  	[sflag:s31] =	ssyncset.done $0x0  }
0x1bc: {  	s18 =	simm.s32 $0x15400;
	[sflag:s31] =	ssyncadd.s32 $0xFFFFC000  }
0x1bd: {  	[spmem:s2] =	stream.indirect.scatter.add.f32 [tilespmem:s29], [sflag:$0x3], $0x80, s18, s9, $0xb8;
	[tilespmem:$0x1E800] =	vst v63  }
0x1be: {  	_ =	swait.ge [sflag:s11], $0x4000  }
0x1bf: {  	[sflag:s11] =	ssyncset.done $0x0  }
0x1c0: {  	s19 =	simm.s32 $0x15480;
	[sflag:s11] =	ssyncadd.s32 $0xFFFFC000  }
0x1c1: {  	[spmem:s2] =	stream.indirect.scatter.add.f32 [tilespmem:s10], [sflag:$0x4], $0x80, s19, s9, $0xb8;
	[tilespmem:$0x1E800] =	vst v63  }
0x1c2: {  	_ =	swait.ge [sflag:s12], $0x4000  }
0x1c3: {  	[sflag:s12] =	ssyncset.done $0x0  }
0x1c4: {  	[sflag:s12] =	ssyncadd.s32 $0xFFFFC000  }
0x1c5: {  	_ =	swait.ge [sflag:s28], $0x4000  }
0x1c6: {  	s16 =	simm.s32 $0x100;
	s17 =	simm.s32 $0x800;
	[sflag:s28] =	ssyncset.done $0x0  }
.LBB2_14:
0x1c7: {  	s13 =	sadd.s32 $0x14000, s16  }
0x1c8: {  	[sflag:s28] =	ssyncadd.s32 $0xFFFFC000;
	s18 =	smov.u32 s17;
	s19 =	sadd.s32 $0x400, s17  }
0x1c9: {  	[tilespmem:s29], [sflag:$0x1] =	stream.indirect.gather [hbm4b:s5+s9], $0x80, s13, s9, $0xb8;
	[tilespmem:$0x1E800] =	vst v63  }
0x1ca: {  	p1 =	sne.s32 s17, $0x4C00;
	s13 =	sadd.s32 $0x14080, s16  }
0x1cb: {  	[tilespmem:s10], [sflag:$0x2] =	stream.indirect.gather [hbm4b:s5+s9], $0x80, s13, s9, $0xb8;
	[tilespmem:$0x1E800] =	vst v63  }
0x1cc: {  	_ =	swait.ge [sflag:s31], $0x4000  }
0x1cd: {  	[sflag:s31] =	ssyncset.done $0x0  }
0x1ce: {  	s13 =	sadd.s32 $0x15400, s16;
	[sflag:s31] =	ssyncadd.s32 $0xFFFFC000  }
0x1cf: {  	[spmem:s2] =	stream.indirect.scatter.add.f32 [tilespmem:s29], [sflag:$0x3], $0x80, s13, s9, $0xb8;
	[tilespmem:$0x1E800] =	vst v63  }
0x1d0: {  	_ =	swait.ge [sflag:s11], $0x4000  }
0x1d1: {  	[sflag:s11] =	ssyncset.done $0x0  }
0x1d2: {  	s13 =	sadd.s32 $0x15480, s16;
	[sflag:s11] =	ssyncadd.s32 $0xFFFFC000  }
0x1d3: {  	[spmem:s2] =	stream.indirect.scatter.add.f32 [tilespmem:s10], [sflag:$0x4], $0x80, s13, s9, $0xb8;
	[tilespmem:$0x1E800] =	vst v63  }
.Ltmp9:
0x1d4: {  	_ =	swait.ge [sflag:s12], $0x4000;
	(pc) =	sbr.rel @p1 .LBB2_14-.Ltmp9, $4  }
0x1d5: {  	[sflag:s12] =	ssyncset.done $0x0  }
0x1d6: {  	[sflag:s12] =	ssyncadd.s32 $0xFFFFC000  }
0x1d7: {  	_ =	swait.ge [sflag:s28], $0x4000  }
0x1d8: {  	s17 =	smov.u32 s19;
	s16 =	sshra.s32 s18, $0x2;
	[sflag:s28] =	ssyncset.done $0x0  }
0x1d9: {  	s13 =	sadd.s32 $0x14000, s16;
	[sflag:s28] =	ssyncadd.s32 $0xFFFFC000  }
0x1da: {  	[tilespmem:s29], [sflag:$0x1] =	stream.indirect.gather [hbm4b:s5+s9], $0x80, s13, s9, $0xb8;
	[tilespmem:$0x1E800] =	vst v63  }
0x1db: {  	s18 =	sadd.s32 $0x14080, s16  }
0x1dc: {  	[tilespmem:s10], [sflag:$0x2] =	stream.indirect.gather [hbm4b:s5+s9], $0x80, s18, s9, $0xb8;
	[tilespmem:$0x1E800] =	vst v63  }
0x1dd: {  	_ =	swait.ge [sflag:s31], $0x4000  }
0x1de: {  	[sflag:s31] =	ssyncset.done $0x0  }
0x1df: {  	s19 =	sadd.s32 $0x15400, s16;
	[sflag:s31] =	ssyncadd.s32 $0xFFFFC000  }
0x1e0: {  	[spmem:s2] =	stream.indirect.scatter.add.f32 [tilespmem:s29], [sflag:$0x3], $0x80, s19, s9, $0xb8;
	[tilespmem:$0x1E800] =	vst v63  }
0x1e1: {  	_ =	swait.ge [sflag:s11], $0x4000  }
0x1e2: {  	[sflag:s11] =	ssyncset.done $0x0  }
0x1e3: {  	s16 =	sadd.s32 $0x15480, s16;
	[sflag:s11] =	ssyncadd.s32 $0xFFFFC000  }
0x1e4: {  	[spmem:s2] =	stream.indirect.scatter.add.f32 [tilespmem:s10], [sflag:$0x4], $0x80, s16, s9, $0xb8;
	[tilespmem:$0x1E800] =	vst v63  }
0x1e5: {  	_ =	swait.ge [sflag:s12], $0x4000  }
0x1e6: {  	[sflag:s12] =	ssyncset.done $0x0  }
0x1e7: {  	[sflag:s12] =	ssyncadd.s32 $0xFFFFC000  }
0x1e8: {  	_ =	swait.ge [sflag:s28], $0x4000  }
0x1e9: {  	[sflag:s28] =	ssyncset.done $0x0  }
0x1ea: {  	s17 =	simm.s32 $0x0;
	s18 =	rddreg [dreg:$0xc];
	[sflag:s28] =	ssyncadd.s32 $0xFFFFC000  }
0x1eb: {  	[tilespmem:s0], [sflag:$0x5] =	stream.linear.gather [hbm4b:s18+s17], $0x1400, $0x38;
	[tilespmem:$0x1E800] =	vst v63  }
0x1ec: {  	_ =	swait.ge [sflag:s30], $0x1400  }
0x1ed: {  	[sflag:s30] =	ssyncset.done $0x0  }
0x1ee: {  	s19 =	rddreg [dreg:$0xd];
	[sflag:s30] =	ssyncadd.s32 $0xFFFFEC00  }
0x1ef: {  	[tilespmem:s7], [sflag:$0x5] =	stream.linear.gather [hbm4b:s19+s17], $0x1400, $0x38;
	[tilespmem:$0x1E800] =	vst v63  }
0x1f0: {  	_ =	swait.ge [sflag:s30], $0x1400  }
0x1f1: {  	[sflag:s30] =	ssyncset.done $0x0  }
0x1f2: {  	s16 =	simm.s32 $0x14000;
	[sflag:s30] =	ssyncadd.s32 $0xFFFFEC00  }
0x1f3: {  	[tilespmem:s29], [sflag:$0x1] =	stream.indirect.gather [hbm4b:s5+s9], $0x80, s16, s9, $0xb8;
	[tilespmem:$0x1E800] =	vst v63  }
0x1f4: {  	s17 =	simm.s32 $0x14080  }
0x1f5: {  	[tilespmem:s10], [sflag:$0x2] =	stream.indirect.gather [hbm4b:s5+s9], $0x80, s17, s9, $0xb8;
	[tilespmem:$0x1E800] =	vst v63  }
0x1f6: {  	_ =	swait.ge [sflag:s31], $0x4000  }
0x1f7: {  	[sflag:s31] =	ssyncset.done $0x0  }
0x1f8: {  	s18 =	simm.s32 $0x15400;
	[sflag:s31] =	ssyncadd.s32 $0xFFFFC000  }
0x1f9: {  	[spmem:s2] =	stream.indirect.scatter.add.f32 [tilespmem:s29], [sflag:$0x3], $0x80, s18, s9, $0xb8;
	[tilespmem:$0x1E800] =	vst v63  }
0x1fa: {  	_ =	swait.ge [sflag:s11], $0x4000  }
0x1fb: {  	[sflag:s11] =	ssyncset.done $0x0  }
0x1fc: {  	s19 =	simm.s32 $0x15480;
	[sflag:s11] =	ssyncadd.s32 $0xFFFFC000  }
0x1fd: {  	[spmem:s2] =	stream.indirect.scatter.add.f32 [tilespmem:s10], [sflag:$0x4], $0x80, s19, s9, $0xb8;
	[tilespmem:$0x1E800] =	vst v63  }
0x1fe: {  	_ =	swait.ge [sflag:s12], $0x4000  }
0x1ff: {  	[sflag:s12] =	ssyncset.done $0x0  }
0x200: {  	[sflag:s12] =	ssyncadd.s32 $0xFFFFC000  }
0x201: {  	_ =	swait.ge [sflag:s28], $0x4000  }
0x202: {  	s16 =	simm.s32 $0x100;
	s17 =	simm.s32 $0x800;
	[sflag:s28] =	ssyncset.done $0x0  }
.LBB2_16:
0x203: {  	s13 =	sadd.s32 $0x14000, s16  }
0x204: {  	[sflag:s28] =	ssyncadd.s32 $0xFFFFC000;
	s18 =	smov.u32 s17;
	s19 =	sadd.s32 $0x400, s17  }
0x205: {  	[tilespmem:s29], [sflag:$0x1] =	stream.indirect.gather [hbm4b:s5+s9], $0x80, s13, s9, $0xb8;
	[tilespmem:$0x1E800] =	vst v63  }
0x206: {  	p1 =	seq.s32 s17, $0x4C00;
	s13 =	sadd.s32 $0x14080, s16  }
0x207: {  	[tilespmem:s10], [sflag:$0x2] =	stream.indirect.gather [hbm4b:s5+s9], $0x80, s13, s9, $0xb8;
	[tilespmem:$0x1E800] =	vst v63  }
0x208: {  	_ =	swait.ge [sflag:s31], $0x4000  }
0x209: {  	[sflag:s31] =	ssyncset.done $0x0  }
0x20a: {  	s13 =	sadd.s32 $0x15400, s16;
	[sflag:s31] =	ssyncadd.s32 $0xFFFFC000  }
0x20b: {  	[spmem:s2] =	stream.indirect.scatter.add.f32 [tilespmem:s29], [sflag:$0x3], $0x80, s13, s9, $0xb8;
	[tilespmem:$0x1E800] =	vst v63  }
0x20c: {  	_ =	swait.ge [sflag:s11], $0x4000  }
0x20d: {  	[sflag:s11] =	ssyncset.done $0x0  }
0x20e: {  	s13 =	sadd.s32 $0x15480, s16;
	[sflag:s11] =	ssyncadd.s32 $0xFFFFC000  }
0x20f: {  	[spmem:s2] =	stream.indirect.scatter.add.f32 [tilespmem:s10], [sflag:$0x4], $0x80, s13, s9, $0xb8;
	[tilespmem:$0x1E800] =	vst v63  }
.Ltmp10:
0x210: {  	_ =	swait.ge [sflag:s12], $0x4000;
	(pc) =	sbr.rel @!p1 .LBB2_16-.Ltmp10, $4  }
0x211: {  	[sflag:s12] =	ssyncset.done $0x0  }
0x212: {  	[sflag:s12] =	ssyncadd.s32 $0xFFFFC000  }
0x213: {  	_ =	swait.ge [sflag:s28], $0x4000  }
0x214: {  	s17 =	smov.u32 s19;
	s16 =	sshra.s32 s18, $0x2;
	[sflag:s28] =	ssyncset.done $0x0  }
0x215: {  	s13 =	sadd.s32 $0x14000, s16;
	[sflag:s28] =	ssyncadd.s32 $0xFFFFC000  }
0x216: {  	[tilespmem:s29], [sflag:$0x1] =	stream.indirect.gather [hbm4b:s5+s9], $0x80, s13, s9, $0xb8;
	[tilespmem:$0x1E800] =	vst v63  }
0x217: {  	s17 =	sadd.s32 $0x14080, s16  }
0x218: {  	[tilespmem:s10], [sflag:$0x2] =	stream.indirect.gather [hbm4b:s5+s9], $0x80, s17, s9, $0xb8;
	[tilespmem:$0x1E800] =	vst v63  }
0x219: {  	_ =	swait.ge [sflag:s31], $0x4000  }
0x21a: {  	[sflag:s31] =	ssyncset.done $0x0  }
0x21b: {  	s18 =	sadd.s32 $0x15400, s16;
	[sflag:s31] =	ssyncadd.s32 $0xFFFFC000  }
0x21c: {  	[spmem:s2] =	stream.indirect.scatter.add.f32 [tilespmem:s29], [sflag:$0x3], $0x80, s18, s9, $0xb8;
	[tilespmem:$0x1E800] =	vst v63  }
0x21d: {  	_ =	swait.ge [sflag:s11], $0x4000  }
0x21e: {  	[sflag:s11] =	ssyncset.done $0x0  }
0x21f: {  	s19 =	sadd.s32 $0x15480, s16;
	[sflag:s11] =	ssyncadd.s32 $0xFFFFC000  }
0x220: {  	[spmem:s2] =	stream.indirect.scatter.add.f32 [tilespmem:s10], [sflag:$0x4], $0x80, s19, s9, $0xb8;
	[tilespmem:$0x1E800] =	vst v63  }
0x221: {  	_ =	swait.ge [sflag:s12], $0x4000  }
.Ltmp11:
0x222: {  	[sflag:s12] =	ssyncset.done $0x0;
	(pc) =	sbr.rel .LBB2_23-.Ltmp11, $4  }
0x223: {  	[sflag:s12] =	ssyncadd.s32 $0xFFFFC000  }
0x224: {  	_ =	swait.ge [sflag:s28], $0x4000  }
0x225: {  	[sflag:s28] =	ssyncset.done $0x0  }
0x226: {  	s16 =	rddreg [dreg:$0x6];
	[sflag:s28] =	ssyncadd.s32 $0xFFFFC000  }
.LBB2_18:
0x227: {  	[tilespmem:s29], [sflag:$0x1] =	stream.indirect.gather [hbm4b:s1+s9], $0x80, s13, s9, $0xb8;
	[tilespmem:$0x1E800] =	vst v63  }
0x228: {  	s17 =	simm.s32 $0x14080  }
0x229: {  	[tilespmem:s10], [sflag:$0x2] =	stream.indirect.gather [hbm4b:s1+s9], $0x80, s17, s9, $0xb8;
	[tilespmem:$0x1E800] =	vst v63  }
0x22a: {  	_ =	swait.ge [sflag:s31], $0x4000  }
0x22b: {  	[sflag:s31] =	ssyncset.done $0x0  }
0x22c: {  	s18 =	simm.s32 $0x15400;
	[sflag:s31] =	ssyncadd.s32 $0xFFFFC000  }
0x22d: {  	[spmem:s2] =	stream.indirect.scatter.add.f32 [tilespmem:s29], [sflag:$0x3], $0x80, s18, s9, $0xb8;
	[tilespmem:$0x1E800] =	vst v63  }
0x22e: {  	_ =	swait.ge [sflag:s11], $0x4000  }
0x22f: {  	[sflag:s11] =	ssyncset.done $0x0  }
0x230: {  	s19 =	simm.s32 $0x15480;
	[sflag:s11] =	ssyncadd.s32 $0xFFFFC000  }
0x231: {  	[spmem:s2] =	stream.indirect.scatter.add.f32 [tilespmem:s10], [sflag:$0x4], $0x80, s19, s9, $0xb8;
	[tilespmem:$0x1E800] =	vst v63  }
0x232: {  	_ =	swait.ge [sflag:s12], $0x4000  }
0x233: {  	[sflag:s12] =	ssyncset.done $0x0  }
0x234: {  	[sflag:s12] =	ssyncadd.s32 $0xFFFFC000  }
0x235: {  	_ =	swait.ge [sflag:s28], $0x4000  }
0x236: {  	s16 =	simm.s32 $0x100;
	s17 =	simm.s32 $0x800;
	[sflag:s28] =	ssyncset.done $0x0  }
.LBB2_19:
0x237: {  	s13 =	sadd.s32 $0x14000, s16  }
0x238: {  	[sflag:s28] =	ssyncadd.s32 $0xFFFFC000;
	s18 =	smov.u32 s17;
	s19 =	sadd.s32 $0x400, s17  }
0x239: {  	[tilespmem:s29], [sflag:$0x1] =	stream.indirect.gather [hbm4b:s1+s9], $0x80, s13, s9, $0xb8;
	[tilespmem:$0x1E800] =	vst v63  }
0x23a: {  	p1 =	sne.s32 s17, $0x4C00;
	s13 =	sadd.s32 $0x14080, s16  }
0x23b: {  	[tilespmem:s10], [sflag:$0x2] =	stream.indirect.gather [hbm4b:s1+s9], $0x80, s13, s9, $0xb8;
	[tilespmem:$0x1E800] =	vst v63  }
0x23c: {  	_ =	swait.ge [sflag:s31], $0x4000  }
0x23d: {  	[sflag:s31] =	ssyncset.done $0x0  }
0x23e: {  	s13 =	sadd.s32 $0x15400, s16;
	[sflag:s31] =	ssyncadd.s32 $0xFFFFC000  }
0x23f: {  	[spmem:s2] =	stream.indirect.scatter.add.f32 [tilespmem:s29], [sflag:$0x3], $0x80, s13, s9, $0xb8;
	[tilespmem:$0x1E800] =	vst v63  }
0x240: {  	_ =	swait.ge [sflag:s11], $0x4000  }
0x241: {  	[sflag:s11] =	ssyncset.done $0x0  }
0x242: {  	s13 =	sadd.s32 $0x15480, s16;
	[sflag:s11] =	ssyncadd.s32 $0xFFFFC000  }
0x243: {  	[spmem:s2] =	stream.indirect.scatter.add.f32 [tilespmem:s10], [sflag:$0x4], $0x80, s13, s9, $0xb8;
	[tilespmem:$0x1E800] =	vst v63  }
.Ltmp12:
0x244: {  	_ =	swait.ge [sflag:s12], $0x4000;
	(pc) =	sbr.rel @p1 .LBB2_19-.Ltmp12, $4  }
0x245: {  	[sflag:s12] =	ssyncset.done $0x0  }
0x246: {  	[sflag:s12] =	ssyncadd.s32 $0xFFFFC000  }
0x247: {  	_ =	swait.ge [sflag:s28], $0x4000  }
0x248: {  	s17 =	smov.u32 s19;
	s16 =	sshra.s32 s18, $0x2;
	[sflag:s28] =	ssyncset.done $0x0  }
0x249: {  	s13 =	sadd.s32 $0x14000, s16;
	[sflag:s28] =	ssyncadd.s32 $0xFFFFC000  }
0x24a: {  	[tilespmem:s29], [sflag:$0x1] =	stream.indirect.gather [hbm4b:s1+s9], $0x80, s13, s9, $0xb8;
	[tilespmem:$0x1E800] =	vst v63  }
0x24b: {  	s18 =	sadd.s32 $0x14080, s16  }
0x24c: {  	[tilespmem:s10], [sflag:$0x2] =	stream.indirect.gather [hbm4b:s1+s9], $0x80, s18, s9, $0xb8;
	[tilespmem:$0x1E800] =	vst v63  }
0x24d: {  	_ =	swait.ge [sflag:s31], $0x4000  }
0x24e: {  	[sflag:s31] =	ssyncset.done $0x0  }
0x24f: {  	s19 =	sadd.s32 $0x15400, s16;
	[sflag:s31] =	ssyncadd.s32 $0xFFFFC000  }
0x250: {  	[spmem:s2] =	stream.indirect.scatter.add.f32 [tilespmem:s29], [sflag:$0x3], $0x80, s19, s9, $0xb8;
	[tilespmem:$0x1E800] =	vst v63  }
0x251: {  	_ =	swait.ge [sflag:s11], $0x4000  }
0x252: {  	[sflag:s11] =	ssyncset.done $0x0  }
0x253: {  	s16 =	sadd.s32 $0x15480, s16;
	[sflag:s11] =	ssyncadd.s32 $0xFFFFC000  }
0x254: {  	[spmem:s2] =	stream.indirect.scatter.add.f32 [tilespmem:s10], [sflag:$0x4], $0x80, s16, s9, $0xb8;
	[tilespmem:$0x1E800] =	vst v63  }
0x255: {  	_ =	swait.ge [sflag:s12], $0x4000  }
0x256: {  	[sflag:s12] =	ssyncset.done $0x0  }
0x257: {  	[sflag:s12] =	ssyncadd.s32 $0xFFFFC000  }
0x258: {  	_ =	swait.ge [sflag:s28], $0x4000  }
0x259: {  	[sflag:s28] =	ssyncset.done $0x0  }
0x25a: {  	s17 =	simm.s32 $0x0;
	s18 =	rddreg [dreg:$0xc];
	[sflag:s28] =	ssyncadd.s32 $0xFFFFC000  }
0x25b: {  	[tilespmem:s0], [sflag:$0x5] =	stream.linear.gather [hbm4b:s18+s17], $0x1400, $0x38;
	[tilespmem:$0x1E800] =	vst v63  }
0x25c: {  	_ =	swait.ge [sflag:s30], $0x1400  }
0x25d: {  	[sflag:s30] =	ssyncset.done $0x0  }
0x25e: {  	s19 =	rddreg [dreg:$0xd];
	[sflag:s30] =	ssyncadd.s32 $0xFFFFEC00  }
0x25f: {  	[tilespmem:s7], [sflag:$0x5] =	stream.linear.gather [hbm4b:s19+s17], $0x1400, $0x38;
	[tilespmem:$0x1E800] =	vst v63  }
0x260: {  	_ =	swait.ge [sflag:s30], $0x1400  }
0x261: {  	[sflag:s30] =	ssyncset.done $0x0  }
0x262: {  	s16 =	simm.s32 $0x14000;
	[sflag:s30] =	ssyncadd.s32 $0xFFFFEC00  }
0x263: {  	[tilespmem:s29], [sflag:$0x1] =	stream.indirect.gather [hbm4b:s1+s9], $0x80, s16, s9, $0xb8;
	[tilespmem:$0x1E800] =	vst v63  }
0x264: {  	s17 =	simm.s32 $0x14080  }
0x265: {  	[tilespmem:s10], [sflag:$0x2] =	stream.indirect.gather [hbm4b:s1+s9], $0x80, s17, s9, $0xb8;
	[tilespmem:$0x1E800] =	vst v63  }
0x266: {  	_ =	swait.ge [sflag:s31], $0x4000  }
0x267: {  	[sflag:s31] =	ssyncset.done $0x0  }
0x268: {  	s18 =	simm.s32 $0x15400;
	[sflag:s31] =	ssyncadd.s32 $0xFFFFC000  }
0x269: {  	[spmem:s2] =	stream.indirect.scatter.add.f32 [tilespmem:s29], [sflag:$0x3], $0x80, s18, s9, $0xb8;
	[tilespmem:$0x1E800] =	vst v63  }
0x26a: {  	_ =	swait.ge [sflag:s11], $0x4000  }
0x26b: {  	[sflag:s11] =	ssyncset.done $0x0  }
0x26c: {  	s19 =	simm.s32 $0x15480;
	[sflag:s11] =	ssyncadd.s32 $0xFFFFC000  }
0x26d: {  	[spmem:s2] =	stream.indirect.scatter.add.f32 [tilespmem:s10], [sflag:$0x4], $0x80, s19, s9, $0xb8;
	[tilespmem:$0x1E800] =	vst v63  }
0x26e: {  	_ =	swait.ge [sflag:s12], $0x4000  }
0x26f: {  	[sflag:s12] =	ssyncset.done $0x0  }
0x270: {  	[sflag:s12] =	ssyncadd.s32 $0xFFFFC000  }
0x271: {  	_ =	swait.ge [sflag:s28], $0x4000  }
0x272: {  	s16 =	simm.s32 $0x100;
	s17 =	simm.s32 $0x800;
	[sflag:s28] =	ssyncset.done $0x0  }
.LBB2_21:
0x273: {  	s13 =	sadd.s32 $0x14000, s16  }
0x274: {  	[sflag:s28] =	ssyncadd.s32 $0xFFFFC000;
	s18 =	smov.u32 s17;
	s19 =	sadd.s32 $0x400, s17  }
0x275: {  	[tilespmem:s29], [sflag:$0x1] =	stream.indirect.gather [hbm4b:s1+s9], $0x80, s13, s9, $0xb8;
	[tilespmem:$0x1E800] =	vst v63  }
0x276: {  	p1 =	sne.s32 s17, $0x4C00;
	s13 =	sadd.s32 $0x14080, s16  }
0x277: {  	[tilespmem:s10], [sflag:$0x2] =	stream.indirect.gather [hbm4b:s1+s9], $0x80, s13, s9, $0xb8;
	[tilespmem:$0x1E800] =	vst v63  }
0x278: {  	_ =	swait.ge [sflag:s31], $0x4000  }
0x279: {  	[sflag:s31] =	ssyncset.done $0x0  }
0x27a: {  	s13 =	sadd.s32 $0x15400, s16;
	[sflag:s31] =	ssyncadd.s32 $0xFFFFC000  }
0x27b: {  	[spmem:s2] =	stream.indirect.scatter.add.f32 [tilespmem:s29], [sflag:$0x3], $0x80, s13, s9, $0xb8;
	[tilespmem:$0x1E800] =	vst v63  }
0x27c: {  	_ =	swait.ge [sflag:s11], $0x4000  }
0x27d: {  	[sflag:s11] =	ssyncset.done $0x0  }
0x27e: {  	s13 =	sadd.s32 $0x15480, s16;
	[sflag:s11] =	ssyncadd.s32 $0xFFFFC000  }
0x27f: {  	[spmem:s2] =	stream.indirect.scatter.add.f32 [tilespmem:s10], [sflag:$0x4], $0x80, s13, s9, $0xb8;
	[tilespmem:$0x1E800] =	vst v63  }
.Ltmp13:
0x280: {  	_ =	swait.ge [sflag:s12], $0x4000;
	(pc) =	sbr.rel @p1 .LBB2_21-.Ltmp13, $4  }
0x281: {  	[sflag:s12] =	ssyncset.done $0x0  }
0x282: {  	[sflag:s12] =	ssyncadd.s32 $0xFFFFC000  }
0x283: {  	_ =	swait.ge [sflag:s28], $0x4000  }
0x284: {  	s17 =	smov.u32 s19;
	s16 =	sshra.s32 s18, $0x2;
	[sflag:s28] =	ssyncset.done $0x0  }
.Ltmp14:
0x285: {  	_ = 	snop;
	(pc) =	sbr.rel .LBB2_22-.Ltmp14, $1  }
0x286: {  	_ =	sdelay $0x3  }
.LBB2_24:
0x287: {  	_ =	sfence.sel $0x180000  }
0x288: {  	[bflag:$0x0] =	sbarrier.arrive $0xFFFF  }
0x289: {  	_ =	strace $0x9000004A  }
0x28a: {  	s0 =	stileid.u32;
	[bflag:$0x2] =	sbarrier.arrive $0xFFFF  }
0x28b: {  	p0 =	sne.s32 s0, $0x0;
	s0 =	rddreg [dreg:$0x3]  }
0x28c: {  	s0 =	sadd.s32 @!p0 $0x100000, s0  }
0x28d: {  	[sflag:s0] =	ssyncadd.tile.s32 @!p0 $0x1;
	_ =	shalt  }
.Lfunc_end2:
_tile_overlayer_lowered:
.L_overlay_start_2:
0x28e: {  	(tag) =	ssettag $0x2  }
0x28f: {  	s0 =	rddreg [dreg:$0x0];
	s2 =	stileid.u32  }
0x290: {  	s1 =	rddreg [dreg:$0x1];
	p0 =	sne.s32 s2, $0x0  }
0x291: {  	s3 =	rddreg [dreg:$0x2];
	[bflag:$0x3] =	sbarrier.arrive $0xFFFF;
	s2 =	simm.s32 @!p0 $0x1C05  }
0x292: {  	[timem:s3], [sflag:s2] =	dma.local @!p0 [hbm:s0], s1  }
0x293: {  	s0 =	simm.s32 @!p0 $0x5  }
0x294: {  	_ =	swait.ge @!p0 [sflag:s0], s1  }
0x295: {  	s1 =	ssub.s32 @!p0 $0x0, s1;
	[sflag:s0] =	ssyncset.done @!p0 $0x0  }
0x296: {  	[sflag:s0] =	ssyncadd.s32 @!p0 s1  }
0x297: {  	[bflag:$0x3] =	sbarrier.arrive $0xFFFF  }
0x298: {  	_ =	shalt  }

// kernel: kernel.7.cloned.1.call-start
scs
__scs_entry_jumppad:
0x0: {  	(pc) =	sbr.rel $0x88, $3  }
0x1: {  	(tag) =	ssettag $0x0;
	lr =	simm.s32 $0x1  }
0x2: {  	[smem:$0x3F97] =	sst lr;
	_ =	strace $0xD0000000  }
0x3: {  	_ = 	snop  }
0x4: {  	_ = 	snop  }
0x5: {  	_ = 	snop  }
0x6: {  	_ = 	snop  }
0x7: {  	_ = 	snop  }
__scs_overlays_trampoline_lowered:
0x8: {  	[smem:$0x3FA6] =	sst s0  }
0x9: {  	[smem:$0x3FA7] =	sst s1  }
0xa: {  	[smem:$0x3FA8] =	sst s2  }
0xb: {  	[smem:$0x3FA9] =	sst s3  }
0xc: {  	[smem:$0x3FAA] =	sst s4  }
0xd: {  	[smem:$0x3FAB] =	sst s5  }
0xe: {  	[smem:$0x3FAC] =	sst s6  }
0xf: {  	[smem:$0x3FAD] =	sst s7  }
0x10: {  	[smem:$0x3FAE] =	sst s8  }
0x11: {  	[smem:$0x3FAF] =	sst s9;
	s0 =	simm.s32 @!p0 $0x0  }
0x12: {  	s1 =	sld [smem:$0x3F95];
	s0 =	simm.s32 @p0 $0x1  }
0x13: {  	[smem:$0x3FB0] =	sst s0;
	s0 =	simm.s32 @!p1 $0x0  }
0x14: {  	s2 =	sld [smem:$0x3F94];
	s0 =	simm.s32 @p1 $0x1  }
0x15: {  	[smem:$0x3FB1] =	sst s0;
	s0 =	simm.s32 @!p2 $0x0  }
0x16: {  	s3 =	sld [smem:$0x3FDB];
	s0 =	simm.s32 @p2 $0x1  }
0x17: {  	s4 =	simm.s32 $0x1BF5;
	[smem:$0x3FB3] =	sst s0  }
0x18: {  	s0 =	sld [smem:$0x3F96];
	_ =	swait.ge [sflag:s4], $0x0  }
0x19: {  	s7 =	sld [smem:$0x3F97]  }
0x1a: {  	s8 =	sadd.s32 $0xFFFFE003, lr  }
0x1b: {  	s9 =	sadd.s32 $0xFFFFFEF7, lr;
	s5 =	simm.s32 $0xFFFFFFFF;
	p2 =	slt.u32 s8, $0xFFFFF086  }
0x1c: {  	p1 =	slt.u32 s9, $0xF7A;
	s5 =	simm.s32 @!p2 $0x0  }
0x1d: {  	s5 =	simm.s32 @p1 $0x1;
	p0 =	seq.s32 s7, s2  }
0x1e: {  	s7 =	smul.u32 @!p0 $0xF7A, s2;
	p2 =	seq.s32 @!p0 s5, $0x0  }
0x1f: {  	s9 =	smul.u32 $0xF7A, s1;
	s8 =	simm.s32 @!p0 $0x1BF5;
	p2 =	por !p2, p0  }
0x20: {  	[sflag:s8] =	ssyncset.s32 @!p0 $0xFFFFF086;
	s6 =	sadd.s32 @!p0 s3, s7;
	s7 =	simm.s32 @!p0 $0x108  }
0x21: {  	s3 =	sadd.s32 s3, s9;
	s6 =	sadd.s32 @!p0 $0x88, s6;
	s7 =	simm.s32 @p2 $0x1082  }
0x22: {  	[simem:s7], [sflag:s8] =	dma.local @!p0 [hbm:s6], $0xF7A  }
0x23: {  	s9 =	sor.u32 $0xD0000000, s2;
	s6 =	simm.s32 $0x108;
	_ =	swait.ge @!p0 [sflag:s8], $0x0  }
0x24: {  	s3 =	sadd.s32 $0x88, s3;
	s6 =	simm.s32 @!p1 $0x1082;
	[sflag:s4] =	ssyncset.s32 $0xFFFFF086  }
0x25: {  	[simem:s6], [sflag:s4] =	dma.local [hbm:s3], $0xF7A  }
0x26: {  	[smem:$0x3F97] =	sst s1;
	(tag) =	ssettag s2;
	_ =	strace s9  }
0x27: {  	s1 =	sld [smem:$0x3FA7]  }
0x28: {  	s2 =	sld [smem:$0x3FA8]  }
0x29: {  	s4 =	sld [smem:$0x3FAA]  }
0x2a: {  	p0 =	seq.s32 s5, $0x0;
	s5 =	sld [smem:$0x3FAB]  }
0x2b: {  	s6 =	sld [smem:$0x3FAC]  }
0x2c: {  	s7 =	sld [smem:$0x3FAD]  }
0x2d: {  	s3 =	simm.s32 $0x108;
	s8 =	sld [smem:$0x3FAE]  }
0x2e: {  	s3 =	simm.s32 @!p0 $0x1082;
	s9 =	sld [smem:$0x3FAF]  }
0x2f: {  	lr =	sadd.s32 s0, s3;
	s0 =	sld [smem:$0x3FA6]  }
0x30: {  	s3 =	sld [smem:$0x3FA9]  }
0x31: {  	[smem:$0x3FB2] =	sst s10  }
0x32: {  	s10 =	sld [smem:$0x3FB0];
	_ =	sdelay $0x3  }
0x33: {  	p0 =	seq.s32 s10, $0x1;
	s10 =	sld [smem:$0x3FB2];
	_ =	sdelay $0x3  }
0x34: {  	[smem:$0x3FB2] =	sst s10  }
0x35: {  	s10 =	sld [smem:$0x3FB1];
	_ =	sdelay $0x3  }
0x36: {  	p1 =	seq.s32 s10, $0x1;
	s10 =	sld [smem:$0x3FB2];
	_ =	sdelay $0x3  }
0x37: {  	[smem:$0x3FB2] =	sst s10  }
0x38: {  	s10 =	sld [smem:$0x3FB3]  }
0x39: {  	_ = 	snop;
	(pc) =	sbr.ind lr, $3  }
0x3a: {  	_ = 	snop  }
0x3b: {  	_ = 	snop  }
0x3c: {  	p2 =	seq.s32 s10, $0x1;
	s10 =	sld [smem:$0x3FB2]  }
0x3d: {  	_ =	shalt  }
0x3e: {  	_ =	shalt  }
0x3f: {  	_ =	shalt  }
0x40: {  	_ =	shalt  }
0x41: {  	_ =	shalt  }
0x42: {  	_ =	shalt  }
0x43: {  	_ =	shalt  }
0x44: {  	_ =	shalt  }
0x45: {  	_ =	shalt  }
0x46: {  	_ =	shalt  }
0x47: {  	_ =	shalt  }
0x48: {  	_ =	shalt  }
0x49: {  	_ =	shalt  }
0x4a: {  	_ =	shalt  }
0x4b: {  	_ =	shalt  }
0x4c: {  	_ =	shalt  }
0x4d: {  	_ =	shalt  }
0x4e: {  	_ =	shalt  }
0x4f: {  	_ =	shalt  }
0x50: {  	_ =	shalt  }
0x51: {  	_ =	shalt  }
0x52: {  	_ =	shalt  }
0x53: {  	_ =	shalt  }
0x54: {  	_ =	shalt  }
0x55: {  	_ =	shalt  }
0x56: {  	_ =	shalt  }
0x57: {  	_ =	shalt  }
0x58: {  	_ =	shalt  }
0x59: {  	_ =	shalt  }
0x5a: {  	_ =	shalt  }
0x5b: {  	_ =	shalt  }
0x5c: {  	_ =	shalt  }
0x5d: {  	_ =	shalt  }
0x5e: {  	_ =	shalt  }
0x5f: {  	_ =	shalt  }
0x60: {  	_ =	shalt  }
0x61: {  	_ =	shalt  }
0x62: {  	_ =	shalt  }
0x63: {  	_ =	shalt  }
0x64: {  	_ =	shalt  }
0x65: {  	_ =	shalt  }
0x66: {  	_ =	shalt  }
0x67: {  	_ =	shalt  }
0x68: {  	_ =	shalt  }
0x69: {  	_ =	shalt  }
0x6a: {  	_ =	shalt  }
0x6b: {  	_ =	shalt  }
0x6c: {  	_ =	shalt  }
0x6d: {  	_ =	shalt  }
0x6e: {  	_ =	shalt  }
0x6f: {  	_ =	shalt  }
0x70: {  	_ =	shalt  }
0x71: {  	_ =	shalt  }
0x72: {  	_ =	shalt  }
0x73: {  	_ =	shalt  }
0x74: {  	_ =	shalt  }
0x75: {  	_ =	shalt  }
0x76: {  	_ =	shalt  }
0x77: {  	_ =	shalt  }
0x78: {  	_ =	shalt  }
0x79: {  	_ =	shalt  }
0x7a: {  	_ =	shalt  }
0x7b: {  	_ =	shalt  }
0x7c: {  	_ =	shalt  }
0x7d: {  	_ =	shalt  }
0x7e: {  	_ =	shalt  }
0x7f: {  	_ =	shalt  }
0x80: {  	_ =	shalt  }
0x81: {  	_ =	shalt  }
0x82: {  	_ =	shalt  }
0x83: {  	_ =	shalt  }
0x84: {  	_ =	shalt  }
0x85: {  	_ =	shalt  }
0x86: {  	_ =	shalt  }
0x87: {  	_ =	shalt  }
.Lfunc_end0:
.L_simem_size_0:
called_computation_lowered:
.L_overlay_start_0:
0x88: {  	s2 =	sld [smem:$0x3FD9]  }
0x89: {  	s3 =	sld [smem:$0x3FFE];
	_ =	sdelay $0x1  }
0x8a: {  	s1 =	srdreg.scid  }
0x8b: {  	s0 =	sand.u32 $0x1, s1  }
0x8c: {  	s17 =	sshll.u32 s0, $0xA;
	s2 =	sadd.s32 s3, s2  }
0x8d: {  	s2 =	sadd.s32 s2, s17  }
0x8e: {  	[smem:$0x3FBE] =	sst s2  }
0x8f: {  	_ = 	snop  }
0x90: {  	s2 =	sld [smem:$0x3FD0];
	(tm) =	ssettm $0x1  }
0x91: {  	s18 =	sld [smem:$0x3FFB];
	_ =	sdelay $0x3  }
0x92: {  	_ =	strace s18  }
0x93: {  	s3 =	sld [smem:$0x3FFC];
	_ =	sdelay $0x3  }
0x94: {  	_ =	strace s3  }
0x95: {  	s3 =	sld [smem:$0x3FFD];
	_ =	sdelay $0x3  }
0x96: {  	_ =	strace s3  }
0x97: {  	_ =	strace $0x8FFFFFFF  }
0x98: {  	s19 =	sld [smem:$0x3FDB];
	_ =	sdelay $0x1  }
0x99: {  	s4 =	simm.s32 $_scs_section_size  }
0x9a: {  	s5 =	simm.s32 $_size__tile_overlayer_lowered;
	s6 =	simm.s32 $_tile_overlayer_lowered  }
0x9b: {  	s22 =	simm.s32 $0x1BFF;
	s21 =	sshll.u32 s6, $0x1;
	s3 =	sadd.s32 s4, s19  }
0x9c: {  	s7 =	simm.s32 $0x0;
	s20 =	sshll.u32 s5, $0x1;
	s5 =	sadd.s32 s21, s3  }
0x9d: {  	[timem:s7], [sflag:s22] =	dma.local [hbm:s5], s20  }
0x9e: {  	_ =	swait.ge [sflag:s22], s20  }
0x9f: {  	s4 =	ssub.s32 $0x0, s20;
	[sflag:s22] =	ssyncset.done $0x0  }
0xa0: {  	[sflag:s22] =	ssyncadd.s32 s4;
	_ =	sdelay $0x1  }
0xa1: {  	s23 =	simm.s32 $0x1B8B  }
0xa2: {  	_ =	swait.ge [sflag:s23], $0x1  }
0xa3: {  	[sflag:s23] =	ssyncset.done $0x0  }
0xa4: {  	s25 =	simm.s32 $0x1B8E;
	s24 =	sld [smem:$0x3FFE];
	[sflag:s23] =	ssyncadd.s32 $0xFFFFFFFF  }
0xa5: {  	s26 =	simm.s32 $execute0_lowered;
	[smem:$0x3FD2] =	sst s25  }
0xa6: {  	s5 =	sshll.u32 s26, $0x1;
	_ =	strace $0x80000046;
	[dreg:$0x1] =	wrdreg $0xFFFFFFFF  }
0xa7: {  	s28 =	simm.s32 $_size_execute0_lowered;
	s3 =	sadd.s32 s3, s5;
	[dreg:$0x0] =	wrdreg $0x0  }
0xa8: {  	s5 =	sshll.u32 s28, $0x1;
	[dreg:$0x2] =	wrdreg s3  }
0xa9: {  	[dreg:$0x3] =	wrdreg s5  }
0xaa: {  	[dreg:$0x4] =	wrdreg $0xC0  }
0xab: {  	_ =	task [dreg:s7], $0x5FFFF  }
0xac: {  	[dreg:$0x1] =	wrdreg $0xFFFFFFFF  }
0xad: {  	[dreg:$0x0] =	wrdreg $0x60  }
0xae: {  	[dreg:$0x2] =	wrdreg s2  }
0xaf: {  	[dreg:$0x3] =	wrdreg s24  }
0xb0: {  	[dreg:$0x4] =	wrdreg $0x0  }
0xb1: {  	[dreg:$0x5] =	wrdreg $0x9  }
0xb2: {  	_ =	task.clear_ibuf [dreg:s7], $0x6FFFF;
	_ =	strace $0x90000046  }
0xb3: {  	s29 =	simm.s32 $0x9;
	_ =	strace $0x80000048  }
0xb4: {  	_ =	swait.ge [sflag:s29], $0x1  }
0xb5: {  	[sflag:s29] =	ssyncadd.s32 $0xFFFFFFFF  }
0xb6: {  	_ =	strace $0x90000048  }
0xb7: {  	_ =	sfence  }
0xb8: {  	s30 =	sld [smem:$0x0];
	_ =	sdelay $0x2  }
0xb9: {  	s31 =	sshll.u32 s1, $0xD;
	s1 =	sshrl.u32 s1, $0x2  }
0xba: {  	s3 =	sand.u32 $0x4000, s31;
	s1 =	sadd.s32 s1, s30  }
0xbb: {  	s0 =	sor.u32 s3, s0;
	s1 =	sshll.u32 s1, $0x11  }
0xbc: {  	s0 =	sor.u32 s1, s0  }
0xbd: {  	s0 =	sadd.s32 $0x8F2B, s0  }
0xbe: {  	[sflag:s0] =	ssyncadd.remote.s32 $0x1  }
0xbf: {  	_ =	sfence.sel $0xFFFF  }
0xc0: {  	[dreg:$0x0] =	wrdreg $0xFFFFFFFF;
	(pc) =	sbr.abs _section_cstart, $3  }
0xc1: {  	[dreg:$0x1] =	wrdreg $0xFFFFFFFF  }
0xc2: {  	_ =	task.clear_ibuf [dreg:s7], $0x2FFFF;
	_ =	strace $0x9FFFFFFF  }
0xc3: {  	(tm) =	ssettm $0x7FFFFFFF  }
tec
execute0_lowered:
.L_overlay_start_1:
0x0: {  	(tag) =	ssettag $0x1  }
0x1: {  	s1 =	rddreg [dreg:$0x0]  }
0x2: {  	s0 =	rddreg [dreg:$0x1]  }
0x3: {  	s2 =	rddreg [dreg:$0x2]  }
0x4: {  	s3 =	simm.s32 $0x0;
	s9 =	srdreg.scid;
	s15 =	stileid.u32  }
0x5: {  	s29 =	simm.s32 $0x16800;
	s30 =	simm.s32 $0x5;
	s31 =	simm.s32 $0x1  }
0x6: {  	s28 =	simm.s32 $0x4;
	[smem:$0x7FF] =	sst s3;
	s4 =	sadd.s32 $0x3400, s0  }
0x7: {  	s5 =	sadd.s32 $0x2B400, s0;
	s6 =	sadd.s32 $0x5D400, s0;
	s7 =	sadd.s32 $0x58400, s0  }
0x8: {  	s8 =	sadd.s32 $0x53400, s0;
	s10 =	sadd.s32 $0x85400, s0;
	s9 =	sand.u32 $0x1, s9  }
0x9: {  	s18 =	sadd.s32 $0x85C00, s0;
	_ =	strace $0x80000047;
	[dreg:$0x4] =	wrdreg s10  }
0xa: {  	s11 =	smul.u32 $0x280, s15;
	s12 =	sadd.s32 $0xADC00, s0;
	[dreg:$0x5] =	wrdreg s18  }
0xb: {  	s13 =	smul.u32 $0x50000, s15;
	s14 =	sadd.s32 $0xD5C00, s0;
	[dreg:$0x6] =	wrdreg s12  }
0xc: {  	s0 =	sadd.s32 $0xFDC00, s0;
	s22 =	smul.u32 $0x2800, s15;
	[dreg:$0x7] =	wrdreg s14  }
0xd: {  	s16 =	smul.u32 $0x500, s15;
	s19 =	ssub.s32 $0x2, s9;
	[dreg:$0x8] =	wrdreg s0  }
0xe: {  	p0 =	sne.s32 s9, $0x0;
	s9 =	simm.s32 $0x80;
	s10 =	simm.s32 $0x1A800  }
0xf: {  	s20 =	sshrl.u32 s19, $0x1;
	s21 =	sshrl.u32 s13, $0x2;
	s12 =	sadd.s32 $0x80, s11  }
0x10: {  	s24 =	sadd.s32 $0x100, s11;
	[dreg:$0x9] =	wrdreg s22;
	s17 =	sshrl.u32 s22, $0x3  }
0x11: {  	s25 =	sadd.s32 s7, s16;
	s26 =	sadd.s32 s8, s16;
	s18 =	sadd.s32 $0x180, s11  }
0x12: {  	s0 =	ssub.s32 s19, s20;
	s14 =	sadd.s32 s21, s2;
	[dreg:$0xa] =	wrdreg s25  }
0x13: {  	s23 =	sshll.u32 s12, $0x7;
	[dreg:$0xb] =	wrdreg s26;
	s13 =	sadd.s32 $0x280, s17  }
0x14: {  	s17 =	sshll.u32 s24, $0x7;
	s19 =	sadd.s32 $0x200, s11;
	s26 =	sshll.u32 s18, $0x7  }
0x15: {  	s24 =	sshll.u32 s24, $0x4;
	s25 =	sshll.u32 s18, $0x4;
	s15 =	sadd.s32 s23, s2  }
0x16: {  	s7 =	sadd.s32 s7, s13;
	s16 =	sadd.s32 s8, s13;
	s20 =	sadd.s32 s17, s2  }
.Ltmp0:
0x17: {  	s11 =	sshll.u32 s19, $0x7;
	s21 =	sadd.s32 s26, s2;
	(pc) =	sbr.rel .LBB2_1-.Ltmp0, $4  }
0x18: {  	s23 =	sshll.u32 s12, $0x4;
	s26 =	sshll.u32 s19, $0x4;
	[dreg:$0xc] =	wrdreg s7  }
0x19: {  	s0 =	smax.u32 s0, $0x1;
	s12 =	simm.s32 $0x3;
	[dreg:$0xd] =	wrdreg s16  }
0x1a: {  	s8 =	simm.s32 $0x0;
	s22 =	sadd.s32 s11, s2;
	[dreg:$0xe] =	wrdreg s0  }
0x1b: {  	s0 =	simm.s32 $0x14000;
	s7 =	simm.s32 $0x15400;
	s11 =	simm.s32 $0x2  }
.LBB2_22:
0x1c: {  	s13 =	sadd.s32 $0x14000, s16;
	[sflag:s28] =	ssyncadd.s32 $0xFFFFC000  }
0x1d: {  	[tilespmem:s29], [sflag:$0x1] =	stream.indirect.gather [hbm4b:s6+s9], $0x80, s13, s9, $0xb8;
	[tilespmem:$0x1E800] =	vst v63  }
0x1e: {  	s17 =	sadd.s32 $0x14080, s16  }
0x1f: {  	[tilespmem:s10], [sflag:$0x2] =	stream.indirect.gather [hbm4b:s6+s9], $0x80, s17, s9, $0xb8;
	[tilespmem:$0x1E800] =	vst v63  }
0x20: {  	_ =	swait.ge [sflag:s31], $0x4000  }
0x21: {  	[sflag:s31] =	ssyncset.done $0x0  }
0x22: {  	s18 =	sadd.s32 $0x15400, s16;
	[sflag:s31] =	ssyncadd.s32 $0xFFFFC000  }
0x23: {  	[spmem:s2] =	stream.indirect.scatter.add.f32 [tilespmem:s29], [sflag:$0x3], $0x80, s18, s9, $0xb8;
	[tilespmem:$0x1E800] =	vst v63  }
0x24: {  	_ =	swait.ge [sflag:s11], $0x4000  }
0x25: {  	[sflag:s11] =	ssyncset.done $0x0  }
0x26: {  	s19 =	sadd.s32 $0x15480, s16;
	[sflag:s11] =	ssyncadd.s32 $0xFFFFC000  }
0x27: {  	[spmem:s2] =	stream.indirect.scatter.add.f32 [tilespmem:s10], [sflag:$0x4], $0x80, s19, s9, $0xb8;
	[tilespmem:$0x1E800] =	vst v63  }
0x28: {  	_ =	swait.ge [sflag:s12], $0x4000  }
0x29: {  	[sflag:s12] =	ssyncset.done $0x0  }
0x2a: {  	[sflag:s12] =	ssyncadd.s32 $0xFFFFC000  }
0x2b: {  	_ =	swait.ge [sflag:s28], $0x4000  }
0x2c: {  	[sflag:s28] =	ssyncset.done $0x0  }
0x2d: {  	s16 =	rddreg [dreg:$0x8];
	[sflag:s28] =	ssyncadd.s32 $0xFFFFC000  }
.LBB2_23:
0x2e: {  	[bflag:$0x0] =	sbarrier.arrive $0xFFFF  }
0x2f: {  	[tilespmem:s29], [sflag:$0x5] =	stream.linear.gather [spmem:s14], $0x4000, $0x38;
	[tilespmem:$0x1E800] =	vst v63  }
0x30: {  	_ =	swait.ge [sflag:s30], $0x4000  }
0x31: {  	[sflag:s30] =	ssyncset.done $0x0;
	s13 =	rddreg [dreg:$0x9]  }
0x32: {  	s13 =	sadd.s32 s16, s13;
	[sflag:s30] =	ssyncadd.s32 $0xFFFFC000  }
0x33: {  	[hbm4b:s13+s3] =	stream.linear.scatter [tilespmem:s29], [sflag:$0x1], $0x4000, $0x38;
	[tilespmem:$0x1E800] =	vst v63  }
0x34: {  	_ = 	snop  }
0x35: {  	[tilespmem:s10], [sflag:$0x5] =	stream.linear.gather [spmem:s15], $0x4000, $0x38;
	[tilespmem:$0x1E800] =	vst v63  }
0x36: {  	_ =	swait.ge [sflag:s30], $0x4000  }
0x37: {  	[sflag:s30] =	ssyncset.done $0x0  }
0x38: {  	s18 =	sadd.s32 s16, s23;
	[sflag:s30] =	ssyncadd.s32 $0xFFFFC000  }
0x39: {  	[hbm4b:s18+s3] =	stream.linear.scatter [tilespmem:s10], [sflag:$0x2], $0x4000, $0x38;
	[tilespmem:$0x1E800] =	vst v63  }
0x3a: {  	_ =	swait.ge [sflag:s31], $0x4000  }
0x3b: {  	[sflag:s31] =	ssyncset.done $0x0  }
0x3c: {  	[sflag:s31] =	ssyncadd.s32 $0xFFFFC000  }
0x3d: {  	[tilespmem:s29], [sflag:$0x5] =	stream.linear.gather [spmem:s20], $0x4000, $0x38;
	[tilespmem:$0x1E800] =	vst v63  }
0x3e: {  	_ =	swait.ge [sflag:s30], $0x4000  }
0x3f: {  	[sflag:s30] =	ssyncset.done $0x0  }
0x40: {  	s19 =	sadd.s32 s16, s24;
	[sflag:s30] =	ssyncadd.s32 $0xFFFFC000  }
0x41: {  	[hbm4b:s19+s3] =	stream.linear.scatter [tilespmem:s29], [sflag:$0x1], $0x4000, $0x38;
	[tilespmem:$0x1E800] =	vst v63  }
0x42: {  	_ =	swait.ge [sflag:s11], $0x4000  }
0x43: {  	[sflag:s11] =	ssyncset.done $0x0  }
0x44: {  	[sflag:s11] =	ssyncadd.s32 $0xFFFFC000  }
0x45: {  	[tilespmem:s10], [sflag:$0x5] =	stream.linear.gather [spmem:s21], $0x4000, $0x38;
	[tilespmem:$0x1E800] =	vst v63  }
0x46: {  	_ =	swait.ge [sflag:s30], $0x4000  }
0x47: {  	[sflag:s30] =	ssyncset.done $0x0  }
0x48: {  	s17 =	sadd.s32 s16, s25;
	[sflag:s30] =	ssyncadd.s32 $0xFFFFC000  }
0x49: {  	[hbm4b:s17+s3] =	stream.linear.scatter [tilespmem:s10], [sflag:$0x2], $0x4000, $0x38;
	[tilespmem:$0x1E800] =	vst v63  }
0x4a: {  	_ =	swait.ge [sflag:s31], $0x4000  }
0x4b: {  	[sflag:s31] =	ssyncset.done $0x0  }
0x4c: {  	[sflag:s31] =	ssyncadd.s32 $0xFFFFC000  }
0x4d: {  	[tilespmem:s29], [sflag:$0x5] =	stream.linear.gather [spmem:s22], $0x4000, $0x38;
	[tilespmem:$0x1E800] =	vst v63  }
0x4e: {  	_ =	swait.ge [sflag:s30], $0x4000  }
0x4f: {  	[sflag:s30] =	ssyncset.done $0x0  }
0x50: {  	s18 =	sadd.s32 s16, s26;
	[sflag:s30] =	ssyncadd.s32 $0xFFFFC000  }
0x51: {  	[hbm4b:s18+s3] =	stream.linear.scatter [tilespmem:s29], [sflag:$0x1], $0x4000, $0x38;
	[tilespmem:$0x1E800] =	vst v63  }
0x52: {  	_ =	swait.ge [sflag:s31], $0x4000  }
0x53: {  	[sflag:s31] =	ssyncset.done $0x0  }
0x54: {  	[sflag:s31] =	ssyncadd.s32 $0xFFFFC000  }
0x55: {  	_ =	swait.ge [sflag:s11], $0x4000  }
0x56: {  	s8 =	sadd.s32 $0x1, s8;
	s19 =	rddreg [dreg:$0xe]  }
0x57: {  	p1 =	sne.s32 s8, s19  }
.Ltmp1:
0x58: {  	_ = 	snop;
	(pc) =	sbr.rel @!p1 .LBB2_24-.Ltmp1, $3  }
0x59: {  	[sflag:s11] =	ssyncset.done $0x0  }
0x5a: {  	[sflag:s11] =	ssyncadd.s32 $0xFFFFC000  }
0x5b: {  	[bflag:$0x0] =	sbarrier.arrive $0xFFFF;
	_ =	sdelay $0x1  }
.LBB2_1:
0x5c: {  	s13 =	rddreg [dreg:$0x4]  }
0x5d: {  	[tilespmem:s29], [sflag:$0x5] =	stream.linear.gather [hbm4b:s13+s3], $0x4000, $0x38;
	[tilespmem:$0x1E800] =	vst v63  }
0x5e: {  	_ =	swait.ge [sflag:s30], $0x4000  }
0x5f: {  	[sflag:s30] =	ssyncset.done $0x0  }
0x60: {  	[sflag:s30] =	ssyncadd.s32 $0xFFFFC000  }
0x61: {  	[spmem:s14] =	stream.linear.scatter [tilespmem:s29], [sflag:$0x1], $0x4000, $0x38;
	[tilespmem:$0x1E800] =	vst v63  }
0x62: {  	_ = 	snop  }
0x63: {  	[spmem:s15] =	stream.linear.scatter [tilespmem:s29], [sflag:$0x1], $0x4000, $0x38;
	[tilespmem:$0x1E800] =	vst v63  }
0x64: {  	_ = 	snop  }
0x65: {  	[spmem:s20] =	stream.linear.scatter [tilespmem:s29], [sflag:$0x1], $0x4000, $0x38;
	[tilespmem:$0x1E800] =	vst v63  }
0x66: {  	_ = 	snop  }
0x67: {  	[spmem:s21] =	stream.linear.scatter [tilespmem:s29], [sflag:$0x1], $0x4000, $0x38;
	[tilespmem:$0x1E800] =	vst v63  }
0x68: {  	_ = 	snop  }
0x69: {  	[spmem:s22] =	stream.linear.scatter [tilespmem:s29], [sflag:$0x1], $0x4000, $0x38;
	[tilespmem:$0x1E800] =	vst v63  }
0x6a: {  	_ =	swait.ge [sflag:s31], $0x4000  }
0x6b: {  	[sflag:s31] =	ssyncset.done $0x0  }
0x6c: {  	[sflag:s31] =	ssyncadd.s32 $0xFFFFC000  }
0x6d: {  	_ =	swait.ge [sflag:s31], $0x4000  }
0x6e: {  	[sflag:s31] =	ssyncset.done $0x0  }
0x6f: {  	[sflag:s31] =	ssyncadd.s32 $0xFFFFC000  }
0x70: {  	_ =	swait.ge [sflag:s31], $0x4000  }
0x71: {  	[sflag:s31] =	ssyncset.done $0x0  }
0x72: {  	[sflag:s31] =	ssyncadd.s32 $0xFFFFC000  }
0x73: {  	_ =	swait.ge [sflag:s31], $0x4000  }
0x74: {  	[sflag:s31] =	ssyncset.done $0x0  }
0x75: {  	[sflag:s31] =	ssyncadd.s32 $0xFFFFC000  }
0x76: {  	_ =	swait.ge [sflag:s31], $0x4000  }
0x77: {  	[sflag:s31] =	ssyncset.done $0x0  }
0x78: {  	[sflag:s31] =	ssyncadd.s32 $0xFFFFC000  }
0x79: {  	[bflag:$0x0] =	sbarrier.arrive $0xFFFF  }
0x7a: {  	s18 =	rddreg [dreg:$0xa]  }
0x7b: {  	[tilespmem:s0], [sflag:$0x5] =	stream.linear.gather [hbm4b:s18+s3], $0x1400, $0x38;
	[tilespmem:$0x1E800] =	vst v63  }
0x7c: {  	_ =	swait.ge [sflag:s30], $0x1400  }
0x7d: {  	[sflag:s30] =	ssyncset.done $0x0  }
.Ltmp2:
0x7e: {  	s19 =	rddreg [dreg:$0xb];
	[sflag:s30] =	ssyncadd.s32 $0xFFFFEC00;
	(pc) =	sbr.rel @p0 .LBB2_7-.Ltmp2, $4  }
0x7f: {  	[tilespmem:s7], [sflag:$0x5] =	stream.linear.gather [hbm4b:s19+s3], $0x1400, $0x38;
	[tilespmem:$0x1E800] =	vst v63  }
0x80: {  	_ =	swait.ge [sflag:s30], $0x1400  }
0x81: {  	[sflag:s30] =	ssyncset.done $0x0  }
0x82: {  	[sflag:s30] =	ssyncadd.s32 $0xFFFFEC00  }
0x83: {  	s16 =	simm.s32 $0x14000  }
0x84: {  	[tilespmem:s29], [sflag:$0x1] =	stream.indirect.gather [hbm4b:s1+s9], $0x80, s16, s9, $0xb8;
	[tilespmem:$0x1E800] =	vst v63  }
0x85: {  	s17 =	simm.s32 $0x14080  }
0x86: {  	[tilespmem:s10], [sflag:$0x2] =	stream.indirect.gather [hbm4b:s1+s9], $0x80, s17, s9, $0xb8;
	[tilespmem:$0x1E800] =	vst v63  }
0x87: {  	_ =	swait.ge [sflag:s31], $0x4000  }
0x88: {  	[sflag:s31] =	ssyncset.done $0x0  }
0x89: {  	s18 =	simm.s32 $0x15400;
	[sflag:s31] =	ssyncadd.s32 $0xFFFFC000  }
0x8a: {  	[spmem:s2] =	stream.indirect.scatter.add.f32 [tilespmem:s29], [sflag:$0x3], $0x80, s18, s9, $0xb8;
	[tilespmem:$0x1E800] =	vst v63  }
0x8b: {  	_ =	swait.ge [sflag:s11], $0x4000  }
0x8c: {  	[sflag:s11] =	ssyncset.done $0x0  }
0x8d: {  	s19 =	simm.s32 $0x15480;
	[sflag:s11] =	ssyncadd.s32 $0xFFFFC000  }
0x8e: {  	[spmem:s2] =	stream.indirect.scatter.add.f32 [tilespmem:s10], [sflag:$0x4], $0x80, s19, s9, $0xb8;
	[tilespmem:$0x1E800] =	vst v63  }
0x8f: {  	_ =	swait.ge [sflag:s12], $0x4000  }
0x90: {  	[sflag:s12] =	ssyncset.done $0x0  }
0x91: {  	[sflag:s12] =	ssyncadd.s32 $0xFFFFC000  }
0x92: {  	_ =	swait.ge [sflag:s28], $0x4000  }
0x93: {  	s16 =	simm.s32 $0x100;
	s17 =	simm.s32 $0x800;
	[sflag:s28] =	ssyncset.done $0x0  }
.LBB2_3:
0x94: {  	s18 =	sadd.s32 $0x14000, s16  }
0x95: {  	[sflag:s28] =	ssyncadd.s32 $0xFFFFC000;
	s19 =	smov.u32 s17;
	s13 =	sadd.s32 $0x400, s17  }
0x96: {  	[tilespmem:s29], [sflag:$0x1] =	stream.indirect.gather [hbm4b:s1+s9], $0x80, s18, s9, $0xb8;
	[tilespmem:$0x1E800] =	vst v63  }
0x97: {  	p1 =	sne.s32 s17, $0x4C00;
	s17 =	sadd.s32 $0x14080, s16  }
0x98: {  	[tilespmem:s10], [sflag:$0x2] =	stream.indirect.gather [hbm4b:s1+s9], $0x80, s17, s9, $0xb8;
	[tilespmem:$0x1E800] =	vst v63  }
0x99: {  	_ =	swait.ge [sflag:s31], $0x4000  }
0x9a: {  	[sflag:s31] =	ssyncset.done $0x0  }
0x9b: {  	s17 =	sadd.s32 $0x15400, s16;
	[sflag:s31] =	ssyncadd.s32 $0xFFFFC000  }
0x9c: {  	[spmem:s2] =	stream.indirect.scatter.add.f32 [tilespmem:s29], [sflag:$0x3], $0x80, s17, s9, $0xb8;
	[tilespmem:$0x1E800] =	vst v63  }
0x9d: {  	_ =	swait.ge [sflag:s11], $0x4000  }
0x9e: {  	[sflag:s11] =	ssyncset.done $0x0  }
0x9f: {  	s16 =	sadd.s32 $0x15480, s16;
	[sflag:s11] =	ssyncadd.s32 $0xFFFFC000  }
0xa0: {  	[spmem:s2] =	stream.indirect.scatter.add.f32 [tilespmem:s10], [sflag:$0x4], $0x80, s16, s9, $0xb8;
	[tilespmem:$0x1E800] =	vst v63  }
.Ltmp3:
0xa1: {  	_ =	swait.ge [sflag:s12], $0x4000;
	(pc) =	sbr.rel @p1 .LBB2_3-.Ltmp3, $4  }
0xa2: {  	[sflag:s12] =	ssyncset.done $0x0  }
0xa3: {  	[sflag:s12] =	ssyncadd.s32 $0xFFFFC000  }
0xa4: {  	_ =	swait.ge [sflag:s28], $0x4000  }
0xa5: {  	s17 =	smov.u32 s13;
	s16 =	sshra.s32 s19, $0x2;
	[sflag:s28] =	ssyncset.done $0x0  }
0xa6: {  	s13 =	sadd.s32 $0x14000, s16;
	[sflag:s28] =	ssyncadd.s32 $0xFFFFC000  }
0xa7: {  	[tilespmem:s29], [sflag:$0x1] =	stream.indirect.gather [hbm4b:s1+s9], $0x80, s13, s9, $0xb8;
	[tilespmem:$0x1E800] =	vst v63  }
0xa8: {  	s18 =	sadd.s32 $0x14080, s16  }
0xa9: {  	[tilespmem:s10], [sflag:$0x2] =	stream.indirect.gather [hbm4b:s1+s9], $0x80, s18, s9, $0xb8;
	[tilespmem:$0x1E800] =	vst v63  }
0xaa: {  	_ =	swait.ge [sflag:s31], $0x4000  }
0xab: {  	[sflag:s31] =	ssyncset.done $0x0  }
0xac: {  	s19 =	sadd.s32 $0x15400, s16;
	[sflag:s31] =	ssyncadd.s32 $0xFFFFC000  }
0xad: {  	[spmem:s2] =	stream.indirect.scatter.add.f32 [tilespmem:s29], [sflag:$0x3], $0x80, s19, s9, $0xb8;
	[tilespmem:$0x1E800] =	vst v63  }
0xae: {  	_ =	swait.ge [sflag:s11], $0x4000  }
0xaf: {  	[sflag:s11] =	ssyncset.done $0x0  }
0xb0: {  	s16 =	sadd.s32 $0x15480, s16;
	[sflag:s11] =	ssyncadd.s32 $0xFFFFC000  }
0xb1: {  	[spmem:s2] =	stream.indirect.scatter.add.f32 [tilespmem:s10], [sflag:$0x4], $0x80, s16, s9, $0xb8;
	[tilespmem:$0x1E800] =	vst v63  }
0xb2: {  	_ =	swait.ge [sflag:s12], $0x4000  }
0xb3: {  	[sflag:s12] =	ssyncset.done $0x0  }
0xb4: {  	[sflag:s12] =	ssyncadd.s32 $0xFFFFC000  }
0xb5: {  	_ =	swait.ge [sflag:s28], $0x4000  }
0xb6: {  	[sflag:s28] =	ssyncset.done $0x0  }
0xb7: {  	s17 =	simm.s32 $0x0;
	s18 =	rddreg [dreg:$0xc];
	[sflag:s28] =	ssyncadd.s32 $0xFFFFC000  }
0xb8: {  	[tilespmem:s0], [sflag:$0x5] =	stream.linear.gather [hbm4b:s18+s17], $0x1400, $0x38;
	[tilespmem:$0x1E800] =	vst v63  }
0xb9: {  	_ =	swait.ge [sflag:s30], $0x1400  }
0xba: {  	[sflag:s30] =	ssyncset.done $0x0  }
0xbb: {  	s19 =	rddreg [dreg:$0xd];
	[sflag:s30] =	ssyncadd.s32 $0xFFFFEC00  }
0xbc: {  	[tilespmem:s7], [sflag:$0x5] =	stream.linear.gather [hbm4b:s19+s17], $0x1400, $0x38;
	[tilespmem:$0x1E800] =	vst v63  }
0xbd: {  	_ =	swait.ge [sflag:s30], $0x1400  }
0xbe: {  	[sflag:s30] =	ssyncset.done $0x0  }
0xbf: {  	s16 =	simm.s32 $0x14000;
	[sflag:s30] =	ssyncadd.s32 $0xFFFFEC00  }
0xc0: {  	[tilespmem:s29], [sflag:$0x1] =	stream.indirect.gather [hbm4b:s1+s9], $0x80, s16, s9, $0xb8;
	[tilespmem:$0x1E800] =	vst v63  }
0xc1: {  	s17 =	simm.s32 $0x14080  }
0xc2: {  	[tilespmem:s10], [sflag:$0x2] =	stream.indirect.gather [hbm4b:s1+s9], $0x80, s17, s9, $0xb8;
	[tilespmem:$0x1E800] =	vst v63  }
0xc3: {  	_ =	swait.ge [sflag:s31], $0x4000  }
0xc4: {  	[sflag:s31] =	ssyncset.done $0x0  }
0xc5: {  	s18 =	simm.s32 $0x15400;
	[sflag:s31] =	ssyncadd.s32 $0xFFFFC000  }
0xc6: {  	[spmem:s2] =	stream.indirect.scatter.add.f32 [tilespmem:s29], [sflag:$0x3], $0x80, s18, s9, $0xb8;
	[tilespmem:$0x1E800] =	vst v63  }
0xc7: {  	_ =	swait.ge [sflag:s11], $0x4000  }
0xc8: {  	[sflag:s11] =	ssyncset.done $0x0  }
0xc9: {  	s19 =	simm.s32 $0x15480;
	[sflag:s11] =	ssyncadd.s32 $0xFFFFC000  }
0xca: {  	[spmem:s2] =	stream.indirect.scatter.add.f32 [tilespmem:s10], [sflag:$0x4], $0x80, s19, s9, $0xb8;
	[tilespmem:$0x1E800] =	vst v63  }
0xcb: {  	_ =	swait.ge [sflag:s12], $0x4000  }
0xcc: {  	[sflag:s12] =	ssyncset.done $0x0  }
0xcd: {  	[sflag:s12] =	ssyncadd.s32 $0xFFFFC000  }
0xce: {  	_ =	swait.ge [sflag:s28], $0x4000  }
0xcf: {  	s16 =	simm.s32 $0x100;
	s17 =	simm.s32 $0x800;
	[sflag:s28] =	ssyncset.done $0x0  }
.LBB2_5:
0xd0: {  	s13 =	sadd.s32 $0x14000, s16  }
0xd1: {  	[sflag:s28] =	ssyncadd.s32 $0xFFFFC000;
	s18 =	smov.u32 s17;
	s19 =	sadd.s32 $0x400, s17  }
0xd2: {  	[tilespmem:s29], [sflag:$0x1] =	stream.indirect.gather [hbm4b:s1+s9], $0x80, s13, s9, $0xb8;
	[tilespmem:$0x1E800] =	vst v63  }
0xd3: {  	p1 =	seq.s32 s17, $0x4C00;
	s13 =	sadd.s32 $0x14080, s16  }
0xd4: {  	[tilespmem:s10], [sflag:$0x2] =	stream.indirect.gather [hbm4b:s1+s9], $0x80, s13, s9, $0xb8;
	[tilespmem:$0x1E800] =	vst v63  }
0xd5: {  	_ =	swait.ge [sflag:s31], $0x4000  }
0xd6: {  	[sflag:s31] =	ssyncset.done $0x0  }
0xd7: {  	s13 =	sadd.s32 $0x15400, s16;
	[sflag:s31] =	ssyncadd.s32 $0xFFFFC000  }
0xd8: {  	[spmem:s2] =	stream.indirect.scatter.add.f32 [tilespmem:s29], [sflag:$0x3], $0x80, s13, s9, $0xb8;
	[tilespmem:$0x1E800] =	vst v63  }
0xd9: {  	_ =	swait.ge [sflag:s11], $0x4000  }
0xda: {  	[sflag:s11] =	ssyncset.done $0x0  }
0xdb: {  	s13 =	sadd.s32 $0x15480, s16;
	[sflag:s11] =	ssyncadd.s32 $0xFFFFC000  }
0xdc: {  	[spmem:s2] =	stream.indirect.scatter.add.f32 [tilespmem:s10], [sflag:$0x4], $0x80, s13, s9, $0xb8;
	[tilespmem:$0x1E800] =	vst v63  }
.Ltmp4:
0xdd: {  	_ =	swait.ge [sflag:s12], $0x4000;
	(pc) =	sbr.rel @!p1 .LBB2_5-.Ltmp4, $4  }
0xde: {  	[sflag:s12] =	ssyncset.done $0x0  }
0xdf: {  	[sflag:s12] =	ssyncadd.s32 $0xFFFFC000  }
0xe0: {  	_ =	swait.ge [sflag:s28], $0x4000  }
0xe1: {  	s17 =	smov.u32 s19;
	s16 =	sshra.s32 s18, $0x2;
	[sflag:s28] =	ssyncset.done $0x0  }
0xe2: {  	s13 =	sadd.s32 $0x14000, s16;
	[sflag:s28] =	ssyncadd.s32 $0xFFFFC000  }
0xe3: {  	[tilespmem:s29], [sflag:$0x1] =	stream.indirect.gather [hbm4b:s1+s9], $0x80, s13, s9, $0xb8;
	[tilespmem:$0x1E800] =	vst v63  }
0xe4: {  	s17 =	sadd.s32 $0x14080, s16  }
0xe5: {  	[tilespmem:s10], [sflag:$0x2] =	stream.indirect.gather [hbm4b:s1+s9], $0x80, s17, s9, $0xb8;
	[tilespmem:$0x1E800] =	vst v63  }
0xe6: {  	_ =	swait.ge [sflag:s31], $0x4000  }
0xe7: {  	[sflag:s31] =	ssyncset.done $0x0  }
0xe8: {  	s18 =	sadd.s32 $0x15400, s16;
	[sflag:s31] =	ssyncadd.s32 $0xFFFFC000  }
0xe9: {  	[spmem:s2] =	stream.indirect.scatter.add.f32 [tilespmem:s29], [sflag:$0x3], $0x80, s18, s9, $0xb8;
	[tilespmem:$0x1E800] =	vst v63  }
0xea: {  	_ =	swait.ge [sflag:s11], $0x4000  }
0xeb: {  	[sflag:s11] =	ssyncset.done $0x0  }
0xec: {  	s19 =	sadd.s32 $0x15480, s16;
	[sflag:s11] =	ssyncadd.s32 $0xFFFFC000  }
0xed: {  	[spmem:s2] =	stream.indirect.scatter.add.f32 [tilespmem:s10], [sflag:$0x4], $0x80, s19, s9, $0xb8;
	[tilespmem:$0x1E800] =	vst v63  }
0xee: {  	_ =	swait.ge [sflag:s12], $0x4000  }
.Ltmp5:
0xef: {  	[sflag:s12] =	ssyncset.done $0x0;
	(pc) =	sbr.rel .LBB2_12-.Ltmp5, $4  }
0xf0: {  	[sflag:s12] =	ssyncadd.s32 $0xFFFFC000  }
0xf1: {  	_ =	swait.ge [sflag:s28], $0x4000  }
0xf2: {  	[sflag:s28] =	ssyncset.done $0x0  }
0xf3: {  	s17 =	rddreg [dreg:$0x5];
	[sflag:s28] =	ssyncadd.s32 $0xFFFFC000  }
.LBB2_7:
0xf4: {  	s13 =	simm.s32 $0x14000  }
0xf5: {  	[tilespmem:s29], [sflag:$0x1] =	stream.indirect.gather [hbm4b:s5+s9], $0x80, s13, s9, $0xb8;
	[tilespmem:$0x1E800] =	vst v63  }
0xf6: {  	s17 =	simm.s32 $0x14080  }
0xf7: {  	[tilespmem:s10], [sflag:$0x2] =	stream.indirect.gather [hbm4b:s5+s9], $0x80, s17, s9, $0xb8;
	[tilespmem:$0x1E800] =	vst v63  }
0xf8: {  	_ =	swait.ge [sflag:s31], $0x4000  }
0xf9: {  	[sflag:s31] =	ssyncset.done $0x0  }
0xfa: {  	s18 =	simm.s32 $0x15400;
	[sflag:s31] =	ssyncadd.s32 $0xFFFFC000  }
0xfb: {  	[spmem:s2] =	stream.indirect.scatter.add.f32 [tilespmem:s29], [sflag:$0x3], $0x80, s18, s9, $0xb8;
	[tilespmem:$0x1E800] =	vst v63  }
0xfc: {  	_ =	swait.ge [sflag:s11], $0x4000  }
0xfd: {  	[sflag:s11] =	ssyncset.done $0x0  }
0xfe: {  	s19 =	simm.s32 $0x15480;
	[sflag:s11] =	ssyncadd.s32 $0xFFFFC000  }
0xff: {  	[spmem:s2] =	stream.indirect.scatter.add.f32 [tilespmem:s10], [sflag:$0x4], $0x80, s19, s9, $0xb8;
	[tilespmem:$0x1E800] =	vst v63  }
0x100: {  	_ =	swait.ge [sflag:s12], $0x4000  }
0x101: {  	[sflag:s12] =	ssyncset.done $0x0  }
0x102: {  	[sflag:s12] =	ssyncadd.s32 $0xFFFFC000  }
0x103: {  	_ =	swait.ge [sflag:s28], $0x4000  }
0x104: {  	s16 =	simm.s32 $0x100;
	s17 =	simm.s32 $0x800;
	[sflag:s28] =	ssyncset.done $0x0  }
.LBB2_8:
0x105: {  	s13 =	sadd.s32 $0x14000, s16  }
0x106: {  	[sflag:s28] =	ssyncadd.s32 $0xFFFFC000;
	s18 =	smov.u32 s17;
	s19 =	sadd.s32 $0x400, s17  }
0x107: {  	[tilespmem:s29], [sflag:$0x1] =	stream.indirect.gather [hbm4b:s5+s9], $0x80, s13, s9, $0xb8;
	[tilespmem:$0x1E800] =	vst v63  }
0x108: {  	p1 =	sne.s32 s17, $0x4C00;
	s13 =	sadd.s32 $0x14080, s16  }
0x109: {  	[tilespmem:s10], [sflag:$0x2] =	stream.indirect.gather [hbm4b:s5+s9], $0x80, s13, s9, $0xb8;
	[tilespmem:$0x1E800] =	vst v63  }
0x10a: {  	_ =	swait.ge [sflag:s31], $0x4000  }
0x10b: {  	[sflag:s31] =	ssyncset.done $0x0  }
0x10c: {  	s13 =	sadd.s32 $0x15400, s16;
	[sflag:s31] =	ssyncadd.s32 $0xFFFFC000  }
0x10d: {  	[spmem:s2] =	stream.indirect.scatter.add.f32 [tilespmem:s29], [sflag:$0x3], $0x80, s13, s9, $0xb8;
	[tilespmem:$0x1E800] =	vst v63  }
0x10e: {  	_ =	swait.ge [sflag:s11], $0x4000  }
0x10f: {  	[sflag:s11] =	ssyncset.done $0x0  }
0x110: {  	s13 =	sadd.s32 $0x15480, s16;
	[sflag:s11] =	ssyncadd.s32 $0xFFFFC000  }
0x111: {  	[spmem:s2] =	stream.indirect.scatter.add.f32 [tilespmem:s10], [sflag:$0x4], $0x80, s13, s9, $0xb8;
	[tilespmem:$0x1E800] =	vst v63  }
.Ltmp6:
0x112: {  	_ =	swait.ge [sflag:s12], $0x4000;
	(pc) =	sbr.rel @p1 .LBB2_8-.Ltmp6, $4  }
0x113: {  	[sflag:s12] =	ssyncset.done $0x0  }
0x114: {  	[sflag:s12] =	ssyncadd.s32 $0xFFFFC000  }
0x115: {  	_ =	swait.ge [sflag:s28], $0x4000  }
0x116: {  	s17 =	smov.u32 s19;
	s16 =	sshra.s32 s18, $0x2;
	[sflag:s28] =	ssyncset.done $0x0  }
0x117: {  	s13 =	sadd.s32 $0x14000, s16;
	[sflag:s28] =	ssyncadd.s32 $0xFFFFC000  }
0x118: {  	[tilespmem:s29], [sflag:$0x1] =	stream.indirect.gather [hbm4b:s5+s9], $0x80, s13, s9, $0xb8;
	[tilespmem:$0x1E800] =	vst v63  }
0x119: {  	s18 =	sadd.s32 $0x14080, s16  }
0x11a: {  	[tilespmem:s10], [sflag:$0x2] =	stream.indirect.gather [hbm4b:s5+s9], $0x80, s18, s9, $0xb8;
	[tilespmem:$0x1E800] =	vst v63  }
0x11b: {  	_ =	swait.ge [sflag:s31], $0x4000  }
0x11c: {  	[sflag:s31] =	ssyncset.done $0x0  }
0x11d: {  	s19 =	sadd.s32 $0x15400, s16;
	[sflag:s31] =	ssyncadd.s32 $0xFFFFC000  }
0x11e: {  	[spmem:s2] =	stream.indirect.scatter.add.f32 [tilespmem:s29], [sflag:$0x3], $0x80, s19, s9, $0xb8;
	[tilespmem:$0x1E800] =	vst v63  }
0x11f: {  	_ =	swait.ge [sflag:s11], $0x4000  }
0x120: {  	[sflag:s11] =	ssyncset.done $0x0  }
0x121: {  	s16 =	sadd.s32 $0x15480, s16;
	[sflag:s11] =	ssyncadd.s32 $0xFFFFC000  }
0x122: {  	[spmem:s2] =	stream.indirect.scatter.add.f32 [tilespmem:s10], [sflag:$0x4], $0x80, s16, s9, $0xb8;
	[tilespmem:$0x1E800] =	vst v63  }
0x123: {  	_ =	swait.ge [sflag:s12], $0x4000  }
0x124: {  	[sflag:s12] =	ssyncset.done $0x0  }
0x125: {  	[sflag:s12] =	ssyncadd.s32 $0xFFFFC000  }
0x126: {  	_ =	swait.ge [sflag:s28], $0x4000  }
0x127: {  	[sflag:s28] =	ssyncset.done $0x0  }
0x128: {  	s17 =	simm.s32 $0x0;
	s18 =	rddreg [dreg:$0xc];
	[sflag:s28] =	ssyncadd.s32 $0xFFFFC000  }
0x129: {  	[tilespmem:s0], [sflag:$0x5] =	stream.linear.gather [hbm4b:s18+s17], $0x1400, $0x38;
	[tilespmem:$0x1E800] =	vst v63  }
0x12a: {  	_ =	swait.ge [sflag:s30], $0x1400  }
0x12b: {  	[sflag:s30] =	ssyncset.done $0x0  }
0x12c: {  	s19 =	rddreg [dreg:$0xd];
	[sflag:s30] =	ssyncadd.s32 $0xFFFFEC00  }
0x12d: {  	[tilespmem:s7], [sflag:$0x5] =	stream.linear.gather [hbm4b:s19+s17], $0x1400, $0x38;
	[tilespmem:$0x1E800] =	vst v63  }
0x12e: {  	_ =	swait.ge [sflag:s30], $0x1400  }
0x12f: {  	[sflag:s30] =	ssyncset.done $0x0  }
0x130: {  	s16 =	simm.s32 $0x14000;
	[sflag:s30] =	ssyncadd.s32 $0xFFFFEC00  }
0x131: {  	[tilespmem:s29], [sflag:$0x1] =	stream.indirect.gather [hbm4b:s5+s9], $0x80, s16, s9, $0xb8;
	[tilespmem:$0x1E800] =	vst v63  }
0x132: {  	s17 =	simm.s32 $0x14080  }
0x133: {  	[tilespmem:s10], [sflag:$0x2] =	stream.indirect.gather [hbm4b:s5+s9], $0x80, s17, s9, $0xb8;
	[tilespmem:$0x1E800] =	vst v63  }
0x134: {  	_ =	swait.ge [sflag:s31], $0x4000  }
0x135: {  	[sflag:s31] =	ssyncset.done $0x0  }
0x136: {  	s18 =	simm.s32 $0x15400;
	[sflag:s31] =	ssyncadd.s32 $0xFFFFC000  }
0x137: {  	[spmem:s2] =	stream.indirect.scatter.add.f32 [tilespmem:s29], [sflag:$0x3], $0x80, s18, s9, $0xb8;
	[tilespmem:$0x1E800] =	vst v63  }
0x138: {  	_ =	swait.ge [sflag:s11], $0x4000  }
0x139: {  	[sflag:s11] =	ssyncset.done $0x0  }
0x13a: {  	s19 =	simm.s32 $0x15480;
	[sflag:s11] =	ssyncadd.s32 $0xFFFFC000  }
0x13b: {  	[spmem:s2] =	stream.indirect.scatter.add.f32 [tilespmem:s10], [sflag:$0x4], $0x80, s19, s9, $0xb8;
	[tilespmem:$0x1E800] =	vst v63  }
0x13c: {  	_ =	swait.ge [sflag:s12], $0x4000  }
0x13d: {  	[sflag:s12] =	ssyncset.done $0x0  }
0x13e: {  	[sflag:s12] =	ssyncadd.s32 $0xFFFFC000  }
0x13f: {  	_ =	swait.ge [sflag:s28], $0x4000  }
0x140: {  	s16 =	simm.s32 $0x100;
	s17 =	simm.s32 $0x800;
	[sflag:s28] =	ssyncset.done $0x0  }
.LBB2_10:
0x141: {  	s13 =	sadd.s32 $0x14000, s16  }
0x142: {  	[sflag:s28] =	ssyncadd.s32 $0xFFFFC000;
	s18 =	smov.u32 s17;
	s19 =	sadd.s32 $0x400, s17  }
0x143: {  	[tilespmem:s29], [sflag:$0x1] =	stream.indirect.gather [hbm4b:s5+s9], $0x80, s13, s9, $0xb8;
	[tilespmem:$0x1E800] =	vst v63  }
0x144: {  	p1 =	sne.s32 s17, $0x4C00;
	s13 =	sadd.s32 $0x14080, s16  }
0x145: {  	[tilespmem:s10], [sflag:$0x2] =	stream.indirect.gather [hbm4b:s5+s9], $0x80, s13, s9, $0xb8;
	[tilespmem:$0x1E800] =	vst v63  }
0x146: {  	_ =	swait.ge [sflag:s31], $0x4000  }
0x147: {  	[sflag:s31] =	ssyncset.done $0x0  }
0x148: {  	s13 =	sadd.s32 $0x15400, s16;
	[sflag:s31] =	ssyncadd.s32 $0xFFFFC000  }
0x149: {  	[spmem:s2] =	stream.indirect.scatter.add.f32 [tilespmem:s29], [sflag:$0x3], $0x80, s13, s9, $0xb8;
	[tilespmem:$0x1E800] =	vst v63  }
0x14a: {  	_ =	swait.ge [sflag:s11], $0x4000  }
0x14b: {  	[sflag:s11] =	ssyncset.done $0x0  }
0x14c: {  	s13 =	sadd.s32 $0x15480, s16;
	[sflag:s11] =	ssyncadd.s32 $0xFFFFC000  }
0x14d: {  	[spmem:s2] =	stream.indirect.scatter.add.f32 [tilespmem:s10], [sflag:$0x4], $0x80, s13, s9, $0xb8;
	[tilespmem:$0x1E800] =	vst v63  }
.Ltmp7:
0x14e: {  	_ =	swait.ge [sflag:s12], $0x4000;
	(pc) =	sbr.rel @p1 .LBB2_10-.Ltmp7, $4  }
0x14f: {  	[sflag:s12] =	ssyncset.done $0x0  }
0x150: {  	[sflag:s12] =	ssyncadd.s32 $0xFFFFC000  }
0x151: {  	_ =	swait.ge [sflag:s28], $0x4000  }
0x152: {  	s17 =	smov.u32 s19;
	s16 =	sshra.s32 s18, $0x2;
	[sflag:s28] =	ssyncset.done $0x0  }
0x153: {  	s13 =	sadd.s32 $0x14000, s16;
	[sflag:s28] =	ssyncadd.s32 $0xFFFFC000  }
0x154: {  	[tilespmem:s29], [sflag:$0x1] =	stream.indirect.gather [hbm4b:s5+s9], $0x80, s13, s9, $0xb8;
	[tilespmem:$0x1E800] =	vst v63  }
0x155: {  	s17 =	sadd.s32 $0x14080, s16  }
0x156: {  	[tilespmem:s10], [sflag:$0x2] =	stream.indirect.gather [hbm4b:s5+s9], $0x80, s17, s9, $0xb8;
	[tilespmem:$0x1E800] =	vst v63  }
0x157: {  	_ =	swait.ge [sflag:s31], $0x4000  }
0x158: {  	[sflag:s31] =	ssyncset.done $0x0  }
0x159: {  	s18 =	sadd.s32 $0x15400, s16;
	[sflag:s31] =	ssyncadd.s32 $0xFFFFC000  }
0x15a: {  	[spmem:s2] =	stream.indirect.scatter.add.f32 [tilespmem:s29], [sflag:$0x3], $0x80, s18, s9, $0xb8;
	[tilespmem:$0x1E800] =	vst v63  }
0x15b: {  	_ =	swait.ge [sflag:s11], $0x4000  }
0x15c: {  	[sflag:s11] =	ssyncset.done $0x0  }
0x15d: {  	s19 =	sadd.s32 $0x15480, s16;
	[sflag:s11] =	ssyncadd.s32 $0xFFFFC000  }
0x15e: {  	[spmem:s2] =	stream.indirect.scatter.add.f32 [tilespmem:s10], [sflag:$0x4], $0x80, s19, s9, $0xb8;
	[tilespmem:$0x1E800] =	vst v63  }
0x15f: {  	_ =	swait.ge [sflag:s12], $0x4000  }
0x160: {  	[sflag:s12] =	ssyncset.done $0x0  }
0x161: {  	[sflag:s12] =	ssyncadd.s32 $0xFFFFC000  }
0x162: {  	_ =	swait.ge [sflag:s28], $0x4000  }
0x163: {  	[sflag:s28] =	ssyncset.done $0x0  }
0x164: {  	s17 =	rddreg [dreg:$0x7];
	[sflag:s28] =	ssyncadd.s32 $0xFFFFC000  }
.LBB2_12:
0x165: {  	[bflag:$0x0] =	sbarrier.arrive $0xFFFF  }
0x166: {  	[tilespmem:s29], [sflag:$0x5] =	stream.linear.gather [spmem:s14], $0x4000, $0x38;
	[tilespmem:$0x1E800] =	vst v63  }
0x167: {  	_ =	swait.ge [sflag:s30], $0x4000  }
0x168: {  	[sflag:s30] =	ssyncset.done $0x0;
	s13 =	rddreg [dreg:$0x9]  }
0x169: {  	s16 =	simm.s32 $0x0;
	s13 =	sadd.s32 s17, s13;
	[sflag:s30] =	ssyncadd.s32 $0xFFFFC000  }
0x16a: {  	[hbm4b:s13+s16] =	stream.linear.scatter [tilespmem:s29], [sflag:$0x1], $0x4000, $0x38;
	[tilespmem:$0x1E800] =	vst v63  }
0x16b: {  	_ = 	snop  }
0x16c: {  	[tilespmem:s10], [sflag:$0x5] =	stream.linear.gather [spmem:s15], $0x4000, $0x38;
	[tilespmem:$0x1E800] =	vst v63  }
0x16d: {  	_ =	swait.ge [sflag:s30], $0x4000  }
0x16e: {  	[sflag:s30] =	ssyncset.done $0x0  }
0x16f: {  	s18 =	sadd.s32 s17, s23;
	[sflag:s30] =	ssyncadd.s32 $0xFFFFC000  }
0x170: {  	[hbm4b:s18+s16] =	stream.linear.scatter [tilespmem:s10], [sflag:$0x2], $0x4000, $0x38;
	[tilespmem:$0x1E800] =	vst v63  }
0x171: {  	_ =	swait.ge [sflag:s31], $0x4000  }
0x172: {  	[sflag:s31] =	ssyncset.done $0x0  }
0x173: {  	[sflag:s31] =	ssyncadd.s32 $0xFFFFC000  }
0x174: {  	[tilespmem:s29], [sflag:$0x5] =	stream.linear.gather [spmem:s20], $0x4000, $0x38;
	[tilespmem:$0x1E800] =	vst v63  }
0x175: {  	_ =	swait.ge [sflag:s30], $0x4000  }
0x176: {  	[sflag:s30] =	ssyncset.done $0x0  }
0x177: {  	s19 =	sadd.s32 s17, s24;
	[sflag:s30] =	ssyncadd.s32 $0xFFFFC000  }
0x178: {  	[hbm4b:s19+s16] =	stream.linear.scatter [tilespmem:s29], [sflag:$0x1], $0x4000, $0x38;
	[tilespmem:$0x1E800] =	vst v63  }
0x179: {  	_ =	swait.ge [sflag:s11], $0x4000  }
0x17a: {  	[sflag:s11] =	ssyncset.done $0x0  }
0x17b: {  	[sflag:s11] =	ssyncadd.s32 $0xFFFFC000  }
0x17c: {  	[tilespmem:s10], [sflag:$0x5] =	stream.linear.gather [spmem:s21], $0x4000, $0x38;
	[tilespmem:$0x1E800] =	vst v63  }
0x17d: {  	_ =	swait.ge [sflag:s30], $0x4000  }
0x17e: {  	[sflag:s30] =	ssyncset.done $0x0  }
0x17f: {  	s18 =	sadd.s32 s17, s25;
	[sflag:s30] =	ssyncadd.s32 $0xFFFFC000  }
0x180: {  	[hbm4b:s18+s16] =	stream.linear.scatter [tilespmem:s10], [sflag:$0x2], $0x4000, $0x38;
	[tilespmem:$0x1E800] =	vst v63  }
0x181: {  	_ =	swait.ge [sflag:s31], $0x4000  }
0x182: {  	[sflag:s31] =	ssyncset.done $0x0  }
0x183: {  	[sflag:s31] =	ssyncadd.s32 $0xFFFFC000  }
0x184: {  	[tilespmem:s29], [sflag:$0x5] =	stream.linear.gather [spmem:s22], $0x4000, $0x38;
	[tilespmem:$0x1E800] =	vst v63  }
0x185: {  	_ =	swait.ge [sflag:s30], $0x4000  }
0x186: {  	[sflag:s30] =	ssyncset.done $0x0  }
0x187: {  	s19 =	sadd.s32 s17, s26;
	[sflag:s30] =	ssyncadd.s32 $0xFFFFC000  }
0x188: {  	[hbm4b:s19+s16] =	stream.linear.scatter [tilespmem:s29], [sflag:$0x1], $0x4000, $0x38;
	[tilespmem:$0x1E800] =	vst v63  }
0x189: {  	_ =	swait.ge [sflag:s31], $0x4000  }
0x18a: {  	[sflag:s31] =	ssyncset.done $0x0  }
0x18b: {  	[sflag:s31] =	ssyncadd.s32 $0xFFFFC000  }
0x18c: {  	_ =	swait.ge [sflag:s11], $0x4000  }
0x18d: {  	[sflag:s11] =	ssyncset.done $0x0  }
0x18e: {  	[sflag:s11] =	ssyncadd.s32 $0xFFFFC000  }
0x18f: {  	[bflag:$0x0] =	sbarrier.arrive $0xFFFF  }
0x190: {  	s17 =	rddreg [dreg:$0x4]  }
0x191: {  	[tilespmem:s29], [sflag:$0x5] =	stream.linear.gather [hbm4b:s17+s16], $0x4000, $0x38;
	[tilespmem:$0x1E800] =	vst v63  }
0x192: {  	_ =	swait.ge [sflag:s30], $0x4000  }
0x193: {  	[sflag:s30] =	ssyncset.done $0x0  }
0x194: {  	[sflag:s30] =	ssyncadd.s32 $0xFFFFC000  }
0x195: {  	[spmem:s14] =	stream.linear.scatter [tilespmem:s29], [sflag:$0x1], $0x4000, $0x38;
	[tilespmem:$0x1E800] =	vst v63  }
0x196: {  	_ = 	snop  }
0x197: {  	[spmem:s15] =	stream.linear.scatter [tilespmem:s29], [sflag:$0x1], $0x4000, $0x38;
	[tilespmem:$0x1E800] =	vst v63  }
0x198: {  	_ = 	snop  }
0x199: {  	[spmem:s20] =	stream.linear.scatter [tilespmem:s29], [sflag:$0x1], $0x4000, $0x38;
	[tilespmem:$0x1E800] =	vst v63  }
0x19a: {  	_ = 	snop  }
0x19b: {  	[spmem:s21] =	stream.linear.scatter [tilespmem:s29], [sflag:$0x1], $0x4000, $0x38;
	[tilespmem:$0x1E800] =	vst v63  }
0x19c: {  	_ = 	snop  }
0x19d: {  	[spmem:s22] =	stream.linear.scatter [tilespmem:s29], [sflag:$0x1], $0x4000, $0x38;
	[tilespmem:$0x1E800] =	vst v63  }
0x19e: {  	_ =	swait.ge [sflag:s31], $0x4000  }
0x19f: {  	[sflag:s31] =	ssyncset.done $0x0  }
0x1a0: {  	[sflag:s31] =	ssyncadd.s32 $0xFFFFC000  }
0x1a1: {  	_ =	swait.ge [sflag:s31], $0x4000  }
0x1a2: {  	[sflag:s31] =	ssyncset.done $0x0  }
0x1a3: {  	[sflag:s31] =	ssyncadd.s32 $0xFFFFC000  }
0x1a4: {  	_ =	swait.ge [sflag:s31], $0x4000  }
0x1a5: {  	[sflag:s31] =	ssyncset.done $0x0  }
0x1a6: {  	[sflag:s31] =	ssyncadd.s32 $0xFFFFC000  }
0x1a7: {  	_ =	swait.ge [sflag:s31], $0x4000  }
0x1a8: {  	[sflag:s31] =	ssyncset.done $0x0  }
0x1a9: {  	[sflag:s31] =	ssyncadd.s32 $0xFFFFC000  }
0x1aa: {  	_ =	swait.ge [sflag:s31], $0x4000  }
0x1ab: {  	[sflag:s31] =	ssyncset.done $0x0  }
0x1ac: {  	[sflag:s31] =	ssyncadd.s32 $0xFFFFC000  }
0x1ad: {  	[bflag:$0x0] =	sbarrier.arrive $0xFFFF  }
0x1ae: {  	s18 =	rddreg [dreg:$0xa]  }
0x1af: {  	[tilespmem:s0], [sflag:$0x5] =	stream.linear.gather [hbm4b:s18+s16], $0x1400, $0x38;
	[tilespmem:$0x1E800] =	vst v63  }
0x1b0: {  	_ =	swait.ge [sflag:s30], $0x1400  }
0x1b1: {  	[sflag:s30] =	ssyncset.done $0x0  }
.Ltmp8:
0x1b2: {  	s19 =	rddreg [dreg:$0xb];
	[sflag:s30] =	ssyncadd.s32 $0xFFFFEC00;
	(pc) =	sbr.rel @p0 .LBB2_18-.Ltmp8, $4  }
0x1b3: {  	[tilespmem:s7], [sflag:$0x5] =	stream.linear.gather [hbm4b:s19+s16], $0x1400, $0x38;
	[tilespmem:$0x1E800] =	vst v63  }
0x1b4: {  	_ =	swait.ge [sflag:s30], $0x1400  }
0x1b5: {  	[sflag:s30] =	ssyncset.done $0x0  }
0x1b6: {  	s13 =	simm.s32 $0x14000;
	[sflag:s30] =	ssyncadd.s32 $0xFFFFEC00  }
0x1b7: {  	[tilespmem:s29], [sflag:$0x1] =	stream.indirect.gather [hbm4b:s4+s9], $0x80, s13, s9, $0xb8;
	[tilespmem:$0x1E800] =	vst v63  }
0x1b8: {  	s17 =	simm.s32 $0x14080  }
0x1b9: {  	[tilespmem:s10], [sflag:$0x2] =	stream.indirect.gather [hbm4b:s4+s9], $0x80, s17, s9, $0xb8;
	[tilespmem:$0x1E800] =	vst v63  }
0x1ba: {  	_ =	swait.ge [sflag:s31], $0x4000  }
0x1bb: {  	[sflag:s31] =	ssyncset.done $0x0  }
0x1bc: {  	s18 =	simm.s32 $0x15400;
	[sflag:s31] =	ssyncadd.s32 $0xFFFFC000  }
0x1bd: {  	[spmem:s2] =	stream.indirect.scatter.add.f32 [tilespmem:s29], [sflag:$0x3], $0x80, s18, s9, $0xb8;
	[tilespmem:$0x1E800] =	vst v63  }
0x1be: {  	_ =	swait.ge [sflag:s11], $0x4000  }
0x1bf: {  	[sflag:s11] =	ssyncset.done $0x0  }
0x1c0: {  	s19 =	simm.s32 $0x15480;
	[sflag:s11] =	ssyncadd.s32 $0xFFFFC000  }
0x1c1: {  	[spmem:s2] =	stream.indirect.scatter.add.f32 [tilespmem:s10], [sflag:$0x4], $0x80, s19, s9, $0xb8;
	[tilespmem:$0x1E800] =	vst v63  }
0x1c2: {  	_ =	swait.ge [sflag:s12], $0x4000  }
0x1c3: {  	[sflag:s12] =	ssyncset.done $0x0  }
0x1c4: {  	[sflag:s12] =	ssyncadd.s32 $0xFFFFC000  }
0x1c5: {  	_ =	swait.ge [sflag:s28], $0x4000  }
0x1c6: {  	s16 =	simm.s32 $0x100;
	s17 =	simm.s32 $0x800;
	[sflag:s28] =	ssyncset.done $0x0  }
.LBB2_14:
0x1c7: {  	s13 =	sadd.s32 $0x14000, s16  }
0x1c8: {  	[sflag:s28] =	ssyncadd.s32 $0xFFFFC000;
	s18 =	smov.u32 s17;
	s19 =	sadd.s32 $0x400, s17  }
0x1c9: {  	[tilespmem:s29], [sflag:$0x1] =	stream.indirect.gather [hbm4b:s4+s9], $0x80, s13, s9, $0xb8;
	[tilespmem:$0x1E800] =	vst v63  }
0x1ca: {  	p1 =	sne.s32 s17, $0x4C00;
	s13 =	sadd.s32 $0x14080, s16  }
0x1cb: {  	[tilespmem:s10], [sflag:$0x2] =	stream.indirect.gather [hbm4b:s4+s9], $0x80, s13, s9, $0xb8;
	[tilespmem:$0x1E800] =	vst v63  }
0x1cc: {  	_ =	swait.ge [sflag:s31], $0x4000  }
0x1cd: {  	[sflag:s31] =	ssyncset.done $0x0  }
0x1ce: {  	s13 =	sadd.s32 $0x15400, s16;
	[sflag:s31] =	ssyncadd.s32 $0xFFFFC000  }
0x1cf: {  	[spmem:s2] =	stream.indirect.scatter.add.f32 [tilespmem:s29], [sflag:$0x3], $0x80, s13, s9, $0xb8;
	[tilespmem:$0x1E800] =	vst v63  }
0x1d0: {  	_ =	swait.ge [sflag:s11], $0x4000  }
0x1d1: {  	[sflag:s11] =	ssyncset.done $0x0  }
0x1d2: {  	s13 =	sadd.s32 $0x15480, s16;
	[sflag:s11] =	ssyncadd.s32 $0xFFFFC000  }
0x1d3: {  	[spmem:s2] =	stream.indirect.scatter.add.f32 [tilespmem:s10], [sflag:$0x4], $0x80, s13, s9, $0xb8;
	[tilespmem:$0x1E800] =	vst v63  }
.Ltmp9:
0x1d4: {  	_ =	swait.ge [sflag:s12], $0x4000;
	(pc) =	sbr.rel @p1 .LBB2_14-.Ltmp9, $4  }
0x1d5: {  	[sflag:s12] =	ssyncset.done $0x0  }
0x1d6: {  	[sflag:s12] =	ssyncadd.s32 $0xFFFFC000  }
0x1d7: {  	_ =	swait.ge [sflag:s28], $0x4000  }
0x1d8: {  	s17 =	smov.u32 s19;
	s16 =	sshra.s32 s18, $0x2;
	[sflag:s28] =	ssyncset.done $0x0  }
0x1d9: {  	s13 =	sadd.s32 $0x14000, s16;
	[sflag:s28] =	ssyncadd.s32 $0xFFFFC000  }
0x1da: {  	[tilespmem:s29], [sflag:$0x1] =	stream.indirect.gather [hbm4b:s4+s9], $0x80, s13, s9, $0xb8;
	[tilespmem:$0x1E800] =	vst v63  }
0x1db: {  	s18 =	sadd.s32 $0x14080, s16  }
0x1dc: {  	[tilespmem:s10], [sflag:$0x2] =	stream.indirect.gather [hbm4b:s4+s9], $0x80, s18, s9, $0xb8;
	[tilespmem:$0x1E800] =	vst v63  }
0x1dd: {  	_ =	swait.ge [sflag:s31], $0x4000  }
0x1de: {  	[sflag:s31] =	ssyncset.done $0x0  }
0x1df: {  	s19 =	sadd.s32 $0x15400, s16;
	[sflag:s31] =	ssyncadd.s32 $0xFFFFC000  }
0x1e0: {  	[spmem:s2] =	stream.indirect.scatter.add.f32 [tilespmem:s29], [sflag:$0x3], $0x80, s19, s9, $0xb8;
	[tilespmem:$0x1E800] =	vst v63  }
0x1e1: {  	_ =	swait.ge [sflag:s11], $0x4000  }
0x1e2: {  	[sflag:s11] =	ssyncset.done $0x0  }
0x1e3: {  	s16 =	sadd.s32 $0x15480, s16;
	[sflag:s11] =	ssyncadd.s32 $0xFFFFC000  }
0x1e4: {  	[spmem:s2] =	stream.indirect.scatter.add.f32 [tilespmem:s10], [sflag:$0x4], $0x80, s16, s9, $0xb8;
	[tilespmem:$0x1E800] =	vst v63  }
0x1e5: {  	_ =	swait.ge [sflag:s12], $0x4000  }
0x1e6: {  	[sflag:s12] =	ssyncset.done $0x0  }
0x1e7: {  	[sflag:s12] =	ssyncadd.s32 $0xFFFFC000  }
0x1e8: {  	_ =	swait.ge [sflag:s28], $0x4000  }
0x1e9: {  	[sflag:s28] =	ssyncset.done $0x0  }
0x1ea: {  	s17 =	simm.s32 $0x0;
	s18 =	rddreg [dreg:$0xc];
	[sflag:s28] =	ssyncadd.s32 $0xFFFFC000  }
0x1eb: {  	[tilespmem:s0], [sflag:$0x5] =	stream.linear.gather [hbm4b:s18+s17], $0x1400, $0x38;
	[tilespmem:$0x1E800] =	vst v63  }
0x1ec: {  	_ =	swait.ge [sflag:s30], $0x1400  }
0x1ed: {  	[sflag:s30] =	ssyncset.done $0x0  }
0x1ee: {  	s19 =	rddreg [dreg:$0xd];
	[sflag:s30] =	ssyncadd.s32 $0xFFFFEC00  }
0x1ef: {  	[tilespmem:s7], [sflag:$0x5] =	stream.linear.gather [hbm4b:s19+s17], $0x1400, $0x38;
	[tilespmem:$0x1E800] =	vst v63  }
0x1f0: {  	_ =	swait.ge [sflag:s30], $0x1400  }
0x1f1: {  	[sflag:s30] =	ssyncset.done $0x0  }
0x1f2: {  	s16 =	simm.s32 $0x14000;
	[sflag:s30] =	ssyncadd.s32 $0xFFFFEC00  }
0x1f3: {  	[tilespmem:s29], [sflag:$0x1] =	stream.indirect.gather [hbm4b:s4+s9], $0x80, s16, s9, $0xb8;
	[tilespmem:$0x1E800] =	vst v63  }
0x1f4: {  	s17 =	simm.s32 $0x14080  }
0x1f5: {  	[tilespmem:s10], [sflag:$0x2] =	stream.indirect.gather [hbm4b:s4+s9], $0x80, s17, s9, $0xb8;
	[tilespmem:$0x1E800] =	vst v63  }
0x1f6: {  	_ =	swait.ge [sflag:s31], $0x4000  }
0x1f7: {  	[sflag:s31] =	ssyncset.done $0x0  }
0x1f8: {  	s18 =	simm.s32 $0x15400;
	[sflag:s31] =	ssyncadd.s32 $0xFFFFC000  }
0x1f9: {  	[spmem:s2] =	stream.indirect.scatter.add.f32 [tilespmem:s29], [sflag:$0x3], $0x80, s18, s9, $0xb8;
	[tilespmem:$0x1E800] =	vst v63  }
0x1fa: {  	_ =	swait.ge [sflag:s11], $0x4000  }
0x1fb: {  	[sflag:s11] =	ssyncset.done $0x0  }
0x1fc: {  	s19 =	simm.s32 $0x15480;
	[sflag:s11] =	ssyncadd.s32 $0xFFFFC000  }
0x1fd: {  	[spmem:s2] =	stream.indirect.scatter.add.f32 [tilespmem:s10], [sflag:$0x4], $0x80, s19, s9, $0xb8;
	[tilespmem:$0x1E800] =	vst v63  }
0x1fe: {  	_ =	swait.ge [sflag:s12], $0x4000  }
0x1ff: {  	[sflag:s12] =	ssyncset.done $0x0  }
0x200: {  	[sflag:s12] =	ssyncadd.s32 $0xFFFFC000  }
0x201: {  	_ =	swait.ge [sflag:s28], $0x4000  }
0x202: {  	s16 =	simm.s32 $0x100;
	s17 =	simm.s32 $0x800;
	[sflag:s28] =	ssyncset.done $0x0  }
.LBB2_16:
0x203: {  	s13 =	sadd.s32 $0x14000, s16  }
0x204: {  	[sflag:s28] =	ssyncadd.s32 $0xFFFFC000;
	s18 =	smov.u32 s17;
	s19 =	sadd.s32 $0x400, s17  }
0x205: {  	[tilespmem:s29], [sflag:$0x1] =	stream.indirect.gather [hbm4b:s4+s9], $0x80, s13, s9, $0xb8;
	[tilespmem:$0x1E800] =	vst v63  }
0x206: {  	p1 =	seq.s32 s17, $0x4C00;
	s13 =	sadd.s32 $0x14080, s16  }
0x207: {  	[tilespmem:s10], [sflag:$0x2] =	stream.indirect.gather [hbm4b:s4+s9], $0x80, s13, s9, $0xb8;
	[tilespmem:$0x1E800] =	vst v63  }
0x208: {  	_ =	swait.ge [sflag:s31], $0x4000  }
0x209: {  	[sflag:s31] =	ssyncset.done $0x0  }
0x20a: {  	s13 =	sadd.s32 $0x15400, s16;
	[sflag:s31] =	ssyncadd.s32 $0xFFFFC000  }
0x20b: {  	[spmem:s2] =	stream.indirect.scatter.add.f32 [tilespmem:s29], [sflag:$0x3], $0x80, s13, s9, $0xb8;
	[tilespmem:$0x1E800] =	vst v63  }
0x20c: {  	_ =	swait.ge [sflag:s11], $0x4000  }
0x20d: {  	[sflag:s11] =	ssyncset.done $0x0  }
0x20e: {  	s13 =	sadd.s32 $0x15480, s16;
	[sflag:s11] =	ssyncadd.s32 $0xFFFFC000  }
0x20f: {  	[spmem:s2] =	stream.indirect.scatter.add.f32 [tilespmem:s10], [sflag:$0x4], $0x80, s13, s9, $0xb8;
	[tilespmem:$0x1E800] =	vst v63  }
.Ltmp10:
0x210: {  	_ =	swait.ge [sflag:s12], $0x4000;
	(pc) =	sbr.rel @!p1 .LBB2_16-.Ltmp10, $4  }
0x211: {  	[sflag:s12] =	ssyncset.done $0x0  }
0x212: {  	[sflag:s12] =	ssyncadd.s32 $0xFFFFC000  }
0x213: {  	_ =	swait.ge [sflag:s28], $0x4000  }
0x214: {  	s17 =	smov.u32 s19;
	s16 =	sshra.s32 s18, $0x2;
	[sflag:s28] =	ssyncset.done $0x0  }
0x215: {  	s13 =	sadd.s32 $0x14000, s16;
	[sflag:s28] =	ssyncadd.s32 $0xFFFFC000  }
0x216: {  	[tilespmem:s29], [sflag:$0x1] =	stream.indirect.gather [hbm4b:s4+s9], $0x80, s13, s9, $0xb8;
	[tilespmem:$0x1E800] =	vst v63  }
0x217: {  	s17 =	sadd.s32 $0x14080, s16  }
0x218: {  	[tilespmem:s10], [sflag:$0x2] =	stream.indirect.gather [hbm4b:s4+s9], $0x80, s17, s9, $0xb8;
	[tilespmem:$0x1E800] =	vst v63  }
0x219: {  	_ =	swait.ge [sflag:s31], $0x4000  }
0x21a: {  	[sflag:s31] =	ssyncset.done $0x0  }
0x21b: {  	s18 =	sadd.s32 $0x15400, s16;
	[sflag:s31] =	ssyncadd.s32 $0xFFFFC000  }
0x21c: {  	[spmem:s2] =	stream.indirect.scatter.add.f32 [tilespmem:s29], [sflag:$0x3], $0x80, s18, s9, $0xb8;
	[tilespmem:$0x1E800] =	vst v63  }
0x21d: {  	_ =	swait.ge [sflag:s11], $0x4000  }
0x21e: {  	[sflag:s11] =	ssyncset.done $0x0  }
0x21f: {  	s19 =	sadd.s32 $0x15480, s16;
	[sflag:s11] =	ssyncadd.s32 $0xFFFFC000  }
0x220: {  	[spmem:s2] =	stream.indirect.scatter.add.f32 [tilespmem:s10], [sflag:$0x4], $0x80, s19, s9, $0xb8;
	[tilespmem:$0x1E800] =	vst v63  }
0x221: {  	_ =	swait.ge [sflag:s12], $0x4000  }
.Ltmp11:
0x222: {  	[sflag:s12] =	ssyncset.done $0x0;
	(pc) =	sbr.rel .LBB2_23-.Ltmp11, $4  }
0x223: {  	[sflag:s12] =	ssyncadd.s32 $0xFFFFC000  }
0x224: {  	_ =	swait.ge [sflag:s28], $0x4000  }
0x225: {  	[sflag:s28] =	ssyncset.done $0x0  }
0x226: {  	s16 =	rddreg [dreg:$0x6];
	[sflag:s28] =	ssyncadd.s32 $0xFFFFC000  }
.LBB2_18:
0x227: {  	[tilespmem:s29], [sflag:$0x1] =	stream.indirect.gather [hbm4b:s6+s9], $0x80, s13, s9, $0xb8;
	[tilespmem:$0x1E800] =	vst v63  }
0x228: {  	s17 =	simm.s32 $0x14080  }
0x229: {  	[tilespmem:s10], [sflag:$0x2] =	stream.indirect.gather [hbm4b:s6+s9], $0x80, s17, s9, $0xb8;
	[tilespmem:$0x1E800] =	vst v63  }
0x22a: {  	_ =	swait.ge [sflag:s31], $0x4000  }
0x22b: {  	[sflag:s31] =	ssyncset.done $0x0  }
0x22c: {  	s18 =	simm.s32 $0x15400;
	[sflag:s31] =	ssyncadd.s32 $0xFFFFC000  }
0x22d: {  	[spmem:s2] =	stream.indirect.scatter.add.f32 [tilespmem:s29], [sflag:$0x3], $0x80, s18, s9, $0xb8;
	[tilespmem:$0x1E800] =	vst v63  }
0x22e: {  	_ =	swait.ge [sflag:s11], $0x4000  }
0x22f: {  	[sflag:s11] =	ssyncset.done $0x0  }
0x230: {  	s19 =	simm.s32 $0x15480;
	[sflag:s11] =	ssyncadd.s32 $0xFFFFC000  }
0x231: {  	[spmem:s2] =	stream.indirect.scatter.add.f32 [tilespmem:s10], [sflag:$0x4], $0x80, s19, s9, $0xb8;
	[tilespmem:$0x1E800] =	vst v63  }
0x232: {  	_ =	swait.ge [sflag:s12], $0x4000  }
0x233: {  	[sflag:s12] =	ssyncset.done $0x0  }
0x234: {  	[sflag:s12] =	ssyncadd.s32 $0xFFFFC000  }
0x235: {  	_ =	swait.ge [sflag:s28], $0x4000  }
0x236: {  	s16 =	simm.s32 $0x100;
	s17 =	simm.s32 $0x800;
	[sflag:s28] =	ssyncset.done $0x0  }
.LBB2_19:
0x237: {  	s13 =	sadd.s32 $0x14000, s16  }
0x238: {  	[sflag:s28] =	ssyncadd.s32 $0xFFFFC000;
	s18 =	smov.u32 s17;
	s19 =	sadd.s32 $0x400, s17  }
0x239: {  	[tilespmem:s29], [sflag:$0x1] =	stream.indirect.gather [hbm4b:s6+s9], $0x80, s13, s9, $0xb8;
	[tilespmem:$0x1E800] =	vst v63  }
0x23a: {  	p1 =	sne.s32 s17, $0x4C00;
	s13 =	sadd.s32 $0x14080, s16  }
0x23b: {  	[tilespmem:s10], [sflag:$0x2] =	stream.indirect.gather [hbm4b:s6+s9], $0x80, s13, s9, $0xb8;
	[tilespmem:$0x1E800] =	vst v63  }
0x23c: {  	_ =	swait.ge [sflag:s31], $0x4000  }
0x23d: {  	[sflag:s31] =	ssyncset.done $0x0  }
0x23e: {  	s13 =	sadd.s32 $0x15400, s16;
	[sflag:s31] =	ssyncadd.s32 $0xFFFFC000  }
0x23f: {  	[spmem:s2] =	stream.indirect.scatter.add.f32 [tilespmem:s29], [sflag:$0x3], $0x80, s13, s9, $0xb8;
	[tilespmem:$0x1E800] =	vst v63  }
0x240: {  	_ =	swait.ge [sflag:s11], $0x4000  }
0x241: {  	[sflag:s11] =	ssyncset.done $0x0  }
0x242: {  	s13 =	sadd.s32 $0x15480, s16;
	[sflag:s11] =	ssyncadd.s32 $0xFFFFC000  }
0x243: {  	[spmem:s2] =	stream.indirect.scatter.add.f32 [tilespmem:s10], [sflag:$0x4], $0x80, s13, s9, $0xb8;
	[tilespmem:$0x1E800] =	vst v63  }
.Ltmp12:
0x244: {  	_ =	swait.ge [sflag:s12], $0x4000;
	(pc) =	sbr.rel @p1 .LBB2_19-.Ltmp12, $4  }
0x245: {  	[sflag:s12] =	ssyncset.done $0x0  }
0x246: {  	[sflag:s12] =	ssyncadd.s32 $0xFFFFC000  }
0x247: {  	_ =	swait.ge [sflag:s28], $0x4000  }
0x248: {  	s17 =	smov.u32 s19;
	s16 =	sshra.s32 s18, $0x2;
	[sflag:s28] =	ssyncset.done $0x0  }
0x249: {  	s13 =	sadd.s32 $0x14000, s16;
	[sflag:s28] =	ssyncadd.s32 $0xFFFFC000  }
0x24a: {  	[tilespmem:s29], [sflag:$0x1] =	stream.indirect.gather [hbm4b:s6+s9], $0x80, s13, s9, $0xb8;
	[tilespmem:$0x1E800] =	vst v63  }
0x24b: {  	s18 =	sadd.s32 $0x14080, s16  }
0x24c: {  	[tilespmem:s10], [sflag:$0x2] =	stream.indirect.gather [hbm4b:s6+s9], $0x80, s18, s9, $0xb8;
	[tilespmem:$0x1E800] =	vst v63  }
0x24d: {  	_ =	swait.ge [sflag:s31], $0x4000  }
0x24e: {  	[sflag:s31] =	ssyncset.done $0x0  }
0x24f: {  	s19 =	sadd.s32 $0x15400, s16;
	[sflag:s31] =	ssyncadd.s32 $0xFFFFC000  }
0x250: {  	[spmem:s2] =	stream.indirect.scatter.add.f32 [tilespmem:s29], [sflag:$0x3], $0x80, s19, s9, $0xb8;
	[tilespmem:$0x1E800] =	vst v63  }
0x251: {  	_ =	swait.ge [sflag:s11], $0x4000  }
0x252: {  	[sflag:s11] =	ssyncset.done $0x0  }
0x253: {  	s16 =	sadd.s32 $0x15480, s16;
	[sflag:s11] =	ssyncadd.s32 $0xFFFFC000  }
0x254: {  	[spmem:s2] =	stream.indirect.scatter.add.f32 [tilespmem:s10], [sflag:$0x4], $0x80, s16, s9, $0xb8;
	[tilespmem:$0x1E800] =	vst v63  }
0x255: {  	_ =	swait.ge [sflag:s12], $0x4000  }
0x256: {  	[sflag:s12] =	ssyncset.done $0x0  }
0x257: {  	[sflag:s12] =	ssyncadd.s32 $0xFFFFC000  }
0x258: {  	_ =	swait.ge [sflag:s28], $0x4000  }
0x259: {  	[sflag:s28] =	ssyncset.done $0x0  }
0x25a: {  	s17 =	simm.s32 $0x0;
	s18 =	rddreg [dreg:$0xc];
	[sflag:s28] =	ssyncadd.s32 $0xFFFFC000  }
0x25b: {  	[tilespmem:s0], [sflag:$0x5] =	stream.linear.gather [hbm4b:s18+s17], $0x1400, $0x38;
	[tilespmem:$0x1E800] =	vst v63  }
0x25c: {  	_ =	swait.ge [sflag:s30], $0x1400  }
0x25d: {  	[sflag:s30] =	ssyncset.done $0x0  }
0x25e: {  	s19 =	rddreg [dreg:$0xd];
	[sflag:s30] =	ssyncadd.s32 $0xFFFFEC00  }
0x25f: {  	[tilespmem:s7], [sflag:$0x5] =	stream.linear.gather [hbm4b:s19+s17], $0x1400, $0x38;
	[tilespmem:$0x1E800] =	vst v63  }
0x260: {  	_ =	swait.ge [sflag:s30], $0x1400  }
0x261: {  	[sflag:s30] =	ssyncset.done $0x0  }
0x262: {  	s16 =	simm.s32 $0x14000;
	[sflag:s30] =	ssyncadd.s32 $0xFFFFEC00  }
0x263: {  	[tilespmem:s29], [sflag:$0x1] =	stream.indirect.gather [hbm4b:s6+s9], $0x80, s16, s9, $0xb8;
	[tilespmem:$0x1E800] =	vst v63  }
0x264: {  	s17 =	simm.s32 $0x14080  }
0x265: {  	[tilespmem:s10], [sflag:$0x2] =	stream.indirect.gather [hbm4b:s6+s9], $0x80, s17, s9, $0xb8;
	[tilespmem:$0x1E800] =	vst v63  }
0x266: {  	_ =	swait.ge [sflag:s31], $0x4000  }
0x267: {  	[sflag:s31] =	ssyncset.done $0x0  }
0x268: {  	s18 =	simm.s32 $0x15400;
	[sflag:s31] =	ssyncadd.s32 $0xFFFFC000  }
0x269: {  	[spmem:s2] =	stream.indirect.scatter.add.f32 [tilespmem:s29], [sflag:$0x3], $0x80, s18, s9, $0xb8;
	[tilespmem:$0x1E800] =	vst v63  }
0x26a: {  	_ =	swait.ge [sflag:s11], $0x4000  }
0x26b: {  	[sflag:s11] =	ssyncset.done $0x0  }
0x26c: {  	s19 =	simm.s32 $0x15480;
	[sflag:s11] =	ssyncadd.s32 $0xFFFFC000  }
0x26d: {  	[spmem:s2] =	stream.indirect.scatter.add.f32 [tilespmem:s10], [sflag:$0x4], $0x80, s19, s9, $0xb8;
	[tilespmem:$0x1E800] =	vst v63  }
0x26e: {  	_ =	swait.ge [sflag:s12], $0x4000  }
0x26f: {  	[sflag:s12] =	ssyncset.done $0x0  }
0x270: {  	[sflag:s12] =	ssyncadd.s32 $0xFFFFC000  }
0x271: {  	_ =	swait.ge [sflag:s28], $0x4000  }
0x272: {  	s16 =	simm.s32 $0x100;
	s17 =	simm.s32 $0x800;
	[sflag:s28] =	ssyncset.done $0x0  }
.LBB2_21:
0x273: {  	s13 =	sadd.s32 $0x14000, s16  }
0x274: {  	[sflag:s28] =	ssyncadd.s32 $0xFFFFC000;
	s18 =	smov.u32 s17;
	s19 =	sadd.s32 $0x400, s17  }
0x275: {  	[tilespmem:s29], [sflag:$0x1] =	stream.indirect.gather [hbm4b:s6+s9], $0x80, s13, s9, $0xb8;
	[tilespmem:$0x1E800] =	vst v63  }
0x276: {  	p1 =	sne.s32 s17, $0x4C00;
	s13 =	sadd.s32 $0x14080, s16  }
0x277: {  	[tilespmem:s10], [sflag:$0x2] =	stream.indirect.gather [hbm4b:s6+s9], $0x80, s13, s9, $0xb8;
	[tilespmem:$0x1E800] =	vst v63  }
0x278: {  	_ =	swait.ge [sflag:s31], $0x4000  }
0x279: {  	[sflag:s31] =	ssyncset.done $0x0  }
0x27a: {  	s13 =	sadd.s32 $0x15400, s16;
	[sflag:s31] =	ssyncadd.s32 $0xFFFFC000  }
0x27b: {  	[spmem:s2] =	stream.indirect.scatter.add.f32 [tilespmem:s29], [sflag:$0x3], $0x80, s13, s9, $0xb8;
	[tilespmem:$0x1E800] =	vst v63  }
0x27c: {  	_ =	swait.ge [sflag:s11], $0x4000  }
0x27d: {  	[sflag:s11] =	ssyncset.done $0x0  }
0x27e: {  	s13 =	sadd.s32 $0x15480, s16;
	[sflag:s11] =	ssyncadd.s32 $0xFFFFC000  }
0x27f: {  	[spmem:s2] =	stream.indirect.scatter.add.f32 [tilespmem:s10], [sflag:$0x4], $0x80, s13, s9, $0xb8;
	[tilespmem:$0x1E800] =	vst v63  }
.Ltmp13:
0x280: {  	_ =	swait.ge [sflag:s12], $0x4000;
	(pc) =	sbr.rel @p1 .LBB2_21-.Ltmp13, $4  }
0x281: {  	[sflag:s12] =	ssyncset.done $0x0  }
0x282: {  	[sflag:s12] =	ssyncadd.s32 $0xFFFFC000  }
0x283: {  	_ =	swait.ge [sflag:s28], $0x4000  }
0x284: {  	s17 =	smov.u32 s19;
	s16 =	sshra.s32 s18, $0x2;
	[sflag:s28] =	ssyncset.done $0x0  }
.Ltmp14:
0x285: {  	_ = 	snop;
	(pc) =	sbr.rel .LBB2_22-.Ltmp14, $1  }
0x286: {  	_ =	sdelay $0x3  }
.LBB2_24:
0x287: {  	_ =	sfence.sel $0x180000  }
0x288: {  	[bflag:$0x0] =	sbarrier.arrive $0xFFFF  }
0x289: {  	_ =	strace $0x90000047  }
0x28a: {  	s0 =	stileid.u32;
	[bflag:$0x2] =	sbarrier.arrive $0xFFFF  }
0x28b: {  	p0 =	sne.s32 s0, $0x0;
	s0 =	rddreg [dreg:$0x3]  }
0x28c: {  	s0 =	sadd.s32 @!p0 $0x100000, s0  }
0x28d: {  	[sflag:s0] =	ssyncadd.tile.s32 @!p0 $0x1;
	_ =	shalt  }
.Lfunc_end2:
_tile_overlayer_lowered:
.L_overlay_start_2:
0x28e: {  	(tag) =	ssettag $0x2  }
0x28f: {  	s0 =	rddreg [dreg:$0x0];
	s2 =	stileid.u32  }
0x290: {  	s1 =	rddreg [dreg:$0x1];
	p0 =	sne.s32 s2, $0x0  }
0x291: {  	s3 =	rddreg [dreg:$0x2];
	[bflag:$0x3] =	sbarrier.arrive $0xFFFF;
	s2 =	simm.s32 @!p0 $0x1C05  }
0x292: {  	[timem:s3], [sflag:s2] =	dma.local @!p0 [hbm:s0], s1  }
0x293: {  	s0 =	simm.s32 @!p0 $0x5  }
0x294: {  	_ =	swait.ge @!p0 [sflag:s0], s1  }
0x295: {  	s1 =	ssub.s32 @!p0 $0x0, s1;
	[sflag:s0] =	ssyncset.done @!p0 $0x0  }
0x296: {  	[sflag:s0] =	ssyncadd.s32 @!p0 s1  }
0x297: {  	[bflag:$0x3] =	sbarrier.arrive $0xFFFF  }
0x298: {  	_ =	shalt  }

</sc_bundles>
